<compile_context>
chip_gen: v7x
topology: tpu7x:2x2x1
jax: 0.10.2.dev20260603
libtpu: 0.0.44.dev20260713+nightly
codegen_flags: <defaults>
</compile_context>

<pallas_src>
import functools

import jax
import jax.numpy as jnp
from jax import lax
from jax.experimental import pallas as pl
from jax.experimental.pallas import tpu as pltpu
from jax.experimental.pallas import tpu_sc as plsc

N = 10000
E = 160000
VOCAB = 10000
D = 256
DH = 128

NC = 2
NS = 16
NP = 10240
BLK = 1024
NBLK = NP // BLK

SW = 128
SCAT_CH = 79
EPAD_S = NS * SCAT_CH * SW
DEG_CH = 40
EPAD_D = NC * NS * DEG_CH * 128
YCH = 5
YW = 64
YPT = YCH * YW

def _sc_gather_deg_body(emb_hbm, y3_hbm, dstd_hbm, xemb_hbm, degp_hbm,
                        yv, rows, dstv, ones_v, zeros_v, deg_acc, sem):
    c = lax.axis_index("c")
    s = lax.axis_index("s")
    wid = c * NS + s

    z16 = jnp.zeros((16,), jnp.float32)
    o16 = jnp.ones((16,), jnp.float32)
    for i in range(40):
        zeros_v[pl.ds(i * 16, 16)] = z16
    for i in range(8):
        ones_v[pl.ds(i * 16, 16)] = o16

    pltpu.sync_copy(zeros_v, deg_acc.at[pl.ds(s * 640, 640)])
    plsc.subcore_barrier()

    pltpu.sync_copy(y3_hbm.at[wid], yv)

    def gather_body(j, carry):
        pltpu.async_copy(emb_hbm.at[yv.at[j]], rows, sem).wait()
        pltpu.sync_copy(rows, xemb_hbm.at[pl.ds(wid * YPT + j * YW, YW)])
        return carry

    lax.fori_loop(0, YCH, gather_body, 0)

    pltpu.sync_copy(dstd_hbm.at[wid], dstv)

    def deg_body(j, carry):
        pltpu.sync_copy(ones_v, deg_acc.at[dstv.at[j]], add=True)
        return carry

    lax.fori_loop(0, DEG_CH, deg_body, 0)
    plsc.subcore_barrier()

    @pl.when(s == 0)
    def _():
        pltpu.sync_copy(deg_acc, degp_hbm.at[c])


def _sc_scatter_body(g2v_hbm, src3_hbm, dst3_hbm, s3_hbm,
                     srcv, dstv, rows, ztile, acc, sem):
    c = lax.axis_index("c")
    s = lax.axis_index("s")

    z16 = jnp.zeros((16,), jnp.float32)
    for r in range(16):
        for q in range(DH // 16):
            ztile[r, pl.ds(q * 16, 16)] = z16

    def zero_body(i, carry):
        pltpu.sync_copy(ztile, acc.at[pl.ds(s * 640 + i * 16, 16)])
        return carry

    lax.fori_loop(0, 40, zero_body, 0)

    pltpu.sync_copy(src3_hbm.at[s], srcv)
    pltpu.sync_copy(dst3_hbm.at[s], dstv)

    def xform_body(i, carry):
        for q in range(SW // 16):
            v = srcv[i, pl.ds(q * 16, 16)]
            srcv[i, pl.ds(q * 16, 16)] = v * 2 + c
        return carry

    lax.fori_loop(0, SCAT_CH, xform_body, 0)
    plsc.subcore_barrier()

    def edge_body(j, carry):
        pltpu.async_copy(g2v_hbm.at[srcv.at[j]], rows, sem).wait()
        pltpu.sync_copy(rows, acc.at[dstv.at[j]], add=True)
        return carry

    lax.fori_loop(0, SCAT_CH, edge_body, 0)
    plsc.subcore_barrier()

    pltpu.sync_copy(acc.at[pl.ds(s * 640, 640)], s3_hbm.at[c, pl.ds(s * 640, 640)])


@functools.cache
def _sc_kernels():
    mesh = plsc.VectorSubcoreMesh(core_axis_name="c", subcore_axis_name="s")
    gather_deg = pl.kernel(
        _sc_gather_deg_body,
        out_type=(
            jax.ShapeDtypeStruct((NP, D), jnp.float32),
            jax.ShapeDtypeStruct((NC, NP), jnp.float32),
        ),
        mesh=mesh,
        scratch_types=[
            pltpu.VMEM((YCH, YW), jnp.int32),
            pltpu.VMEM((YW, D), jnp.float32),
            pltpu.VMEM((DEG_CH, 128), jnp.int32),
            pltpu.VMEM((128,), jnp.float32),
            pltpu.VMEM((640,), jnp.float32),
            pltpu.VMEM_SHARED((NP,), jnp.float32),
            pltpu.SemaphoreType.DMA,
        ],
    )
    scatter = pl.kernel(
        _sc_scatter_body,
        out_type=jax.ShapeDtypeStruct((NC, NP, DH), jnp.float32),
        mesh=mesh,
        scratch_types=[
            pltpu.VMEM((SCAT_CH, SW), jnp.int32),
            pltpu.VMEM((SCAT_CH, SW), jnp.int32),
            pltpu.VMEM((SW, DH), jnp.float32),
            pltpu.VMEM((16, DH), jnp.float32),
            pltpu.VMEM_SHARED((NP, DH), jnp.float32),
            pltpu.SemaphoreType.DMA,
        ],
    )
    return gather_deg, scatter


def _tc_a(xemb, degp, wn, bn, w1, dinv_o, g_o):
    deg = degp[0, :] + degp[1, :] + 1.0
    dinv = lax.rsqrt(deg)
    dinv_o[0, :] = dinv
    x0 = jnp.dot(xemb[...], wn[...], preferred_element_type=jnp.float32) + bn[0, :]
    h = jnp.dot(x0, w1[...], preferred_element_type=jnp.float32)
    g_o[...] = h * dinv[:, None]


def _tc_b(s3, g, dinv, b1, w2, g2_o):
    sf = jnp.concatenate([s3[0], s3[1]], axis=1)
    x1 = jnp.maximum(dinv[0, :][:, None] * (sf + g[...]) + b1[0, :], 0.0)
    h2 = jnp.dot(x1, w2[...], preferred_element_type=jnp.float32)
    g2_o[...] = h2 * dinv[0, :][:, None]


def _tc_c(s3, g2, dinv, b2, x2_o):
    sf = jnp.concatenate([s3[0], s3[1]], axis=1)
    x2_o[...] = dinv[0, :][:, None] * (sf + g2[...]) + b2[0, :]


def _row_blk(i):
    return (i, 0)


def _col_blk(i):
    return (0, i)


def kernel(y, edge_index, emb_table, Wn, bn, W1, b1, W2, b2):
    y = y.astype(jnp.int32)
    src = edge_index[0].astype(jnp.int32)
    dst = edge_index[1].astype(jnp.int32)

    y3 = jnp.concatenate([y, jnp.zeros((NP - N,), jnp.int32)]).reshape(
        NC * NS, YCH, YW)
    pad_d = jnp.full((EPAD_D - E,), N, jnp.int32)
    dstd = jnp.concatenate([dst, pad_d]).reshape(NC * NS, DEG_CH, 128)
    pad_s0 = jnp.zeros((EPAD_S - E,), jnp.int32)
    pad_sN = jnp.full((EPAD_S - E,), N, jnp.int32)
    src3 = jnp.concatenate([src, pad_s0]).reshape(NS, SCAT_CH, SW)
    dst3 = jnp.concatenate([dst, pad_sN]).reshape(NS, SCAT_CH, SW)

    sc_gather_deg, sc_scatter = _sc_kernels()
    xemb, degp = sc_gather_deg(emb_table, y3, dstd)

    full = lambda shp: pl.BlockSpec(shp, lambda i: tuple(0 for _ in shp))
    k_a = pl.pallas_call(
        _tc_a,
        grid=(NBLK,),
        in_specs=[
            pl.BlockSpec((BLK, D), _row_blk),
            pl.BlockSpec((NC, BLK), _col_blk),
            full((D, D)),
            full((1, D)),
            full((D, D)),
        ],
        out_specs=[
            pl.BlockSpec((1, BLK), _col_blk),
            pl.BlockSpec((BLK, D), _row_blk),
        ],
        out_shape=[
            jax.ShapeDtypeStruct((1, NP), jnp.float32),
            jax.ShapeDtypeStruct((NP, D), jnp.float32),
        ],
    )
    dinv, g1 = k_a(xemb, degp, Wn, bn.reshape(1, D), W1)

    s1 = sc_scatter(g1.reshape(2 * NP, DH), src3, dst3)

    k_b = pl.pallas_call(
        _tc_b,
        grid=(NBLK,),
        in_specs=[
            pl.BlockSpec((NC, BLK, DH), lambda i: (0, i, 0)),
            pl.BlockSpec((BLK, D), _row_blk),
            pl.BlockSpec((1, BLK), _col_blk),
            full((1, D)),
            full((D, D)),
        ],
        out_specs=pl.BlockSpec((BLK, D), _row_blk),
        out_shape=jax.ShapeDtypeStruct((NP, D), jnp.float32),
    )
    g2 = k_b(s1, g1, dinv, b1.reshape(1, D), W2)

    s2 = sc_scatter(g2.reshape(2 * NP, DH), src3, dst3)

    k_c = pl.pallas_call(
        _tc_c,
        grid=(NBLK,),
        in_specs=[
            pl.BlockSpec((NC, BLK, DH), lambda i: (0, i, 0)),
            pl.BlockSpec((BLK, D), _row_blk),
            pl.BlockSpec((1, BLK), _col_blk),
            full((1, D)),
        ],
        out_specs=pl.BlockSpec((BLK, D), _row_blk),
        out_shape=jax.ShapeDtypeStruct((NP, D), jnp.float32),
    )
    x2 = k_c(s2, g2, dinv, b2.reshape(1, D))

    new_h = x2[:N][None]
    labels = y[None]
    labels_mask = jnp.ones((1, N), dtype=bool)
    label_node_ids = jnp.arange(N, dtype=y.dtype)[None]
    return (new_h, labels, labels_mask, label_node_ids)

# --- scband reference (transcript-rebuilt; emitter-appended) ---
"""Pipeline reference for scband-gcnencoder-60404420051601 (READ-ONLY COPY).

The authoritative reference and input builder live on the scoring server;
editing this copy changes nothing except your own understanding.
"""

import jax, jax.numpy as jnp
import numpy as np

N = 10000
E = 160000
VOCAB = 10000
EMB = 256
SIZE = 256


def setup_inputs(seed: int = 0) -> dict:
    key = jax.random.key(seed)
    ks = jax.random.split(key, 8)
    y = jax.random.randint(ks[0], (N,), 0, VOCAB)
    edge_index = jax.random.randint(ks[1], (2, E), 0, N)
    emb_table = jax.random.normal(ks[2], (VOCAB, EMB), jnp.float32)
    s = 1.0 / np.sqrt(EMB)
    Wn = jax.random.uniform(ks[3], (EMB, SIZE), jnp.float32, -s, s)
    bn = jnp.zeros((SIZE,), jnp.float32)
    s2 = 1.0 / np.sqrt(SIZE)
    W1 = jax.random.uniform(ks[4], (SIZE, SIZE), jnp.float32, -s2, s2)
    b1 = jnp.zeros((SIZE,), jnp.float32)
    W2 = jax.random.uniform(ks[5], (SIZE, SIZE), jnp.float32, -s2, s2)
    b2 = jnp.zeros((SIZE,), jnp.float32)
    return {"y": y, "edge_index": edge_index, "emb_table": emb_table,
            "Wn": Wn, "bn": bn, "W1": W1, "b1": b1, "W2": W2, "b2": b2}


def gcn_conv(x, W, b, src, dst, n):
    # torch_geometric GCNConv with add_self_loops=True, normalize=True
    h = x @ W
    deg = jnp.zeros((n,), x.dtype).at[dst].add(1.0) + 1.0  # +1 for self loop
    dinv = jax.lax.rsqrt(deg)
    norm = dinv[src] * dinv[dst]
    agg = jnp.zeros_like(h).at[dst].add(h[src] * norm[:, None])
    agg = agg + h * (dinv * dinv)[:, None]  # self-loop contribution
    return agg + b


def reference(y, edge_index, emb_table, Wn, bn, W1, b1, W2, b2):
    # GCN.compute_node_features (no mask branch): W_node(embed(y))
    x = jnp.take(emb_table, y, axis=0)
    x = x @ Wn + bn
    src, dst = edge_index[0], edge_index[1]
    # conv1 -> relu -> conv2
    x = gcn_conv(x, W1, b1, src, dst, N)
    x = jax.nn.relu(x)
    x = gcn_conv(x, W2, b2, src, dst, N)
    # GCNEncoder re-batching with batch_size=1, lengths=[N]
    new_h = x[None]
    labels = y[None]
    labels_mask = jnp.ones((1, N), dtype=bool)
    label_node_ids = jnp.arange(N)[None]
    return (new_h, labels, labels_mask, label_node_ids)

if __name__ == "__main__":
    import jax
    _d = setup_inputs()
    print(jax.jit(kernel)(*tuple(_d.values())))

</pallas_src>

<mosaic_0001>
#map = affine_map<(d0, d1) -> (0, 0)>
#map1 = affine_map<(d0, d1) -> (0, 0, 0)>
module attributes {stable_mosaic.version = 14 : i64} {
  func.func @_sc_scatter_body(%arg0: i32, %arg1: i32, %arg2: memref<20480x128xf32, #tpu.memory_space<hbm>>, %arg3: memref<16x79x128xi32, #tpu.memory_space<hbm>>, %arg4: memref<16x79x128xi32, #tpu.memory_space<hbm>>, %arg5: memref<2x10240x128xf32, #tpu.memory_space<hbm>>, %arg6: memref<79x128xi32, #tpu.memory_space<vmem>>, %arg7: memref<79x128xi32, #tpu.memory_space<vmem>>, %arg8: memref<128x128xf32, #tpu.memory_space<vmem>>, %arg9: memref<16x128xf32, #tpu.memory_space<vmem>>, %arg10: memref<10240x128xf32, #tpu.memory_space<vmem_shared>>, %arg11: memref<!tpu.dma_semaphore, #tpu.memory_space<semaphore_mem>>) attributes {dimension_semantics = [#tpu.dimension_semantics<core_parallel>, #tpu.dimension_semantics<subcore_parallel>], iteration_bounds = array<i64: 2, 16>, scalar_prefetch = 0 : i64, scratch_operands = 6 : i64, tpu.core_type = #tpu.core_type<sc_vector_subcore>, window_params = [{transform_indices = #map}, {transform_indices = #map1}, {transform_indices = #map1}, {transform_indices = #map1}]} {
    %broadcast_in_dim3A = arith.constant 0.000000e+00 : f32
    %broadcast_in_dim3A_0 = vector.broadcast %broadcast_in_dim3A : f32 to vector<16xf32>
    %swap3A = arith.constant 0 : i32
    %swap3A_1 = arith.index_cast %swap3A : i32 to index
    %swap3A_2 = arith.constant 0 : index
    %swap3A_3 = tpu.vector_load %arg9[%swap3A_1, %swap3A_2] {strides = array<i32>} : memref<16x128xf32, #tpu.memory_space<vmem>>, vector<1x16xf32>,
    %swap3A_4 = vector.shape_cast %swap3A_3 : vector<1x16xf32> to vector<16xf32>
    %swap3A_5 = vector.shape_cast %broadcast_in_dim3A_0 : vector<16xf32> to vector<1x16xf32>
    tpu.vector_store %arg9[%swap3A_1, %swap3A_2], %swap3A_5 {strides = array<i32>} : memref<16x128xf32, #tpu.memory_space<vmem>>, vector<1x16xf32>,
    %swap3A_6 = arith.constant 0 : i32
    %swap3A_7 = arith.index_cast %swap3A_6 : i32 to index
    %swap3A_8 = arith.constant 16 : index
    %swap3A_9 = tpu.vector_load %arg9[%swap3A_7, %swap3A_8] {strides = array<i32>} : memref<16x128xf32, #tpu.memory_space<vmem>>, vector<1x16xf32>,
    %swap3A_10 = vector.shape_cast %swap3A_9 : vector<1x16xf32> to vector<16xf32>
    %swap3A_11 = vector.shape_cast %broadcast_in_dim3A_0 : vector<16xf32> to vector<1x16xf32>
    tpu.vector_store %arg9[%swap3A_7, %swap3A_8], %swap3A_11 {strides = array<i32>} : memref<16x128xf32, #tpu.memory_space<vmem>>, vector<1x16xf32>,
    %swap3A_12 = arith.constant 0 : i32
    %swap3A_13 = arith.index_cast %swap3A_12 : i32 to index
    %swap3A_14 = arith.constant 32 : index
    %swap3A_15 = tpu.vector_load %arg9[%swap3A_13, %swap3A_14] {strides = array<i32>} : memref<16x128xf32, #tpu.memory_space<vmem>>, vector<1x16xf32>,
    %swap3A_16 = vector.shape_cast %swap3A_15 : vector<1x16xf32> to vector<16xf32>
    %swap3A_17 = vector.shape_cast %broadcast_in_dim3A_0 : vector<16xf32> to vector<1x16xf32>
    tpu.vector_store %arg9[%swap3A_13, %swap3A_14], %swap3A_17 {strides = array<i32>} : memref<16x128xf32, #tpu.memory_space<vmem>>, vector<1x16xf32>,
    %swap3A_18 = arith.constant 0 : i32
    %swap3A_19 = arith.index_cast %swap3A_18 : i32 to index
    %swap3A_20 = arith.constant 48 : index
    %swap3A_21 = tpu.vector_load %arg9[%swap3A_19, %swap3A_20] {strides = array<i32>} : memref<16x128xf32, #tpu.memory_space<vmem>>, vector<1x16xf32>,
    %swap3A_22 = vector.shape_cast %swap3A_21 : vector<1x16xf32> to vector<16xf32>
    %swap3A_23 = vector.shape_cast %broadcast_in_dim3A_0 : vector<16xf32> to vector<1x16xf32>
    tpu.vector_store %arg9[%swap3A_19, %swap3A_20], %swap3A_23 {strides = array<i32>} : memref<16x128xf32, #tpu.memory_space<vmem>>, vector<1x16xf32>,
    %swap3A_24 = arith.constant 0 : i32
    %swap3A_25 = arith.index_cast %swap3A_24 : i32 to index
    %swap3A_26 = arith.constant 64 : index
    %swap3A_27 = tpu.vector_load %arg9[%swap3A_25, %swap3A_26] {strides = array<i32>} : memref<16x128xf32, #tpu.memory_space<vmem>>, vector<1x16xf32>,
    %swap3A_28 = vector.shape_cast %swap3A_27 : vector<1x16xf32> to vector<16xf32>
    %swap3A_29 = vector.shape_cast %broadcast_in_dim3A_0 : vector<16xf32> to vector<1x16xf32>
    tpu.vector_store %arg9[%swap3A_25, %swap3A_26], %swap3A_29 {strides = array<i32>} : memref<16x128xf32, #tpu.memory_space<vmem>>, vector<1x16xf32>,
    %swap3A_30 = arith.constant 0 : i32
    %swap3A_31 = arith.index_cast %swap3A_30 : i32 to index
    %swap3A_32 = arith.constant 80 : index
    %swap3A_33 = tpu.vector_load %arg9[%swap3A_31, %swap3A_32] {strides = array<i32>} : memref<16x128xf32, #tpu.memory_space<vmem>>, vector<1x16xf32>,
    %swap3A_34 = vector.shape_cast %swap3A_33 : vector<1x16xf32> to vector<16xf32>
    %swap3A_35 = vector.shape_cast %broadcast_in_dim3A_0 : vector<16xf32> to vector<1x16xf32>
    tpu.vector_store %arg9[%swap3A_31, %swap3A_32], %swap3A_35 {strides = array<i32>} : memref<16x128xf32, #tpu.memory_space<vmem>>, vector<1x16xf32>,
    %swap3A_36 = arith.constant 0 : i32
    %swap3A_37 = arith.index_cast %swap3A_36 : i32 to index
    %swap3A_38 = arith.constant 96 : index
    %swap3A_39 = tpu.vector_load %arg9[%swap3A_37, %swap3A_38] {strides = array<i32>} : memref<16x128xf32, #tpu.memory_space<vmem>>, vector<1x16xf32>,
    %swap3A_40 = vector.shape_cast %swap3A_39 : vector<1x16xf32> to vector<16xf32>
    %swap3A_41 = vector.shape_cast %broadcast_in_dim3A_0 : vector<16xf32> to vector<1x16xf32>
    tpu.vector_store %arg9[%swap3A_37, %swap3A_38], %swap3A_41 {strides = array<i32>} : memref<16x128xf32, #tpu.memory_space<vmem>>, vector<1x16xf32>,
    %swap3A_42 = arith.constant 0 : i32
    %swap3A_43 = arith.index_cast %swap3A_42 : i32 to index
    %swap3A_44 = arith.constant 112 : index
    %swap3A_45 = tpu.vector_load %arg9[%swap3A_43, %swap3A_44] {strides = array<i32>} : memref<16x128xf32, #tpu.memory_space<vmem>>, vector<1x16xf32>,
    %swap3A_46 = vector.shape_cast %swap3A_45 : vector<1x16xf32> to vector<16xf32>
    %swap3A_47 = vector.shape_cast %broadcast_in_dim3A_0 : vector<16xf32> to vector<1x16xf32>
    tpu.vector_store %arg9[%swap3A_43, %swap3A_44], %swap3A_47 {strides = array<i32>} : memref<16x128xf32, #tpu.memory_space<vmem>>, vector<1x16xf32>,
    %swap3A_48 = arith.constant 1 : i32
    %swap3A_49 = arith.index_cast %swap3A_48 : i32 to index
    %swap3A_50 = arith.constant 0 : index
    %swap3A_51 = tpu.vector_load %arg9[%swap3A_49, %swap3A_50] {strides = array<i32>} : memref<16x128xf32, #tpu.memory_space<vmem>>, vector<1x16xf32>,
    %swap3A_52 = vector.shape_cast %swap3A_51 : vector<1x16xf32> to vector<16xf32>
    %swap3A_53 = vector.shape_cast %broadcast_in_dim3A_0 : vector<16xf32> to vector<1x16xf32>
    tpu.vector_store %arg9[%swap3A_49, %swap3A_50], %swap3A_53 {strides = array<i32>} : memref<16x128xf32, #tpu.memory_space<vmem>>, vector<1x16xf32>,
    %swap3A_54 = arith.constant 1 : i32
    %swap3A_55 = arith.index_cast %swap3A_54 : i32 to index
    %swap3A_56 = arith.constant 16 : index
    %swap3A_57 = tpu.vector_load %arg9[%swap3A_55, %swap3A_56] {strides = array<i32>} : memref<16x128xf32, #tpu.memory_space<vmem>>, vector<1x16xf32>,
    %swap3A_58 = vector.shape_cast %swap3A_57 : vector<1x16xf32> to vector<16xf32>
    %swap3A_59 = vector.shape_cast %broadcast_in_dim3A_0 : vector<16xf32> to vector<1x16xf32>
    tpu.vector_store %arg9[%swap3A_55, %swap3A_56], %swap3A_59 {strides = array<i32>} : memref<16x128xf32, #tpu.memory_space<vmem>>, vector<1x16xf32>,
    %swap3A_60 = arith.constant 1 : i32
    %swap3A_61 = arith.index_cast %swap3A_60 : i32 to index
    %swap3A_62 = arith.constant 32 : index
    %swap3A_63 = tpu.vector_load %arg9[%swap3A_61, %swap3A_62] {strides = array<i32>} : memref<16x128xf32, #tpu.memory_space<vmem>>, vector<1x16xf32>,
    %swap3A_64 = vector.shape_cast %swap3A_63 : vector<1x16xf32> to vector<16xf32>
    %swap3A_65 = vector.shape_cast %broadcast_in_dim3A_0 : vector<16xf32> to vector<1x16xf32>
    tpu.vector_store %arg9[%swap3A_61, %swap3A_62], %swap3A_65 {strides = array<i32>} : memref<16x128xf32, #tpu.memory_space<vmem>>, vector<1x16xf32>,
    %swap3A_66 = arith.constant 1 : i32
    %swap3A_67 = arith.index_cast %swap3A_66 : i32 to index
    %swap3A_68 = arith.constant 48 : index
    %swap3A_69 = tpu.vector_load %arg9[%swap3A_67, %swap3A_68] {strides = array<i32>} : memref<16x128xf32, #tpu.memory_space<vmem>>, vector<1x16xf32>,
    %swap3A_70 = vector.shape_cast %swap3A_69 : vector<1x16xf32> to vector<16xf32>
    %swap3A_71 = vector.shape_cast %broadcast_in_dim3A_0 : vector<16xf32> to vector<1x16xf32>
    tpu.vector_store %arg9[%swap3A_67, %swap3A_68], %swap3A_71 {strides = array<i32>} : memref<16x128xf32, #tpu.memory_space<vmem>>, vector<1x16xf32>,
    %swap3A_72 = arith.constant 1 : i32
    %swap3A_73 = arith.index_cast %swap3A_72 : i32 to index
    %swap3A_74 = arith.constant 64 : index
    %swap3A_75 = tpu.vector_load %arg9[%swap3A_73, %swap3A_74] {strides = array<i32>} : memref<16x128xf32, #tpu.memory_space<vmem>>, vector<1x16xf32>,
    %swap3A_76 = vector.shape_cast %swap3A_75 : vector<1x16xf32> to vector<16xf32>
    %swap3A_77 = vector.shape_cast %broadcast_in_dim3A_0 : vector<16xf32> to vector<1x16xf32>
    tpu.vector_store %arg9[%swap3A_73, %swap3A_74], %swap3A_77 {strides = array<i32>} : memref<16x128xf32, #tpu.memory_space<vmem>>, vector<1x16xf32>,
    %swap3A_78 = arith.constant 1 : i32
    %swap3A_79 = arith.index_cast %swap3A_78 : i32 to index
    %swap3A_80 = arith.constant 80 : index
    %swap3A_81 = tpu.vector_load %arg9[%swap3A_79, %swap3A_80] {strides = array<i32>} : memref<16x128xf32, #tpu.memory_space<vmem>>, vector<1x16xf32>,
    %swap3A_82 = vector.shape_cast %swap3A_81 : vector<1x16xf32> to vector<16xf32>
    %swap3A_83 = vector.shape_cast %broadcast_in_dim3A_0 : vector<16xf32> to vector<1x16xf32>
    tpu.vector_store %arg9[%swap3A_79, %swap3A_80], %swap3A_83 {strides = array<i32>} : memref<16x128xf32, #tpu.memory_space<vmem>>, vector<1x16xf32>,
    %swap3A_84 = arith.constant 1 : i32
    %swap3A_85 = arith.index_cast %swap3A_84 : i32 to index
    %swap3A_86 = arith.constant 96 : index
    %swap3A_87 = tpu.vector_load %arg9[%swap3A_85, %swap3A_86] {strides = array<i32>} : memref<16x128xf32, #tpu.memory_space<vmem>>, vector<1x16xf32>,
    %swap3A_88 = vector.shape_cast %swap3A_87 : vector<1x16xf32> to vector<16xf32>
    %swap3A_89 = vector.shape_cast %broadcast_in_dim3A_0 : vector<16xf32> to vector<1x16xf32>
    tpu.vector_store %arg9[%swap3A_85, %swap3A_86], %swap3A_89 {strides = array<i32>} : memref<16x128xf32, #tpu.memory_space<vmem>>, vector<1x16xf32>,
    %swap3A_90 = arith.constant 1 : i32
    %swap3A_91 = arith.index_cast %swap3A_90 : i32 to index
    %swap3A_92 = arith.constant 112 : index
    %swap3A_93 = tpu.vector_load %arg9[%swap3A_91, %swap3A_92] {strides = array<i32>} : memref<16x128xf32, #tpu.memory_space<vmem>>, vector<1x16xf32>,
    %swap3A_94 = vector.shape_cast %swap3A_93 : vector<1x16xf32> to vector<16xf32>
    %swap3A_95 = vector.shape_cast %broadcast_in_dim3A_0 : vector<16xf32> to vector<1x16xf32>
    tpu.vector_store %arg9[%swap3A_91, %swap3A_92], %swap3A_95 {strides = array<i32>} : memref<16x128xf32, #tpu.memory_space<vmem>>, vector<1x16xf32>,
    %swap3A_96 = arith.constant 2 : i32
    %swap3A_97 = arith.index_cast %swap3A_96 : i32 to index
    %swap3A_98 = arith.constant 0 : index
    %swap3A_99 = tpu.vector_load %arg9[%swap3A_97, %swap3A_98] {strides = array<i32>} : memref<16x128xf32, #tpu.memory_space<vmem>>, vector<1x16xf32>,
    %swap3A_100 = vector.shape_cast %swap3A_99 : vector<1x16xf32> to vector<16xf32>
    %swap3A_101 = vector.shape_cast %broadcast_in_dim3A_0 : vector<16xf32> to vector<1x16xf32>
    tpu.vector_store %arg9[%swap3A_97, %swap3A_98], %swap3A_101 {strides = array<i32>} : memref<16x128xf32, #tpu.memory_space<vmem>>, vector<1x16xf32>,
    %swap3A_102 = arith.constant 2 : i32
    %swap3A_103 = arith.index_cast %swap3A_102 : i32 to index
    %swap3A_104 = arith.constant 16 : index
    %swap3A_105 = tpu.vector_load %arg9[%swap3A_103, %swap3A_104] {strides = array<i32>} : memref<16x128xf32, #tpu.memory_space<vmem>>, vector<1x16xf32>,
    %swap3A_106 = vector.shape_cast %swap3A_105 : vector<1x16xf32> to vector<16xf32>
    %swap3A_107 = vector.shape_cast %broadcast_in_dim3A_0 : vector<16xf32> to vector<1x16xf32>
    tpu.vector_store %arg9[%swap3A_103, %swap3A_104], %swap3A_107 {strides = array<i32>} : memref<16x128xf32, #tpu.memory_space<vmem>>, vector<1x16xf32>,
    %swap3A_108 = arith.constant 2 : i32
    %swap3A_109 = arith.index_cast %swap3A_108 : i32 to index
    %swap3A_110 = arith.constant 32 : index
    %swap3A_111 = tpu.vector_load %arg9[%swap3A_109, %swap3A_110] {strides = array<i32>} : memref<16x128xf32, #tpu.memory_space<vmem>>, vector<1x16xf32>,
    %swap3A_112 = vector.shape_cast %swap3A_111 : vector<1x16xf32> to vector<16xf32>
    %swap3A_113 = vector.shape_cast %broadcast_in_dim3A_0 : vector<16xf32> to vector<1x16xf32>
    tpu.vector_store %arg9[%swap3A_109, %swap3A_110], %swap3A_113 {strides = array<i32>} : memref<16x128xf32, #tpu.memory_space<vmem>>, vector<1x16xf32>,
    %swap3A_114 = arith.constant 2 : i32
    %swap3A_115 = arith.index_cast %swap3A_114 : i32 to index
    %swap3A_116 = arith.constant 48 : index
    %swap3A_117 = tpu.vector_load %arg9[%swap3A_115, %swap3A_116] {strides = array<i32>} : memref<16x128xf32, #tpu.memory_space<vmem>>, vector<1x16xf32>,
    %swap3A_118 = vector.shape_cast %swap3A_117 : vector<1x16xf32> to vector<16xf32>
    %swap3A_119 = vector.shape_cast %broadcast_in_dim3A_0 : vector<16xf32> to vector<1x16xf32>
    tpu.vector_store %arg9[%swap3A_115, %swap3A_116], %swap3A_119 {strides = array<i32>} : memref<16x128xf32, #tpu.memory_space<vmem>>, vector<1x16xf32>,
    %swap3A_120 = arith.constant 2 : i32
    %swap3A_121 = arith.index_cast %swap3A_120 : i32 to index
    %swap3A_122 = arith.constant 64 : index
    %swap3A_123 = tpu.vector_load %arg9[%swap3A_121, %swap3A_122] {strides = array<i32>} : memref<16x128xf32, #tpu.memory_space<vmem>>, vector<1x16xf32>,
    %swap3A_124 = vector.shape_cast %swap3A_123 : vector<1x16xf32> to vector<16xf32>
    %swap3A_125 = vector.shape_cast %broadcast_in_dim3A_0 : vector<16xf32> to vector<1x16xf32>
    tpu.vector_store %arg9[%swap3A_121, %swap3A_122], %swap3A_125 {strides = array<i32>} : memref<16x128xf32, #tpu.memory_space<vmem>>, vector<1x16xf32>,
    %swap3A_126 = arith.constant 2 : i32
    %swap3A_127 = arith.index_cast %swap3A_126 : i32 to index
    %swap3A_128 = arith.constant 80 : index
    %swap3A_129 = tpu.vector_load %arg9[%swap3A_127, %swap3A_128] {strides = array<i32>} : memref<16x128xf32, #tpu.memory_space<vmem>>, vector<1x16xf32>,
    %swap3A_130 = vector.shape_cast %swap3A_129 : vector<1x16xf32> to vector<16xf32>
    %swap3A_131 = vector.shape_cast %broadcast_in_dim3A_0 : vector<16xf32> to vector<1x16xf32>
    tpu.vector_store %arg9[%swap3A_127, %swap3A_128], %swap3A_131 {strides = array<i32>} : memref<16x128xf32, #tpu.memory_space<vmem>>, vector<1x16xf32>,
    %swap3A_132 = arith.constant 2 : i32
    %swap3A_133 = arith.index_cast %swap3A_132 : i32 to index
    %swap3A_134 = arith.constant 96 : index
    %swap3A_135 = tpu.vector_load %arg9[%swap3A_133, %swap3A_134] {strides = array<i32>} : memref<16x128xf32, #tpu.memory_space<vmem>>, vector<1x16xf32>,
    %swap3A_136 = vector.shape_cast %swap3A_135 : vector<1x16xf32> to vector<16xf32>
    %swap3A_137 = vector.shape_cast %broadcast_in_dim3A_0 : vector<16xf32> to vector<1x16xf32>
    tpu.vector_store %arg9[%swap3A_133, %swap3A_134], %swap3A_137 {strides = array<i32>} : memref<16x128xf32, #tpu.memory_space<vmem>>, vector<1x16xf32>,
    %swap3A_138 = arith.constant 2 : i32
    %swap3A_139 = arith.index_cast %swap3A_138 : i32 to index
    %swap3A_140 = arith.constant 112 : index
    %swap3A_141 = tpu.vector_load %arg9[%swap3A_139, %swap3A_140] {strides = array<i32>} : memref<16x128xf32, #tpu.memory_space<vmem>>, vector<1x16xf32>,
    %swap3A_142 = vector.shape_cast %swap3A_141 : vector<1x16xf32> to vector<16xf32>
    %swap3A_143 = vector.shape_cast %broadcast_in_dim3A_0 : vector<16xf32> to vector<1x16xf32>
    tpu.vector_store %arg9[%swap3A_139, %swap3A_140], %swap3A_143 {strides = array<i32>} : memref<16x128xf32, #tpu.memory_space<vmem>>, vector<1x16xf32>,
    %swap3A_144 = arith.constant 3 : i32
    %swap3A_145 = arith.index_cast %swap3A_144 : i32 to index
    %swap3A_146 = arith.constant 0 : index
    %swap3A_147 = tpu.vector_load %arg9[%swap3A_145, %swap3A_146] {strides = array<i32>} : memref<16x128xf32, #tpu.memory_space<vmem>>, vector<1x16xf32>,
    %swap3A_148 = vector.shape_cast %swap3A_147 : vector<1x16xf32> to vector<16xf32>
    %swap3A_149 = vector.shape_cast %broadcast_in_dim3A_0 : vector<16xf32> to vector<1x16xf32>
    tpu.vector_store %arg9[%swap3A_145, %swap3A_146], %swap3A_149 {strides = array<i32>} : memref<16x128xf32, #tpu.memory_space<vmem>>, vector<1x16xf32>,
    %swap3A_150 = arith.constant 3 : i32
    %swap3A_151 = arith.index_cast %swap3A_150 : i32 to index
    %swap3A_152 = arith.constant 16 : index
    %swap3A_153 = tpu.vector_load %arg9[%swap3A_151, %swap3A_152] {strides = array<i32>} : memref<16x128xf32, #tpu.memory_space<vmem>>, vector<1x16xf32>,
    %swap3A_154 = vector.shape_cast %swap3A_153 : vector<1x16xf32> to vector<16xf32>
    %swap3A_155 = vector.shape_cast %broadcast_in_dim3A_0 : vector<16xf32> to vector<1x16xf32>
    tpu.vector_store %arg9[%swap3A_151, %swap3A_152], %swap3A_155 {strides = array<i32>} : memref<16x128xf32, #tpu.memory_space<vmem>>, vector<1x16xf32>,
    %swap3A_156 = arith.constant 3 : i32
    %swap3A_157 = arith.index_cast %swap3A_156 : i32 to index
    %swap3A_158 = arith.constant 32 : index
    %swap3A_159 = tpu.vector_load %arg9[%swap3A_157, %swap3A_158] {strides = array<i32>} : memref<16x128xf32, #tpu.memory_space<vmem>>, vector<1x16xf32>,
    %swap3A_160 = vector.shape_cast %swap3A_159 : vector<1x16xf32> to vector<16xf32>
    %swap3A_161 = vector.shape_cast %broadcast_in_dim3A_0 : vector<16xf32> to vector<1x16xf32>
    tpu.vector_store %arg9[%swap3A_157, %swap3A_158], %swap3A_161 {strides = array<i32>} : memref<16x128xf32, #tpu.memory_space<vmem>>, vector<1x16xf32>,
    %swap3A_162 = arith.constant 3 : i32
    %swap3A_163 = arith.index_cast %swap3A_162 : i32 to index
    %swap3A_164 = arith.constant 48 : index
    %swap3A_165 = tpu.vector_load %arg9[%swap3A_163, %swap3A_164] {strides = array<i32>} : memref<16x128xf32, #tpu.memory_space<vmem>>, vector<1x16xf32>,
    %swap3A_166 = vector.shape_cast %swap3A_165 : vector<1x16xf32> to vector<16xf32>
    %swap3A_167 = vector.shape_cast %broadcast_in_dim3A_0 : vector<16xf32> to vector<1x16xf32>
    tpu.vector_store %arg9[%swap3A_163, %swap3A_164], %swap3A_167 {strides = array<i32>} : memref<16x128xf32, #tpu.memory_space<vmem>>, vector<1x16xf32>,
    %swap3A_168 = arith.constant 3 : i32
    %swap3A_169 = arith.index_cast %swap3A_168 : i32 to index
    %swap3A_170 = arith.constant 64 : index
    %swap3A_171 = tpu.vector_load %arg9[%swap3A_169, %swap3A_170] {strides = array<i32>} : memref<16x128xf32, #tpu.memory_space<vmem>>, vector<1x16xf32>,
    %swap3A_172 = vector.shape_cast %swap3A_171 : vector<1x16xf32> to vector<16xf32>
    %swap3A_173 = vector.shape_cast %broadcast_in_dim3A_0 : vector<16xf32> to vector<1x16xf32>
    tpu.vector_store %arg9[%swap3A_169, %swap3A_170], %swap3A_173 {strides = array<i32>} : memref<16x128xf32, #tpu.memory_space<vmem>>, vector<1x16xf32>,
    %swap3A_174 = arith.constant 3 : i32
    %swap3A_175 = arith.index_cast %swap3A_174 : i32 to index
    %swap3A_176 = arith.constant 80 : index
    %swap3A_177 = tpu.vector_load %arg9[%swap3A_175, %swap3A_176] {strides = array<i32>} : memref<16x128xf32, #tpu.memory_space<vmem>>, vector<1x16xf32>,
    %swap3A_178 = vector.shape_cast %swap3A_177 : vector<1x16xf32> to vector<16xf32>
    %swap3A_179 = vector.shape_cast %broadcast_in_dim3A_0 : vector<16xf32> to vector<1x16xf32>
    tpu.vector_store %arg9[%swap3A_175, %swap3A_176], %swap3A_179 {strides = array<i32>} : memref<16x128xf32, #tpu.memory_space<vmem>>, vector<1x16xf32>,
    %swap3A_180 = arith.constant 3 : i32
    %swap3A_181 = arith.index_cast %swap3A_180 : i32 to index
    %swap3A_182 = arith.constant 96 : index
    %swap3A_183 = tpu.vector_load %arg9[%swap3A_181, %swap3A_182] {strides = array<i32>} : memref<16x128xf32, #tpu.memory_space<vmem>>, vector<1x16xf32>,
    %swap3A_184 = vector.shape_cast %swap3A_183 : vector<1x16xf32> to vector<16xf32>
    %swap3A_185 = vector.shape_cast %broadcast_in_dim3A_0 : vector<16xf32> to vector<1x16xf32>
    tpu.vector_store %arg9[%swap3A_181, %swap3A_182], %swap3A_185 {strides = array<i32>} : memref<16x128xf32, #tpu.memory_space<vmem>>, vector<1x16xf32>,
    %swap3A_186 = arith.constant 3 : i32
    %swap3A_187 = arith.index_cast %swap3A_186 : i32 to index
    %swap3A_188 = arith.constant 112 : index
    %swap3A_189 = tpu.vector_load %arg9[%swap3A_187, %swap3A_188] {strides = array<i32>} : memref<16x128xf32, #tpu.memory_space<vmem>>, vector<1x16xf32>,
    %swap3A_190 = vector.shape_cast %swap3A_189 : vector<1x16xf32> to vector<16xf32>
    %swap3A_191 = vector.shape_cast %broadcast_in_dim3A_0 : vector<16xf32> to vector<1x16xf32>
    tpu.vector_store %arg9[%swap3A_187, %swap3A_188], %swap3A_191 {strides = array<i32>} : memref<16x128xf32, #tpu.memory_space<vmem>>, vector<1x16xf32>,
    %swap3A_192 = arith.constant 4 : i32
    %swap3A_193 = arith.index_cast %swap3A_192 : i32 to index
    %swap3A_194 = arith.constant 0 : index
    %swap3A_195 = tpu.vector_load %arg9[%swap3A_193, %swap3A_194] {strides = array<i32>} : memref<16x128xf32, #tpu.memory_space<vmem>>, vector<1x16xf32>,
    %swap3A_196 = vector.shape_cast %swap3A_195 : vector<1x16xf32> to vector<16xf32>
    %swap3A_197 = vector.shape_cast %broadcast_in_dim3A_0 : vector<16xf32> to vector<1x16xf32>
    tpu.vector_store %arg9[%swap3A_193, %swap3A_194], %swap3A_197 {strides = array<i32>} : memref<16x128xf32, #tpu.memory_space<vmem>>, vector<1x16xf32>,
    %swap3A_198 = arith.constant 4 : i32
    %swap3A_199 = arith.index_cast %swap3A_198 : i32 to index
    %swap3A_200 = arith.constant 16 : index
    %swap3A_201 = tpu.vector_load %arg9[%swap3A_199, %swap3A_200] {strides = array<i32>} : memref<16x128xf32, #tpu.memory_space<vmem>>, vector<1x16xf32>,
    %swap3A_202 = vector.shape_cast %swap3A_201 : vector<1x16xf32> to vector<16xf32>
    %swap3A_203 = vector.shape_cast %broadcast_in_dim3A_0 : vector<16xf32> to vector<1x16xf32>
    tpu.vector_store %arg9[%swap3A_199, %swap3A_200], %swap3A_203 {strides = array<i32>} : memref<16x128xf32, #tpu.memory_space<vmem>>, vector<1x16xf32>,
    %swap3A_204 = arith.constant 4 : i32
    %swap3A_205 = arith.index_cast %swap3A_204 : i32 to index
    %swap3A_206 = arith.constant 32 : index
    %swap3A_207 = tpu.vector_load %arg9[%swap3A_205, %swap3A_206] {strides = array<i32>} : memref<16x128xf32, #tpu.memory_space<vmem>>, vector<1x16xf32>,
    %swap3A_208 = vector.shape_cast %swap3A_207 : vector<1x16xf32> to vector<16xf32>
    %swap3A_209 = vector.shape_cast %broadcast_in_dim3A_0 : vector<16xf32> to vector<1x16xf32>
    tpu.vector_store %arg9[%swap3A_205, %swap3A_206], %swap3A_209 {strides = array<i32>} : memref<16x128xf32, #tpu.memory_space<vmem>>, vector<1x16xf32>,
    %swap3A_210 = arith.constant 4 : i32
    %swap3A_211 = arith.index_cast %swap3A_210 : i32 to index
    %swap3A_212 = arith.constant 48 : index
    %swap3A_213 = tpu.vector_load %arg9[%swap3A_211, %swap3A_212] {strides = array<i32>} : memref<16x128xf32, #tpu.memory_space<vmem>>, vector<1x16xf32>,
    %swap3A_214 = vector.shape_cast %swap3A_213 : vector<1x16xf32> to vector<16xf32>
    %swap3A_215 = vector.shape_cast %broadcast_in_dim3A_0 : vector<16xf32> to vector<1x16xf32>
    tpu.vector_store %arg9[%swap3A_211, %swap3A_212], %swap3A_215 {strides = array<i32>} : memref<16x128xf32, #tpu.memory_space<vmem>>, vector<1x16xf32>,
    %swap3A_216 = arith.constant 4 : i32
    %swap3A_217 = arith.index_cast %swap3A_216 : i32 to index
    %swap3A_218 = arith.constant 64 : index
    %swap3A_219 = tpu.vector_load %arg9[%swap3A_217, %swap3A_218] {strides = array<i32>} : memref<16x128xf32, #tpu.memory_space<vmem>>, vector<1x16xf32>,
    %swap3A_220 = vector.shape_cast %swap3A_219 : vector<1x16xf32> to vector<16xf32>
    %swap3A_221 = vector.shape_cast %broadcast_in_dim3A_0 : vector<16xf32> to vector<1x16xf32>
    tpu.vector_store %arg9[%swap3A_217, %swap3A_218], %swap3A_221 {strides = array<i32>} : memref<16x128xf32, #tpu.memory_space<vmem>>, vector<1x16xf32>,
    %swap3A_222 = arith.constant 4 : i32
    %swap3A_223 = arith.index_cast %swap3A_222 : i32 to index
    %swap3A_224 = arith.constant 80 : index
    %swap3A_225 = tpu.vector_load %arg9[%swap3A_223, %swap3A_224] {strides = array<i32>} : memref<16x128xf32, #tpu.memory_space<vmem>>, vector<1x16xf32>,
    %swap3A_226 = vector.shape_cast %swap3A_225 : vector<1x16xf32> to vector<16xf32>
    %swap3A_227 = vector.shape_cast %broadcast_in_dim3A_0 : vector<16xf32> to vector<1x16xf32>
    tpu.vector_store %arg9[%swap3A_223, %swap3A_224], %swap3A_227 {strides = array<i32>} : memref<16x128xf32, #tpu.memory_space<vmem>>, vector<1x16xf32>,
    %swap3A_228 = arith.constant 4 : i32
    %swap3A_229 = arith.index_cast %swap3A_228 : i32 to index
    %swap3A_230 = arith.constant 96 : index
    %swap3A_231 = tpu.vector_load %arg9[%swap3A_229, %swap3A_230] {strides = array<i32>} : memref<16x128xf32, #tpu.memory_space<vmem>>, vector<1x16xf32>,
    %swap3A_232 = vector.shape_cast %swap3A_231 : vector<1x16xf32> to vector<16xf32>
    %swap3A_233 = vector.shape_cast %broadcast_in_dim3A_0 : vector<16xf32> to vector<1x16xf32>
    tpu.vector_store %arg9[%swap3A_229, %swap3A_230], %swap3A_233 {strides = array<i32>} : memref<16x128xf32, #tpu.memory_space<vmem>>, vector<1x16xf32>,
    %swap3A_234 = arith.constant 4 : i32
    %swap3A_235 = arith.index_cast %swap3A_234 : i32 to index
    %swap3A_236 = arith.constant 112 : index
    %swap3A_237 = tpu.vector_load %arg9[%swap3A_235, %swap3A_236] {strides = array<i32>} : memref<16x128xf32, #tpu.memory_space<vmem>>, vector<1x16xf32>,
    %swap3A_238 = vector.shape_cast %swap3A_237 : vector<1x16xf32> to vector<16xf32>
    %swap3A_239 = vector.shape_cast %broadcast_in_dim3A_0 : vector<16xf32> to vector<1x16xf32>
    tpu.vector_store %arg9[%swap3A_235, %swap3A_236], %swap3A_239 {strides = array<i32>} : memref<16x128xf32, #tpu.memory_space<vmem>>, vector<1x16xf32>,
    %swap3A_240 = arith.constant 5 : i32
    %swap3A_241 = arith.index_cast %swap3A_240 : i32 to index
    %swap3A_242 = arith.constant 0 : index
    %swap3A_243 = tpu.vector_load %arg9[%swap3A_241, %swap3A_242] {strides = array<i32>} : memref<16x128xf32, #tpu.memory_space<vmem>>, vector<1x16xf32>,
    %swap3A_244 = vector.shape_cast %swap3A_243 : vector<1x16xf32> to vector<16xf32>
    %swap3A_245 = vector.shape_cast %broadcast_in_dim3A_0 : vector<16xf32> to vector<1x16xf32>
    tpu.vector_store %arg9[%swap3A_241, %swap3A_242], %swap3A_245 {strides = array<i32>} : memref<16x128xf32, #tpu.memory_space<vmem>>, vector<1x16xf32>,
    %swap3A_246 = arith.constant 5 : i32
    %swap3A_247 = arith.index_cast %swap3A_246 : i32 to index
    %swap3A_248 = arith.constant 16 : index
    %swap3A_249 = tpu.vector_load %arg9[%swap3A_247, %swap3A_248] {strides = array<i32>} : memref<16x128xf32, #tpu.memory_space<vmem>>, vector<1x16xf32>,
    %swap3A_250 = vector.shape_cast %swap3A_249 : vector<1x16xf32> to vector<16xf32>
    %swap3A_251 = vector.shape_cast %broadcast_in_dim3A_0 : vector<16xf32> to vector<1x16xf32>
    tpu.vector_store %arg9[%swap3A_247, %swap3A_248], %swap3A_251 {strides = array<i32>} : memref<16x128xf32, #tpu.memory_space<vmem>>, vector<1x16xf32>,
    %swap3A_252 = arith.constant 5 : i32
    %swap3A_253 = arith.index_cast %swap3A_252 : i32 to index
    %swap3A_254 = arith.constant 32 : index
    %swap3A_255 = tpu.vector_load %arg9[%swap3A_253, %swap3A_254] {strides = array<i32>} : memref<16x128xf32, #tpu.memory_space<vmem>>, vector<1x16xf32>,
    %swap3A_256 = vector.shape_cast %swap3A_255 : vector<1x16xf32> to vector<16xf32>
    %swap3A_257 = vector.shape_cast %broadcast_in_dim3A_0 : vector<16xf32> to vector<1x16xf32>
    tpu.vector_store %arg9[%swap3A_253, %swap3A_254], %swap3A_257 {strides = array<i32>} : memref<16x128xf32, #tpu.memory_space<vmem>>, vector<1x16xf32>,
    %swap3A_258 = arith.constant 5 : i32
    %swap3A_259 = arith.index_cast %swap3A_258 : i32 to index
    %swap3A_260 = arith.constant 48 : index
    %swap3A_261 = tpu.vector_load %arg9[%swap3A_259, %swap3A_260] {strides = array<i32>} : memref<16x128xf32, #tpu.memory_space<vmem>>, vector<1x16xf32>,
    %swap3A_262 = vector.shape_cast %swap3A_261 : vector<1x16xf32> to vector<16xf32>
    %swap3A_263 = vector.shape_cast %broadcast_in_dim3A_0 : vector<16xf32> to vector<1x16xf32>
    tpu.vector_store %arg9[%swap3A_259, %swap3A_260], %swap3A_263 {strides = array<i32>} : memref<16x128xf32, #tpu.memory_space<vmem>>, vector<1x16xf32>,
    %swap3A_264 = arith.constant 5 : i32
    %swap3A_265 = arith.index_cast %swap3A_264 : i32 to index
    %swap3A_266 = arith.constant 64 : index
    %swap3A_267 = tpu.vector_load %arg9[%swap3A_265, %swap3A_266] {strides = array<i32>} : memref<16x128xf32, #tpu.memory_space<vmem>>, vector<1x16xf32>,
    %swap3A_268 = vector.shape_cast %swap3A_267 : vector<1x16xf32> to vector<16xf32>
    %swap3A_269 = vector.shape_cast %broadcast_in_dim3A_0 : vector<16xf32> to vector<1x16xf32>
    tpu.vector_store %arg9[%swap3A_265, %swap3A_266], %swap3A_269 {strides = array<i32>} : memref<16x128xf32, #tpu.memory_space<vmem>>, vector<1x16xf32>,
    %swap3A_270 = arith.constant 5 : i32
    %swap3A_271 = arith.index_cast %swap3A_270 : i32 to index
    %swap3A_272 = arith.constant 80 : index
    %swap3A_273 = tpu.vector_load %arg9[%swap3A_271, %swap3A_272] {strides = array<i32>} : memref<16x128xf32, #tpu.memory_space<vmem>>, vector<1x16xf32>,
    %swap3A_274 = vector.shape_cast %swap3A_273 : vector<1x16xf32> to vector<16xf32>
    %swap3A_275 = vector.shape_cast %broadcast_in_dim3A_0 : vector<16xf32> to vector<1x16xf32>
    tpu.vector_store %arg9[%swap3A_271, %swap3A_272], %swap3A_275 {strides = array<i32>} : memref<16x128xf32, #tpu.memory_space<vmem>>, vector<1x16xf32>,
    %swap3A_276 = arith.constant 5 : i32
    %swap3A_277 = arith.index_cast %swap3A_276 : i32 to index
    %swap3A_278 = arith.constant 96 : index
    %swap3A_279 = tpu.vector_load %arg9[%swap3A_277, %swap3A_278] {strides = array<i32>} : memref<16x128xf32, #tpu.memory_space<vmem>>, vector<1x16xf32>,
    %swap3A_280 = vector.shape_cast %swap3A_279 : vector<1x16xf32> to vector<16xf32>
    %swap3A_281 = vector.shape_cast %broadcast_in_dim3A_0 : vector<16xf32> to vector<1x16xf32>
    tpu.vector_store %arg9[%swap3A_277, %swap3A_278], %swap3A_281 {strides = array<i32>} : memref<16x128xf32, #tpu.memory_space<vmem>>, vector<1x16xf32>,
    %swap3A_282 = arith.constant 5 : i32
    %swap3A_283 = arith.index_cast %swap3A_282 : i32 to index
    %swap3A_284 = arith.constant 112 : index
    %swap3A_285 = tpu.vector_load %arg9[%swap3A_283, %swap3A_284] {strides = array<i32>} : memref<16x128xf32, #tpu.memory_space<vmem>>, vector<1x16xf32>,
    %swap3A_286 = vector.shape_cast %swap3A_285 : vector<1x16xf32> to vector<16xf32>
    %swap3A_287 = vector.shape_cast %broadcast_in_dim3A_0 : vector<16xf32> to vector<1x16xf32>
    tpu.vector_store %arg9[%swap3A_283, %swap3A_284], %swap3A_287 {strides = array<i32>} : memref<16x128xf32, #tpu.memory_space<vmem>>, vector<1x16xf32>,
    %swap3A_288 = arith.constant 6 : i32
    %swap3A_289 = arith.index_cast %swap3A_288 : i32 to index
    %swap3A_290 = arith.constant 0 : index
    %swap3A_291 = tpu.vector_load %arg9[%swap3A_289, %swap3A_290] {strides = array<i32>} : memref<16x128xf32, #tpu.memory_space<vmem>>, vector<1x16xf32>,
    %swap3A_292 = vector.shape_cast %swap3A_291 : vector<1x16xf32> to vector<16xf32>
    %swap3A_293 = vector.shape_cast %broadcast_in_dim3A_0 : vector<16xf32> to vector<1x16xf32>
    tpu.vector_store %arg9[%swap3A_289, %swap3A_290], %swap3A_293 {strides = array<i32>} : memref<16x128xf32, #tpu.memory_space<vmem>>, vector<1x16xf32>,
    %swap3A_294 = arith.constant 6 : i32
    %swap3A_295 = arith.index_cast %swap3A_294 : i32 to index
    %swap3A_296 = arith.constant 16 : index
    %swap3A_297 = tpu.vector_load %arg9[%swap3A_295, %swap3A_296] {strides = array<i32>} : memref<16x128xf32, #tpu.memory_space<vmem>>, vector<1x16xf32>,
    %swap3A_298 = vector.shape_cast %swap3A_297 : vector<1x16xf32> to vector<16xf32>
    %swap3A_299 = vector.shape_cast %broadcast_in_dim3A_0 : vector<16xf32> to vector<1x16xf32>
    tpu.vector_store %arg9[%swap3A_295, %swap3A_296], %swap3A_299 {strides = array<i32>} : memref<16x128xf32, #tpu.memory_space<vmem>>, vector<1x16xf32>,
    %swap3A_300 = arith.constant 6 : i32
    %swap3A_301 = arith.index_cast %swap3A_300 : i32 to index
    %swap3A_302 = arith.constant 32 : index
    %swap3A_303 = tpu.vector_load %arg9[%swap3A_301, %swap3A_302] {strides = array<i32>} : memref<16x128xf32, #tpu.memory_space<vmem>>, vector<1x16xf32>,
    %swap3A_304 = vector.shape_cast %swap3A_303 : vector<1x16xf32> to vector<16xf32>
    %swap3A_305 = vector.shape_cast %broadcast_in_dim3A_0 : vector<16xf32> to vector<1x16xf32>
    tpu.vector_store %arg9[%swap3A_301, %swap3A_302], %swap3A_305 {strides = array<i32>} : memref<16x128xf32, #tpu.memory_space<vmem>>, vector<1x16xf32>,
    %swap3A_306 = arith.constant 6 : i32
    %swap3A_307 = arith.index_cast %swap3A_306 : i32 to index
    %swap3A_308 = arith.constant 48 : index
    %swap3A_309 = tpu.vector_load %arg9[%swap3A_307, %swap3A_308] {strides = array<i32>} : memref<16x128xf32, #tpu.memory_space<vmem>>, vector<1x16xf32>,
    %swap3A_310 = vector.shape_cast %swap3A_309 : vector<1x16xf32> to vector<16xf32>
    %swap3A_311 = vector.shape_cast %broadcast_in_dim3A_0 : vector<16xf32> to vector<1x16xf32>
    tpu.vector_store %arg9[%swap3A_307, %swap3A_308], %swap3A_311 {strides = array<i32>} : memref<16x128xf32, #tpu.memory_space<vmem>>, vector<1x16xf32>,
    %swap3A_312 = arith.constant 6 : i32
    %swap3A_313 = arith.index_cast %swap3A_312 : i32 to index
    %swap3A_314 = arith.constant 64 : index
    %swap3A_315 = tpu.vector_load %arg9[%swap3A_313, %swap3A_314] {strides = array<i32>} : memref<16x128xf32, #tpu.memory_space<vmem>>, vector<1x16xf32>,
    %swap3A_316 = vector.shape_cast %swap3A_315 : vector<1x16xf32> to vector<16xf32>
    %swap3A_317 = vector.shape_cast %broadcast_in_dim3A_0 : vector<16xf32> to vector<1x16xf32>
    tpu.vector_store %arg9[%swap3A_313, %swap3A_314], %swap3A_317 {strides = array<i32>} : memref<16x128xf32, #tpu.memory_space<vmem>>, vector<1x16xf32>,
    %swap3A_318 = arith.constant 6 : i32
    %swap3A_319 = arith.index_cast %swap3A_318 : i32 to index
    %swap3A_320 = arith.constant 80 : index
    %swap3A_321 = tpu.vector_load %arg9[%swap3A_319, %swap3A_320] {strides = array<i32>} : memref<16x128xf32, #tpu.memory_space<vmem>>, vector<1x16xf32>,
    %swap3A_322 = vector.shape_cast %swap3A_321 : vector<1x16xf32> to vector<16xf32>
    %swap3A_323 = vector.shape_cast %broadcast_in_dim3A_0 : vector<16xf32> to vector<1x16xf32>
    tpu.vector_store %arg9[%swap3A_319, %swap3A_320], %swap3A_323 {strides = array<i32>} : memref<16x128xf32, #tpu.memory_space<vmem>>, vector<1x16xf32>,
    %swap3A_324 = arith.constant 6 : i32
    %swap3A_325 = arith.index_cast %swap3A_324 : i32 to index
    %swap3A_326 = arith.constant 96 : index
    %swap3A_327 = tpu.vector_load %arg9[%swap3A_325, %swap3A_326] {strides = array<i32>} : memref<16x128xf32, #tpu.memory_space<vmem>>, vector<1x16xf32>,
    %swap3A_328 = vector.shape_cast %swap3A_327 : vector<1x16xf32> to vector<16xf32>
    %swap3A_329 = vector.shape_cast %broadcast_in_dim3A_0 : vector<16xf32> to vector<1x16xf32>
    tpu.vector_store %arg9[%swap3A_325, %swap3A_326], %swap3A_329 {strides = array<i32>} : memref<16x128xf32, #tpu.memory_space<vmem>>, vector<1x16xf32>,
    %swap3A_330 = arith.constant 6 : i32
    %swap3A_331 = arith.index_cast %swap3A_330 : i32 to index
    %swap3A_332 = arith.constant 112 : index
    %swap3A_333 = tpu.vector_load %arg9[%swap3A_331, %swap3A_332] {strides = array<i32>} : memref<16x128xf32, #tpu.memory_space<vmem>>, vector<1x16xf32>,
    %swap3A_334 = vector.shape_cast %swap3A_333 : vector<1x16xf32> to vector<16xf32>
    %swap3A_335 = vector.shape_cast %broadcast_in_dim3A_0 : vector<16xf32> to vector<1x16xf32>
    tpu.vector_store %arg9[%swap3A_331, %swap3A_332], %swap3A_335 {strides = array<i32>} : memref<16x128xf32, #tpu.memory_space<vmem>>, vector<1x16xf32>,
    %swap3A_336 = arith.constant 7 : i32
    %swap3A_337 = arith.index_cast %swap3A_336 : i32 to index
    %swap3A_338 = arith.constant 0 : index
    %swap3A_339 = tpu.vector_load %arg9[%swap3A_337, %swap3A_338] {strides = array<i32>} : memref<16x128xf32, #tpu.memory_space<vmem>>, vector<1x16xf32>,
    %swap3A_340 = vector.shape_cast %swap3A_339 : vector<1x16xf32> to vector<16xf32>
    %swap3A_341 = vector.shape_cast %broadcast_in_dim3A_0 : vector<16xf32> to vector<1x16xf32>
    tpu.vector_store %arg9[%swap3A_337, %swap3A_338], %swap3A_341 {strides = array<i32>} : memref<16x128xf32, #tpu.memory_space<vmem>>, vector<1x16xf32>,
    %swap3A_342 = arith.constant 7 : i32
    %swap3A_343 = arith.index_cast %swap3A_342 : i32 to index
    %swap3A_344 = arith.constant 16 : index
    %swap3A_345 = tpu.vector_load %arg9[%swap3A_343, %swap3A_344] {strides = array<i32>} : memref<16x128xf32, #tpu.memory_space<vmem>>, vector<1x16xf32>,
    %swap3A_346 = vector.shape_cast %swap3A_345 : vector<1x16xf32> to vector<16xf32>
    %swap3A_347 = vector.shape_cast %broadcast_in_dim3A_0 : vector<16xf32> to vector<1x16xf32>
    tpu.vector_store %arg9[%swap3A_343, %swap3A_344], %swap3A_347 {strides = array<i32>} : memref<16x128xf32, #tpu.memory_space<vmem>>, vector<1x16xf32>,
    %swap3A_348 = arith.constant 7 : i32
    %swap3A_349 = arith.index_cast %swap3A_348 : i32 to index
    %swap3A_350 = arith.constant 32 : index
    %swap3A_351 = tpu.vector_load %arg9[%swap3A_349, %swap3A_350] {strides = array<i32>} : memref<16x128xf32, #tpu.memory_space<vmem>>, vector<1x16xf32>,
    %swap3A_352 = vector.shape_cast %swap3A_351 : vector<1x16xf32> to vector<16xf32>
    %swap3A_353 = vector.shape_cast %broadcast_in_dim3A_0 : vector<16xf32> to vector<1x16xf32>
    tpu.vector_store %arg9[%swap3A_349, %swap3A_350], %swap3A_353 {strides = array<i32>} : memref<16x128xf32, #tpu.memory_space<vmem>>, vector<1x16xf32>,
    %swap3A_354 = arith.constant 7 : i32
    %swap3A_355 = arith.index_cast %swap3A_354 : i32 to index
    %swap3A_356 = arith.constant 48 : index
    %swap3A_357 = tpu.vector_load %arg9[%swap3A_355, %swap3A_356] {strides = array<i32>} : memref<16x128xf32, #tpu.memory_space<vmem>>, vector<1x16xf32>,
    %swap3A_358 = vector.shape_cast %swap3A_357 : vector<1x16xf32> to vector<16xf32>
    %swap3A_359 = vector.shape_cast %broadcast_in_dim3A_0 : vector<16xf32> to vector<1x16xf32>
    tpu.vector_store %arg9[%swap3A_355, %swap3A_356], %swap3A_359 {strides = array<i32>} : memref<16x128xf32, #tpu.memory_space<vmem>>, vector<1x16xf32>,
    %swap3A_360 = arith.constant 7 : i32
    %swap3A_361 = arith.index_cast %swap3A_360 : i32 to index
    %swap3A_362 = arith.constant 64 : index
    %swap3A_363 = tpu.vector_load %arg9[%swap3A_361, %swap3A_362] {strides = array<i32>} : memref<16x128xf32, #tpu.memory_space<vmem>>, vector<1x16xf32>,
    %swap3A_364 = vector.shape_cast %swap3A_363 : vector<1x16xf32> to vector<16xf32>
    %swap3A_365 = vector.shape_cast %broadcast_in_dim3A_0 : vector<16xf32> to vector<1x16xf32>
    tpu.vector_store %arg9[%swap3A_361, %swap3A_362], %swap3A_365 {strides = array<i32>} : memref<16x128xf32, #tpu.memory_space<vmem>>, vector<1x16xf32>,
    %swap3A_366 = arith.constant 7 : i32
    %swap3A_367 = arith.index_cast %swap3A_366 : i32 to index
    %swap3A_368 = arith.constant 80 : index
    %swap3A_369 = tpu.vector_load %arg9[%swap3A_367, %swap3A_368] {strides = array<i32>} : memref<16x128xf32, #tpu.memory_space<vmem>>, vector<1x16xf32>,
    %swap3A_370 = vector.shape_cast %swap3A_369 : vector<1x16xf32> to vector<16xf32>
    %swap3A_371 = vector.shape_cast %broadcast_in_dim3A_0 : vector<16xf32> to vector<1x16xf32>
    tpu.vector_store %arg9[%swap3A_367, %swap3A_368], %swap3A_371 {strides = array<i32>} : memref<16x128xf32, #tpu.memory_space<vmem>>, vector<1x16xf32>,
    %swap3A_372 = arith.constant 7 : i32
    %swap3A_373 = arith.index_cast %swap3A_372 : i32 to index
    %swap3A_374 = arith.constant 96 : index
    %swap3A_375 = tpu.vector_load %arg9[%swap3A_373, %swap3A_374] {strides = array<i32>} : memref<16x128xf32, #tpu.memory_space<vmem>>, vector<1x16xf32>,
    %swap3A_376 = vector.shape_cast %swap3A_375 : vector<1x16xf32> to vector<16xf32>
    %swap3A_377 = vector.shape_cast %broadcast_in_dim3A_0 : vector<16xf32> to vector<1x16xf32>
    tpu.vector_store %arg9[%swap3A_373, %swap3A_374], %swap3A_377 {strides = array<i32>} : memref<16x128xf32, #tpu.memory_space<vmem>>, vector<1x16xf32>,
    %swap3A_378 = arith.constant 7 : i32
    %swap3A_379 = arith.index_cast %swap3A_378 : i32 to index
    %swap3A_380 = arith.constant 112 : index
    %swap3A_381 = tpu.vector_load %arg9[%swap3A_379, %swap3A_380] {strides = array<i32>} : memref<16x128xf32, #tpu.memory_space<vmem>>, vector<1x16xf32>,
    %swap3A_382 = vector.shape_cast %swap3A_381 : vector<1x16xf32> to vector<16xf32>
    %swap3A_383 = vector.shape_cast %broadcast_in_dim3A_0 : vector<16xf32> to vector<1x16xf32>
    tpu.vector_store %arg9[%swap3A_379, %swap3A_380], %swap3A_383 {strides = array<i32>} : memref<16x128xf32, #tpu.memory_space<vmem>>, vector<1x16xf32>,
    %swap3A_384 = arith.constant 8 : i32
    %swap3A_385 = arith.index_cast %swap3A_384 : i32 to index
    %swap3A_386 = arith.constant 0 : index
    %swap3A_387 = tpu.vector_load %arg9[%swap3A_385, %swap3A_386] {strides = array<i32>} : memref<16x128xf32, #tpu.memory_space<vmem>>, vector<1x16xf32>,
    %swap3A_388 = vector.shape_cast %swap3A_387 : vector<1x16xf32> to vector<16xf32>
    %swap3A_389 = vector.shape_cast %broadcast_in_dim3A_0 : vector<16xf32> to vector<1x16xf32>
    tpu.vector_store %arg9[%swap3A_385, %swap3A_386], %swap3A_389 {strides = array<i32>} : memref<16x128xf32, #tpu.memory_space<vmem>>, vector<1x16xf32>,
    %swap3A_390 = arith.constant 8 : i32
    %swap3A_391 = arith.index_cast %swap3A_390 : i32 to index
    %swap3A_392 = arith.constant 16 : index
    %swap3A_393 = tpu.vector_load %arg9[%swap3A_391, %swap3A_392] {strides = array<i32>} : memref<16x128xf32, #tpu.memory_space<vmem>>, vector<1x16xf32>,
    %swap3A_394 = vector.shape_cast %swap3A_393 : vector<1x16xf32> to vector<16xf32>
    %swap3A_395 = vector.shape_cast %broadcast_in_dim3A_0 : vector<16xf32> to vector<1x16xf32>
    tpu.vector_store %arg9[%swap3A_391, %swap3A_392], %swap3A_395 {strides = array<i32>} : memref<16x128xf32, #tpu.memory_space<vmem>>, vector<1x16xf32>,
    %swap3A_396 = arith.constant 8 : i32
    %swap3A_397 = arith.index_cast %swap3A_396 : i32 to index
    %swap3A_398 = arith.constant 32 : index
    %swap3A_399 = tpu.vector_load %arg9[%swap3A_397, %swap3A_398] {strides = array<i32>} : memref<16x128xf32, #tpu.memory_space<vmem>>, vector<1x16xf32>,
    %swap3A_400 = vector.shape_cast %swap3A_399 : vector<1x16xf32> to vector<16xf32>
    %swap3A_401 = vector.shape_cast %broadcast_in_dim3A_0 : vector<16xf32> to vector<1x16xf32>
    tpu.vector_store %arg9[%swap3A_397, %swap3A_398], %swap3A_401 {strides = array<i32>} : memref<16x128xf32, #tpu.memory_space<vmem>>, vector<1x16xf32>,
    %swap3A_402 = arith.constant 8 : i32
    %swap3A_403 = arith.index_cast %swap3A_402 : i32 to index
    %swap3A_404 = arith.constant 48 : index
    %swap3A_405 = tpu.vector_load %arg9[%swap3A_403, %swap3A_404] {strides = array<i32>} : memref<16x128xf32, #tpu.memory_space<vmem>>, vector<1x16xf32>,
    %swap3A_406 = vector.shape_cast %swap3A_405 : vector<1x16xf32> to vector<16xf32>
    %swap3A_407 = vector.shape_cast %broadcast_in_dim3A_0 : vector<16xf32> to vector<1x16xf32>
    tpu.vector_store %arg9[%swap3A_403, %swap3A_404], %swap3A_407 {strides = array<i32>} : memref<16x128xf32, #tpu.memory_space<vmem>>, vector<1x16xf32>,
    %swap3A_408 = arith.constant 8 : i32
    %swap3A_409 = arith.index_cast %swap3A_408 : i32 to index
    %swap3A_410 = arith.constant 64 : index
    %swap3A_411 = tpu.vector_load %arg9[%swap3A_409, %swap3A_410] {strides = array<i32>} : memref<16x128xf32, #tpu.memory_space<vmem>>, vector<1x16xf32>,
    %swap3A_412 = vector.shape_cast %swap3A_411 : vector<1x16xf32> to vector<16xf32>
    %swap3A_413 = vector.shape_cast %broadcast_in_dim3A_0 : vector<16xf32> to vector<1x16xf32>
    tpu.vector_store %arg9[%swap3A_409, %swap3A_410], %swap3A_413 {strides = array<i32>} : memref<16x128xf32, #tpu.memory_space<vmem>>, vector<1x16xf32>,
    %swap3A_414 = arith.constant 8 : i32
    %swap3A_415 = arith.index_cast %swap3A_414 : i32 to index
    %swap3A_416 = arith.constant 80 : index
    %swap3A_417 = tpu.vector_load %arg9[%swap3A_415, %swap3A_416] {strides = array<i32>} : memref<16x128xf32, #tpu.memory_space<vmem>>, vector<1x16xf32>,
    %swap3A_418 = vector.shape_cast %swap3A_417 : vector<1x16xf32> to vector<16xf32>
    %swap3A_419 = vector.shape_cast %broadcast_in_dim3A_0 : vector<16xf32> to vector<1x16xf32>
    tpu.vector_store %arg9[%swap3A_415, %swap3A_416], %swap3A_419 {strides = array<i32>} : memref<16x128xf32, #tpu.memory_space<vmem>>, vector<1x16xf32>,
    %swap3A_420 = arith.constant 8 : i32
    %swap3A_421 = arith.index_cast %swap3A_420 : i32 to index
    %swap3A_422 = arith.constant 96 : index
    %swap3A_423 = tpu.vector_load %arg9[%swap3A_421, %swap3A_422] {strides = array<i32>} : memref<16x128xf32, #tpu.memory_space<vmem>>, vector<1x16xf32>,
    %swap3A_424 = vector.shape_cast %swap3A_423 : vector<1x16xf32> to vector<16xf32>
    %swap3A_425 = vector.shape_cast %broadcast_in_dim3A_0 : vector<16xf32> to vector<1x16xf32>
    tpu.vector_store %arg9[%swap3A_421, %swap3A_422], %swap3A_425 {strides = array<i32>} : memref<16x128xf32, #tpu.memory_space<vmem>>, vector<1x16xf32>,
    %swap3A_426 = arith.constant 8 : i32
    %swap3A_427 = arith.index_cast %swap3A_426 : i32 to index
    %swap3A_428 = arith.constant 112 : index
    %swap3A_429 = tpu.vector_load %arg9[%swap3A_427, %swap3A_428] {strides = array<i32>} : memref<16x128xf32, #tpu.memory_space<vmem>>, vector<1x16xf32>,
    %swap3A_430 = vector.shape_cast %swap3A_429 : vector<1x16xf32> to vector<16xf32>
    %swap3A_431 = vector.shape_cast %broadcast_in_dim3A_0 : vector<16xf32> to vector<1x16xf32>
    tpu.vector_store %arg9[%swap3A_427, %swap3A_428], %swap3A_431 {strides = array<i32>} : memref<16x128xf32, #tpu.memory_space<vmem>>, vector<1x16xf32>,
    %swap3A_432 = arith.constant 9 : i32
    %swap3A_433 = arith.index_cast %swap3A_432 : i32 to index
    %swap3A_434 = arith.constant 0 : index
    %swap3A_435 = tpu.vector_load %arg9[%swap3A_433, %swap3A_434] {strides = array<i32>} : memref<16x128xf32, #tpu.memory_space<vmem>>, vector<1x16xf32>,
    %swap3A_436 = vector.shape_cast %swap3A_435 : vector<1x16xf32> to vector<16xf32>
    %swap3A_437 = vector.shape_cast %broadcast_in_dim3A_0 : vector<16xf32> to vector<1x16xf32>
    tpu.vector_store %arg9[%swap3A_433, %swap3A_434], %swap3A_437 {strides = array<i32>} : memref<16x128xf32, #tpu.memory_space<vmem>>, vector<1x16xf32>,
    %swap3A_438 = arith.constant 9 : i32
    %swap3A_439 = arith.index_cast %swap3A_438 : i32 to index
    %swap3A_440 = arith.constant 16 : index
    %swap3A_441 = tpu.vector_load %arg9[%swap3A_439, %swap3A_440] {strides = array<i32>} : memref<16x128xf32, #tpu.memory_space<vmem>>, vector<1x16xf32>,
    %swap3A_442 = vector.shape_cast %swap3A_441 : vector<1x16xf32> to vector<16xf32>
    %swap3A_443 = vector.shape_cast %broadcast_in_dim3A_0 : vector<16xf32> to vector<1x16xf32>
    tpu.vector_store %arg9[%swap3A_439, %swap3A_440], %swap3A_443 {strides = array<i32>} : memref<16x128xf32, #tpu.memory_space<vmem>>, vector<1x16xf32>,
    %swap3A_444 = arith.constant 9 : i32
    %swap3A_445 = arith.index_cast %swap3A_444 : i32 to index
    %swap3A_446 = arith.constant 32 : index
    %swap3A_447 = tpu.vector_load %arg9[%swap3A_445, %swap3A_446] {strides = array<i32>} : memref<16x128xf32, #tpu.memory_space<vmem>>, vector<1x16xf32>,
    %swap3A_448 = vector.shape_cast %swap3A_447 : vector<1x16xf32> to vector<16xf32>
    %swap3A_449 = vector.shape_cast %broadcast_in_dim3A_0 : vector<16xf32> to vector<1x16xf32>
    tpu.vector_store %arg9[%swap3A_445, %swap3A_446], %swap3A_449 {strides = array<i32>} : memref<16x128xf32, #tpu.memory_space<vmem>>, vector<1x16xf32>,
    %swap3A_450 = arith.constant 9 : i32
    %swap3A_451 = arith.index_cast %swap3A_450 : i32 to index
    %swap3A_452 = arith.constant 48 : index
    %swap3A_453 = tpu.vector_load %arg9[%swap3A_451, %swap3A_452] {strides = array<i32>} : memref<16x128xf32, #tpu.memory_space<vmem>>, vector<1x16xf32>,
    %swap3A_454 = vector.shape_cast %swap3A_453 : vector<1x16xf32> to vector<16xf32>
    %swap3A_455 = vector.shape_cast %broadcast_in_dim3A_0 : vector<16xf32> to vector<1x16xf32>
    tpu.vector_store %arg9[%swap3A_451, %swap3A_452], %swap3A_455 {strides = array<i32>} : memref<16x128xf32, #tpu.memory_space<vmem>>, vector<1x16xf32>,
    %swap3A_456 = arith.constant 9 : i32
    %swap3A_457 = arith.index_cast %swap3A_456 : i32 to index
    %swap3A_458 = arith.constant 64 : index
    %swap3A_459 = tpu.vector_load %arg9[%swap3A_457, %swap3A_458] {strides = array<i32>} : memref<16x128xf32, #tpu.memory_space<vmem>>, vector<1x16xf32>,
    %swap3A_460 = vector.shape_cast %swap3A_459 : vector<1x16xf32> to vector<16xf32>
    %swap3A_461 = vector.shape_cast %broadcast_in_dim3A_0 : vector<16xf32> to vector<1x16xf32>
    tpu.vector_store %arg9[%swap3A_457, %swap3A_458], %swap3A_461 {strides = array<i32>} : memref<16x128xf32, #tpu.memory_space<vmem>>, vector<1x16xf32>,
    %swap3A_462 = arith.constant 9 : i32
    %swap3A_463 = arith.index_cast %swap3A_462 : i32 to index
    %swap3A_464 = arith.constant 80 : index
    %swap3A_465 = tpu.vector_load %arg9[%swap3A_463, %swap3A_464] {strides = array<i32>} : memref<16x128xf32, #tpu.memory_space<vmem>>, vector<1x16xf32>,
    %swap3A_466 = vector.shape_cast %swap3A_465 : vector<1x16xf32> to vector<16xf32>
    %swap3A_467 = vector.shape_cast %broadcast_in_dim3A_0 : vector<16xf32> to vector<1x16xf32>
    tpu.vector_store %arg9[%swap3A_463, %swap3A_464], %swap3A_467 {strides = array<i32>} : memref<16x128xf32, #tpu.memory_space<vmem>>, vector<1x16xf32>,
    %swap3A_468 = arith.constant 9 : i32
    %swap3A_469 = arith.index_cast %swap3A_468 : i32 to index
    %swap3A_470 = arith.constant 96 : index
    %swap3A_471 = tpu.vector_load %arg9[%swap3A_469, %swap3A_470] {strides = array<i32>} : memref<16x128xf32, #tpu.memory_space<vmem>>, vector<1x16xf32>,
    %swap3A_472 = vector.shape_cast %swap3A_471 : vector<1x16xf32> to vector<16xf32>
    %swap3A_473 = vector.shape_cast %broadcast_in_dim3A_0 : vector<16xf32> to vector<1x16xf32>
    tpu.vector_store %arg9[%swap3A_469, %swap3A_470], %swap3A_473 {strides = array<i32>} : memref<16x128xf32, #tpu.memory_space<vmem>>, vector<1x16xf32>,
    %swap3A_474 = arith.constant 9 : i32
    %swap3A_475 = arith.index_cast %swap3A_474 : i32 to index
    %swap3A_476 = arith.constant 112 : index
    %swap3A_477 = tpu.vector_load %arg9[%swap3A_475, %swap3A_476] {strides = array<i32>} : memref<16x128xf32, #tpu.memory_space<vmem>>, vector<1x16xf32>,
    %swap3A_478 = vector.shape_cast %swap3A_477 : vector<1x16xf32> to vector<16xf32>
    %swap3A_479 = vector.shape_cast %broadcast_in_dim3A_0 : vector<16xf32> to vector<1x16xf32>
    tpu.vector_store %arg9[%swap3A_475, %swap3A_476], %swap3A_479 {strides = array<i32>} : memref<16x128xf32, #tpu.memory_space<vmem>>, vector<1x16xf32>,
    %swap3A_480 = arith.constant 10 : i32
    %swap3A_481 = arith.index_cast %swap3A_480 : i32 to index
    %swap3A_482 = arith.constant 0 : index
    %swap3A_483 = tpu.vector_load %arg9[%swap3A_481, %swap3A_482] {strides = array<i32>} : memref<16x128xf32, #tpu.memory_space<vmem>>, vector<1x16xf32>,
    %swap3A_484 = vector.shape_cast %swap3A_483 : vector<1x16xf32> to vector<16xf32>
    %swap3A_485 = vector.shape_cast %broadcast_in_dim3A_0 : vector<16xf32> to vector<1x16xf32>
    tpu.vector_store %arg9[%swap3A_481, %swap3A_482], %swap3A_485 {strides = array<i32>} : memref<16x128xf32, #tpu.memory_space<vmem>>, vector<1x16xf32>,
    %swap3A_486 = arith.constant 10 : i32
    %swap3A_487 = arith.index_cast %swap3A_486 : i32 to index
    %swap3A_488 = arith.constant 16 : index
    %swap3A_489 = tpu.vector_load %arg9[%swap3A_487, %swap3A_488] {strides = array<i32>} : memref<16x128xf32, #tpu.memory_space<vmem>>, vector<1x16xf32>,
    %swap3A_490 = vector.shape_cast %swap3A_489 : vector<1x16xf32> to vector<16xf32>
    %swap3A_491 = vector.shape_cast %broadcast_in_dim3A_0 : vector<16xf32> to vector<1x16xf32>
    tpu.vector_store %arg9[%swap3A_487, %swap3A_488], %swap3A_491 {strides = array<i32>} : memref<16x128xf32, #tpu.memory_space<vmem>>, vector<1x16xf32>,
    %swap3A_492 = arith.constant 10 : i32
    %swap3A_493 = arith.index_cast %swap3A_492 : i32 to index
    %swap3A_494 = arith.constant 32 : index
    %swap3A_495 = tpu.vector_load %arg9[%swap3A_493, %swap3A_494] {strides = array<i32>} : memref<16x128xf32, #tpu.memory_space<vmem>>, vector<1x16xf32>,
    %swap3A_496 = vector.shape_cast %swap3A_495 : vector<1x16xf32> to vector<16xf32>
    %swap3A_497 = vector.shape_cast %broadcast_in_dim3A_0 : vector<16xf32> to vector<1x16xf32>
    tpu.vector_store %arg9[%swap3A_493, %swap3A_494], %swap3A_497 {strides = array<i32>} : memref<16x128xf32, #tpu.memory_space<vmem>>, vector<1x16xf32>,
    %swap3A_498 = arith.constant 10 : i32
    %swap3A_499 = arith.index_cast %swap3A_498 : i32 to index
    %swap3A_500 = arith.constant 48 : index
    %swap3A_501 = tpu.vector_load %arg9[%swap3A_499, %swap3A_500] {strides = array<i32>} : memref<16x128xf32, #tpu.memory_space<vmem>>, vector<1x16xf32>,
    %swap3A_502 = vector.shape_cast %swap3A_501 : vector<1x16xf32> to vector<16xf32>
    %swap3A_503 = vector.shape_cast %broadcast_in_dim3A_0 : vector<16xf32> to vector<1x16xf32>
    tpu.vector_store %arg9[%swap3A_499, %swap3A_500], %swap3A_503 {strides = array<i32>} : memref<16x128xf32, #tpu.memory_space<vmem>>, vector<1x16xf32>,
    %swap3A_504 = arith.constant 10 : i32
    %swap3A_505 = arith.index_cast %swap3A_504 : i32 to index
    %swap3A_506 = arith.constant 64 : index
    %swap3A_507 = tpu.vector_load %arg9[%swap3A_505, %swap3A_506] {strides = array<i32>} : memref<16x128xf32, #tpu.memory_space<vmem>>, vector<1x16xf32>,
    %swap3A_508 = vector.shape_cast %swap3A_507 : vector<1x16xf32> to vector<16xf32>
    %swap3A_509 = vector.shape_cast %broadcast_in_dim3A_0 : vector<16xf32> to vector<1x16xf32>
    tpu.vector_store %arg9[%swap3A_505, %swap3A_506], %swap3A_509 {strides = array<i32>} : memref<16x128xf32, #tpu.memory_space<vmem>>, vector<1x16xf32>,
    %swap3A_510 = arith.constant 10 : i32
    %swap3A_511 = arith.index_cast %swap3A_510 : i32 to index
    %swap3A_512 = arith.constant 80 : index
    %swap3A_513 = tpu.vector_load %arg9[%swap3A_511, %swap3A_512] {strides = array<i32>} : memref<16x128xf32, #tpu.memory_space<vmem>>, vector<1x16xf32>,
    %swap3A_514 = vector.shape_cast %swap3A_513 : vector<1x16xf32> to vector<16xf32>
    %swap3A_515 = vector.shape_cast %broadcast_in_dim3A_0 : vector<16xf32> to vector<1x16xf32>
    tpu.vector_store %arg9[%swap3A_511, %swap3A_512], %swap3A_515 {strides = array<i32>} : memref<16x128xf32, #tpu.memory_space<vmem>>, vector<1x16xf32>,
    %swap3A_516 = arith.constant 10 : i32
    %swap3A_517 = arith.index_cast %swap3A_516 : i32 to index
    %swap3A_518 = arith.constant 96 : index
    %swap3A_519 = tpu.vector_load %arg9[%swap3A_517, %swap3A_518] {strides = array<i32>} : memref<16x128xf32, #tpu.memory_space<vmem>>, vector<1x16xf32>,
    %swap3A_520 = vector.shape_cast %swap3A_519 : vector<1x16xf32> to vector<16xf32>
    %swap3A_521 = vector.shape_cast %broadcast_in_dim3A_0 : vector<16xf32> to vector<1x16xf32>
    tpu.vector_store %arg9[%swap3A_517, %swap3A_518], %swap3A_521 {strides = array<i32>} : memref<16x128xf32, #tpu.memory_space<vmem>>, vector<1x16xf32>,
    %swap3A_522 = arith.constant 10 : i32
    %swap3A_523 = arith.index_cast %swap3A_522 : i32 to index
    %swap3A_524 = arith.constant 112 : index
    %swap3A_525 = tpu.vector_load %arg9[%swap3A_523, %swap3A_524] {strides = array<i32>} : memref<16x128xf32, #tpu.memory_space<vmem>>, vector<1x16xf32>,
    %swap3A_526 = vector.shape_cast %swap3A_525 : vector<1x16xf32> to vector<16xf32>
    %swap3A_527 = vector.shape_cast %broadcast_in_dim3A_0 : vector<16xf32> to vector<1x16xf32>
    tpu.vector_store %arg9[%swap3A_523, %swap3A_524], %swap3A_527 {strides = array<i32>} : memref<16x128xf32, #tpu.memory_space<vmem>>, vector<1x16xf32>,
    %swap3A_528 = arith.constant 11 : i32
    %swap3A_529 = arith.index_cast %swap3A_528 : i32 to index
    %swap3A_530 = arith.constant 0 : index
    %swap3A_531 = tpu.vector_load %arg9[%swap3A_529, %swap3A_530] {strides = array<i32>} : memref<16x128xf32, #tpu.memory_space<vmem>>, vector<1x16xf32>,
    %swap3A_532 = vector.shape_cast %swap3A_531 : vector<1x16xf32> to vector<16xf32>
    %swap3A_533 = vector.shape_cast %broadcast_in_dim3A_0 : vector<16xf32> to vector<1x16xf32>
    tpu.vector_store %arg9[%swap3A_529, %swap3A_530], %swap3A_533 {strides = array<i32>} : memref<16x128xf32, #tpu.memory_space<vmem>>, vector<1x16xf32>,
    %swap3A_534 = arith.constant 11 : i32
    %swap3A_535 = arith.index_cast %swap3A_534 : i32 to index
    %swap3A_536 = arith.constant 16 : index
    %swap3A_537 = tpu.vector_load %arg9[%swap3A_535, %swap3A_536] {strides = array<i32>} : memref<16x128xf32, #tpu.memory_space<vmem>>, vector<1x16xf32>,
    %swap3A_538 = vector.shape_cast %swap3A_537 : vector<1x16xf32> to vector<16xf32>
    %swap3A_539 = vector.shape_cast %broadcast_in_dim3A_0 : vector<16xf32> to vector<1x16xf32>
    tpu.vector_store %arg9[%swap3A_535, %swap3A_536], %swap3A_539 {strides = array<i32>} : memref<16x128xf32, #tpu.memory_space<vmem>>, vector<1x16xf32>,
    %swap3A_540 = arith.constant 11 : i32
    %swap3A_541 = arith.index_cast %swap3A_540 : i32 to index
    %swap3A_542 = arith.constant 32 : index
    %swap3A_543 = tpu.vector_load %arg9[%swap3A_541, %swap3A_542] {strides = array<i32>} : memref<16x128xf32, #tpu.memory_space<vmem>>, vector<1x16xf32>,
    %swap3A_544 = vector.shape_cast %swap3A_543 : vector<1x16xf32> to vector<16xf32>
    %swap3A_545 = vector.shape_cast %broadcast_in_dim3A_0 : vector<16xf32> to vector<1x16xf32>
    tpu.vector_store %arg9[%swap3A_541, %swap3A_542], %swap3A_545 {strides = array<i32>} : memref<16x128xf32, #tpu.memory_space<vmem>>, vector<1x16xf32>,
    %swap3A_546 = arith.constant 11 : i32
    %swap3A_547 = arith.index_cast %swap3A_546 : i32 to index
    %swap3A_548 = arith.constant 48 : index
    %swap3A_549 = tpu.vector_load %arg9[%swap3A_547, %swap3A_548] {strides = array<i32>} : memref<16x128xf32, #tpu.memory_space<vmem>>, vector<1x16xf32>,
    %swap3A_550 = vector.shape_cast %swap3A_549 : vector<1x16xf32> to vector<16xf32>
    %swap3A_551 = vector.shape_cast %broadcast_in_dim3A_0 : vector<16xf32> to vector<1x16xf32>
    tpu.vector_store %arg9[%swap3A_547, %swap3A_548], %swap3A_551 {strides = array<i32>} : memref<16x128xf32, #tpu.memory_space<vmem>>, vector<1x16xf32>,
    %swap3A_552 = arith.constant 11 : i32
    %swap3A_553 = arith.index_cast %swap3A_552 : i32 to index
    %swap3A_554 = arith.constant 64 : index
    %swap3A_555 = tpu.vector_load %arg9[%swap3A_553, %swap3A_554] {strides = array<i32>} : memref<16x128xf32, #tpu.memory_space<vmem>>, vector<1x16xf32>,
    %swap3A_556 = vector.shape_cast %swap3A_555 : vector<1x16xf32> to vector<16xf32>
    %swap3A_557 = vector.shape_cast %broadcast_in_dim3A_0 : vector<16xf32> to vector<1x16xf32>
    tpu.vector_store %arg9[%swap3A_553, %swap3A_554], %swap3A_557 {strides = array<i32>} : memref<16x128xf32, #tpu.memory_space<vmem>>, vector<1x16xf32>,
    %swap3A_558 = arith.constant 11 : i32
    %swap3A_559 = arith.index_cast %swap3A_558 : i32 to index
    %swap3A_560 = arith.constant 80 : index
    %swap3A_561 = tpu.vector_load %arg9[%swap3A_559, %swap3A_560] {strides = array<i32>} : memref<16x128xf32, #tpu.memory_space<vmem>>, vector<1x16xf32>,
    %swap3A_562 = vector.shape_cast %swap3A_561 : vector<1x16xf32> to vector<16xf32>
    %swap3A_563 = vector.shape_cast %broadcast_in_dim3A_0 : vector<16xf32> to vector<1x16xf32>
    tpu.vector_store %arg9[%swap3A_559, %swap3A_560], %swap3A_563 {strides = array<i32>} : memref<16x128xf32, #tpu.memory_space<vmem>>, vector<1x16xf32>,
    %swap3A_564 = arith.constant 11 : i32
    %swap3A_565 = arith.index_cast %swap3A_564 : i32 to index
    %swap3A_566 = arith.constant 96 : index
    %swap3A_567 = tpu.vector_load %arg9[%swap3A_565, %swap3A_566] {strides = array<i32>} : memref<16x128xf32, #tpu.memory_space<vmem>>, vector<1x16xf32>,
    %swap3A_568 = vector.shape_cast %swap3A_567 : vector<1x16xf32> to vector<16xf32>
    %swap3A_569 = vector.shape_cast %broadcast_in_dim3A_0 : vector<16xf32> to vector<1x16xf32>
    tpu.vector_store %arg9[%swap3A_565, %swap3A_566], %swap3A_569 {strides = array<i32>} : memref<16x128xf32, #tpu.memory_space<vmem>>, vector<1x16xf32>,
    %swap3A_570 = arith.constant 11 : i32
    %swap3A_571 = arith.index_cast %swap3A_570 : i32 to index
    %swap3A_572 = arith.constant 112 : index
    %swap3A_573 = tpu.vector_load %arg9[%swap3A_571, %swap3A_572] {strides = array<i32>} : memref<16x128xf32, #tpu.memory_space<vmem>>, vector<1x16xf32>,
    %swap3A_574 = vector.shape_cast %swap3A_573 : vector<1x16xf32> to vector<16xf32>
    %swap3A_575 = vector.shape_cast %broadcast_in_dim3A_0 : vector<16xf32> to vector<1x16xf32>
    tpu.vector_store %arg9[%swap3A_571, %swap3A_572], %swap3A_575 {strides = array<i32>} : memref<16x128xf32, #tpu.memory_space<vmem>>, vector<1x16xf32>,
    %swap3A_576 = arith.constant 12 : i32
    %swap3A_577 = arith.index_cast %swap3A_576 : i32 to index
    %swap3A_578 = arith.constant 0 : index
    %swap3A_579 = tpu.vector_load %arg9[%swap3A_577, %swap3A_578] {strides = array<i32>} : memref<16x128xf32, #tpu.memory_space<vmem>>, vector<1x16xf32>,
    %swap3A_580 = vector.shape_cast %swap3A_579 : vector<1x16xf32> to vector<16xf32>
    %swap3A_581 = vector.shape_cast %broadcast_in_dim3A_0 : vector<16xf32> to vector<1x16xf32>
    tpu.vector_store %arg9[%swap3A_577, %swap3A_578], %swap3A_581 {strides = array<i32>} : memref<16x128xf32, #tpu.memory_space<vmem>>, vector<1x16xf32>,
    %swap3A_582 = arith.constant 12 : i32
    %swap3A_583 = arith.index_cast %swap3A_582 : i32 to index
    %swap3A_584 = arith.constant 16 : index
    %swap3A_585 = tpu.vector_load %arg9[%swap3A_583, %swap3A_584] {strides = array<i32>} : memref<16x128xf32, #tpu.memory_space<vmem>>, vector<1x16xf32>,
    %swap3A_586 = vector.shape_cast %swap3A_585 : vector<1x16xf32> to vector<16xf32>
    %swap3A_587 = vector.shape_cast %broadcast_in_dim3A_0 : vector<16xf32> to vector<1x16xf32>
    tpu.vector_store %arg9[%swap3A_583, %swap3A_584], %swap3A_587 {strides = array<i32>} : memref<16x128xf32, #tpu.memory_space<vmem>>, vector<1x16xf32>,
    %swap3A_588 = arith.constant 12 : i32
    %swap3A_589 = arith.index_cast %swap3A_588 : i32 to index
    %swap3A_590 = arith.constant 32 : index
    %swap3A_591 = tpu.vector_load %arg9[%swap3A_589, %swap3A_590] {strides = array<i32>} : memref<16x128xf32, #tpu.memory_space<vmem>>, vector<1x16xf32>,
    %swap3A_592 = vector.shape_cast %swap3A_591 : vector<1x16xf32> to vector<16xf32>
    %swap3A_593 = vector.shape_cast %broadcast_in_dim3A_0 : vector<16xf32> to vector<1x16xf32>
    tpu.vector_store %arg9[%swap3A_589, %swap3A_590], %swap3A_593 {strides = array<i32>} : memref<16x128xf32, #tpu.memory_space<vmem>>, vector<1x16xf32>,
    %swap3A_594 = arith.constant 12 : i32
    %swap3A_595 = arith.index_cast %swap3A_594 : i32 to index
    %swap3A_596 = arith.constant 48 : index
    %swap3A_597 = tpu.vector_load %arg9[%swap3A_595, %swap3A_596] {strides = array<i32>} : memref<16x128xf32, #tpu.memory_space<vmem>>, vector<1x16xf32>,
    %swap3A_598 = vector.shape_cast %swap3A_597 : vector<1x16xf32> to vector<16xf32>
    %swap3A_599 = vector.shape_cast %broadcast_in_dim3A_0 : vector<16xf32> to vector<1x16xf32>
    tpu.vector_store %arg9[%swap3A_595, %swap3A_596], %swap3A_599 {strides = array<i32>} : memref<16x128xf32, #tpu.memory_space<vmem>>, vector<1x16xf32>,
    %swap3A_600 = arith.constant 12 : i32
    %swap3A_601 = arith.index_cast %swap3A_600 : i32 to index
    %swap3A_602 = arith.constant 64 : index
    %swap3A_603 = tpu.vector_load %arg9[%swap3A_601, %swap3A_602] {strides = array<i32>} : memref<16x128xf32, #tpu.memory_space<vmem>>, vector<1x16xf32>,
    %swap3A_604 = vector.shape_cast %swap3A_603 : vector<1x16xf32> to vector<16xf32>
    %swap3A_605 = vector.shape_cast %broadcast_in_dim3A_0 : vector<16xf32> to vector<1x16xf32>
    tpu.vector_store %arg9[%swap3A_601, %swap3A_602], %swap3A_605 {strides = array<i32>} : memref<16x128xf32, #tpu.memory_space<vmem>>, vector<1x16xf32>,
    %swap3A_606 = arith.constant 12 : i32
    %swap3A_607 = arith.index_cast %swap3A_606 : i32 to index
    %swap3A_608 = arith.constant 80 : index
    %swap3A_609 = tpu.vector_load %arg9[%swap3A_607, %swap3A_608] {strides = array<i32>} : memref<16x128xf32, #tpu.memory_space<vmem>>, vector<1x16xf32>,
    %swap3A_610 = vector.shape_cast %swap3A_609 : vector<1x16xf32> to vector<16xf32>
    %swap3A_611 = vector.shape_cast %broadcast_in_dim3A_0 : vector<16xf32> to vector<1x16xf32>
    tpu.vector_store %arg9[%swap3A_607, %swap3A_608], %swap3A_611 {strides = array<i32>} : memref<16x128xf32, #tpu.memory_space<vmem>>, vector<1x16xf32>,
    %swap3A_612 = arith.constant 12 : i32
    %swap3A_613 = arith.index_cast %swap3A_612 : i32 to index
    %swap3A_614 = arith.constant 96 : index
    %swap3A_615 = tpu.vector_load %arg9[%swap3A_613, %swap3A_614] {strides = array<i32>} : memref<16x128xf32, #tpu.memory_space<vmem>>, vector<1x16xf32>,
    %swap3A_616 = vector.shape_cast %swap3A_615 : vector<1x16xf32> to vector<16xf32>
    %swap3A_617 = vector.shape_cast %broadcast_in_dim3A_0 : vector<16xf32> to vector<1x16xf32>
    tpu.vector_store %arg9[%swap3A_613, %swap3A_614], %swap3A_617 {strides = array<i32>} : memref<16x128xf32, #tpu.memory_space<vmem>>, vector<1x16xf32>,
    %swap3A_618 = arith.constant 12 : i32
    %swap3A_619 = arith.index_cast %swap3A_618 : i32 to index
    %swap3A_620 = arith.constant 112 : index
    %swap3A_621 = tpu.vector_load %arg9[%swap3A_619, %swap3A_620] {strides = array<i32>} : memref<16x128xf32, #tpu.memory_space<vmem>>, vector<1x16xf32>,
    %swap3A_622 = vector.shape_cast %swap3A_621 : vector<1x16xf32> to vector<16xf32>
    %swap3A_623 = vector.shape_cast %broadcast_in_dim3A_0 : vector<16xf32> to vector<1x16xf32>
    tpu.vector_store %arg9[%swap3A_619, %swap3A_620], %swap3A_623 {strides = array<i32>} : memref<16x128xf32, #tpu.memory_space<vmem>>, vector<1x16xf32>,
    %swap3A_624 = arith.constant 13 : i32
    %swap3A_625 = arith.index_cast %swap3A_624 : i32 to index
    %swap3A_626 = arith.constant 0 : index
    %swap3A_627 = tpu.vector_load %arg9[%swap3A_625, %swap3A_626] {strides = array<i32>} : memref<16x128xf32, #tpu.memory_space<vmem>>, vector<1x16xf32>,
    %swap3A_628 = vector.shape_cast %swap3A_627 : vector<1x16xf32> to vector<16xf32>
    %swap3A_629 = vector.shape_cast %broadcast_in_dim3A_0 : vector<16xf32> to vector<1x16xf32>
    tpu.vector_store %arg9[%swap3A_625, %swap3A_626], %swap3A_629 {strides = array<i32>} : memref<16x128xf32, #tpu.memory_space<vmem>>, vector<1x16xf32>,
    %swap3A_630 = arith.constant 13 : i32
    %swap3A_631 = arith.index_cast %swap3A_630 : i32 to index
    %swap3A_632 = arith.constant 16 : index
    %swap3A_633 = tpu.vector_load %arg9[%swap3A_631, %swap3A_632] {strides = array<i32>} : memref<16x128xf32, #tpu.memory_space<vmem>>, vector<1x16xf32>,
    %swap3A_634 = vector.shape_cast %swap3A_633 : vector<1x16xf32> to vector<16xf32>
    %swap3A_635 = vector.shape_cast %broadcast_in_dim3A_0 : vector<16xf32> to vector<1x16xf32>
    tpu.vector_store %arg9[%swap3A_631, %swap3A_632], %swap3A_635 {strides = array<i32>} : memref<16x128xf32, #tpu.memory_space<vmem>>, vector<1x16xf32>,
    %swap3A_636 = arith.constant 13 : i32
    %swap3A_637 = arith.index_cast %swap3A_636 : i32 to index
    %swap3A_638 = arith.constant 32 : index
    %swap3A_639 = tpu.vector_load %arg9[%swap3A_637, %swap3A_638] {strides = array<i32>} : memref<16x128xf32, #tpu.memory_space<vmem>>, vector<1x16xf32>,
    %swap3A_640 = vector.shape_cast %swap3A_639 : vector<1x16xf32> to vector<16xf32>
    %swap3A_641 = vector.shape_cast %broadcast_in_dim3A_0 : vector<16xf32> to vector<1x16xf32>
    tpu.vector_store %arg9[%swap3A_637, %swap3A_638], %swap3A_641 {strides = array<i32>} : memref<16x128xf32, #tpu.memory_space<vmem>>, vector<1x16xf32>,
    %swap3A_642 = arith.constant 13 : i32
    %swap3A_643 = arith.index_cast %swap3A_642 : i32 to index
    %swap3A_644 = arith.constant 48 : index
    %swap3A_645 = tpu.vector_load %arg9[%swap3A_643, %swap3A_644] {strides = array<i32>} : memref<16x128xf32, #tpu.memory_space<vmem>>, vector<1x16xf32>,
    %swap3A_646 = vector.shape_cast %swap3A_645 : vector<1x16xf32> to vector<16xf32>
    %swap3A_647 = vector.shape_cast %broadcast_in_dim3A_0 : vector<16xf32> to vector<1x16xf32>
    tpu.vector_store %arg9[%swap3A_643, %swap3A_644], %swap3A_647 {strides = array<i32>} : memref<16x128xf32, #tpu.memory_space<vmem>>, vector<1x16xf32>,
    %swap3A_648 = arith.constant 13 : i32
    %swap3A_649 = arith.index_cast %swap3A_648 : i32 to index
    %swap3A_650 = arith.constant 64 : index
    %swap3A_651 = tpu.vector_load %arg9[%swap3A_649, %swap3A_650] {strides = array<i32>} : memref<16x128xf32, #tpu.memory_space<vmem>>, vector<1x16xf32>,
    %swap3A_652 = vector.shape_cast %swap3A_651 : vector<1x16xf32> to vector<16xf32>
    %swap3A_653 = vector.shape_cast %broadcast_in_dim3A_0 : vector<16xf32> to vector<1x16xf32>
    tpu.vector_store %arg9[%swap3A_649, %swap3A_650], %swap3A_653 {strides = array<i32>} : memref<16x128xf32, #tpu.memory_space<vmem>>, vector<1x16xf32>,
    %swap3A_654 = arith.constant 13 : i32
    %swap3A_655 = arith.index_cast %swap3A_654 : i32 to index
    %swap3A_656 = arith.constant 80 : index
    %swap3A_657 = tpu.vector_load %arg9[%swap3A_655, %swap3A_656] {strides = array<i32>} : memref<16x128xf32, #tpu.memory_space<vmem>>, vector<1x16xf32>,
    %swap3A_658 = vector.shape_cast %swap3A_657 : vector<1x16xf32> to vector<16xf32>
    %swap3A_659 = vector.shape_cast %broadcast_in_dim3A_0 : vector<16xf32> to vector<1x16xf32>
    tpu.vector_store %arg9[%swap3A_655, %swap3A_656], %swap3A_659 {strides = array<i32>} : memref<16x128xf32, #tpu.memory_space<vmem>>, vector<1x16xf32>,
    %swap3A_660 = arith.constant 13 : i32
    %swap3A_661 = arith.index_cast %swap3A_660 : i32 to index
    %swap3A_662 = arith.constant 96 : index
    %swap3A_663 = tpu.vector_load %arg9[%swap3A_661, %swap3A_662] {strides = array<i32>} : memref<16x128xf32, #tpu.memory_space<vmem>>, vector<1x16xf32>,
    %swap3A_664 = vector.shape_cast %swap3A_663 : vector<1x16xf32> to vector<16xf32>
    %swap3A_665 = vector.shape_cast %broadcast_in_dim3A_0 : vector<16xf32> to vector<1x16xf32>
    tpu.vector_store %arg9[%swap3A_661, %swap3A_662], %swap3A_665 {strides = array<i32>} : memref<16x128xf32, #tpu.memory_space<vmem>>, vector<1x16xf32>,
    %swap3A_666 = arith.constant 13 : i32
    %swap3A_667 = arith.index_cast %swap3A_666 : i32 to index
    %swap3A_668 = arith.constant 112 : index
    %swap3A_669 = tpu.vector_load %arg9[%swap3A_667, %swap3A_668] {strides = array<i32>} : memref<16x128xf32, #tpu.memory_space<vmem>>, vector<1x16xf32>,
    %swap3A_670 = vector.shape_cast %swap3A_669 : vector<1x16xf32> to vector<16xf32>
    %swap3A_671 = vector.shape_cast %broadcast_in_dim3A_0 : vector<16xf32> to vector<1x16xf32>
    tpu.vector_store %arg9[%swap3A_667, %swap3A_668], %swap3A_671 {strides = array<i32>} : memref<16x128xf32, #tpu.memory_space<vmem>>, vector<1x16xf32>,
    %swap3A_672 = arith.constant 14 : i32
    %swap3A_673 = arith.index_cast %swap3A_672 : i32 to index
    %swap3A_674 = arith.constant 0 : index
    %swap3A_675 = tpu.vector_load %arg9[%swap3A_673, %swap3A_674] {strides = array<i32>} : memref<16x128xf32, #tpu.memory_space<vmem>>, vector<1x16xf32>,
    %swap3A_676 = vector.shape_cast %swap3A_675 : vector<1x16xf32> to vector<16xf32>
    %swap3A_677 = vector.shape_cast %broadcast_in_dim3A_0 : vector<16xf32> to vector<1x16xf32>
    tpu.vector_store %arg9[%swap3A_673, %swap3A_674], %swap3A_677 {strides = array<i32>} : memref<16x128xf32, #tpu.memory_space<vmem>>, vector<1x16xf32>,
    %swap3A_678 = arith.constant 14 : i32
    %swap3A_679 = arith.index_cast %swap3A_678 : i32 to index
    %swap3A_680 = arith.constant 16 : index
    %swap3A_681 = tpu.vector_load %arg9[%swap3A_679, %swap3A_680] {strides = array<i32>} : memref<16x128xf32, #tpu.memory_space<vmem>>, vector<1x16xf32>,
    %swap3A_682 = vector.shape_cast %swap3A_681 : vector<1x16xf32> to vector<16xf32>
    %swap3A_683 = vector.shape_cast %broadcast_in_dim3A_0 : vector<16xf32> to vector<1x16xf32>
    tpu.vector_store %arg9[%swap3A_679, %swap3A_680], %swap3A_683 {strides = array<i32>} : memref<16x128xf32, #tpu.memory_space<vmem>>, vector<1x16xf32>,
    %swap3A_684 = arith.constant 14 : i32
    %swap3A_685 = arith.index_cast %swap3A_684 : i32 to index
    %swap3A_686 = arith.constant 32 : index
    %swap3A_687 = tpu.vector_load %arg9[%swap3A_685, %swap3A_686] {strides = array<i32>} : memref<16x128xf32, #tpu.memory_space<vmem>>, vector<1x16xf32>,
    %swap3A_688 = vector.shape_cast %swap3A_687 : vector<1x16xf32> to vector<16xf32>
    %swap3A_689 = vector.shape_cast %broadcast_in_dim3A_0 : vector<16xf32> to vector<1x16xf32>
    tpu.vector_store %arg9[%swap3A_685, %swap3A_686], %swap3A_689 {strides = array<i32>} : memref<16x128xf32, #tpu.memory_space<vmem>>, vector<1x16xf32>,
    %swap3A_690 = arith.constant 14 : i32
    %swap3A_691 = arith.index_cast %swap3A_690 : i32 to index
    %swap3A_692 = arith.constant 48 : index
    %swap3A_693 = tpu.vector_load %arg9[%swap3A_691, %swap3A_692] {strides = array<i32>} : memref<16x128xf32, #tpu.memory_space<vmem>>, vector<1x16xf32>,
    %swap3A_694 = vector.shape_cast %swap3A_693 : vector<1x16xf32> to vector<16xf32>
    %swap3A_695 = vector.shape_cast %broadcast_in_dim3A_0 : vector<16xf32> to vector<1x16xf32>
    tpu.vector_store %arg9[%swap3A_691, %swap3A_692], %swap3A_695 {strides = array<i32>} : memref<16x128xf32, #tpu.memory_space<vmem>>, vector<1x16xf32>,
    %swap3A_696 = arith.constant 14 : i32
    %swap3A_697 = arith.index_cast %swap3A_696 : i32 to index
    %swap3A_698 = arith.constant 64 : index
    %swap3A_699 = tpu.vector_load %arg9[%swap3A_697, %swap3A_698] {strides = array<i32>} : memref<16x128xf32, #tpu.memory_space<vmem>>, vector<1x16xf32>,
    %swap3A_700 = vector.shape_cast %swap3A_699 : vector<1x16xf32> to vector<16xf32>
    %swap3A_701 = vector.shape_cast %broadcast_in_dim3A_0 : vector<16xf32> to vector<1x16xf32>
    tpu.vector_store %arg9[%swap3A_697, %swap3A_698], %swap3A_701 {strides = array<i32>} : memref<16x128xf32, #tpu.memory_space<vmem>>, vector<1x16xf32>,
    %swap3A_702 = arith.constant 14 : i32
    %swap3A_703 = arith.index_cast %swap3A_702 : i32 to index
    %swap3A_704 = arith.constant 80 : index
    %swap3A_705 = tpu.vector_load %arg9[%swap3A_703, %swap3A_704] {strides = array<i32>} : memref<16x128xf32, #tpu.memory_space<vmem>>, vector<1x16xf32>,
    %swap3A_706 = vector.shape_cast %swap3A_705 : vector<1x16xf32> to vector<16xf32>
    %swap3A_707 = vector.shape_cast %broadcast_in_dim3A_0 : vector<16xf32> to vector<1x16xf32>
    tpu.vector_store %arg9[%swap3A_703, %swap3A_704], %swap3A_707 {strides = array<i32>} : memref<16x128xf32, #tpu.memory_space<vmem>>, vector<1x16xf32>,
    %swap3A_708 = arith.constant 14 : i32
    %swap3A_709 = arith.index_cast %swap3A_708 : i32 to index
    %swap3A_710 = arith.constant 96 : index
    %swap3A_711 = tpu.vector_load %arg9[%swap3A_709, %swap3A_710] {strides = array<i32>} : memref<16x128xf32, #tpu.memory_space<vmem>>, vector<1x16xf32>,
    %swap3A_712 = vector.shape_cast %swap3A_711 : vector<1x16xf32> to vector<16xf32>
    %swap3A_713 = vector.shape_cast %broadcast_in_dim3A_0 : vector<16xf32> to vector<1x16xf32>
    tpu.vector_store %arg9[%swap3A_709, %swap3A_710], %swap3A_713 {strides = array<i32>} : memref<16x128xf32, #tpu.memory_space<vmem>>, vector<1x16xf32>,
    %swap3A_714 = arith.constant 14 : i32
    %swap3A_715 = arith.index_cast %swap3A_714 : i32 to index
    %swap3A_716 = arith.constant 112 : index
    %swap3A_717 = tpu.vector_load %arg9[%swap3A_715, %swap3A_716] {strides = array<i32>} : memref<16x128xf32, #tpu.memory_space<vmem>>, vector<1x16xf32>,
    %swap3A_718 = vector.shape_cast %swap3A_717 : vector<1x16xf32> to vector<16xf32>
    %swap3A_719 = vector.shape_cast %broadcast_in_dim3A_0 : vector<16xf32> to vector<1x16xf32>
    tpu.vector_store %arg9[%swap3A_715, %swap3A_716], %swap3A_719 {strides = array<i32>} : memref<16x128xf32, #tpu.memory_space<vmem>>, vector<1x16xf32>,
    %swap3A_720 = arith.constant 15 : i32
    %swap3A_721 = arith.index_cast %swap3A_720 : i32 to index
    %swap3A_722 = arith.constant 0 : index
    %swap3A_723 = tpu.vector_load %arg9[%swap3A_721, %swap3A_722] {strides = array<i32>} : memref<16x128xf32, #tpu.memory_space<vmem>>, vector<1x16xf32>,
    %swap3A_724 = vector.shape_cast %swap3A_723 : vector<1x16xf32> to vector<16xf32>
    %swap3A_725 = vector.shape_cast %broadcast_in_dim3A_0 : vector<16xf32> to vector<1x16xf32>
    tpu.vector_store %arg9[%swap3A_721, %swap3A_722], %swap3A_725 {strides = array<i32>} : memref<16x128xf32, #tpu.memory_space<vmem>>, vector<1x16xf32>,
    %swap3A_726 = arith.constant 15 : i32
    %swap3A_727 = arith.index_cast %swap3A_726 : i32 to index
    %swap3A_728 = arith.constant 16 : index
    %swap3A_729 = tpu.vector_load %arg9[%swap3A_727, %swap3A_728] {strides = array<i32>} : memref<16x128xf32, #tpu.memory_space<vmem>>, vector<1x16xf32>,
    %swap3A_730 = vector.shape_cast %swap3A_729 : vector<1x16xf32> to vector<16xf32>
    %swap3A_731 = vector.shape_cast %broadcast_in_dim3A_0 : vector<16xf32> to vector<1x16xf32>
    tpu.vector_store %arg9[%swap3A_727, %swap3A_728], %swap3A_731 {strides = array<i32>} : memref<16x128xf32, #tpu.memory_space<vmem>>, vector<1x16xf32>,
    %swap3A_732 = arith.constant 15 : i32
    %swap3A_733 = arith.index_cast %swap3A_732 : i32 to index
    %swap3A_734 = arith.constant 32 : index
    %swap3A_735 = tpu.vector_load %arg9[%swap3A_733, %swap3A_734] {strides = array<i32>} : memref<16x128xf32, #tpu.memory_space<vmem>>, vector<1x16xf32>,
    %swap3A_736 = vector.shape_cast %swap3A_735 : vector<1x16xf32> to vector<16xf32>
    %swap3A_737 = vector.shape_cast %broadcast_in_dim3A_0 : vector<16xf32> to vector<1x16xf32>
    tpu.vector_store %arg9[%swap3A_733, %swap3A_734], %swap3A_737 {strides = array<i32>} : memref<16x128xf32, #tpu.memory_space<vmem>>, vector<1x16xf32>,
    %swap3A_738 = arith.constant 15 : i32
    %swap3A_739 = arith.index_cast %swap3A_738 : i32 to index
    %swap3A_740 = arith.constant 48 : index
    %swap3A_741 = tpu.vector_load %arg9[%swap3A_739, %swap3A_740] {strides = array<i32>} : memref<16x128xf32, #tpu.memory_space<vmem>>, vector<1x16xf32>,
    %swap3A_742 = vector.shape_cast %swap3A_741 : vector<1x16xf32> to vector<16xf32>
    %swap3A_743 = vector.shape_cast %broadcast_in_dim3A_0 : vector<16xf32> to vector<1x16xf32>
    tpu.vector_store %arg9[%swap3A_739, %swap3A_740], %swap3A_743 {strides = array<i32>} : memref<16x128xf32, #tpu.memory_space<vmem>>, vector<1x16xf32>,
    %swap3A_744 = arith.constant 15 : i32
    %swap3A_745 = arith.index_cast %swap3A_744 : i32 to index
    %swap3A_746 = arith.constant 64 : index
    %swap3A_747 = tpu.vector_load %arg9[%swap3A_745, %swap3A_746] {strides = array<i32>} : memref<16x128xf32, #tpu.memory_space<vmem>>, vector<1x16xf32>,
    %swap3A_748 = vector.shape_cast %swap3A_747 : vector<1x16xf32> to vector<16xf32>
    %swap3A_749 = vector.shape_cast %broadcast_in_dim3A_0 : vector<16xf32> to vector<1x16xf32>
    tpu.vector_store %arg9[%swap3A_745, %swap3A_746], %swap3A_749 {strides = array<i32>} : memref<16x128xf32, #tpu.memory_space<vmem>>, vector<1x16xf32>,
    %swap3A_750 = arith.constant 15 : i32
    %swap3A_751 = arith.index_cast %swap3A_750 : i32 to index
    %swap3A_752 = arith.constant 80 : index
    %swap3A_753 = tpu.vector_load %arg9[%swap3A_751, %swap3A_752] {strides = array<i32>} : memref<16x128xf32, #tpu.memory_space<vmem>>, vector<1x16xf32>,
    %swap3A_754 = vector.shape_cast %swap3A_753 : vector<1x16xf32> to vector<16xf32>
    %swap3A_755 = vector.shape_cast %broadcast_in_dim3A_0 : vector<16xf32> to vector<1x16xf32>
    tpu.vector_store %arg9[%swap3A_751, %swap3A_752], %swap3A_755 {strides = array<i32>} : memref<16x128xf32, #tpu.memory_space<vmem>>, vector<1x16xf32>,
    %swap3A_756 = arith.constant 15 : i32
    %swap3A_757 = arith.index_cast %swap3A_756 : i32 to index
    %swap3A_758 = arith.constant 96 : index
    %swap3A_759 = tpu.vector_load %arg9[%swap3A_757, %swap3A_758] {strides = array<i32>} : memref<16x128xf32, #tpu.memory_space<vmem>>, vector<1x16xf32>,
    %swap3A_760 = vector.shape_cast %swap3A_759 : vector<1x16xf32> to vector<16xf32>
    %swap3A_761 = vector.shape_cast %broadcast_in_dim3A_0 : vector<16xf32> to vector<1x16xf32>
    tpu.vector_store %arg9[%swap3A_757, %swap3A_758], %swap3A_761 {strides = array<i32>} : memref<16x128xf32, #tpu.memory_space<vmem>>, vector<1x16xf32>,
    %swap3A_762 = arith.constant 15 : i32
    %swap3A_763 = arith.index_cast %swap3A_762 : i32 to index
    %swap3A_764 = arith.constant 112 : index
    %swap3A_765 = tpu.vector_load %arg9[%swap3A_763, %swap3A_764] {strides = array<i32>} : memref<16x128xf32, #tpu.memory_space<vmem>>, vector<1x16xf32>,
    %swap3A_766 = vector.shape_cast %swap3A_765 : vector<1x16xf32> to vector<16xf32>
    %swap3A_767 = vector.shape_cast %broadcast_in_dim3A_0 : vector<16xf32> to vector<1x16xf32>
    tpu.vector_store %arg9[%swap3A_763, %swap3A_764], %swap3A_767 {strides = array<i32>} : memref<16x128xf32, #tpu.memory_space<vmem>>, vector<1x16xf32>,
    %scan3A = arith.constant 0 : i32
    %scan3A_768 = arith.constant 0 : i32
    %scan3A_769 = arith.constant 40 : i32
    %scan3A_770 = arith.addi %scan3A_768, %scan3A_769 : i32
    %scan3A_771 = arith.constant 1 : i32
    scf.for %scan3A_789 = %scan3A_768 to %scan3A_770 step %scan3A_771  : i32 {
      %mul3A_790 = arith.constant 640 : i32
      %mul3A_791 = arith.muli %arg1, %mul3A_790 : i32
      %mul3A_792 = arith.constant 16 : i32
      %mul3A_793 = arith.muli %scan3A_789, %mul3A_792 : i32
      %add3A = arith.addi %mul3A_791, %mul3A_793 : i32
      "tpu.region"() ({
        %run_scoped3A = tpu.sem_alloc : memref<!tpu.dma_semaphore, #tpu.memory_space<semaphore_mem>>
        %dma_start3A = arith.constant 0 : i32
        %dma_start3A_794 = tpu.memref_slice %arg10[%add3A, %dma_start3A] : memref<10240x128xf32, #tpu.memory_space<vmem_shared>> -> memref<16x128xf32, #tpu.memory_space<vmem_shared>>
        %dma_start3A_795 = arith.constant 0 : i32
        %dma_start3A_796 = tpu.memref_slice %arg10[%add3A, %dma_start3A_795] : memref<10240x128xf32, #tpu.memory_space<vmem_shared>> -> memref<16x128xf32, #tpu.memory_space<vmem_shared>>
        tpu.enqueue_dma source(%arg9 : memref<16x128xf32, #tpu.memory_space<vmem>>) target(%dma_start3A_796 : memref<16x128xf32, #tpu.memory_space<vmem_shared>>) target_semaphore(%run_scoped3A : memref<!tpu.dma_semaphore, #tpu.memory_space<semaphore_mem>>)
        %dma_wait3A = arith.constant 0 : i32
        %dma_wait3A_797 = tpu.memref_slice %arg10[%add3A, %dma_wait3A] : memref<10240x128xf32, #tpu.memory_space<vmem_shared>> -> memref<16x128xf32, #tpu.memory_space<vmem_shared>>
        %dma_wait3A_798 = arith.constant 0 : i32
        %dma_wait3A_799 = tpu.memref_slice %arg10[%add3A, %dma_wait3A_798] : memref<10240x128xf32, #tpu.memory_space<vmem_shared>> -> memref<16x128xf32, #tpu.memory_space<vmem_shared>>
        tpu.wait_dma2 semaphore(%run_scoped3A : memref<!tpu.dma_semaphore, #tpu.memory_space<semaphore_mem>>) src(%arg9 : memref<16x128xf32, #tpu.memory_space<vmem>>) dst(%dma_wait3A_799 : memref<16x128xf32, #tpu.memory_space<vmem_shared>>)
        tpu.yield
      }) : () -> ()
    }
    %scan3A_772 = arith.constant 40 : i32
    "tpu.region"() ({
      %run_scoped3A = tpu.sem_alloc : memref<!tpu.dma_semaphore, #tpu.memory_space<semaphore_mem>>
      %dma_start3A = arith.constant 0 : i32
      %dma_start3A_789 = arith.constant 0 : i32
      %dma_start3A_790 = tpu.memref_slice %arg3[%arg1, %dma_start3A, %dma_start3A_789] : memref<16x79x128xi32, #tpu.memory_space<hbm>> -> memref<1x79x128xi32, #tpu.memory_space<hbm>>
      %dma_start3A_791 = tpu.memref_squeeze %dma_start3A_790 : memref<1x79x128xi32, #tpu.memory_space<hbm>> -> memref<79x128xi32, #tpu.memory_space<hbm>>
      %dma_start3A_792 = arith.constant 0 : i32
      %dma_start3A_793 = arith.constant 0 : i32
      %dma_start3A_794 = tpu.memref_slice %arg3[%arg1, %dma_start3A_792, %dma_start3A_793] : memref<16x79x128xi32, #tpu.memory_space<hbm>> -> memref<1x79x128xi32, #tpu.memory_space<hbm>>
      %dma_start3A_795 = tpu.memref_squeeze %dma_start3A_794 : memref<1x79x128xi32, #tpu.memory_space<hbm>> -> memref<79x128xi32, #tpu.memory_space<hbm>>
      tpu.enqueue_dma source(%dma_start3A_795 : memref<79x128xi32, #tpu.memory_space<hbm>>) target(%arg6 : memref<79x128xi32, #tpu.memory_space<vmem>>) target_semaphore(%run_scoped3A : memref<!tpu.dma_semaphore, #tpu.memory_space<semaphore_mem>>)
      %dma_wait3A = arith.constant 0 : i32
      %dma_wait3A_796 = arith.constant 0 : i32
      %dma_wait3A_797 = tpu.memref_slice %arg3[%arg1, %dma_wait3A, %dma_wait3A_796] : memref<16x79x128xi32, #tpu.memory_space<hbm>> -> memref<1x79x128xi32, #tpu.memory_space<hbm>>
      %dma_wait3A_798 = tpu.memref_squeeze %dma_wait3A_797 : memref<1x79x128xi32, #tpu.memory_space<hbm>> -> memref<79x128xi32, #tpu.memory_space<hbm>>
      %dma_wait3A_799 = arith.constant 0 : i32
      %dma_wait3A_800 = arith.constant 0 : i32
      %dma_wait3A_801 = tpu.memref_slice %arg3[%arg1, %dma_wait3A_799, %dma_wait3A_800] : memref<16x79x128xi32, #tpu.memory_space<hbm>> -> memref<1x79x128xi32, #tpu.memory_space<hbm>>
      %dma_wait3A_802 = tpu.memref_squeeze %dma_wait3A_801 : memref<1x79x128xi32, #tpu.memory_space<hbm>> -> memref<79x128xi32, #tpu.memory_space<hbm>>
      tpu.wait_dma2 semaphore(%run_scoped3A : memref<!tpu.dma_semaphore, #tpu.memory_space<semaphore_mem>>) src(%dma_wait3A_802 : memref<79x128xi32, #tpu.memory_space<hbm>>) dst(%arg6 : memref<79x128xi32, #tpu.memory_space<vmem>>)
      tpu.yield
    }) : () -> ()
    "tpu.region"() ({
      %run_scoped3A = tpu.sem_alloc : memref<!tpu.dma_semaphore, #tpu.memory_space<semaphore_mem>>
      %dma_start3A = arith.constant 0 : i32
      %dma_start3A_789 = arith.constant 0 : i32
      %dma_start3A_790 = tpu.memref_slice %arg4[%arg1, %dma_start3A, %dma_start3A_789] : memref<16x79x128xi32, #tpu.memory_space<hbm>> -> memref<1x79x128xi32, #tpu.memory_space<hbm>>
      %dma_start3A_791 = tpu.memref_squeeze %dma_start3A_790 : memref<1x79x128xi32, #tpu.memory_space<hbm>> -> memref<79x128xi32, #tpu.memory_space<hbm>>
      %dma_start3A_792 = arith.constant 0 : i32
      %dma_start3A_793 = arith.constant 0 : i32
      %dma_start3A_794 = tpu.memref_slice %arg4[%arg1, %dma_start3A_792, %dma_start3A_793] : memref<16x79x128xi32, #tpu.memory_space<hbm>> -> memref<1x79x128xi32, #tpu.memory_space<hbm>>
      %dma_start3A_795 = tpu.memref_squeeze %dma_start3A_794 : memref<1x79x128xi32, #tpu.memory_space<hbm>> -> memref<79x128xi32, #tpu.memory_space<hbm>>
      tpu.enqueue_dma source(%dma_start3A_795 : memref<79x128xi32, #tpu.memory_space<hbm>>) target(%arg7 : memref<79x128xi32, #tpu.memory_space<vmem>>) target_semaphore(%run_scoped3A : memref<!tpu.dma_semaphore, #tpu.memory_space<semaphore_mem>>)
      %dma_wait3A = arith.constant 0 : i32
      %dma_wait3A_796 = arith.constant 0 : i32
      %dma_wait3A_797 = tpu.memref_slice %arg4[%arg1, %dma_wait3A, %dma_wait3A_796] : memref<16x79x128xi32, #tpu.memory_space<hbm>> -> memref<1x79x128xi32, #tpu.memory_space<hbm>>
      %dma_wait3A_798 = tpu.memref_squeeze %dma_wait3A_797 : memref<1x79x128xi32, #tpu.memory_space<hbm>> -> memref<79x128xi32, #tpu.memory_space<hbm>>
      %dma_wait3A_799 = arith.constant 0 : i32
      %dma_wait3A_800 = arith.constant 0 : i32
      %dma_wait3A_801 = tpu.memref_slice %arg4[%arg1, %dma_wait3A_799, %dma_wait3A_800] : memref<16x79x128xi32, #tpu.memory_space<hbm>> -> memref<1x79x128xi32, #tpu.memory_space<hbm>>
      %dma_wait3A_802 = tpu.memref_squeeze %dma_wait3A_801 : memref<1x79x128xi32, #tpu.memory_space<hbm>> -> memref<79x128xi32, #tpu.memory_space<hbm>>
      tpu.wait_dma2 semaphore(%run_scoped3A : memref<!tpu.dma_semaphore, #tpu.memory_space<semaphore_mem>>) src(%dma_wait3A_802 : memref<79x128xi32, #tpu.memory_space<hbm>>) dst(%arg7 : memref<79x128xi32, #tpu.memory_space<vmem>>)
      tpu.yield
    }) : () -> ()
    %scan3A_773 = arith.constant 0 : i32
    %scan3A_774 = arith.constant 0 : i32
    %scan3A_775 = arith.constant 79 : i32
    %scan3A_776 = arith.addi %scan3A_774, %scan3A_775 : i32
    %scan3A_777 = arith.constant 1 : i32
    scf.for %scan3A_789 = %scan3A_774 to %scan3A_776 step %scan3A_777  : i32 {
      %get3A = arith.index_cast %scan3A_789 : i32 to index
      %get3A_790 = arith.constant 0 : index
      %get3A_791 = tpu.vector_load %arg6[%get3A, %get3A_790] {strides = array<i32>} : memref<79x128xi32, #tpu.memory_space<vmem>>, vector<1x16xi32>,
      %get3A_792 = vector.shape_cast %get3A_791 : vector<1x16xi32> to vector<16xi32>
      %mul3A_793 = arith.constant 2 : i32
      %mul3A_794 = vector.broadcast %mul3A_793 : i32 to vector<16xi32>
      %mul3A_795 = arith.muli %get3A_792, %mul3A_794 : vector<16xi32>
      %add3A = vector.broadcast %arg0 : i32 to vector<16xi32>
      %add3A_796 = arith.addi %mul3A_795, %add3A : vector<16xi32>
      %swap3A_797 = arith.index_cast %scan3A_789 : i32 to index
      %swap3A_798 = arith.constant 0 : index
      %swap3A_799 = tpu.vector_load %arg6[%swap3A_797, %swap3A_798] {strides = array<i32>} : memref<79x128xi32, #tpu.memory_space<vmem>>, vector<1x16xi32>,
      %swap3A_800 = vector.shape_cast %swap3A_799 : vector<1x16xi32> to vector<16xi32>
      %swap3A_801 = vector.shape_cast %add3A_796 : vector<16xi32> to vector<1x16xi32>
      tpu.vector_store %arg6[%swap3A_797, %swap3A_798], %swap3A_801 {strides = array<i32>} : memref<79x128xi32, #tpu.memory_space<vmem>>, vector<1x16xi32>,
      %get3A_802 = arith.index_cast %scan3A_789 : i32 to index
      %get3A_803 = arith.constant 16 : index
      %get3A_804 = tpu.vector_load %arg6[%get3A_802, %get3A_803] {strides = array<i32>} : memref<79x128xi32, #tpu.memory_space<vmem>>, vector<1x16xi32>,
      %get3A_805 = vector.shape_cast %get3A_804 : vector<1x16xi32> to vector<16xi32>
      %mul3A_806 = arith.constant 2 : i32
      %mul3A_807 = vector.broadcast %mul3A_806 : i32 to vector<16xi32>
      %mul3A_808 = arith.muli %get3A_805, %mul3A_807 : vector<16xi32>
      %add3A_809 = vector.broadcast %arg0 : i32 to vector<16xi32>
      %add3A_810 = arith.addi %mul3A_808, %add3A_809 : vector<16xi32>
      %swap3A_811 = arith.index_cast %scan3A_789 : i32 to index
      %swap3A_812 = arith.constant 16 : index
      %swap3A_813 = tpu.vector_load %arg6[%swap3A_811, %swap3A_812] {strides = array<i32>} : memref<79x128xi32, #tpu.memory_space<vmem>>, vector<1x16xi32>,
      %swap3A_814 = vector.shape_cast %swap3A_813 : vector<1x16xi32> to vector<16xi32>
      %swap3A_815 = vector.shape_cast %add3A_810 : vector<16xi32> to vector<1x16xi32>
      tpu.vector_store %arg6[%swap3A_811, %swap3A_812], %swap3A_815 {strides = array<i32>} : memref<79x128xi32, #tpu.memory_space<vmem>>, vector<1x16xi32>,
      %get3A_816 = arith.index_cast %scan3A_789 : i32 to index
      %get3A_817 = arith.constant 32 : index
      %get3A_818 = tpu.vector_load %arg6[%get3A_816, %get3A_817] {strides = array<i32>} : memref<79x128xi32, #tpu.memory_space<vmem>>, vector<1x16xi32>,
      %get3A_819 = vector.shape_cast %get3A_818 : vector<1x16xi32> to vector<16xi32>
      %mul3A_820 = arith.constant 2 : i32
      %mul3A_821 = vector.broadcast %mul3A_820 : i32 to vector<16xi32>
      %mul3A_822 = arith.muli %get3A_819, %mul3A_821 : vector<16xi32>
      %add3A_823 = vector.broadcast %arg0 : i32 to vector<16xi32>
      %add3A_824 = arith.addi %mul3A_822, %add3A_823 : vector<16xi32>
      %swap3A_825 = arith.index_cast %scan3A_789 : i32 to index
      %swap3A_826 = arith.constant 32 : index
      %swap3A_827 = tpu.vector_load %arg6[%swap3A_825, %swap3A_826] {strides = array<i32>} : memref<79x128xi32, #tpu.memory_space<vmem>>, vector<1x16xi32>,
      %swap3A_828 = vector.shape_cast %swap3A_827 : vector<1x16xi32> to vector<16xi32>
      %swap3A_829 = vector.shape_cast %add3A_824 : vector<16xi32> to vector<1x16xi32>
      tpu.vector_store %arg6[%swap3A_825, %swap3A_826], %swap3A_829 {strides = array<i32>} : memref<79x128xi32, #tpu.memory_space<vmem>>, vector<1x16xi32>,
      %get3A_830 = arith.index_cast %scan3A_789 : i32 to index
      %get3A_831 = arith.constant 48 : index
      %get3A_832 = tpu.vector_load %arg6[%get3A_830, %get3A_831] {strides = array<i32>} : memref<79x128xi32, #tpu.memory_space<vmem>>, vector<1x16xi32>,
      %get3A_833 = vector.shape_cast %get3A_832 : vector<1x16xi32> to vector<16xi32>
      %mul3A_834 = arith.constant 2 : i32
      %mul3A_835 = vector.broadcast %mul3A_834 : i32 to vector<16xi32>
      %mul3A_836 = arith.muli %get3A_833, %mul3A_835 : vector<16xi32>
      %add3A_837 = vector.broadcast %arg0 : i32 to vector<16xi32>
      %add3A_838 = arith.addi %mul3A_836, %add3A_837 : vector<16xi32>
      %swap3A_839 = arith.index_cast %scan3A_789 : i32 to index
      %swap3A_840 = arith.constant 48 : index
      %swap3A_841 = tpu.vector_load %arg6[%swap3A_839, %swap3A_840] {strides = array<i32>} : memref<79x128xi32, #tpu.memory_space<vmem>>, vector<1x16xi32>,
      %swap3A_842 = vector.shape_cast %swap3A_841 : vector<1x16xi32> to vector<16xi32>
      %swap3A_843 = vector.shape_cast %add3A_838 : vector<16xi32> to vector<1x16xi32>
      tpu.vector_store %arg6[%swap3A_839, %swap3A_840], %swap3A_843 {strides = array<i32>} : memref<79x128xi32, #tpu.memory_space<vmem>>, vector<1x16xi32>,
      %get3A_844 = arith.index_cast %scan3A_789 : i32 to index
      %get3A_845 = arith.constant 64 : index
      %get3A_846 = tpu.vector_load %arg6[%get3A_844, %get3A_845] {strides = array<i32>} : memref<79x128xi32, #tpu.memory_space<vmem>>, vector<1x16xi32>,
      %get3A_847 = vector.shape_cast %get3A_846 : vector<1x16xi32> to vector<16xi32>
      %mul3A_848 = arith.constant 2 : i32
      %mul3A_849 = vector.broadcast %mul3A_848 : i32 to vector<16xi32>
      %mul3A_850 = arith.muli %get3A_847, %mul3A_849 : vector<16xi32>
      %add3A_851 = vector.broadcast %arg0 : i32 to vector<16xi32>
      %add3A_852 = arith.addi %mul3A_850, %add3A_851 : vector<16xi32>
      %swap3A_853 = arith.index_cast %scan3A_789 : i32 to index
      %swap3A_854 = arith.constant 64 : index
      %swap3A_855 = tpu.vector_load %arg6[%swap3A_853, %swap3A_854] {strides = array<i32>} : memref<79x128xi32, #tpu.memory_space<vmem>>, vector<1x16xi32>,
      %swap3A_856 = vector.shape_cast %swap3A_855 : vector<1x16xi32> to vector<16xi32>
      %swap3A_857 = vector.shape_cast %add3A_852 : vector<16xi32> to vector<1x16xi32>
      tpu.vector_store %arg6[%swap3A_853, %swap3A_854], %swap3A_857 {strides = array<i32>} : memref<79x128xi32, #tpu.memory_space<vmem>>, vector<1x16xi32>,
      %get3A_858 = arith.index_cast %scan3A_789 : i32 to index
      %get3A_859 = arith.constant 80 : index
      %get3A_860 = tpu.vector_load %arg6[%get3A_858, %get3A_859] {strides = array<i32>} : memref<79x128xi32, #tpu.memory_space<vmem>>, vector<1x16xi32>,
      %get3A_861 = vector.shape_cast %get3A_860 : vector<1x16xi32> to vector<16xi32>
      %mul3A_862 = arith.constant 2 : i32
      %mul3A_863 = vector.broadcast %mul3A_862 : i32 to vector<16xi32>
      %mul3A_864 = arith.muli %get3A_861, %mul3A_863 : vector<16xi32>
      %add3A_865 = vector.broadcast %arg0 : i32 to vector<16xi32>
      %add3A_866 = arith.addi %mul3A_864, %add3A_865 : vector<16xi32>
      %swap3A_867 = arith.index_cast %scan3A_789 : i32 to index
      %swap3A_868 = arith.constant 80 : index
      %swap3A_869 = tpu.vector_load %arg6[%swap3A_867, %swap3A_868] {strides = array<i32>} : memref<79x128xi32, #tpu.memory_space<vmem>>, vector<1x16xi32>,
      %swap3A_870 = vector.shape_cast %swap3A_869 : vector<1x16xi32> to vector<16xi32>
      %swap3A_871 = vector.shape_cast %add3A_866 : vector<16xi32> to vector<1x16xi32>
      tpu.vector_store %arg6[%swap3A_867, %swap3A_868], %swap3A_871 {strides = array<i32>} : memref<79x128xi32, #tpu.memory_space<vmem>>, vector<1x16xi32>,
      %get3A_872 = arith.index_cast %scan3A_789 : i32 to index
      %get3A_873 = arith.constant 96 : index
      %get3A_874 = tpu.vector_load %arg6[%get3A_872, %get3A_873] {strides = array<i32>} : memref<79x128xi32, #tpu.memory_space<vmem>>, vector<1x16xi32>,
      %get3A_875 = vector.shape_cast %get3A_874 : vector<1x16xi32> to vector<16xi32>
      %mul3A_876 = arith.constant 2 : i32
      %mul3A_877 = vector.broadcast %mul3A_876 : i32 to vector<16xi32>
      %mul3A_878 = arith.muli %get3A_875, %mul3A_877 : vector<16xi32>
      %add3A_879 = vector.broadcast %arg0 : i32 to vector<16xi32>
      %add3A_880 = arith.addi %mul3A_878, %add3A_879 : vector<16xi32>
      %swap3A_881 = arith.index_cast %scan3A_789 : i32 to index
      %swap3A_882 = arith.constant 96 : index
      %swap3A_883 = tpu.vector_load %arg6[%swap3A_881, %swap3A_882] {strides = array<i32>} : memref<79x128xi32, #tpu.memory_space<vmem>>, vector<1x16xi32>,
      %swap3A_884 = vector.shape_cast %swap3A_883 : vector<1x16xi32> to vector<16xi32>
      %swap3A_885 = vector.shape_cast %add3A_880 : vector<16xi32> to vector<1x16xi32>
      tpu.vector_store %arg6[%swap3A_881, %swap3A_882], %swap3A_885 {strides = array<i32>} : memref<79x128xi32, #tpu.memory_space<vmem>>, vector<1x16xi32>,
      %get3A_886 = arith.index_cast %scan3A_789 : i32 to index
      %get3A_887 = arith.constant 112 : index
      %get3A_888 = tpu.vector_load %arg6[%get3A_886, %get3A_887] {strides = array<i32>} : memref<79x128xi32, #tpu.memory_space<vmem>>, vector<1x16xi32>,
      %get3A_889 = vector.shape_cast %get3A_888 : vector<1x16xi32> to vector<16xi32>
      %mul3A_890 = arith.constant 2 : i32
      %mul3A_891 = vector.broadcast %mul3A_890 : i32 to vector<16xi32>
      %mul3A_892 = arith.muli %get3A_889, %mul3A_891 : vector<16xi32>
      %add3A_893 = vector.broadcast %arg0 : i32 to vector<16xi32>
      %add3A_894 = arith.addi %mul3A_892, %add3A_893 : vector<16xi32>
      %swap3A_895 = arith.index_cast %scan3A_789 : i32 to index
      %swap3A_896 = arith.constant 112 : index
      %swap3A_897 = tpu.vector_load %arg6[%swap3A_895, %swap3A_896] {strides = array<i32>} : memref<79x128xi32, #tpu.memory_space<vmem>>, vector<1x16xi32>,
      %swap3A_898 = vector.shape_cast %swap3A_897 : vector<1x16xi32> to vector<16xi32>
      %swap3A_899 = vector.shape_cast %add3A_894 : vector<16xi32> to vector<1x16xi32>
      tpu.vector_store %arg6[%swap3A_895, %swap3A_896], %swap3A_899 {strides = array<i32>} : memref<79x128xi32, #tpu.memory_space<vmem>>, vector<1x16xi32>,
    }
    %scan3A_778 = arith.constant 79 : i32
    %barrier3A = arith.constant 0 : index
    tpu.barrier barrier_id(%barrier3A)
    %scan3A_779 = arith.constant 0 : i32
    %scan3A_780 = arith.constant 0 : i32
    %scan3A_781 = arith.constant 79 : i32
    %scan3A_782 = arith.addi %scan3A_780, %scan3A_781 : i32
    %scan3A_783 = arith.constant 1 : i32
    scf.for %scan3A_789 = %scan3A_780 to %scan3A_782 step %scan3A_783  : i32 {
      %dma_start3A = arith.constant 0 : i32
      %dma_start3A_790 = tpu.memref_slice %arg6[%scan3A_789, %dma_start3A] : memref<79x128xi32, #tpu.memory_space<vmem>> -> memref<1x128xi32, #tpu.memory_space<vmem>>
      %dma_start3A_791 = tpu.memref_squeeze %dma_start3A_790 : memref<1x128xi32, #tpu.memory_space<vmem>> -> memref<128xi32, #tpu.memory_space<vmem>>
      %dma_start3A_792 = arith.constant 0 : i32
      %dma_start3A_793 = arith.constant 0 : i32
      %dma_start3A_794 = tpu.memref_slice %arg2[%dma_start3A_792, %dma_start3A_793] : memref<20480x128xf32, #tpu.memory_space<hbm>> -> memref<20480x128xf32, #tpu.memory_space<hbm>>
      tpu.enqueue_indirect_dma source(%dma_start3A_794 : memref<20480x128xf32, #tpu.memory_space<hbm>>) target(%arg8 : memref<128x128xf32, #tpu.memory_space<vmem>>) offsets(%dma_start3A_791 : memref<128xi32, #tpu.memory_space<vmem>>) semaphore(%arg11 : memref<!tpu.dma_semaphore, #tpu.memory_space<semaphore_mem>>)
      %dma_wait3A = arith.constant 0 : i32
      %dma_wait3A_795 = tpu.memref_slice %arg6[%scan3A_789, %dma_wait3A] : memref<79x128xi32, #tpu.memory_space<vmem>> -> memref<1x128xi32, #tpu.memory_space<vmem>>
      %dma_wait3A_796 = tpu.memref_squeeze %dma_wait3A_795 : memref<1x128xi32, #tpu.memory_space<vmem>> -> memref<128xi32, #tpu.memory_space<vmem>>
      %dma_wait3A_797 = arith.constant 0 : i32
      %dma_wait3A_798 = arith.constant 0 : i32
      %dma_wait3A_799 = tpu.memref_slice %arg2[%dma_wait3A_797, %dma_wait3A_798] : memref<20480x128xf32, #tpu.memory_space<hbm>> -> memref<20480x128xf32, #tpu.memory_space<hbm>>
      tpu.wait_indirect_dma semaphore(%arg11 : memref<!tpu.dma_semaphore, #tpu.memory_space<semaphore_mem>>) src(%dma_wait3A_799 : memref<20480x128xf32, #tpu.memory_space<hbm>>) dst(%arg8 : memref<128x128xf32, #tpu.memory_space<vmem>>)
      "tpu.region"() ({
        %run_scoped3A = tpu.sem_alloc : memref<!tpu.dma_semaphore, #tpu.memory_space<semaphore_mem>>
        %dma_start3A_800 = arith.constant 0 : i32
        %dma_start3A_801 = tpu.memref_slice %arg7[%scan3A_789, %dma_start3A_800] : memref<79x128xi32, #tpu.memory_space<vmem>> -> memref<1x128xi32, #tpu.memory_space<vmem>>
        %dma_start3A_802 = tpu.memref_squeeze %dma_start3A_801 : memref<1x128xi32, #tpu.memory_space<vmem>> -> memref<128xi32, #tpu.memory_space<vmem>>
        %dma_start3A_803 = arith.constant 0 : i32
        %dma_start3A_804 = arith.constant 0 : i32
        %dma_start3A_805 = tpu.memref_slice %arg10[%dma_start3A_803, %dma_start3A_804] : memref<10240x128xf32, #tpu.memory_space<vmem_shared>> -> memref<10240x128xf32, #tpu.memory_space<vmem_shared>>
        tpu.enqueue_indirect_dma source(%arg8 : memref<128x128xf32, #tpu.memory_space<vmem>>) target(%dma_start3A_805 : memref<10240x128xf32, #tpu.memory_space<vmem_shared>>) offsets(%dma_start3A_802 : memref<128xi32, #tpu.memory_space<vmem>>) semaphore(%run_scoped3A : memref<!tpu.dma_semaphore, #tpu.memory_space<semaphore_mem>>) {add = true}
        %dma_wait3A_806 = arith.constant 0 : i32
        %dma_wait3A_807 = tpu.memref_slice %arg7[%scan3A_789, %dma_wait3A_806] : memref<79x128xi32, #tpu.memory_space<vmem>> -> memref<1x128xi32, #tpu.memory_space<vmem>>
        %dma_wait3A_808 = tpu.memref_squeeze %dma_wait3A_807 : memref<1x128xi32, #tpu.memory_space<vmem>> -> memref<128xi32, #tpu.memory_space<vmem>>
        %dma_wait3A_809 = arith.constant 0 : i32
        %dma_wait3A_810 = arith.constant 0 : i32
        %dma_wait3A_811 = tpu.memref_slice %arg10[%dma_wait3A_809, %dma_wait3A_810] : memref<10240x128xf32, #tpu.memory_space<vmem_shared>> -> memref<10240x128xf32, #tpu.memory_space<vmem_shared>>
        tpu.wait_indirect_dma semaphore(%run_scoped3A : memref<!tpu.dma_semaphore, #tpu.memory_space<semaphore_mem>>) src(%arg8 : memref<128x128xf32, #tpu.memory_space<vmem>>) dst(%dma_wait3A_811 : memref<10240x128xf32, #tpu.memory_space<vmem_shared>>)
        tpu.yield
      }) : () -> ()
    }
    %scan3A_784 = arith.constant 79 : i32
    %barrier3A_785 = arith.constant 0 : index
    tpu.barrier barrier_id(%barrier3A_785)
    %mul3A = arith.constant 640 : i32
    %mul3A_786 = arith.muli %arg1, %mul3A : i32
    %mul3A_787 = arith.constant 640 : i32
    %mul3A_788 = arith.muli %arg1, %mul3A_787 : i32
    "tpu.region"() ({
      %run_scoped3A = tpu.sem_alloc : memref<!tpu.dma_semaphore, #tpu.memory_space<semaphore_mem>>
      %dma_start3A = arith.constant 0 : i32
      %dma_start3A_789 = tpu.memref_slice %arg5[%arg0, %mul3A_788, %dma_start3A] : memref<2x10240x128xf32, #tpu.memory_space<hbm>> -> memref<1x640x128xf32, #tpu.memory_space<hbm>>
      %dma_start3A_790 = tpu.memref_squeeze %dma_start3A_789 : memref<1x640x128xf32, #tpu.memory_space<hbm>> -> memref<640x128xf32, #tpu.memory_space<hbm>>
      %dma_start3A_791 = arith.constant 0 : i32
      %dma_start3A_792 = tpu.memref_slice %arg10[%mul3A_786, %dma_start3A_791] : memref<10240x128xf32, #tpu.memory_space<vmem_shared>> -> memref<640x128xf32, #tpu.memory_space<vmem_shared>>
      tpu.enqueue_dma source(%dma_start3A_792 : memref<640x128xf32, #tpu.memory_space<vmem_shared>>) target(%dma_start3A_790 : memref<640x128xf32, #tpu.memory_space<hbm>>) target_semaphore(%run_scoped3A : memref<!tpu.dma_semaphore, #tpu.memory_space<semaphore_mem>>)
      %dma_wait3A = arith.constant 0 : i32
      %dma_wait3A_793 = tpu.memref_slice %arg5[%arg0, %mul3A_788, %dma_wait3A] : memref<2x10240x128xf32, #tpu.memory_space<hbm>> -> memref<1x640x128xf32, #tpu.memory_space<hbm>>
      %dma_wait3A_794 = tpu.memref_squeeze %dma_wait3A_793 : memref<1x640x128xf32, #tpu.memory_space<hbm>> -> memref<640x128xf32, #tpu.memory_space<hbm>>
      %dma_wait3A_795 = arith.constant 0 : i32
      %dma_wait3A_796 = tpu.memref_slice %arg10[%mul3A_786, %dma_wait3A_795] : memref<10240x128xf32, #tpu.memory_space<vmem_shared>> -> memref<640x128xf32, #tpu.memory_space<vmem_shared>>
      tpu.wait_dma2 semaphore(%run_scoped3A : memref<!tpu.dma_semaphore, #tpu.memory_space<semaphore_mem>>) src(%dma_wait3A_796 : memref<640x128xf32, #tpu.memory_space<vmem_shared>>) dst(%dma_wait3A_794 : memref<640x128xf32, #tpu.memory_space<hbm>>)
      tpu.yield
    }) : () -> ()
    return
  }
}

#map = affine_map<(d0, d1) -> (0, 0)>
#map1 = affine_map<(d0, d1) -> (0, 0, 0)>
module attributes {stable_mosaic.version = 14 : i64} {
  func.func @_sc_scatter_body(%arg0: i32, %arg1: i32, %arg2: memref<20480x128xf32, #tpu.memory_space<hbm>>, %arg3: memref<16x79x128xi32, #tpu.memory_space<hbm>>, %arg4: memref<16x79x128xi32, #tpu.memory_space<hbm>>, %arg5: memref<2x10240x128xf32, #tpu.memory_space<hbm>>, %arg6: memref<79x128xi32, #tpu.memory_space<vmem>>, %arg7: memref<79x128xi32, #tpu.memory_space<vmem>>, %arg8: memref<128x128xf32, #tpu.memory_space<vmem>>, %arg9: memref<16x128xf32, #tpu.memory_space<vmem>>, %arg10: memref<10240x128xf32, #tpu.memory_space<vmem_shared>>, %arg11: memref<!tpu.dma_semaphore, #tpu.memory_space<semaphore_mem>>) attributes {dimension_semantics = [#tpu.dimension_semantics<core_parallel>, #tpu.dimension_semantics<subcore_parallel>], iteration_bounds = array<i64: 2, 16>, scalar_prefetch = 0 : i64, scratch_operands = 6 : i64, tpu.core_type = #tpu.core_type<sc_vector_subcore>, window_params = [{transform_indices = #map}, {transform_indices = #map1}, {transform_indices = #map1}, {transform_indices = #map1}]} {
    %broadcast_in_dim3A = arith.constant 0.000000e+00 : f32
    %broadcast_in_dim3A_0 = vector.broadcast %broadcast_in_dim3A : f32 to vector<16xf32>
    %swap3A = arith.constant 0 : i32
    %swap3A_1 = arith.index_cast %swap3A : i32 to index
    %swap3A_2 = arith.constant 0 : index
    %swap3A_3 = tpu.vector_load %arg9[%swap3A_1, %swap3A_2] {strides = array<i32>} : memref<16x128xf32, #tpu.memory_space<vmem>>, vector<1x16xf32>,
    %swap3A_4 = vector.shape_cast %swap3A_3 : vector<1x16xf32> to vector<16xf32>
    %swap3A_5 = vector.shape_cast %broadcast_in_dim3A_0 : vector<16xf32> to vector<1x16xf32>
    tpu.vector_store %arg9[%swap3A_1, %swap3A_2], %swap3A_5 {strides = array<i32>} : memref<16x128xf32, #tpu.memory_space<vmem>>, vector<1x16xf32>,
    %swap3A_6 = arith.constant 0 : i32
    %swap3A_7 = arith.index_cast %swap3A_6 : i32 to index
    %swap3A_8 = arith.constant 16 : index
    %swap3A_9 = tpu.vector_load %arg9[%swap3A_7, %swap3A_8] {strides = array<i32>} : memref<16x128xf32, #tpu.memory_space<vmem>>, vector<1x16xf32>,
    %swap3A_10 = vector.shape_cast %swap3A_9 : vector<1x16xf32> to vector<16xf32>
    %swap3A_11 = vector.shape_cast %broadcast_in_dim3A_0 : vector<16xf32> to vector<1x16xf32>
    tpu.vector_store %arg9[%swap3A_7, %swap3A_8], %swap3A_11 {strides = array<i32>} : memref<16x128xf32, #tpu.memory_space<vmem>>, vector<1x16xf32>,
    %swap3A_12 = arith.constant 0 : i32
    %swap3A_13 = arith.index_cast %swap3A_12 : i32 to index
    %swap3A_14 = arith.constant 32 : index
    %swap3A_15 = tpu.vector_load %arg9[%swap3A_13, %swap3A_14] {strides = array<i32>} : memref<16x128xf32, #tpu.memory_space<vmem>>, vector<1x16xf32>,
    %swap3A_16 = vector.shape_cast %swap3A_15 : vector<1x16xf32> to vector<16xf32>
    %swap3A_17 = vector.shape_cast %broadcast_in_dim3A_0 : vector<16xf32> to vector<1x16xf32>
    tpu.vector_store %arg9[%swap3A_13, %swap3A_14], %swap3A_17 {strides = array<i32>} : memref<16x128xf32, #tpu.memory_space<vmem>>, vector<1x16xf32>,
    %swap3A_18 = arith.constant 0 : i32
    %swap3A_19 = arith.index_cast %swap3A_18 : i32 to index
    %swap3A_20 = arith.constant 48 : index
    %swap3A_21 = tpu.vector_load %arg9[%swap3A_19, %swap3A_20] {strides = array<i32>} : memref<16x128xf32, #tpu.memory_space<vmem>>, vector<1x16xf32>,
    %swap3A_22 = vector.shape_cast %swap3A_21 : vector<1x16xf32> to vector<16xf32>
    %swap3A_23 = vector.shape_cast %broadcast_in_dim3A_0 : vector<16xf32> to vector<1x16xf32>
    tpu.vector_store %arg9[%swap3A_19, %swap3A_20], %swap3A_23 {strides = array<i32>} : memref<16x128xf32, #tpu.memory_space<vmem>>, vector<1x16xf32>,
    %swap3A_24 = arith.constant 0 : i32
    %swap3A_25 = arith.index_cast %swap3A_24 : i32 to index
    %swap3A_26 = arith.constant 64 : index
    %swap3A_27 = tpu.vector_load %arg9[%swap3A_25, %swap3A_26] {strides = array<i32>} : memref<16x128xf32, #tpu.memory_space<vmem>>, vector<1x16xf32>,
    %swap3A_28 = vector.shape_cast %swap3A_27 : vector<1x16xf32> to vector<16xf32>
    %swap3A_29 = vector.shape_cast %broadcast_in_dim3A_0 : vector<16xf32> to vector<1x16xf32>
    tpu.vector_store %arg9[%swap3A_25, %swap3A_26], %swap3A_29 {strides = array<i32>} : memref<16x128xf32, #tpu.memory_space<vmem>>, vector<1x16xf32>,
    %swap3A_30 = arith.constant 0 : i32
    %swap3A_31 = arith.index_cast %swap3A_30 : i32 to index
    %swap3A_32 = arith.constant 80 : index
    %swap3A_33 = tpu.vector_load %arg9[%swap3A_31, %swap3A_32] {strides = array<i32>} : memref<16x128xf32, #tpu.memory_space<vmem>>, vector<1x16xf32>,
    %swap3A_34 = vector.shape_cast %swap3A_33 : vector<1x16xf32> to vector<16xf32>
    %swap3A_35 = vector.shape_cast %broadcast_in_dim3A_0 : vector<16xf32> to vector<1x16xf32>
    tpu.vector_store %arg9[%swap3A_31, %swap3A_32], %swap3A_35 {strides = array<i32>} : memref<16x128xf32, #tpu.memory_space<vmem>>, vector<1x16xf32>,
    %swap3A_36 = arith.constant 0 : i32
    %swap3A_37 = arith.index_cast %swap3A_36 : i32 to index
    %swap3A_38 = arith.constant 96 : index
    %swap3A_39 = tpu.vector_load %arg9[%swap3A_37, %swap3A_38] {strides = array<i32>} : memref<16x128xf32, #tpu.memory_space<vmem>>, vector<1x16xf32>,
    %swap3A_40 = vector.shape_cast %swap3A_39 : vector<1x16xf32> to vector<16xf32>
    %swap3A_41 = vector.shape_cast %broadcast_in_dim3A_0 : vector<16xf32> to vector<1x16xf32>
    tpu.vector_store %arg9[%swap3A_37, %swap3A_38], %swap3A_41 {strides = array<i32>} : memref<16x128xf32, #tpu.memory_space<vmem>>, vector<1x16xf32>,
    %swap3A_42 = arith.constant 0 : i32
    %swap3A_43 = arith.index_cast %swap3A_42 : i32 to index
    %swap3A_44 = arith.constant 112 : index
    %swap3A_45 = tpu.vector_load %arg9[%swap3A_43, %swap3A_44] {strides = array<i32>} : memref<16x128xf32, #tpu.memory_space<vmem>>, vector<1x16xf32>,
    %swap3A_46 = vector.shape_cast %swap3A_45 : vector<1x16xf32> to vector<16xf32>
    %swap3A_47 = vector.shape_cast %broadcast_in_dim3A_0 : vector<16xf32> to vector<1x16xf32>
    tpu.vector_store %arg9[%swap3A_43, %swap3A_44], %swap3A_47 {strides = array<i32>} : memref<16x128xf32, #tpu.memory_space<vmem>>, vector<1x16xf32>,
    %swap3A_48 = arith.constant 1 : i32
    %swap3A_49 = arith.index_cast %swap3A_48 : i32 to index
    %swap3A_50 = arith.constant 0 : index
    %swap3A_51 = tpu.vector_load %arg9[%swap3A_49, %swap3A_50] {strides = array<i32>} : memref<16x128xf32, #tpu.memory_space<vmem>>, vector<1x16xf32>,
    %swap3A_52 = vector.shape_cast %swap3A_51 : vector<1x16xf32> to vector<16xf32>
    %swap3A_53 = vector.shape_cast %broadcast_in_dim3A_0 : vector<16xf32> to vector<1x16xf32>
    tpu.vector_store %arg9[%swap3A_49, %swap3A_50], %swap3A_53 {strides = array<i32>} : memref<16x128xf32, #tpu.memory_space<vmem>>, vector<1x16xf32>,
    %swap3A_54 = arith.constant 1 : i32
    %swap3A_55 = arith.index_cast %swap3A_54 : i32 to index
    %swap3A_56 = arith.constant 16 : index
    %swap3A_57 = tpu.vector_load %arg9[%swap3A_55, %swap3A_56] {strides = array<i32>} : memref<16x128xf32, #tpu.memory_space<vmem>>, vector<1x16xf32>,
    %swap3A_58 = vector.shape_cast %swap3A_57 : vector<1x16xf32> to vector<16xf32>
    %swap3A_59 = vector.shape_cast %broadcast_in_dim3A_0 : vector<16xf32> to vector<1x16xf32>
    tpu.vector_store %arg9[%swap3A_55, %swap3A_56], %swap3A_59 {strides = array<i32>} : memref<16x128xf32, #tpu.memory_space<vmem>>, vector<1x16xf32>,
    %swap3A_60 = arith.constant 1 : i32
    %swap3A_61 = arith.index_cast %swap3A_60 : i32 to index
    %swap3A_62 = arith.constant 32 : index
    %swap3A_63 = tpu.vector_load %arg9[%swap3A_61, %swap3A_62] {strides = array<i32>} : memref<16x128xf32, #tpu.memory_space<vmem>>, vector<1x16xf32>,
    %swap3A_64 = vector.shape_cast %swap3A_63 : vector<1x16xf32> to vector<16xf32>
    %swap3A_65 = vector.shape_cast %broadcast_in_dim3A_0 : vector<16xf32> to vector<1x16xf32>
    tpu.vector_store %arg9[%swap3A_61, %swap3A_62], %swap3A_65 {strides = array<i32>} : memref<16x128xf32, #tpu.memory_space<vmem>>, vector<1x16xf32>,
    %swap3A_66 = arith.constant 1 : i32
    %swap3A_67 = arith.index_cast %swap3A_66 : i32 to index
    %swap3A_68 = arith.constant 48 : index
    %swap3A_69 = tpu.vector_load %arg9[%swap3A_67, %swap3A_68] {strides = array<i32>} : memref<16x128xf32, #tpu.memory_space<vmem>>, vector<1x16xf32>,
    %swap3A_70 = vector.shape_cast %swap3A_69 : vector<1x16xf32> to vector<16xf32>
    %swap3A_71 = vector.shape_cast %broadcast_in_dim3A_0 : vector<16xf32> to vector<1x16xf32>
    tpu.vector_store %arg9[%swap3A_67, %swap3A_68], %swap3A_71 {strides = array<i32>} : memref<16x128xf32, #tpu.memory_space<vmem>>, vector<1x16xf32>,
    %swap3A_72 = arith.constant 1 : i32
    %swap3A_73 = arith.index_cast %swap3A_72 : i32 to index
    %swap3A_74 = arith.constant 64 : index
    %swap3A_75 = tpu.vector_load %arg9[%swap3A_73, %swap3A_74] {strides = array<i32>} : memref<16x128xf32, #tpu.memory_space<vmem>>, vector<1x16xf32>,
    %swap3A_76 = vector.shape_cast %swap3A_75 : vector<1x16xf32> to vector<16xf32>
    %swap3A_77 = vector.shape_cast %broadcast_in_dim3A_0 : vector<16xf32> to vector<1x16xf32>
    tpu.vector_store %arg9[%swap3A_73, %swap3A_74], %swap3A_77 {strides = array<i32>} : memref<16x128xf32, #tpu.memory_space<vmem>>, vector<1x16xf32>,
    %swap3A_78 = arith.constant 1 : i32
    %swap3A_79 = arith.index_cast %swap3A_78 : i32 to index
    %swap3A_80 = arith.constant 80 : index
    %swap3A_81 = tpu.vector_load %arg9[%swap3A_79, %swap3A_80] {strides = array<i32>} : memref<16x128xf32, #tpu.memory_space<vmem>>, vector<1x16xf32>,
    %swap3A_82 = vector.shape_cast %swap3A_81 : vector<1x16xf32> to vector<16xf32>
    %swap3A_83 = vector.shape_cast %broadcast_in_dim3A_0 : vector<16xf32> to vector<1x16xf32>
    tpu.vector_store %arg9[%swap3A_79, %swap3A_80], %swap3A_83 {strides = array<i32>} : memref<16x128xf32, #tpu.memory_space<vmem>>, vector<1x16xf32>,
    %swap3A_84 = arith.constant 1 : i32
    %swap3A_85 = arith.index_cast %swap3A_84 : i32 to index
    %swap3A_86 = arith.constant 96 : index
    %swap3A_87 = tpu.vector_load %arg9[%swap3A_85, %swap3A_86] {strides = array<i32>} : memref<16x128xf32, #tpu.memory_space<vmem>>, vector<1x16xf32>,
    %swap3A_88 = vector.shape_cast %swap3A_87 : vector<1x16xf32> to vector<16xf32>
    %swap3A_89 = vector.shape_cast %broadcast_in_dim3A_0 : vector<16xf32> to vector<1x16xf32>
    tpu.vector_store %arg9[%swap3A_85, %swap3A_86], %swap3A_89 {strides = array<i32>} : memref<16x128xf32, #tpu.memory_space<vmem>>, vector<1x16xf32>,
    %swap3A_90 = arith.constant 1 : i32
    %swap3A_91 = arith.index_cast %swap3A_90 : i32 to index
    %swap3A_92 = arith.constant 112 : index
    %swap3A_93 = tpu.vector_load %arg9[%swap3A_91, %swap3A_92] {strides = array<i32>} : memref<16x128xf32, #tpu.memory_space<vmem>>, vector<1x16xf32>,
    %swap3A_94 = vector.shape_cast %swap3A_93 : vector<1x16xf32> to vector<16xf32>
    %swap3A_95 = vector.shape_cast %broadcast_in_dim3A_0 : vector<16xf32> to vector<1x16xf32>
    tpu.vector_store %arg9[%swap3A_91, %swap3A_92], %swap3A_95 {strides = array<i32>} : memref<16x128xf32, #tpu.memory_space<vmem>>, vector<1x16xf32>,
    %swap3A_96 = arith.constant 2 : i32
    %swap3A_97 = arith.index_cast %swap3A_96 : i32 to index
    %swap3A_98 = arith.constant 0 : index
    %swap3A_99 = tpu.vector_load %arg9[%swap3A_97, %swap3A_98] {strides = array<i32>} : memref<16x128xf32, #tpu.memory_space<vmem>>, vector<1x16xf32>,
    %swap3A_100 = vector.shape_cast %swap3A_99 : vector<1x16xf32> to vector<16xf32>
    %swap3A_101 = vector.shape_cast %broadcast_in_dim3A_0 : vector<16xf32> to vector<1x16xf32>
    tpu.vector_store %arg9[%swap3A_97, %swap3A_98], %swap3A_101 {strides = array<i32>} : memref<16x128xf32, #tpu.memory_space<vmem>>, vector<1x16xf32>,
    %swap3A_102 = arith.constant 2 : i32
    %swap3A_103 = arith.index_cast %swap3A_102 : i32 to index
    %swap3A_104 = arith.constant 16 : index
    %swap3A_105 = tpu.vector_load %arg9[%swap3A_103, %swap3A_104] {strides = array<i32>} : memref<16x128xf32, #tpu.memory_space<vmem>>, vector<1x16xf32>,
    %swap3A_106 = vector.shape_cast %swap3A_105 : vector<1x16xf32> to vector<16xf32>
    %swap3A_107 = vector.shape_cast %broadcast_in_dim3A_0 : vector<16xf32> to vector<1x16xf32>
    tpu.vector_store %arg9[%swap3A_103, %swap3A_104], %swap3A_107 {strides = array<i32>} : memref<16x128xf32, #tpu.memory_space<vmem>>, vector<1x16xf32>,
    %swap3A_108 = arith.constant 2 : i32
    %swap3A_109 = arith.index_cast %swap3A_108 : i32 to index
    %swap3A_110 = arith.constant 32 : index
    %swap3A_111 = tpu.vector_load %arg9[%swap3A_109, %swap3A_110] {strides = array<i32>} : memref<16x128xf32, #tpu.memory_space<vmem>>, vector<1x16xf32>,
    %swap3A_112 = vector.shape_cast %swap3A_111 : vector<1x16xf32> to vector<16xf32>
    %swap3A_113 = vector.shape_cast %broadcast_in_dim3A_0 : vector<16xf32> to vector<1x16xf32>
    tpu.vector_store %arg9[%swap3A_109, %swap3A_110], %swap3A_113 {strides = array<i32>} : memref<16x128xf32, #tpu.memory_space<vmem>>, vector<1x16xf32>,
    %swap3A_114 = arith.constant 2 : i32
    %swap3A_115 = arith.index_cast %swap3A_114 : i32 to index
    %swap3A_116 = arith.constant 48 : index
    %swap3A_117 = tpu.vector_load %arg9[%swap3A_115, %swap3A_116] {strides = array<i32>} : memref<16x128xf32, #tpu.memory_space<vmem>>, vector<1x16xf32>,
    %swap3A_118 = vector.shape_cast %swap3A_117 : vector<1x16xf32> to vector<16xf32>
    %swap3A_119 = vector.shape_cast %broadcast_in_dim3A_0 : vector<16xf32> to vector<1x16xf32>
    tpu.vector_store %arg9[%swap3A_115, %swap3A_116], %swap3A_119 {strides = array<i32>} : memref<16x128xf32, #tpu.memory_space<vmem>>, vector<1x16xf32>,
    %swap3A_120 = arith.constant 2 : i32
    %swap3A_121 = arith.index_cast %swap3A_120 : i32 to index
    %swap3A_122 = arith.constant 64 : index
    %swap3A_123 = tpu.vector_load %arg9[%swap3A_121, %swap3A_122] {strides = array<i32>} : memref<16x128xf32, #tpu.memory_space<vmem>>, vector<1x16xf32>,
    %swap3A_124 = vector.shape_cast %swap3A_123 : vector<1x16xf32> to vector<16xf32>
    %swap3A_125 = vector.shape_cast %broadcast_in_dim3A_0 : vector<16xf32> to vector<1x16xf32>
    tpu.vector_store %arg9[%swap3A_121, %swap3A_122], %swap3A_125 {strides = array<i32>} : memref<16x128xf32, #tpu.memory_space<vmem>>, vector<1x16xf32>,
    %swap3A_126 = arith.constant 2 : i32
    %swap3A_127 = arith.index_cast %swap3A_126 : i32 to index
    %swap3A_128 = arith.constant 80 : index
    %swap3A_129 = tpu.vector_load %arg9[%swap3A_127, %swap3A_128] {strides = array<i32>} : memref<16x128xf32, #tpu.memory_space<vmem>>, vector<1x16xf32>,
    %swap3A_130 = vector.shape_cast %swap3A_129 : vector<1x16xf32> to vector<16xf32>
    %swap3A_131 = vector.shape_cast %broadcast_in_dim3A_0 : vector<16xf32> to vector<1x16xf32>
    tpu.vector_store %arg9[%swap3A_127, %swap3A_128], %swap3A_131 {strides = array<i32>} : memref<16x128xf32, #tpu.memory_space<vmem>>, vector<1x16xf32>,
    %swap3A_132 = arith.constant 2 : i32
    %swap3A_133 = arith.index_cast %swap3A_132 : i32 to index
    %swap3A_134 = arith.constant 96 : index
    %swap3A_135 = tpu.vector_load %arg9[%swap3A_133, %swap3A_134] {strides = array<i32>} : memref<16x128xf32, #tpu.memory_space<vmem>>, vector<1x16xf32>,
    %swap3A_136 = vector.shape_cast %swap3A_135 : vector<1x16xf32> to vector<16xf32>
    %swap3A_137 = vector.shape_cast %broadcast_in_dim3A_0 : vector<16xf32> to vector<1x16xf32>
    tpu.vector_store %arg9[%swap3A_133, %swap3A_134], %swap3A_137 {strides = array<i32>} : memref<16x128xf32, #tpu.memory_space<vmem>>, vector<1x16xf32>,
    %swap3A_138 = arith.constant 2 : i32
    %swap3A_139 = arith.index_cast %swap3A_138 : i32 to index
    %swap3A_140 = arith.constant 112 : index
    %swap3A_141 = tpu.vector_load %arg9[%swap3A_139, %swap3A_140] {strides = array<i32>} : memref<16x128xf32, #tpu.memory_space<vmem>>, vector<1x16xf32>,
    %swap3A_142 = vector.shape_cast %swap3A_141 : vector<1x16xf32> to vector<16xf32>
    %swap3A_143 = vector.shape_cast %broadcast_in_dim3A_0 : vector<16xf32> to vector<1x16xf32>
    tpu.vector_store %arg9[%swap3A_139, %swap3A_140], %swap3A_143 {strides = array<i32>} : memref<16x128xf32, #tpu.memory_space<vmem>>, vector<1x16xf32>,
    %swap3A_144 = arith.constant 3 : i32
    %swap3A_145 = arith.index_cast %swap3A_144 : i32 to index
    %swap3A_146 = arith.constant 0 : index
    %swap3A_147 = tpu.vector_load %arg9[%swap3A_145, %swap3A_146] {strides = array<i32>} : memref<16x128xf32, #tpu.memory_space<vmem>>, vector<1x16xf32>,
    %swap3A_148 = vector.shape_cast %swap3A_147 : vector<1x16xf32> to vector<16xf32>
    %swap3A_149 = vector.shape_cast %broadcast_in_dim3A_0 : vector<16xf32> to vector<1x16xf32>
    tpu.vector_store %arg9[%swap3A_145, %swap3A_146], %swap3A_149 {strides = array<i32>} : memref<16x128xf32, #tpu.memory_space<vmem>>, vector<1x16xf32>,
    %swap3A_150 = arith.constant 3 : i32
    %swap3A_151 = arith.index_cast %swap3A_150 : i32 to index
    %swap3A_152 = arith.constant 16 : index
    %swap3A_153 = tpu.vector_load %arg9[%swap3A_151, %swap3A_152] {strides = array<i32>} : memref<16x128xf32, #tpu.memory_space<vmem>>, vector<1x16xf32>,
    %swap3A_154 = vector.shape_cast %swap3A_153 : vector<1x16xf32> to vector<16xf32>
    %swap3A_155 = vector.shape_cast %broadcast_in_dim3A_0 : vector<16xf32> to vector<1x16xf32>
    tpu.vector_store %arg9[%swap3A_151, %swap3A_152], %swap3A_155 {strides = array<i32>} : memref<16x128xf32, #tpu.memory_space<vmem>>, vector<1x16xf32>,
    %swap3A_156 = arith.constant 3 : i32
    %swap3A_157 = arith.index_cast %swap3A_156 : i32 to index
    %swap3A_158 = arith.constant 32 : index
    %swap3A_159 = tpu.vector_load %arg9[%swap3A_157, %swap3A_158] {strides = array<i32>} : memref<16x128xf32, #tpu.memory_space<vmem>>, vector<1x16xf32>,
    %swap3A_160 = vector.shape_cast %swap3A_159 : vector<1x16xf32> to vector<16xf32>
    %swap3A_161 = vector.shape_cast %broadcast_in_dim3A_0 : vector<16xf32> to vector<1x16xf32>
    tpu.vector_store %arg9[%swap3A_157, %swap3A_158], %swap3A_161 {strides = array<i32>} : memref<16x128xf32, #tpu.memory_space<vmem>>, vector<1x16xf32>,
    %swap3A_162 = arith.constant 3 : i32
    %swap3A_163 = arith.index_cast %swap3A_162 : i32 to index
    %swap3A_164 = arith.constant 48 : index
    %swap3A_165 = tpu.vector_load %arg9[%swap3A_163, %swap3A_164] {strides = array<i32>} : memref<16x128xf32, #tpu.memory_space<vmem>>, vector<1x16xf32>,
    %swap3A_166 = vector.shape_cast %swap3A_165 : vector<1x16xf32> to vector<16xf32>
    %swap3A_167 = vector.shape_cast %broadcast_in_dim3A_0 : vector<16xf32> to vector<1x16xf32>
    tpu.vector_store %arg9[%swap3A_163, %swap3A_164], %swap3A_167 {strides = array<i32>} : memref<16x128xf32, #tpu.memory_space<vmem>>, vector<1x16xf32>,
    %swap3A_168 = arith.constant 3 : i32
    %swap3A_169 = arith.index_cast %swap3A_168 : i32 to index
    %swap3A_170 = arith.constant 64 : index
    %swap3A_171 = tpu.vector_load %arg9[%swap3A_169, %swap3A_170] {strides = array<i32>} : memref<16x128xf32, #tpu.memory_space<vmem>>, vector<1x16xf32>,
    %swap3A_172 = vector.shape_cast %swap3A_171 : vector<1x16xf32> to vector<16xf32>
    %swap3A_173 = vector.shape_cast %broadcast_in_dim3A_0 : vector<16xf32> to vector<1x16xf32>
    tpu.vector_store %arg9[%swap3A_169, %swap3A_170], %swap3A_173 {strides = array<i32>} : memref<16x128xf32, #tpu.memory_space<vmem>>, vector<1x16xf32>,
    %swap3A_174 = arith.constant 3 : i32
    %swap3A_175 = arith.index_cast %swap3A_174 : i32 to index
    %swap3A_176 = arith.constant 80 : index
    %swap3A_177 = tpu.vector_load %arg9[%swap3A_175, %swap3A_176] {strides = array<i32>} : memref<16x128xf32, #tpu.memory_space<vmem>>, vector<1x16xf32>,
    %swap3A_178 = vector.shape_cast %swap3A_177 : vector<1x16xf32> to vector<16xf32>
    %swap3A_179 = vector.shape_cast %broadcast_in_dim3A_0 : vector<16xf32> to vector<1x16xf32>
    tpu.vector_store %arg9[%swap3A_175, %swap3A_176], %swap3A_179 {strides = array<i32>} : memref<16x128xf32, #tpu.memory_space<vmem>>, vector<1x16xf32>,
    %swap3A_180 = arith.constant 3 : i32
    %swap3A_181 = arith.index_cast %swap3A_180 : i32 to index
    %swap3A_182 = arith.constant 96 : index
    %swap3A_183 = tpu.vector_load %arg9[%swap3A_181, %swap3A_182] {strides = array<i32>} : memref<16x128xf32, #tpu.memory_space<vmem>>, vector<1x16xf32>,
    %swap3A_184 = vector.shape_cast %swap3A_183 : vector<1x16xf32> to vector<16xf32>
    %swap3A_185 = vector.shape_cast %broadcast_in_dim3A_0 : vector<16xf32> to vector<1x16xf32>
    tpu.vector_store %arg9[%swap3A_181, %swap3A_182], %swap3A_185 {strides = array<i32>} : memref<16x128xf32, #tpu.memory_space<vmem>>, vector<1x16xf32>,
    %swap3A_186 = arith.constant 3 : i32
    %swap3A_187 = arith.index_cast %swap3A_186 : i32 to index
    %swap3A_188 = arith.constant 112 : index
    %swap3A_189 = tpu.vector_load %arg9[%swap3A_187, %swap3A_188] {strides = array<i32>} : memref<16x128xf32, #tpu.memory_space<vmem>>, vector<1x16xf32>,
    %swap3A_190 = vector.shape_cast %swap3A_189 : vector<1x16xf32> to vector<16xf32>
    %swap3A_191 = vector.shape_cast %broadcast_in_dim3A_0 : vector<16xf32> to vector<1x16xf32>
    tpu.vector_store %arg9[%swap3A_187, %swap3A_188], %swap3A_191 {strides = array<i32>} : memref<16x128xf32, #tpu.memory_space<vmem>>, vector<1x16xf32>,
    %swap3A_192 = arith.constant 4 : i32
    %swap3A_193 = arith.index_cast %swap3A_192 : i32 to index
    %swap3A_194 = arith.constant 0 : index
    %swap3A_195 = tpu.vector_load %arg9[%swap3A_193, %swap3A_194] {strides = array<i32>} : memref<16x128xf32, #tpu.memory_space<vmem>>, vector<1x16xf32>,
    %swap3A_196 = vector.shape_cast %swap3A_195 : vector<1x16xf32> to vector<16xf32>
    %swap3A_197 = vector.shape_cast %broadcast_in_dim3A_0 : vector<16xf32> to vector<1x16xf32>
    tpu.vector_store %arg9[%swap3A_193, %swap3A_194], %swap3A_197 {strides = array<i32>} : memref<16x128xf32, #tpu.memory_space<vmem>>, vector<1x16xf32>,
    %swap3A_198 = arith.constant 4 : i32
    %swap3A_199 = arith.index_cast %swap3A_198 : i32 to index
    %swap3A_200 = arith.constant 16 : index
    %swap3A_201 = tpu.vector_load %arg9[%swap3A_199, %swap3A_200] {strides = array<i32>} : memref<16x128xf32, #tpu.memory_space<vmem>>, vector<1x16xf32>,
    %swap3A_202 = vector.shape_cast %swap3A_201 : vector<1x16xf32> to vector<16xf32>
    %swap3A_203 = vector.shape_cast %broadcast_in_dim3A_0 : vector<16xf32> to vector<1x16xf32>
    tpu.vector_store %arg9[%swap3A_199, %swap3A_200], %swap3A_203 {strides = array<i32>} : memref<16x128xf32, #tpu.memory_space<vmem>>, vector<1x16xf32>,
    %swap3A_204 = arith.constant 4 : i32
    %swap3A_205 = arith.index_cast %swap3A_204 : i32 to index
    %swap3A_206 = arith.constant 32 : index
    %swap3A_207 = tpu.vector_load %arg9[%swap3A_205, %swap3A_206] {strides = array<i32>} : memref<16x128xf32, #tpu.memory_space<vmem>>, vector<1x16xf32>,
    %swap3A_208 = vector.shape_cast %swap3A_207 : vector<1x16xf32> to vector<16xf32>
    %swap3A_209 = vector.shape_cast %broadcast_in_dim3A_0 : vector<16xf32> to vector<1x16xf32>
    tpu.vector_store %arg9[%swap3A_205, %swap3A_206], %swap3A_209 {strides = array<i32>} : memref<16x128xf32, #tpu.memory_space<vmem>>, vector<1x16xf32>,
    %swap3A_210 = arith.constant 4 : i32
    %swap3A_211 = arith.index_cast %swap3A_210 : i32 to index
    %swap3A_212 = arith.constant 48 : index
    %swap3A_213 = tpu.vector_load %arg9[%swap3A_211, %swap3A_212] {strides = array<i32>} : memref<16x128xf32, #tpu.memory_space<vmem>>, vector<1x16xf32>,
    %swap3A_214 = vector.shape_cast %swap3A_213 : vector<1x16xf32> to vector<16xf32>
    %swap3A_215 = vector.shape_cast %broadcast_in_dim3A_0 : vector<16xf32> to vector<1x16xf32>
    tpu.vector_store %arg9[%swap3A_211, %swap3A_212], %swap3A_215 {strides = array<i32>} : memref<16x128xf32, #tpu.memory_space<vmem>>, vector<1x16xf32>,
    %swap3A_216 = arith.constant 4 : i32
    %swap3A_217 = arith.index_cast %swap3A_216 : i32 to index
    %swap3A_218 = arith.constant 64 : index
    %swap3A_219 = tpu.vector_load %arg9[%swap3A_217, %swap3A_218] {strides = array<i32>} : memref<16x128xf32, #tpu.memory_space<vmem>>, vector<1x16xf32>,
    %swap3A_220 = vector.shape_cast %swap3A_219 : vector<1x16xf32> to vector<16xf32>
    %swap3A_221 = vector.shape_cast %broadcast_in_dim3A_0 : vector<16xf32> to vector<1x16xf32>
    tpu.vector_store %arg9[%swap3A_217, %swap3A_218], %swap3A_221 {strides = array<i32>} : memref<16x128xf32, #tpu.memory_space<vmem>>, vector<1x16xf32>,
    %swap3A_222 = arith.constant 4 : i32
    %swap3A_223 = arith.index_cast %swap3A_222 : i32 to index
    %swap3A_224 = arith.constant 80 : index
    %swap3A_225 = tpu.vector_load %arg9[%swap3A_223, %swap3A_224] {strides = array<i32>} : memref<16x128xf32, #tpu.memory_space<vmem>>, vector<1x16xf32>,
    %swap3A_226 = vector.shape_cast %swap3A_225 : vector<1x16xf32> to vector<16xf32>
    %swap3A_227 = vector.shape_cast %broadcast_in_dim3A_0 : vector<16xf32> to vector<1x16xf32>
    tpu.vector_store %arg9[%swap3A_223, %swap3A_224], %swap3A_227 {strides = array<i32>} : memref<16x128xf32, #tpu.memory_space<vmem>>, vector<1x16xf32>,
    %swap3A_228 = arith.constant 4 : i32
    %swap3A_229 = arith.index_cast %swap3A_228 : i32 to index
    %swap3A_230 = arith.constant 96 : index
    %swap3A_231 = tpu.vector_load %arg9[%swap3A_229, %swap3A_230] {strides = array<i32>} : memref<16x128xf32, #tpu.memory_space<vmem>>, vector<1x16xf32>,
    %swap3A_232 = vector.shape_cast %swap3A_231 : vector<1x16xf32> to vector<16xf32>
    %swap3A_233 = vector.shape_cast %broadcast_in_dim3A_0 : vector<16xf32> to vector<1x16xf32>
    tpu.vector_store %arg9[%swap3A_229, %swap3A_230], %swap3A_233 {strides = array<i32>} : memref<16x128xf32, #tpu.memory_space<vmem>>, vector<1x16xf32>,
    %swap3A_234 = arith.constant 4 : i32
    %swap3A_235 = arith.index_cast %swap3A_234 : i32 to index
    %swap3A_236 = arith.constant 112 : index
    %swap3A_237 = tpu.vector_load %arg9[%swap3A_235, %swap3A_236] {strides = array<i32>} : memref<16x128xf32, #tpu.memory_space<vmem>>, vector<1x16xf32>,
    %swap3A_238 = vector.shape_cast %swap3A_237 : vector<1x16xf32> to vector<16xf32>
    %swap3A_239 = vector.shape_cast %broadcast_in_dim3A_0 : vector<16xf32> to vector<1x16xf32>
    tpu.vector_store %arg9[%swap3A_235, %swap3A_236], %swap3A_239 {strides = array<i32>} : memref<16x128xf32, #tpu.memory_space<vmem>>, vector<1x16xf32>,
    %swap3A_240 = arith.constant 5 : i32
    %swap3A_241 = arith.index_cast %swap3A_240 : i32 to index
    %swap3A_242 = arith.constant 0 : index
    %swap3A_243 = tpu.vector_load %arg9[%swap3A_241, %swap3A_242] {strides = array<i32>} : memref<16x128xf32, #tpu.memory_space<vmem>>, vector<1x16xf32>,
    %swap3A_244 = vector.shape_cast %swap3A_243 : vector<1x16xf32> to vector<16xf32>
    %swap3A_245 = vector.shape_cast %broadcast_in_dim3A_0 : vector<16xf32> to vector<1x16xf32>
    tpu.vector_store %arg9[%swap3A_241, %swap3A_242], %swap3A_245 {strides = array<i32>} : memref<16x128xf32, #tpu.memory_space<vmem>>, vector<1x16xf32>,
    %swap3A_246 = arith.constant 5 : i32
    %swap3A_247 = arith.index_cast %swap3A_246 : i32 to index
    %swap3A_248 = arith.constant 16 : index
    %swap3A_249 = tpu.vector_load %arg9[%swap3A_247, %swap3A_248] {strides = array<i32>} : memref<16x128xf32, #tpu.memory_space<vmem>>, vector<1x16xf32>,
    %swap3A_250 = vector.shape_cast %swap3A_249 : vector<1x16xf32> to vector<16xf32>
    %swap3A_251 = vector.shape_cast %broadcast_in_dim3A_0 : vector<16xf32> to vector<1x16xf32>
    tpu.vector_store %arg9[%swap3A_247, %swap3A_248], %swap3A_251 {strides = array<i32>} : memref<16x128xf32, #tpu.memory_space<vmem>>, vector<1x16xf32>,
    %swap3A_252 = arith.constant 5 : i32
    %swap3A_253 = arith.index_cast %swap3A_252 : i32 to index
    %swap3A_254 = arith.constant 32 : index
    %swap3A_255 = tpu.vector_load %arg9[%swap3A_253, %swap3A_254] {strides = array<i32>} : memref<16x128xf32, #tpu.memory_space<vmem>>, vector<1x16xf32>,
    %swap3A_256 = vector.shape_cast %swap3A_255 : vector<1x16xf32> to vector<16xf32>
    %swap3A_257 = vector.shape_cast %broadcast_in_dim3A_0 : vector<16xf32> to vector<1x16xf32>
    tpu.vector_store %arg9[%swap3A_253, %swap3A_254], %swap3A_257 {strides = array<i32>} : memref<16x128xf32, #tpu.memory_space<vmem>>, vector<1x16xf32>,
    %swap3A_258 = arith.constant 5 : i32
    %swap3A_259 = arith.index_cast %swap3A_258 : i32 to index
    %swap3A_260 = arith.constant 48 : index
    %swap3A_261 = tpu.vector_load %arg9[%swap3A_259, %swap3A_260] {strides = array<i32>} : memref<16x128xf32, #tpu.memory_space<vmem>>, vector<1x16xf32>,
    %swap3A_262 = vector.shape_cast %swap3A_261 : vector<1x16xf32> to vector<16xf32>
    %swap3A_263 = vector.shape_cast %broadcast_in_dim3A_0 : vector<16xf32> to vector<1x16xf32>
    tpu.vector_store %arg9[%swap3A_259, %swap3A_260], %swap3A_263 {strides = array<i32>} : memref<16x128xf32, #tpu.memory_space<vmem>>, vector<1x16xf32>,
    %swap3A_264 = arith.constant 5 : i32
    %swap3A_265 = arith.index_cast %swap3A_264 : i32 to index
    %swap3A_266 = arith.constant 64 : index
    %swap3A_267 = tpu.vector_load %arg9[%swap3A_265, %swap3A_266] {strides = array<i32>} : memref<16x128xf32, #tpu.memory_space<vmem>>, vector<1x16xf32>,
    %swap3A_268 = vector.shape_cast %swap3A_267 : vector<1x16xf32> to vector<16xf32>
    %swap3A_269 = vector.shape_cast %broadcast_in_dim3A_0 : vector<16xf32> to vector<1x16xf32>
    tpu.vector_store %arg9[%swap3A_265, %swap3A_266], %swap3A_269 {strides = array<i32>} : memref<16x128xf32, #tpu.memory_space<vmem>>, vector<1x16xf32>,
    %swap3A_270 = arith.constant 5 : i32
    %swap3A_271 = arith.index_cast %swap3A_270 : i32 to index
    %swap3A_272 = arith.constant 80 : index
    %swap3A_273 = tpu.vector_load %arg9[%swap3A_271, %swap3A_272] {strides = array<i32>} : memref<16x128xf32, #tpu.memory_space<vmem>>, vector<1x16xf32>,
    %swap3A_274 = vector.shape_cast %swap3A_273 : vector<1x16xf32> to vector<16xf32>
    %swap3A_275 = vector.shape_cast %broadcast_in_dim3A_0 : vector<16xf32> to vector<1x16xf32>
    tpu.vector_store %arg9[%swap3A_271, %swap3A_272], %swap3A_275 {strides = array<i32>} : memref<16x128xf32, #tpu.memory_space<vmem>>, vector<1x16xf32>,
    %swap3A_276 = arith.constant 5 : i32
    %swap3A_277 = arith.index_cast %swap3A_276 : i32 to index
    %swap3A_278 = arith.constant 96 : index
    %swap3A_279 = tpu.vector_load %arg9[%swap3A_277, %swap3A_278] {strides = array<i32>} : memref<16x128xf32, #tpu.memory_space<vmem>>, vector<1x16xf32>,
    %swap3A_280 = vector.shape_cast %swap3A_279 : vector<1x16xf32> to vector<16xf32>
    %swap3A_281 = vector.shape_cast %broadcast_in_dim3A_0 : vector<16xf32> to vector<1x16xf32>
    tpu.vector_store %arg9[%swap3A_277, %swap3A_278], %swap3A_281 {strides = array<i32>} : memref<16x128xf32, #tpu.memory_space<vmem>>, vector<1x16xf32>,
    %swap3A_282 = arith.constant 5 : i32
    %swap3A_283 = arith.index_cast %swap3A_282 : i32 to index
    %swap3A_284 = arith.constant 112 : index
    %swap3A_285 = tpu.vector_load %arg9[%swap3A_283, %swap3A_284] {strides = array<i32>} : memref<16x128xf32, #tpu.memory_space<vmem>>, vector<1x16xf32>,
    %swap3A_286 = vector.shape_cast %swap3A_285 : vector<1x16xf32> to vector<16xf32>
    %swap3A_287 = vector.shape_cast %broadcast_in_dim3A_0 : vector<16xf32> to vector<1x16xf32>
    tpu.vector_store %arg9[%swap3A_283, %swap3A_284], %swap3A_287 {strides = array<i32>} : memref<16x128xf32, #tpu.memory_space<vmem>>, vector<1x16xf32>,
    %swap3A_288 = arith.constant 6 : i32
    %swap3A_289 = arith.index_cast %swap3A_288 : i32 to index
    %swap3A_290 = arith.constant 0 : index
    %swap3A_291 = tpu.vector_load %arg9[%swap3A_289, %swap3A_290] {strides = array<i32>} : memref<16x128xf32, #tpu.memory_space<vmem>>, vector<1x16xf32>,
    %swap3A_292 = vector.shape_cast %swap3A_291 : vector<1x16xf32> to vector<16xf32>
    %swap3A_293 = vector.shape_cast %broadcast_in_dim3A_0 : vector<16xf32> to vector<1x16xf32>
    tpu.vector_store %arg9[%swap3A_289, %swap3A_290], %swap3A_293 {strides = array<i32>} : memref<16x128xf32, #tpu.memory_space<vmem>>, vector<1x16xf32>,
    %swap3A_294 = arith.constant 6 : i32
    %swap3A_295 = arith.index_cast %swap3A_294 : i32 to index
    %swap3A_296 = arith.constant 16 : index
    %swap3A_297 = tpu.vector_load %arg9[%swap3A_295, %swap3A_296] {strides = array<i32>} : memref<16x128xf32, #tpu.memory_space<vmem>>, vector<1x16xf32>,
    %swap3A_298 = vector.shape_cast %swap3A_297 : vector<1x16xf32> to vector<16xf32>
    %swap3A_299 = vector.shape_cast %broadcast_in_dim3A_0 : vector<16xf32> to vector<1x16xf32>
    tpu.vector_store %arg9[%swap3A_295, %swap3A_296], %swap3A_299 {strides = array<i32>} : memref<16x128xf32, #tpu.memory_space<vmem>>, vector<1x16xf32>,
    %swap3A_300 = arith.constant 6 : i32
    %swap3A_301 = arith.index_cast %swap3A_300 : i32 to index
    %swap3A_302 = arith.constant 32 : index
    %swap3A_303 = tpu.vector_load %arg9[%swap3A_301, %swap3A_302] {strides = array<i32>} : memref<16x128xf32, #tpu.memory_space<vmem>>, vector<1x16xf32>,
    %swap3A_304 = vector.shape_cast %swap3A_303 : vector<1x16xf32> to vector<16xf32>
    %swap3A_305 = vector.shape_cast %broadcast_in_dim3A_0 : vector<16xf32> to vector<1x16xf32>
    tpu.vector_store %arg9[%swap3A_301, %swap3A_302], %swap3A_305 {strides = array<i32>} : memref<16x128xf32, #tpu.memory_space<vmem>>, vector<1x16xf32>,
    %swap3A_306 = arith.constant 6 : i32
    %swap3A_307 = arith.index_cast %swap3A_306 : i32 to index
    %swap3A_308 = arith.constant 48 : index
    %swap3A_309 = tpu.vector_load %arg9[%swap3A_307, %swap3A_308] {strides = array<i32>} : memref<16x128xf32, #tpu.memory_space<vmem>>, vector<1x16xf32>,
    %swap3A_310 = vector.shape_cast %swap3A_309 : vector<1x16xf32> to vector<16xf32>
    %swap3A_311 = vector.shape_cast %broadcast_in_dim3A_0 : vector<16xf32> to vector<1x16xf32>
    tpu.vector_store %arg9[%swap3A_307, %swap3A_308], %swap3A_311 {strides = array<i32>} : memref<16x128xf32, #tpu.memory_space<vmem>>, vector<1x16xf32>,
    %swap3A_312 = arith.constant 6 : i32
    %swap3A_313 = arith.index_cast %swap3A_312 : i32 to index
    %swap3A_314 = arith.constant 64 : index
    %swap3A_315 = tpu.vector_load %arg9[%swap3A_313, %swap3A_314] {strides = array<i32>} : memref<16x128xf32, #tpu.memory_space<vmem>>, vector<1x16xf32>,
    %swap3A_316 = vector.shape_cast %swap3A_315 : vector<1x16xf32> to vector<16xf32>
    %swap3A_317 = vector.shape_cast %broadcast_in_dim3A_0 : vector<16xf32> to vector<1x16xf32>
    tpu.vector_store %arg9[%swap3A_313, %swap3A_314], %swap3A_317 {strides = array<i32>} : memref<16x128xf32, #tpu.memory_space<vmem>>, vector<1x16xf32>,
    %swap3A_318 = arith.constant 6 : i32
    %swap3A_319 = arith.index_cast %swap3A_318 : i32 to index
    %swap3A_320 = arith.constant 80 : index
    %swap3A_321 = tpu.vector_load %arg9[%swap3A_319, %swap3A_320] {strides = array<i32>} : memref<16x128xf32, #tpu.memory_space<vmem>>, vector<1x16xf32>,
    %swap3A_322 = vector.shape_cast %swap3A_321 : vector<1x16xf32> to vector<16xf32>
    %swap3A_323 = vector.shape_cast %broadcast_in_dim3A_0 : vector<16xf32> to vector<1x16xf32>
    tpu.vector_store %arg9[%swap3A_319, %swap3A_320], %swap3A_323 {strides = array<i32>} : memref<16x128xf32, #tpu.memory_space<vmem>>, vector<1x16xf32>,
    %swap3A_324 = arith.constant 6 : i32
    %swap3A_325 = arith.index_cast %swap3A_324 : i32 to index
    %swap3A_326 = arith.constant 96 : index
    %swap3A_327 = tpu.vector_load %arg9[%swap3A_325, %swap3A_326] {strides = array<i32>} : memref<16x128xf32, #tpu.memory_space<vmem>>, vector<1x16xf32>,
    %swap3A_328 = vector.shape_cast %swap3A_327 : vector<1x16xf32> to vector<16xf32>
    %swap3A_329 = vector.shape_cast %broadcast_in_dim3A_0 : vector<16xf32> to vector<1x16xf32>
    tpu.vector_store %arg9[%swap3A_325, %swap3A_326], %swap3A_329 {strides = array<i32>} : memref<16x128xf32, #tpu.memory_space<vmem>>, vector<1x16xf32>,
    %swap3A_330 = arith.constant 6 : i32
    %swap3A_331 = arith.index_cast %swap3A_330 : i32 to index
    %swap3A_332 = arith.constant 112 : index
    %swap3A_333 = tpu.vector_load %arg9[%swap3A_331, %swap3A_332] {strides = array<i32>} : memref<16x128xf32, #tpu.memory_space<vmem>>, vector<1x16xf32>,
    %swap3A_334 = vector.shape_cast %swap3A_333 : vector<1x16xf32> to vector<16xf32>
    %swap3A_335 = vector.shape_cast %broadcast_in_dim3A_0 : vector<16xf32> to vector<1x16xf32>
    tpu.vector_store %arg9[%swap3A_331, %swap3A_332], %swap3A_335 {strides = array<i32>} : memref<16x128xf32, #tpu.memory_space<vmem>>, vector<1x16xf32>,
    %swap3A_336 = arith.constant 7 : i32
    %swap3A_337 = arith.index_cast %swap3A_336 : i32 to index
    %swap3A_338 = arith.constant 0 : index
    %swap3A_339 = tpu.vector_load %arg9[%swap3A_337, %swap3A_338] {strides = array<i32>} : memref<16x128xf32, #tpu.memory_space<vmem>>, vector<1x16xf32>,
    %swap3A_340 = vector.shape_cast %swap3A_339 : vector<1x16xf32> to vector<16xf32>
    %swap3A_341 = vector.shape_cast %broadcast_in_dim3A_0 : vector<16xf32> to vector<1x16xf32>
    tpu.vector_store %arg9[%swap3A_337, %swap3A_338], %swap3A_341 {strides = array<i32>} : memref<16x128xf32, #tpu.memory_space<vmem>>, vector<1x16xf32>,
    %swap3A_342 = arith.constant 7 : i32
    %swap3A_343 = arith.index_cast %swap3A_342 : i32 to index
    %swap3A_344 = arith.constant 16 : index
    %swap3A_345 = tpu.vector_load %arg9[%swap3A_343, %swap3A_344] {strides = array<i32>} : memref<16x128xf32, #tpu.memory_space<vmem>>, vector<1x16xf32>,
    %swap3A_346 = vector.shape_cast %swap3A_345 : vector<1x16xf32> to vector<16xf32>
    %swap3A_347 = vector.shape_cast %broadcast_in_dim3A_0 : vector<16xf32> to vector<1x16xf32>
    tpu.vector_store %arg9[%swap3A_343, %swap3A_344], %swap3A_347 {strides = array<i32>} : memref<16x128xf32, #tpu.memory_space<vmem>>, vector<1x16xf32>,
    %swap3A_348 = arith.constant 7 : i32
    %swap3A_349 = arith.index_cast %swap3A_348 : i32 to index
    %swap3A_350 = arith.constant 32 : index
    %swap3A_351 = tpu.vector_load %arg9[%swap3A_349, %swap3A_350] {strides = array<i32>} : memref<16x128xf32, #tpu.memory_space<vmem>>, vector<1x16xf32>,
    %swap3A_352 = vector.shape_cast %swap3A_351 : vector<1x16xf32> to vector<16xf32>
    %swap3A_353 = vector.shape_cast %broadcast_in_dim3A_0 : vector<16xf32> to vector<1x16xf32>
    tpu.vector_store %arg9[%swap3A_349, %swap3A_350], %swap3A_353 {strides = array<i32>} : memref<16x128xf32, #tpu.memory_space<vmem>>, vector<1x16xf32>,
    %swap3A_354 = arith.constant 7 : i32
    %swap3A_355 = arith.index_cast %swap3A_354 : i32 to index
    %swap3A_356 = arith.constant 48 : index
    %swap3A_357 = tpu.vector_load %arg9[%swap3A_355, %swap3A_356] {strides = array<i32>} : memref<16x128xf32, #tpu.memory_space<vmem>>, vector<1x16xf32>,
    %swap3A_358 = vector.shape_cast %swap3A_357 : vector<1x16xf32> to vector<16xf32>
    %swap3A_359 = vector.shape_cast %broadcast_in_dim3A_0 : vector<16xf32> to vector<1x16xf32>
    tpu.vector_store %arg9[%swap3A_355, %swap3A_356], %swap3A_359 {strides = array<i32>} : memref<16x128xf32, #tpu.memory_space<vmem>>, vector<1x16xf32>,
    %swap3A_360 = arith.constant 7 : i32
    %swap3A_361 = arith.index_cast %swap3A_360 : i32 to index
    %swap3A_362 = arith.constant 64 : index
    %swap3A_363 = tpu.vector_load %arg9[%swap3A_361, %swap3A_362] {strides = array<i32>} : memref<16x128xf32, #tpu.memory_space<vmem>>, vector<1x16xf32>,
    %swap3A_364 = vector.shape_cast %swap3A_363 : vector<1x16xf32> to vector<16xf32>
    %swap3A_365 = vector.shape_cast %broadcast_in_dim3A_0 : vector<16xf32> to vector<1x16xf32>
    tpu.vector_store %arg9[%swap3A_361, %swap3A_362], %swap3A_365 {strides = array<i32>} : memref<16x128xf32, #tpu.memory_space<vmem>>, vector<1x16xf32>,
    %swap3A_366 = arith.constant 7 : i32
    %swap3A_367 = arith.index_cast %swap3A_366 : i32 to index
    %swap3A_368 = arith.constant 80 : index
    %swap3A_369 = tpu.vector_load %arg9[%swap3A_367, %swap3A_368] {strides = array<i32>} : memref<16x128xf32, #tpu.memory_space<vmem>>, vector<1x16xf32>,
    %swap3A_370 = vector.shape_cast %swap3A_369 : vector<1x16xf32> to vector<16xf32>
    %swap3A_371 = vector.shape_cast %broadcast_in_dim3A_0 : vector<16xf32> to vector<1x16xf32>
    tpu.vector_store %arg9[%swap3A_367, %swap3A_368], %swap3A_371 {strides = array<i32>} : memref<16x128xf32, #tpu.memory_space<vmem>>, vector<1x16xf32>,
    %swap3A_372 = arith.constant 7 : i32
    %swap3A_373 = arith.index_cast %swap3A_372 : i32 to index
    %swap3A_374 = arith.constant 96 : index
    %swap3A_375 = tpu.vector_load %arg9[%swap3A_373, %swap3A_374] {strides = array<i32>} : memref<16x128xf32, #tpu.memory_space<vmem>>, vector<1x16xf32>,
    %swap3A_376 = vector.shape_cast %swap3A_375 : vector<1x16xf32> to vector<16xf32>
    %swap3A_377 = vector.shape_cast %broadcast_in_dim3A_0 : vector<16xf32> to vector<1x16xf32>
    tpu.vector_store %arg9[%swap3A_373, %swap3A_374], %swap3A_377 {strides = array<i32>} : memref<16x128xf32, #tpu.memory_space<vmem>>, vector<1x16xf32>,
    %swap3A_378 = arith.constant 7 : i32
    %swap3A_379 = arith.index_cast %swap3A_378 : i32 to index
    %swap3A_380 = arith.constant 112 : index
    %swap3A_381 = tpu.vector_load %arg9[%swap3A_379, %swap3A_380] {strides = array<i32>} : memref<16x128xf32, #tpu.memory_space<vmem>>, vector<1x16xf32>,
    %swap3A_382 = vector.shape_cast %swap3A_381 : vector<1x16xf32> to vector<16xf32>
    %swap3A_383 = vector.shape_cast %broadcast_in_dim3A_0 : vector<16xf32> to vector<1x16xf32>
    tpu.vector_store %arg9[%swap3A_379, %swap3A_380], %swap3A_383 {strides = array<i32>} : memref<16x128xf32, #tpu.memory_space<vmem>>, vector<1x16xf32>,
    %swap3A_384 = arith.constant 8 : i32
    %swap3A_385 = arith.index_cast %swap3A_384 : i32 to index
    %swap3A_386 = arith.constant 0 : index
    %swap3A_387 = tpu.vector_load %arg9[%swap3A_385, %swap3A_386] {strides = array<i32>} : memref<16x128xf32, #tpu.memory_space<vmem>>, vector<1x16xf32>,
    %swap3A_388 = vector.shape_cast %swap3A_387 : vector<1x16xf32> to vector<16xf32>
    %swap3A_389 = vector.shape_cast %broadcast_in_dim3A_0 : vector<16xf32> to vector<1x16xf32>
    tpu.vector_store %arg9[%swap3A_385, %swap3A_386], %swap3A_389 {strides = array<i32>} : memref<16x128xf32, #tpu.memory_space<vmem>>, vector<1x16xf32>,
    %swap3A_390 = arith.constant 8 : i32
    %swap3A_391 = arith.index_cast %swap3A_390 : i32 to index
    %swap3A_392 = arith.constant 16 : index
    %swap3A_393 = tpu.vector_load %arg9[%swap3A_391, %swap3A_392] {strides = array<i32>} : memref<16x128xf32, #tpu.memory_space<vmem>>, vector<1x16xf32>,
    %swap3A_394 = vector.shape_cast %swap3A_393 : vector<1x16xf32> to vector<16xf32>
    %swap3A_395 = vector.shape_cast %broadcast_in_dim3A_0 : vector<16xf32> to vector<1x16xf32>
    tpu.vector_store %arg9[%swap3A_391, %swap3A_392], %swap3A_395 {strides = array<i32>} : memref<16x128xf32, #tpu.memory_space<vmem>>, vector<1x16xf32>,
    %swap3A_396 = arith.constant 8 : i32
    %swap3A_397 = arith.index_cast %swap3A_396 : i32 to index
    %swap3A_398 = arith.constant 32 : index
    %swap3A_399 = tpu.vector_load %arg9[%swap3A_397, %swap3A_398] {strides = array<i32>} : memref<16x128xf32, #tpu.memory_space<vmem>>, vector<1x16xf32>,
    %swap3A_400 = vector.shape_cast %swap3A_399 : vector<1x16xf32> to vector<16xf32>
    %swap3A_401 = vector.shape_cast %broadcast_in_dim3A_0 : vector<16xf32> to vector<1x16xf32>
    tpu.vector_store %arg9[%swap3A_397, %swap3A_398], %swap3A_401 {strides = array<i32>} : memref<16x128xf32, #tpu.memory_space<vmem>>, vector<1x16xf32>,
    %swap3A_402 = arith.constant 8 : i32
    %swap3A_403 = arith.index_cast %swap3A_402 : i32 to index
    %swap3A_404 = arith.constant 48 : index
    %swap3A_405 = tpu.vector_load %arg9[%swap3A_403, %swap3A_404] {strides = array<i32>} : memref<16x128xf32, #tpu.memory_space<vmem>>, vector<1x16xf32>,
    %swap3A_406 = vector.shape_cast %swap3A_405 : vector<1x16xf32> to vector<16xf32>
    %swap3A_407 = vector.shape_cast %broadcast_in_dim3A_0 : vector<16xf32> to vector<1x16xf32>
    tpu.vector_store %arg9[%swap3A_403, %swap3A_404], %swap3A_407 {strides = array<i32>} : memref<16x128xf32, #tpu.memory_space<vmem>>, vector<1x16xf32>,
    %swap3A_408 = arith.constant 8 : i32
    %swap3A_409 = arith.index_cast %swap3A_408 : i32 to index
    %swap3A_410 = arith.constant 64 : index
    %swap3A_411 = tpu.vector_load %arg9[%swap3A_409, %swap3A_410] {strides = array<i32>} : memref<16x128xf32, #tpu.memory_space<vmem>>, vector<1x16xf32>,
    %swap3A_412 = vector.shape_cast %swap3A_411 : vector<1x16xf32> to vector<16xf32>
    %swap3A_413 = vector.shape_cast %broadcast_in_dim3A_0 : vector<16xf32> to vector<1x16xf32>
    tpu.vector_store %arg9[%swap3A_409, %swap3A_410], %swap3A_413 {strides = array<i32>} : memref<16x128xf32, #tpu.memory_space<vmem>>, vector<1x16xf32>,
    %swap3A_414 = arith.constant 8 : i32
    %swap3A_415 = arith.index_cast %swap3A_414 : i32 to index
    %swap3A_416 = arith.constant 80 : index
    %swap3A_417 = tpu.vector_load %arg9[%swap3A_415, %swap3A_416] {strides = array<i32>} : memref<16x128xf32, #tpu.memory_space<vmem>>, vector<1x16xf32>,
    %swap3A_418 = vector.shape_cast %swap3A_417 : vector<1x16xf32> to vector<16xf32>
    %swap3A_419 = vector.shape_cast %broadcast_in_dim3A_0 : vector<16xf32> to vector<1x16xf32>
    tpu.vector_store %arg9[%swap3A_415, %swap3A_416], %swap3A_419 {strides = array<i32>} : memref<16x128xf32, #tpu.memory_space<vmem>>, vector<1x16xf32>,
    %swap3A_420 = arith.constant 8 : i32
    %swap3A_421 = arith.index_cast %swap3A_420 : i32 to index
    %swap3A_422 = arith.constant 96 : index
    %swap3A_423 = tpu.vector_load %arg9[%swap3A_421, %swap3A_422] {strides = array<i32>} : memref<16x128xf32, #tpu.memory_space<vmem>>, vector<1x16xf32>,
    %swap3A_424 = vector.shape_cast %swap3A_423 : vector<1x16xf32> to vector<16xf32>
    %swap3A_425 = vector.shape_cast %broadcast_in_dim3A_0 : vector<16xf32> to vector<1x16xf32>
    tpu.vector_store %arg9[%swap3A_421, %swap3A_422], %swap3A_425 {strides = array<i32>} : memref<16x128xf32, #tpu.memory_space<vmem>>, vector<1x16xf32>,
    %swap3A_426 = arith.constant 8 : i32
    %swap3A_427 = arith.index_cast %swap3A_426 : i32 to index
    %swap3A_428 = arith.constant 112 : index
    %swap3A_429 = tpu.vector_load %arg9[%swap3A_427, %swap3A_428] {strides = array<i32>} : memref<16x128xf32, #tpu.memory_space<vmem>>, vector<1x16xf32>,
    %swap3A_430 = vector.shape_cast %swap3A_429 : vector<1x16xf32> to vector<16xf32>
    %swap3A_431 = vector.shape_cast %broadcast_in_dim3A_0 : vector<16xf32> to vector<1x16xf32>
    tpu.vector_store %arg9[%swap3A_427, %swap3A_428], %swap3A_431 {strides = array<i32>} : memref<16x128xf32, #tpu.memory_space<vmem>>, vector<1x16xf32>,
    %swap3A_432 = arith.constant 9 : i32
    %swap3A_433 = arith.index_cast %swap3A_432 : i32 to index
    %swap3A_434 = arith.constant 0 : index
    %swap3A_435 = tpu.vector_load %arg9[%swap3A_433, %swap3A_434] {strides = array<i32>} : memref<16x128xf32, #tpu.memory_space<vmem>>, vector<1x16xf32>,
    %swap3A_436 = vector.shape_cast %swap3A_435 : vector<1x16xf32> to vector<16xf32>
    %swap3A_437 = vector.shape_cast %broadcast_in_dim3A_0 : vector<16xf32> to vector<1x16xf32>
    tpu.vector_store %arg9[%swap3A_433, %swap3A_434], %swap3A_437 {strides = array<i32>} : memref<16x128xf32, #tpu.memory_space<vmem>>, vector<1x16xf32>,
    %swap3A_438 = arith.constant 9 : i32
    %swap3A_439 = arith.index_cast %swap3A_438 : i32 to index
    %swap3A_440 = arith.constant 16 : index
    %swap3A_441 = tpu.vector_load %arg9[%swap3A_439, %swap3A_440] {strides = array<i32>} : memref<16x128xf32, #tpu.memory_space<vmem>>, vector<1x16xf32>,
    %swap3A_442 = vector.shape_cast %swap3A_441 : vector<1x16xf32> to vector<16xf32>
    %swap3A_443 = vector.shape_cast %broadcast_in_dim3A_0 : vector<16xf32> to vector<1x16xf32>
    tpu.vector_store %arg9[%swap3A_439, %swap3A_440], %swap3A_443 {strides = array<i32>} : memref<16x128xf32, #tpu.memory_space<vmem>>, vector<1x16xf32>,
    %swap3A_444 = arith.constant 9 : i32
    %swap3A_445 = arith.index_cast %swap3A_444 : i32 to index
    %swap3A_446 = arith.constant 32 : index
    %swap3A_447 = tpu.vector_load %arg9[%swap3A_445, %swap3A_446] {strides = array<i32>} : memref<16x128xf32, #tpu.memory_space<vmem>>, vector<1x16xf32>,
    %swap3A_448 = vector.shape_cast %swap3A_447 : vector<1x16xf32> to vector<16xf32>
    %swap3A_449 = vector.shape_cast %broadcast_in_dim3A_0 : vector<16xf32> to vector<1x16xf32>
    tpu.vector_store %arg9[%swap3A_445, %swap3A_446], %swap3A_449 {strides = array<i32>} : memref<16x128xf32, #tpu.memory_space<vmem>>, vector<1x16xf32>,
    %swap3A_450 = arith.constant 9 : i32
    %swap3A_451 = arith.index_cast %swap3A_450 : i32 to index
    %swap3A_452 = arith.constant 48 : index
    %swap3A_453 = tpu.vector_load %arg9[%swap3A_451, %swap3A_452] {strides = array<i32>} : memref<16x128xf32, #tpu.memory_space<vmem>>, vector<1x16xf32>,
    %swap3A_454 = vector.shape_cast %swap3A_453 : vector<1x16xf32> to vector<16xf32>
    %swap3A_455 = vector.shape_cast %broadcast_in_dim3A_0 : vector<16xf32> to vector<1x16xf32>
    tpu.vector_store %arg9[%swap3A_451, %swap3A_452], %swap3A_455 {strides = array<i32>} : memref<16x128xf32, #tpu.memory_space<vmem>>, vector<1x16xf32>,
    %swap3A_456 = arith.constant 9 : i32
    %swap3A_457 = arith.index_cast %swap3A_456 : i32 to index
    %swap3A_458 = arith.constant 64 : index
    %swap3A_459 = tpu.vector_load %arg9[%swap3A_457, %swap3A_458] {strides = array<i32>} : memref<16x128xf32, #tpu.memory_space<vmem>>, vector<1x16xf32>,
    %swap3A_460 = vector.shape_cast %swap3A_459 : vector<1x16xf32> to vector<16xf32>
    %swap3A_461 = vector.shape_cast %broadcast_in_dim3A_0 : vector<16xf32> to vector<1x16xf32>
    tpu.vector_store %arg9[%swap3A_457, %swap3A_458], %swap3A_461 {strides = array<i32>} : memref<16x128xf32, #tpu.memory_space<vmem>>, vector<1x16xf32>,
    %swap3A_462 = arith.constant 9 : i32
    %swap3A_463 = arith.index_cast %swap3A_462 : i32 to index
    %swap3A_464 = arith.constant 80 : index
    %swap3A_465 = tpu.vector_load %arg9[%swap3A_463, %swap3A_464] {strides = array<i32>} : memref<16x128xf32, #tpu.memory_space<vmem>>, vector<1x16xf32>,
    %swap3A_466 = vector.shape_cast %swap3A_465 : vector<1x16xf32> to vector<16xf32>
    %swap3A_467 = vector.shape_cast %broadcast_in_dim3A_0 : vector<16xf32> to vector<1x16xf32>
    tpu.vector_store %arg9[%swap3A_463, %swap3A_464], %swap3A_467 {strides = array<i32>} : memref<16x128xf32, #tpu.memory_space<vmem>>, vector<1x16xf32>,
    %swap3A_468 = arith.constant 9 : i32
    %swap3A_469 = arith.index_cast %swap3A_468 : i32 to index
    %swap3A_470 = arith.constant 96 : index
    %swap3A_471 = tpu.vector_load %arg9[%swap3A_469, %swap3A_470] {strides = array<i32>} : memref<16x128xf32, #tpu.memory_space<vmem>>, vector<1x16xf32>,
    %swap3A_472 = vector.shape_cast %swap3A_471 : vector<1x16xf32> to vector<16xf32>
    %swap3A_473 = vector.shape_cast %broadcast_in_dim3A_0 : vector<16xf32> to vector<1x16xf32>
    tpu.vector_store %arg9[%swap3A_469, %swap3A_470], %swap3A_473 {strides = array<i32>} : memref<16x128xf32, #tpu.memory_space<vmem>>, vector<1x16xf32>,
    %swap3A_474 = arith.constant 9 : i32
    %swap3A_475 = arith.index_cast %swap3A_474 : i32 to index
    %swap3A_476 = arith.constant 112 : index
    %swap3A_477 = tpu.vector_load %arg9[%swap3A_475, %swap3A_476] {strides = array<i32>} : memref<16x128xf32, #tpu.memory_space<vmem>>, vector<1x16xf32>,
    %swap3A_478 = vector.shape_cast %swap3A_477 : vector<1x16xf32> to vector<16xf32>
    %swap3A_479 = vector.shape_cast %broadcast_in_dim3A_0 : vector<16xf32> to vector<1x16xf32>
    tpu.vector_store %arg9[%swap3A_475, %swap3A_476], %swap3A_479 {strides = array<i32>} : memref<16x128xf32, #tpu.memory_space<vmem>>, vector<1x16xf32>,
    %swap3A_480 = arith.constant 10 : i32
    %swap3A_481 = arith.index_cast %swap3A_480 : i32 to index
    %swap3A_482 = arith.constant 0 : index
    %swap3A_483 = tpu.vector_load %arg9[%swap3A_481, %swap3A_482] {strides = array<i32>} : memref<16x128xf32, #tpu.memory_space<vmem>>, vector<1x16xf32>,
    %swap3A_484 = vector.shape_cast %swap3A_483 : vector<1x16xf32> to vector<16xf32>
    %swap3A_485 = vector.shape_cast %broadcast_in_dim3A_0 : vector<16xf32> to vector<1x16xf32>
    tpu.vector_store %arg9[%swap3A_481, %swap3A_482], %swap3A_485 {strides = array<i32>} : memref<16x128xf32, #tpu.memory_space<vmem>>, vector<1x16xf32>,
    %swap3A_486 = arith.constant 10 : i32
    %swap3A_487 = arith.index_cast %swap3A_486 : i32 to index
    %swap3A_488 = arith.constant 16 : index
    %swap3A_489 = tpu.vector_load %arg9[%swap3A_487, %swap3A_488] {strides = array<i32>} : memref<16x128xf32, #tpu.memory_space<vmem>>, vector<1x16xf32>,
    %swap3A_490 = vector.shape_cast %swap3A_489 : vector<1x16xf32> to vector<16xf32>
    %swap3A_491 = vector.shape_cast %broadcast_in_dim3A_0 : vector<16xf32> to vector<1x16xf32>
    tpu.vector_store %arg9[%swap3A_487, %swap3A_488], %swap3A_491 {strides = array<i32>} : memref<16x128xf32, #tpu.memory_space<vmem>>, vector<1x16xf32>,
    %swap3A_492 = arith.constant 10 : i32
    %swap3A_493 = arith.index_cast %swap3A_492 : i32 to index
    %swap3A_494 = arith.constant 32 : index
    %swap3A_495 = tpu.vector_load %arg9[%swap3A_493, %swap3A_494] {strides = array<i32>} : memref<16x128xf32, #tpu.memory_space<vmem>>, vector<1x16xf32>,
    %swap3A_496 = vector.shape_cast %swap3A_495 : vector<1x16xf32> to vector<16xf32>
    %swap3A_497 = vector.shape_cast %broadcast_in_dim3A_0 : vector<16xf32> to vector<1x16xf32>
    tpu.vector_store %arg9[%swap3A_493, %swap3A_494], %swap3A_497 {strides = array<i32>} : memref<16x128xf32, #tpu.memory_space<vmem>>, vector<1x16xf32>,
    %swap3A_498 = arith.constant 10 : i32
    %swap3A_499 = arith.index_cast %swap3A_498 : i32 to index
    %swap3A_500 = arith.constant 48 : index
    %swap3A_501 = tpu.vector_load %arg9[%swap3A_499, %swap3A_500] {strides = array<i32>} : memref<16x128xf32, #tpu.memory_space<vmem>>, vector<1x16xf32>,
    %swap3A_502 = vector.shape_cast %swap3A_501 : vector<1x16xf32> to vector<16xf32>
    %swap3A_503 = vector.shape_cast %broadcast_in_dim3A_0 : vector<16xf32> to vector<1x16xf32>
    tpu.vector_store %arg9[%swap3A_499, %swap3A_500], %swap3A_503 {strides = array<i32>} : memref<16x128xf32, #tpu.memory_space<vmem>>, vector<1x16xf32>,
    %swap3A_504 = arith.constant 10 : i32
    %swap3A_505 = arith.index_cast %swap3A_504 : i32 to index
    %swap3A_506 = arith.constant 64 : index
    %swap3A_507 = tpu.vector_load %arg9[%swap3A_505, %swap3A_506] {strides = array<i32>} : memref<16x128xf32, #tpu.memory_space<vmem>>, vector<1x16xf32>,
    %swap3A_508 = vector.shape_cast %swap3A_507 : vector<1x16xf32> to vector<16xf32>
    %swap3A_509 = vector.shape_cast %broadcast_in_dim3A_0 : vector<16xf32> to vector<1x16xf32>
    tpu.vector_store %arg9[%swap3A_505, %swap3A_506], %swap3A_509 {strides = array<i32>} : memref<16x128xf32, #tpu.memory_space<vmem>>, vector<1x16xf32>,
    %swap3A_510 = arith.constant 10 : i32
    %swap3A_511 = arith.index_cast %swap3A_510 : i32 to index
    %swap3A_512 = arith.constant 80 : index
    %swap3A_513 = tpu.vector_load %arg9[%swap3A_511, %swap3A_512] {strides = array<i32>} : memref<16x128xf32, #tpu.memory_space<vmem>>, vector<1x16xf32>,
    %swap3A_514 = vector.shape_cast %swap3A_513 : vector<1x16xf32> to vector<16xf32>
    %swap3A_515 = vector.shape_cast %broadcast_in_dim3A_0 : vector<16xf32> to vector<1x16xf32>
    tpu.vector_store %arg9[%swap3A_511, %swap3A_512], %swap3A_515 {strides = array<i32>} : memref<16x128xf32, #tpu.memory_space<vmem>>, vector<1x16xf32>,
    %swap3A_516 = arith.constant 10 : i32
    %swap3A_517 = arith.index_cast %swap3A_516 : i32 to index
    %swap3A_518 = arith.constant 96 : index
    %swap3A_519 = tpu.vector_load %arg9[%swap3A_517, %swap3A_518] {strides = array<i32>} : memref<16x128xf32, #tpu.memory_space<vmem>>, vector<1x16xf32>,
    %swap3A_520 = vector.shape_cast %swap3A_519 : vector<1x16xf32> to vector<16xf32>
    %swap3A_521 = vector.shape_cast %broadcast_in_dim3A_0 : vector<16xf32> to vector<1x16xf32>
    tpu.vector_store %arg9[%swap3A_517, %swap3A_518], %swap3A_521 {strides = array<i32>} : memref<16x128xf32, #tpu.memory_space<vmem>>, vector<1x16xf32>,
    %swap3A_522 = arith.constant 10 : i32
    %swap3A_523 = arith.index_cast %swap3A_522 : i32 to index
    %swap3A_524 = arith.constant 112 : index
    %swap3A_525 = tpu.vector_load %arg9[%swap3A_523, %swap3A_524] {strides = array<i32>} : memref<16x128xf32, #tpu.memory_space<vmem>>, vector<1x16xf32>,
    %swap3A_526 = vector.shape_cast %swap3A_525 : vector<1x16xf32> to vector<16xf32>
    %swap3A_527 = vector.shape_cast %broadcast_in_dim3A_0 : vector<16xf32> to vector<1x16xf32>
    tpu.vector_store %arg9[%swap3A_523, %swap3A_524], %swap3A_527 {strides = array<i32>} : memref<16x128xf32, #tpu.memory_space<vmem>>, vector<1x16xf32>,
    %swap3A_528 = arith.constant 11 : i32
    %swap3A_529 = arith.index_cast %swap3A_528 : i32 to index
    %swap3A_530 = arith.constant 0 : index
    %swap3A_531 = tpu.vector_load %arg9[%swap3A_529, %swap3A_530] {strides = array<i32>} : memref<16x128xf32, #tpu.memory_space<vmem>>, vector<1x16xf32>,
    %swap3A_532 = vector.shape_cast %swap3A_531 : vector<1x16xf32> to vector<16xf32>
    %swap3A_533 = vector.shape_cast %broadcast_in_dim3A_0 : vector<16xf32> to vector<1x16xf32>
    tpu.vector_store %arg9[%swap3A_529, %swap3A_530], %swap3A_533 {strides = array<i32>} : memref<16x128xf32, #tpu.memory_space<vmem>>, vector<1x16xf32>,
    %swap3A_534 = arith.constant 11 : i32
    %swap3A_535 = arith.index_cast %swap3A_534 : i32 to index
    %swap3A_536 = arith.constant 16 : index
    %swap3A_537 = tpu.vector_load %arg9[%swap3A_535, %swap3A_536] {strides = array<i32>} : memref<16x128xf32, #tpu.memory_space<vmem>>, vector<1x16xf32>,
    %swap3A_538 = vector.shape_cast %swap3A_537 : vector<1x16xf32> to vector<16xf32>
    %swap3A_539 = vector.shape_cast %broadcast_in_dim3A_0 : vector<16xf32> to vector<1x16xf32>
    tpu.vector_store %arg9[%swap3A_535, %swap3A_536], %swap3A_539 {strides = array<i32>} : memref<16x128xf32, #tpu.memory_space<vmem>>, vector<1x16xf32>,
    %swap3A_540 = arith.constant 11 : i32
    %swap3A_541 = arith.index_cast %swap3A_540 : i32 to index
    %swap3A_542 = arith.constant 32 : index
    %swap3A_543 = tpu.vector_load %arg9[%swap3A_541, %swap3A_542] {strides = array<i32>} : memref<16x128xf32, #tpu.memory_space<vmem>>, vector<1x16xf32>,
    %swap3A_544 = vector.shape_cast %swap3A_543 : vector<1x16xf32> to vector<16xf32>
    %swap3A_545 = vector.shape_cast %broadcast_in_dim3A_0 : vector<16xf32> to vector<1x16xf32>
    tpu.vector_store %arg9[%swap3A_541, %swap3A_542], %swap3A_545 {strides = array<i32>} : memref<16x128xf32, #tpu.memory_space<vmem>>, vector<1x16xf32>,
    %swap3A_546 = arith.constant 11 : i32
    %swap3A_547 = arith.index_cast %swap3A_546 : i32 to index
    %swap3A_548 = arith.constant 48 : index
    %swap3A_549 = tpu.vector_load %arg9[%swap3A_547, %swap3A_548] {strides = array<i32>} : memref<16x128xf32, #tpu.memory_space<vmem>>, vector<1x16xf32>,
    %swap3A_550 = vector.shape_cast %swap3A_549 : vector<1x16xf32> to vector<16xf32>
    %swap3A_551 = vector.shape_cast %broadcast_in_dim3A_0 : vector<16xf32> to vector<1x16xf32>
    tpu.vector_store %arg9[%swap3A_547, %swap3A_548], %swap3A_551 {strides = array<i32>} : memref<16x128xf32, #tpu.memory_space<vmem>>, vector<1x16xf32>,
    %swap3A_552 = arith.constant 11 : i32
    %swap3A_553 = arith.index_cast %swap3A_552 : i32 to index
    %swap3A_554 = arith.constant 64 : index
    %swap3A_555 = tpu.vector_load %arg9[%swap3A_553, %swap3A_554] {strides = array<i32>} : memref<16x128xf32, #tpu.memory_space<vmem>>, vector<1x16xf32>,
    %swap3A_556 = vector.shape_cast %swap3A_555 : vector<1x16xf32> to vector<16xf32>
    %swap3A_557 = vector.shape_cast %broadcast_in_dim3A_0 : vector<16xf32> to vector<1x16xf32>
    tpu.vector_store %arg9[%swap3A_553, %swap3A_554], %swap3A_557 {strides = array<i32>} : memref<16x128xf32, #tpu.memory_space<vmem>>, vector<1x16xf32>,
    %swap3A_558 = arith.constant 11 : i32
    %swap3A_559 = arith.index_cast %swap3A_558 : i32 to index
    %swap3A_560 = arith.constant 80 : index
    %swap3A_561 = tpu.vector_load %arg9[%swap3A_559, %swap3A_560] {strides = array<i32>} : memref<16x128xf32, #tpu.memory_space<vmem>>, vector<1x16xf32>,
    %swap3A_562 = vector.shape_cast %swap3A_561 : vector<1x16xf32> to vector<16xf32>
    %swap3A_563 = vector.shape_cast %broadcast_in_dim3A_0 : vector<16xf32> to vector<1x16xf32>
    tpu.vector_store %arg9[%swap3A_559, %swap3A_560], %swap3A_563 {strides = array<i32>} : memref<16x128xf32, #tpu.memory_space<vmem>>, vector<1x16xf32>,
    %swap3A_564 = arith.constant 11 : i32
    %swap3A_565 = arith.index_cast %swap3A_564 : i32 to index
    %swap3A_566 = arith.constant 96 : index
    %swap3A_567 = tpu.vector_load %arg9[%swap3A_565, %swap3A_566] {strides = array<i32>} : memref<16x128xf32, #tpu.memory_space<vmem>>, vector<1x16xf32>,
    %swap3A_568 = vector.shape_cast %swap3A_567 : vector<1x16xf32> to vector<16xf32>
    %swap3A_569 = vector.shape_cast %broadcast_in_dim3A_0 : vector<16xf32> to vector<1x16xf32>
    tpu.vector_store %arg9[%swap3A_565, %swap3A_566], %swap3A_569 {strides = array<i32>} : memref<16x128xf32, #tpu.memory_space<vmem>>, vector<1x16xf32>,
    %swap3A_570 = arith.constant 11 : i32
    %swap3A_571 = arith.index_cast %swap3A_570 : i32 to index
    %swap3A_572 = arith.constant 112 : index
    %swap3A_573 = tpu.vector_load %arg9[%swap3A_571, %swap3A_572] {strides = array<i32>} : memref<16x128xf32, #tpu.memory_space<vmem>>, vector<1x16xf32>,
    %swap3A_574 = vector.shape_cast %swap3A_573 : vector<1x16xf32> to vector<16xf32>
    %swap3A_575 = vector.shape_cast %broadcast_in_dim3A_0 : vector<16xf32> to vector<1x16xf32>
    tpu.vector_store %arg9[%swap3A_571, %swap3A_572], %swap3A_575 {strides = array<i32>} : memref<16x128xf32, #tpu.memory_space<vmem>>, vector<1x16xf32>,
    %swap3A_576 = arith.constant 12 : i32
    %swap3A_577 = arith.index_cast %swap3A_576 : i32 to index
    %swap3A_578 = arith.constant 0 : index
    %swap3A_579 = tpu.vector_load %arg9[%swap3A_577, %swap3A_578] {strides = array<i32>} : memref<16x128xf32, #tpu.memory_space<vmem>>, vector<1x16xf32>,
    %swap3A_580 = vector.shape_cast %swap3A_579 : vector<1x16xf32> to vector<16xf32>
    %swap3A_581 = vector.shape_cast %broadcast_in_dim3A_0 : vector<16xf32> to vector<1x16xf32>
    tpu.vector_store %arg9[%swap3A_577, %swap3A_578], %swap3A_581 {strides = array<i32>} : memref<16x128xf32, #tpu.memory_space<vmem>>, vector<1x16xf32>,
    %swap3A_582 = arith.constant 12 : i32
    %swap3A_583 = arith.index_cast %swap3A_582 : i32 to index
    %swap3A_584 = arith.constant 16 : index
    %swap3A_585 = tpu.vector_load %arg9[%swap3A_583, %swap3A_584] {strides = array<i32>} : memref<16x128xf32, #tpu.memory_space<vmem>>, vector<1x16xf32>,
    %swap3A_586 = vector.shape_cast %swap3A_585 : vector<1x16xf32> to vector<16xf32>
    %swap3A_587 = vector.shape_cast %broadcast_in_dim3A_0 : vector<16xf32> to vector<1x16xf32>
    tpu.vector_store %arg9[%swap3A_583, %swap3A_584], %swap3A_587 {strides = array<i32>} : memref<16x128xf32, #tpu.memory_space<vmem>>, vector<1x16xf32>,
    %swap3A_588 = arith.constant 12 : i32
    %swap3A_589 = arith.index_cast %swap3A_588 : i32 to index
    %swap3A_590 = arith.constant 32 : index
    %swap3A_591 = tpu.vector_load %arg9[%swap3A_589, %swap3A_590] {strides = array<i32>} : memref<16x128xf32, #tpu.memory_space<vmem>>, vector<1x16xf32>,
    %swap3A_592 = vector.shape_cast %swap3A_591 : vector<1x16xf32> to vector<16xf32>
    %swap3A_593 = vector.shape_cast %broadcast_in_dim3A_0 : vector<16xf32> to vector<1x16xf32>
    tpu.vector_store %arg9[%swap3A_589, %swap3A_590], %swap3A_593 {strides = array<i32>} : memref<16x128xf32, #tpu.memory_space<vmem>>, vector<1x16xf32>,
    %swap3A_594 = arith.constant 12 : i32
    %swap3A_595 = arith.index_cast %swap3A_594 : i32 to index
    %swap3A_596 = arith.constant 48 : index
    %swap3A_597 = tpu.vector_load %arg9[%swap3A_595, %swap3A_596] {strides = array<i32>} : memref<16x128xf32, #tpu.memory_space<vmem>>, vector<1x16xf32>,
    %swap3A_598 = vector.shape_cast %swap3A_597 : vector<1x16xf32> to vector<16xf32>
    %swap3A_599 = vector.shape_cast %broadcast_in_dim3A_0 : vector<16xf32> to vector<1x16xf32>
    tpu.vector_store %arg9[%swap3A_595, %swap3A_596], %swap3A_599 {strides = array<i32>} : memref<16x128xf32, #tpu.memory_space<vmem>>, vector<1x16xf32>,
    %swap3A_600 = arith.constant 12 : i32
    %swap3A_601 = arith.index_cast %swap3A_600 : i32 to index
    %swap3A_602 = arith.constant 64 : index
    %swap3A_603 = tpu.vector_load %arg9[%swap3A_601, %swap3A_602] {strides = array<i32>} : memref<16x128xf32, #tpu.memory_space<vmem>>, vector<1x16xf32>,
    %swap3A_604 = vector.shape_cast %swap3A_603 : vector<1x16xf32> to vector<16xf32>
    %swap3A_605 = vector.shape_cast %broadcast_in_dim3A_0 : vector<16xf32> to vector<1x16xf32>
    tpu.vector_store %arg9[%swap3A_601, %swap3A_602], %swap3A_605 {strides = array<i32>} : memref<16x128xf32, #tpu.memory_space<vmem>>, vector<1x16xf32>,
    %swap3A_606 = arith.constant 12 : i32
    %swap3A_607 = arith.index_cast %swap3A_606 : i32 to index
    %swap3A_608 = arith.constant 80 : index
    %swap3A_609 = tpu.vector_load %arg9[%swap3A_607, %swap3A_608] {strides = array<i32>} : memref<16x128xf32, #tpu.memory_space<vmem>>, vector<1x16xf32>,
    %swap3A_610 = vector.shape_cast %swap3A_609 : vector<1x16xf32> to vector<16xf32>
    %swap3A_611 = vector.shape_cast %broadcast_in_dim3A_0 : vector<16xf32> to vector<1x16xf32>
    tpu.vector_store %arg9[%swap3A_607, %swap3A_608], %swap3A_611 {strides = array<i32>} : memref<16x128xf32, #tpu.memory_space<vmem>>, vector<1x16xf32>,
    %swap3A_612 = arith.constant 12 : i32
    %swap3A_613 = arith.index_cast %swap3A_612 : i32 to index
    %swap3A_614 = arith.constant 96 : index
    %swap3A_615 = tpu.vector_load %arg9[%swap3A_613, %swap3A_614] {strides = array<i32>} : memref<16x128xf32, #tpu.memory_space<vmem>>, vector<1x16xf32>,
    %swap3A_616 = vector.shape_cast %swap3A_615 : vector<1x16xf32> to vector<16xf32>
    %swap3A_617 = vector.shape_cast %broadcast_in_dim3A_0 : vector<16xf32> to vector<1x16xf32>
    tpu.vector_store %arg9[%swap3A_613, %swap3A_614], %swap3A_617 {strides = array<i32>} : memref<16x128xf32, #tpu.memory_space<vmem>>, vector<1x16xf32>,
    %swap3A_618 = arith.constant 12 : i32
    %swap3A_619 = arith.index_cast %swap3A_618 : i32 to index
    %swap3A_620 = arith.constant 112 : index
    %swap3A_621 = tpu.vector_load %arg9[%swap3A_619, %swap3A_620] {strides = array<i32>} : memref<16x128xf32, #tpu.memory_space<vmem>>, vector<1x16xf32>,
    %swap3A_622 = vector.shape_cast %swap3A_621 : vector<1x16xf32> to vector<16xf32>
    %swap3A_623 = vector.shape_cast %broadcast_in_dim3A_0 : vector<16xf32> to vector<1x16xf32>
    tpu.vector_store %arg9[%swap3A_619, %swap3A_620], %swap3A_623 {strides = array<i32>} : memref<16x128xf32, #tpu.memory_space<vmem>>, vector<1x16xf32>,
    %swap3A_624 = arith.constant 13 : i32
    %swap3A_625 = arith.index_cast %swap3A_624 : i32 to index
    %swap3A_626 = arith.constant 0 : index
    %swap3A_627 = tpu.vector_load %arg9[%swap3A_625, %swap3A_626] {strides = array<i32>} : memref<16x128xf32, #tpu.memory_space<vmem>>, vector<1x16xf32>,
    %swap3A_628 = vector.shape_cast %swap3A_627 : vector<1x16xf32> to vector<16xf32>
    %swap3A_629 = vector.shape_cast %broadcast_in_dim3A_0 : vector<16xf32> to vector<1x16xf32>
    tpu.vector_store %arg9[%swap3A_625, %swap3A_626], %swap3A_629 {strides = array<i32>} : memref<16x128xf32, #tpu.memory_space<vmem>>, vector<1x16xf32>,
    %swap3A_630 = arith.constant 13 : i32
    %swap3A_631 = arith.index_cast %swap3A_630 : i32 to index
    %swap3A_632 = arith.constant 16 : index
    %swap3A_633 = tpu.vector_load %arg9[%swap3A_631, %swap3A_632] {strides = array<i32>} : memref<16x128xf32, #tpu.memory_space<vmem>>, vector<1x16xf32>,
    %swap3A_634 = vector.shape_cast %swap3A_633 : vector<1x16xf32> to vector<16xf32>
    %swap3A_635 = vector.shape_cast %broadcast_in_dim3A_0 : vector<16xf32> to vector<1x16xf32>
    tpu.vector_store %arg9[%swap3A_631, %swap3A_632], %swap3A_635 {strides = array<i32>} : memref<16x128xf32, #tpu.memory_space<vmem>>, vector<1x16xf32>,
    %swap3A_636 = arith.constant 13 : i32
    %swap3A_637 = arith.index_cast %swap3A_636 : i32 to index
    %swap3A_638 = arith.constant 32 : index
    %swap3A_639 = tpu.vector_load %arg9[%swap3A_637, %swap3A_638] {strides = array<i32>} : memref<16x128xf32, #tpu.memory_space<vmem>>, vector<1x16xf32>,
    %swap3A_640 = vector.shape_cast %swap3A_639 : vector<1x16xf32> to vector<16xf32>
    %swap3A_641 = vector.shape_cast %broadcast_in_dim3A_0 : vector<16xf32> to vector<1x16xf32>
    tpu.vector_store %arg9[%swap3A_637, %swap3A_638], %swap3A_641 {strides = array<i32>} : memref<16x128xf32, #tpu.memory_space<vmem>>, vector<1x16xf32>,
    %swap3A_642 = arith.constant 13 : i32
    %swap3A_643 = arith.index_cast %swap3A_642 : i32 to index
    %swap3A_644 = arith.constant 48 : index
    %swap3A_645 = tpu.vector_load %arg9[%swap3A_643, %swap3A_644] {strides = array<i32>} : memref<16x128xf32, #tpu.memory_space<vmem>>, vector<1x16xf32>,
    %swap3A_646 = vector.shape_cast %swap3A_645 : vector<1x16xf32> to vector<16xf32>
    %swap3A_647 = vector.shape_cast %broadcast_in_dim3A_0 : vector<16xf32> to vector<1x16xf32>
    tpu.vector_store %arg9[%swap3A_643, %swap3A_644], %swap3A_647 {strides = array<i32>} : memref<16x128xf32, #tpu.memory_space<vmem>>, vector<1x16xf32>,
    %swap3A_648 = arith.constant 13 : i32
    %swap3A_649 = arith.index_cast %swap3A_648 : i32 to index
    %swap3A_650 = arith.constant 64 : index
    %swap3A_651 = tpu.vector_load %arg9[%swap3A_649, %swap3A_650] {strides = array<i32>} : memref<16x128xf32, #tpu.memory_space<vmem>>, vector<1x16xf32>,
    %swap3A_652 = vector.shape_cast %swap3A_651 : vector<1x16xf32> to vector<16xf32>
    %swap3A_653 = vector.shape_cast %broadcast_in_dim3A_0 : vector<16xf32> to vector<1x16xf32>
    tpu.vector_store %arg9[%swap3A_649, %swap3A_650], %swap3A_653 {strides = array<i32>} : memref<16x128xf32, #tpu.memory_space<vmem>>, vector<1x16xf32>,
    %swap3A_654 = arith.constant 13 : i32
    %swap3A_655 = arith.index_cast %swap3A_654 : i32 to index
    %swap3A_656 = arith.constant 80 : index
    %swap3A_657 = tpu.vector_load %arg9[%swap3A_655, %swap3A_656] {strides = array<i32>} : memref<16x128xf32, #tpu.memory_space<vmem>>, vector<1x16xf32>,
    %swap3A_658 = vector.shape_cast %swap3A_657 : vector<1x16xf32> to vector<16xf32>
    %swap3A_659 = vector.shape_cast %broadcast_in_dim3A_0 : vector<16xf32> to vector<1x16xf32>
    tpu.vector_store %arg9[%swap3A_655, %swap3A_656], %swap3A_659 {strides = array<i32>} : memref<16x128xf32, #tpu.memory_space<vmem>>, vector<1x16xf32>,
    %swap3A_660 = arith.constant 13 : i32
    %swap3A_661 = arith.index_cast %swap3A_660 : i32 to index
    %swap3A_662 = arith.constant 96 : index
    %swap3A_663 = tpu.vector_load %arg9[%swap3A_661, %swap3A_662] {strides = array<i32>} : memref<16x128xf32, #tpu.memory_space<vmem>>, vector<1x16xf32>,
    %swap3A_664 = vector.shape_cast %swap3A_663 : vector<1x16xf32> to vector<16xf32>
    %swap3A_665 = vector.shape_cast %broadcast_in_dim3A_0 : vector<16xf32> to vector<1x16xf32>
    tpu.vector_store %arg9[%swap3A_661, %swap3A_662], %swap3A_665 {strides = array<i32>} : memref<16x128xf32, #tpu.memory_space<vmem>>, vector<1x16xf32>,
    %swap3A_666 = arith.constant 13 : i32
    %swap3A_667 = arith.index_cast %swap3A_666 : i32 to index
    %swap3A_668 = arith.constant 112 : index
    %swap3A_669 = tpu.vector_load %arg9[%swap3A_667, %swap3A_668] {strides = array<i32>} : memref<16x128xf32, #tpu.memory_space<vmem>>, vector<1x16xf32>,
    %swap3A_670 = vector.shape_cast %swap3A_669 : vector<1x16xf32> to vector<16xf32>
    %swap3A_671 = vector.shape_cast %broadcast_in_dim3A_0 : vector<16xf32> to vector<1x16xf32>
    tpu.vector_store %arg9[%swap3A_667, %swap3A_668], %swap3A_671 {strides = array<i32>} : memref<16x128xf32, #tpu.memory_space<vmem>>, vector<1x16xf32>,
    %swap3A_672 = arith.constant 14 : i32
    %swap3A_673 = arith.index_cast %swap3A_672 : i32 to index
    %swap3A_674 = arith.constant 0 : index
    %swap3A_675 = tpu.vector_load %arg9[%swap3A_673, %swap3A_674] {strides = array<i32>} : memref<16x128xf32, #tpu.memory_space<vmem>>, vector<1x16xf32>,
    %swap3A_676 = vector.shape_cast %swap3A_675 : vector<1x16xf32> to vector<16xf32>
    %swap3A_677 = vector.shape_cast %broadcast_in_dim3A_0 : vector<16xf32> to vector<1x16xf32>
    tpu.vector_store %arg9[%swap3A_673, %swap3A_674], %swap3A_677 {strides = array<i32>} : memref<16x128xf32, #tpu.memory_space<vmem>>, vector<1x16xf32>,
    %swap3A_678 = arith.constant 14 : i32
    %swap3A_679 = arith.index_cast %swap3A_678 : i32 to index
    %swap3A_680 = arith.constant 16 : index
    %swap3A_681 = tpu.vector_load %arg9[%swap3A_679, %swap3A_680] {strides = array<i32>} : memref<16x128xf32, #tpu.memory_space<vmem>>, vector<1x16xf32>,
    %swap3A_682 = vector.shape_cast %swap3A_681 : vector<1x16xf32> to vector<16xf32>
    %swap3A_683 = vector.shape_cast %broadcast_in_dim3A_0 : vector<16xf32> to vector<1x16xf32>
    tpu.vector_store %arg9[%swap3A_679, %swap3A_680], %swap3A_683 {strides = array<i32>} : memref<16x128xf32, #tpu.memory_space<vmem>>, vector<1x16xf32>,
    %swap3A_684 = arith.constant 14 : i32
    %swap3A_685 = arith.index_cast %swap3A_684 : i32 to index
    %swap3A_686 = arith.constant 32 : index
    %swap3A_687 = tpu.vector_load %arg9[%swap3A_685, %swap3A_686] {strides = array<i32>} : memref<16x128xf32, #tpu.memory_space<vmem>>, vector<1x16xf32>,
    %swap3A_688 = vector.shape_cast %swap3A_687 : vector<1x16xf32> to vector<16xf32>
    %swap3A_689 = vector.shape_cast %broadcast_in_dim3A_0 : vector<16xf32> to vector<1x16xf32>
    tpu.vector_store %arg9[%swap3A_685, %swap3A_686], %swap3A_689 {strides = array<i32>} : memref<16x128xf32, #tpu.memory_space<vmem>>, vector<1x16xf32>,
    %swap3A_690 = arith.constant 14 : i32
    %swap3A_691 = arith.index_cast %swap3A_690 : i32 to index
    %swap3A_692 = arith.constant 48 : index
    %swap3A_693 = tpu.vector_load %arg9[%swap3A_691, %swap3A_692] {strides = array<i32>} : memref<16x128xf32, #tpu.memory_space<vmem>>, vector<1x16xf32>,
    %swap3A_694 = vector.shape_cast %swap3A_693 : vector<1x16xf32> to vector<16xf32>
    %swap3A_695 = vector.shape_cast %broadcast_in_dim3A_0 : vector<16xf32> to vector<1x16xf32>
    tpu.vector_store %arg9[%swap3A_691, %swap3A_692], %swap3A_695 {strides = array<i32>} : memref<16x128xf32, #tpu.memory_space<vmem>>, vector<1x16xf32>,
    %swap3A_696 = arith.constant 14 : i32
    %swap3A_697 = arith.index_cast %swap3A_696 : i32 to index
    %swap3A_698 = arith.constant 64 : index
    %swap3A_699 = tpu.vector_load %arg9[%swap3A_697, %swap3A_698] {strides = array<i32>} : memref<16x128xf32, #tpu.memory_space<vmem>>, vector<1x16xf32>,
    %swap3A_700 = vector.shape_cast %swap3A_699 : vector<1x16xf32> to vector<16xf32>
    %swap3A_701 = vector.shape_cast %broadcast_in_dim3A_0 : vector<16xf32> to vector<1x16xf32>
    tpu.vector_store %arg9[%swap3A_697, %swap3A_698], %swap3A_701 {strides = array<i32>} : memref<16x128xf32, #tpu.memory_space<vmem>>, vector<1x16xf32>,
    %swap3A_702 = arith.constant 14 : i32
    %swap3A_703 = arith.index_cast %swap3A_702 : i32 to index
    %swap3A_704 = arith.constant 80 : index
    %swap3A_705 = tpu.vector_load %arg9[%swap3A_703, %swap3A_704] {strides = array<i32>} : memref<16x128xf32, #tpu.memory_space<vmem>>, vector<1x16xf32>,
    %swap3A_706 = vector.shape_cast %swap3A_705 : vector<1x16xf32> to vector<16xf32>
    %swap3A_707 = vector.shape_cast %broadcast_in_dim3A_0 : vector<16xf32> to vector<1x16xf32>
    tpu.vector_store %arg9[%swap3A_703, %swap3A_704], %swap3A_707 {strides = array<i32>} : memref<16x128xf32, #tpu.memory_space<vmem>>, vector<1x16xf32>,
    %swap3A_708 = arith.constant 14 : i32
    %swap3A_709 = arith.index_cast %swap3A_708 : i32 to index
    %swap3A_710 = arith.constant 96 : index
    %swap3A_711 = tpu.vector_load %arg9[%swap3A_709, %swap3A_710] {strides = array<i32>} : memref<16x128xf32, #tpu.memory_space<vmem>>, vector<1x16xf32>,
    %swap3A_712 = vector.shape_cast %swap3A_711 : vector<1x16xf32> to vector<16xf32>
    %swap3A_713 = vector.shape_cast %broadcast_in_dim3A_0 : vector<16xf32> to vector<1x16xf32>
    tpu.vector_store %arg9[%swap3A_709, %swap3A_710], %swap3A_713 {strides = array<i32>} : memref<16x128xf32, #tpu.memory_space<vmem>>, vector<1x16xf32>,
    %swap3A_714 = arith.constant 14 : i32
    %swap3A_715 = arith.index_cast %swap3A_714 : i32 to index
    %swap3A_716 = arith.constant 112 : index
    %swap3A_717 = tpu.vector_load %arg9[%swap3A_715, %swap3A_716] {strides = array<i32>} : memref<16x128xf32, #tpu.memory_space<vmem>>, vector<1x16xf32>,
    %swap3A_718 = vector.shape_cast %swap3A_717 : vector<1x16xf32> to vector<16xf32>
    %swap3A_719 = vector.shape_cast %broadcast_in_dim3A_0 : vector<16xf32> to vector<1x16xf32>
    tpu.vector_store %arg9[%swap3A_715, %swap3A_716], %swap3A_719 {strides = array<i32>} : memref<16x128xf32, #tpu.memory_space<vmem>>, vector<1x16xf32>,
    %swap3A_720 = arith.constant 15 : i32
    %swap3A_721 = arith.index_cast %swap3A_720 : i32 to index
    %swap3A_722 = arith.constant 0 : index
    %swap3A_723 = tpu.vector_load %arg9[%swap3A_721, %swap3A_722] {strides = array<i32>} : memref<16x128xf32, #tpu.memory_space<vmem>>, vector<1x16xf32>,
    %swap3A_724 = vector.shape_cast %swap3A_723 : vector<1x16xf32> to vector<16xf32>
    %swap3A_725 = vector.shape_cast %broadcast_in_dim3A_0 : vector<16xf32> to vector<1x16xf32>
    tpu.vector_store %arg9[%swap3A_721, %swap3A_722], %swap3A_725 {strides = array<i32>} : memref<16x128xf32, #tpu.memory_space<vmem>>, vector<1x16xf32>,
    %swap3A_726 = arith.constant 15 : i32
    %swap3A_727 = arith.index_cast %swap3A_726 : i32 to index
    %swap3A_728 = arith.constant 16 : index
    %swap3A_729 = tpu.vector_load %arg9[%swap3A_727, %swap3A_728] {strides = array<i32>} : memref<16x128xf32, #tpu.memory_space<vmem>>, vector<1x16xf32>,
    %swap3A_730 = vector.shape_cast %swap3A_729 : vector<1x16xf32> to vector<16xf32>
    %swap3A_731 = vector.shape_cast %broadcast_in_dim3A_0 : vector<16xf32> to vector<1x16xf32>
    tpu.vector_store %arg9[%swap3A_727, %swap3A_728], %swap3A_731 {strides = array<i32>} : memref<16x128xf32, #tpu.memory_space<vmem>>, vector<1x16xf32>,
    %swap3A_732 = arith.constant 15 : i32
    %swap3A_733 = arith.index_cast %swap3A_732 : i32 to index
    %swap3A_734 = arith.constant 32 : index
    %swap3A_735 = tpu.vector_load %arg9[%swap3A_733, %swap3A_734] {strides = array<i32>} : memref<16x128xf32, #tpu.memory_space<vmem>>, vector<1x16xf32>,
    %swap3A_736 = vector.shape_cast %swap3A_735 : vector<1x16xf32> to vector<16xf32>
    %swap3A_737 = vector.shape_cast %broadcast_in_dim3A_0 : vector<16xf32> to vector<1x16xf32>
    tpu.vector_store %arg9[%swap3A_733, %swap3A_734], %swap3A_737 {strides = array<i32>} : memref<16x128xf32, #tpu.memory_space<vmem>>, vector<1x16xf32>,
    %swap3A_738 = arith.constant 15 : i32
    %swap3A_739 = arith.index_cast %swap3A_738 : i32 to index
    %swap3A_740 = arith.constant 48 : index
    %swap3A_741 = tpu.vector_load %arg9[%swap3A_739, %swap3A_740] {strides = array<i32>} : memref<16x128xf32, #tpu.memory_space<vmem>>, vector<1x16xf32>,
    %swap3A_742 = vector.shape_cast %swap3A_741 : vector<1x16xf32> to vector<16xf32>
    %swap3A_743 = vector.shape_cast %broadcast_in_dim3A_0 : vector<16xf32> to vector<1x16xf32>
    tpu.vector_store %arg9[%swap3A_739, %swap3A_740], %swap3A_743 {strides = array<i32>} : memref<16x128xf32, #tpu.memory_space<vmem>>, vector<1x16xf32>,
    %swap3A_744 = arith.constant 15 : i32
    %swap3A_745 = arith.index_cast %swap3A_744 : i32 to index
    %swap3A_746 = arith.constant 64 : index
    %swap3A_747 = tpu.vector_load %arg9[%swap3A_745, %swap3A_746] {strides = array<i32>} : memref<16x128xf32, #tpu.memory_space<vmem>>, vector<1x16xf32>,
    %swap3A_748 = vector.shape_cast %swap3A_747 : vector<1x16xf32> to vector<16xf32>
    %swap3A_749 = vector.shape_cast %broadcast_in_dim3A_0 : vector<16xf32> to vector<1x16xf32>
    tpu.vector_store %arg9[%swap3A_745, %swap3A_746], %swap3A_749 {strides = array<i32>} : memref<16x128xf32, #tpu.memory_space<vmem>>, vector<1x16xf32>,
    %swap3A_750 = arith.constant 15 : i32
    %swap3A_751 = arith.index_cast %swap3A_750 : i32 to index
    %swap3A_752 = arith.constant 80 : index
    %swap3A_753 = tpu.vector_load %arg9[%swap3A_751, %swap3A_752] {strides = array<i32>} : memref<16x128xf32, #tpu.memory_space<vmem>>, vector<1x16xf32>,
    %swap3A_754 = vector.shape_cast %swap3A_753 : vector<1x16xf32> to vector<16xf32>
    %swap3A_755 = vector.shape_cast %broadcast_in_dim3A_0 : vector<16xf32> to vector<1x16xf32>
    tpu.vector_store %arg9[%swap3A_751, %swap3A_752], %swap3A_755 {strides = array<i32>} : memref<16x128xf32, #tpu.memory_space<vmem>>, vector<1x16xf32>,
    %swap3A_756 = arith.constant 15 : i32
    %swap3A_757 = arith.index_cast %swap3A_756 : i32 to index
    %swap3A_758 = arith.constant 96 : index
    %swap3A_759 = tpu.vector_load %arg9[%swap3A_757, %swap3A_758] {strides = array<i32>} : memref<16x128xf32, #tpu.memory_space<vmem>>, vector<1x16xf32>,
    %swap3A_760 = vector.shape_cast %swap3A_759 : vector<1x16xf32> to vector<16xf32>
    %swap3A_761 = vector.shape_cast %broadcast_in_dim3A_0 : vector<16xf32> to vector<1x16xf32>
    tpu.vector_store %arg9[%swap3A_757, %swap3A_758], %swap3A_761 {strides = array<i32>} : memref<16x128xf32, #tpu.memory_space<vmem>>, vector<1x16xf32>,
    %swap3A_762 = arith.constant 15 : i32
    %swap3A_763 = arith.index_cast %swap3A_762 : i32 to index
    %swap3A_764 = arith.constant 112 : index
    %swap3A_765 = tpu.vector_load %arg9[%swap3A_763, %swap3A_764] {strides = array<i32>} : memref<16x128xf32, #tpu.memory_space<vmem>>, vector<1x16xf32>,
    %swap3A_766 = vector.shape_cast %swap3A_765 : vector<1x16xf32> to vector<16xf32>
    %swap3A_767 = vector.shape_cast %broadcast_in_dim3A_0 : vector<16xf32> to vector<1x16xf32>
    tpu.vector_store %arg9[%swap3A_763, %swap3A_764], %swap3A_767 {strides = array<i32>} : memref<16x128xf32, #tpu.memory_space<vmem>>, vector<1x16xf32>,
    %scan3A = arith.constant 0 : i32
    %scan3A_768 = arith.constant 0 : i32
    %scan3A_769 = arith.constant 40 : i32
    %scan3A_770 = arith.addi %scan3A_768, %scan3A_769 : i32
    %scan3A_771 = arith.constant 1 : i32
    scf.for %scan3A_789 = %scan3A_768 to %scan3A_770 step %scan3A_771  : i32 {
      %mul3A_790 = arith.constant 640 : i32
      %mul3A_791 = arith.muli %arg1, %mul3A_790 : i32
      %mul3A_792 = arith.constant 16 : i32
      %mul3A_793 = arith.muli %scan3A_789, %mul3A_792 : i32
      %add3A = arith.addi %mul3A_791, %mul3A_793 : i32
      "tpu.region"() ({
        %run_scoped3A = tpu.sem_alloc : memref<!tpu.dma_semaphore, #tpu.memory_space<semaphore_mem>>
        %dma_start3A = arith.constant 0 : i32
        %dma_start3A_794 = tpu.memref_slice %arg10[%add3A, %dma_start3A] : memref<10240x128xf32, #tpu.memory_space<vmem_shared>> -> memref<16x128xf32, #tpu.memory_space<vmem_shared>>
        %dma_start3A_795 = arith.constant 0 : i32
        %dma_start3A_796 = tpu.memref_slice %arg10[%add3A, %dma_start3A_795] : memref<10240x128xf32, #tpu.memory_space<vmem_shared>> -> memref<16x128xf32, #tpu.memory_space<vmem_shared>>
        tpu.enqueue_dma source(%arg9 : memref<16x128xf32, #tpu.memory_space<vmem>>) target(%dma_start3A_796 : memref<16x128xf32, #tpu.memory_space<vmem_shared>>) target_semaphore(%run_scoped3A : memref<!tpu.dma_semaphore, #tpu.memory_space<semaphore_mem>>)
        %dma_wait3A = arith.constant 0 : i32
        %dma_wait3A_797 = tpu.memref_slice %arg10[%add3A, %dma_wait3A] : memref<10240x128xf32, #tpu.memory_space<vmem_shared>> -> memref<16x128xf32, #tpu.memory_space<vmem_shared>>
        %dma_wait3A_798 = arith.constant 0 : i32
        %dma_wait3A_799 = tpu.memref_slice %arg10[%add3A, %dma_wait3A_798] : memref<10240x128xf32, #tpu.memory_space<vmem_shared>> -> memref<16x128xf32, #tpu.memory_space<vmem_shared>>
        tpu.wait_dma2 semaphore(%run_scoped3A : memref<!tpu.dma_semaphore, #tpu.memory_space<semaphore_mem>>) src(%arg9 : memref<16x128xf32, #tpu.memory_space<vmem>>) dst(%dma_wait3A_799 : memref<16x128xf32, #tpu.memory_space<vmem_shared>>)
        tpu.yield
      }) : () -> ()
    }
    %scan3A_772 = arith.constant 40 : i32
    "tpu.region"() ({
      %run_scoped3A = tpu.sem_alloc : memref<!tpu.dma_semaphore, #tpu.memory_space<semaphore_mem>>
      %dma_start3A = arith.constant 0 : i32
      %dma_start3A_789 = arith.constant 0 : i32
      %dma_start3A_790 = tpu.memref_slice %arg3[%arg1, %dma_start3A, %dma_start3A_789] : memref<16x79x128xi32, #tpu.memory_space<hbm>> -> memref<1x79x128xi32, #tpu.memory_space<hbm>>
      %dma_start3A_791 = tpu.memref_squeeze %dma_start3A_790 : memref<1x79x128xi32, #tpu.memory_space<hbm>> -> memref<79x128xi32, #tpu.memory_space<hbm>>
      %dma_start3A_792 = arith.constant 0 : i32
      %dma_start3A_793 = arith.constant 0 : i32
      %dma_start3A_794 = tpu.memref_slice %arg3[%arg1, %dma_start3A_792, %dma_start3A_793] : memref<16x79x128xi32, #tpu.memory_space<hbm>> -> memref<1x79x128xi32, #tpu.memory_space<hbm>>
      %dma_start3A_795 = tpu.memref_squeeze %dma_start3A_794 : memref<1x79x128xi32, #tpu.memory_space<hbm>> -> memref<79x128xi32, #tpu.memory_space<hbm>>
      tpu.enqueue_dma source(%dma_start3A_795 : memref<79x128xi32, #tpu.memory_space<hbm>>) target(%arg6 : memref<79x128xi32, #tpu.memory_space<vmem>>) target_semaphore(%run_scoped3A : memref<!tpu.dma_semaphore, #tpu.memory_space<semaphore_mem>>)
      %dma_wait3A = arith.constant 0 : i32
      %dma_wait3A_796 = arith.constant 0 : i32
      %dma_wait3A_797 = tpu.memref_slice %arg3[%arg1, %dma_wait3A, %dma_wait3A_796] : memref<16x79x128xi32, #tpu.memory_space<hbm>> -> memref<1x79x128xi32, #tpu.memory_space<hbm>>
      %dma_wait3A_798 = tpu.memref_squeeze %dma_wait3A_797 : memref<1x79x128xi32, #tpu.memory_space<hbm>> -> memref<79x128xi32, #tpu.memory_space<hbm>>
      %dma_wait3A_799 = arith.constant 0 : i32
      %dma_wait3A_800 = arith.constant 0 : i32
      %dma_wait3A_801 = tpu.memref_slice %arg3[%arg1, %dma_wait3A_799, %dma_wait3A_800] : memref<16x79x128xi32, #tpu.memory_space<hbm>> -> memref<1x79x128xi32, #tpu.memory_space<hbm>>
      %dma_wait3A_802 = tpu.memref_squeeze %dma_wait3A_801 : memref<1x79x128xi32, #tpu.memory_space<hbm>> -> memref<79x128xi32, #tpu.memory_space<hbm>>
      tpu.wait_dma2 semaphore(%run_scoped3A : memref<!tpu.dma_semaphore, #tpu.memory_space<semaphore_mem>>) src(%dma_wait3A_802 : memref<79x128xi32, #tpu.memory_space<hbm>>) dst(%arg6 : memref<79x128xi32, #tpu.memory_space<vmem>>)
      tpu.yield
    }) : () -> ()
    "tpu.region"() ({
      %run_scoped3A = tpu.sem_alloc : memref<!tpu.dma_semaphore, #tpu.memory_space<semaphore_mem>>
      %dma_start3A = arith.constant 0 : i32
      %dma_start3A_789 = arith.constant 0 : i32
      %dma_start3A_790 = tpu.memref_slice %arg4[%arg1, %dma_start3A, %dma_start3A_789] : memref<16x79x128xi32, #tpu.memory_space<hbm>> -> memref<1x79x128xi32, #tpu.memory_space<hbm>>
      %dma_start3A_791 = tpu.memref_squeeze %dma_start3A_790 : memref<1x79x128xi32, #tpu.memory_space<hbm>> -> memref<79x128xi32, #tpu.memory_space<hbm>>
      %dma_start3A_792 = arith.constant 0 : i32
      %dma_start3A_793 = arith.constant 0 : i32
      %dma_start3A_794 = tpu.memref_slice %arg4[%arg1, %dma_start3A_792, %dma_start3A_793] : memref<16x79x128xi32, #tpu.memory_space<hbm>> -> memref<1x79x128xi32, #tpu.memory_space<hbm>>
      %dma_start3A_795 = tpu.memref_squeeze %dma_start3A_794 : memref<1x79x128xi32, #tpu.memory_space<hbm>> -> memref<79x128xi32, #tpu.memory_space<hbm>>
      tpu.enqueue_dma source(%dma_start3A_795 : memref<79x128xi32, #tpu.memory_space<hbm>>) target(%arg7 : memref<79x128xi32, #tpu.memory_space<vmem>>) target_semaphore(%run_scoped3A : memref<!tpu.dma_semaphore, #tpu.memory_space<semaphore_mem>>)
      %dma_wait3A = arith.constant 0 : i32
      %dma_wait3A_796 = arith.constant 0 : i32
      %dma_wait3A_797 = tpu.memref_slice %arg4[%arg1, %dma_wait3A, %dma_wait3A_796] : memref<16x79x128xi32, #tpu.memory_space<hbm>> -> memref<1x79x128xi32, #tpu.memory_space<hbm>>
      %dma_wait3A_798 = tpu.memref_squeeze %dma_wait3A_797 : memref<1x79x128xi32, #tpu.memory_space<hbm>> -> memref<79x128xi32, #tpu.memory_space<hbm>>
      %dma_wait3A_799 = arith.constant 0 : i32
      %dma_wait3A_800 = arith.constant 0 : i32
      %dma_wait3A_801 = tpu.memref_slice %arg4[%arg1, %dma_wait3A_799, %dma_wait3A_800] : memref<16x79x128xi32, #tpu.memory_space<hbm>> -> memref<1x79x128xi32, #tpu.memory_space<hbm>>
      %dma_wait3A_802 = tpu.memref_squeeze %dma_wait3A_801 : memref<1x79x128xi32, #tpu.memory_space<hbm>> -> memref<79x128xi32, #tpu.memory_space<hbm>>
      tpu.wait_dma2 semaphore(%run_scoped3A : memref<!tpu.dma_semaphore, #tpu.memory_space<semaphore_mem>>) src(%dma_wait3A_802 : memref<79x128xi32, #tpu.memory_space<hbm>>) dst(%arg7 : memref<79x128xi32, #tpu.memory_space<vmem>>)
      tpu.yield
    }) : () -> ()
    %scan3A_773 = arith.constant 0 : i32
    %scan3A_774 = arith.constant 0 : i32
    %scan3A_775 = arith.constant 79 : i32
    %scan3A_776 = arith.addi %scan3A_774, %scan3A_775 : i32
    %scan3A_777 = arith.constant 1 : i32
    scf.for %scan3A_789 = %scan3A_774 to %scan3A_776 step %scan3A_777  : i32 {
      %get3A = arith.index_cast %scan3A_789 : i32 to index
      %get3A_790 = arith.constant 0 : index
      %get3A_791 = tpu.vector_load %arg6[%get3A, %get3A_790] {strides = array<i32>} : memref<79x128xi32, #tpu.memory_space<vmem>>, vector<1x16xi32>,
      %get3A_792 = vector.shape_cast %get3A_791 : vector<1x16xi32> to vector<16xi32>
      %mul3A_793 = arith.constant 2 : i32
      %mul3A_794 = vector.broadcast %mul3A_793 : i32 to vector<16xi32>
      %mul3A_795 = arith.muli %get3A_792, %mul3A_794 : vector<16xi32>
      %add3A = vector.broadcast %arg0 : i32 to vector<16xi32>
      %add3A_796 = arith.addi %mul3A_795, %add3A : vector<16xi32>
      %swap3A_797 = arith.index_cast %scan3A_789 : i32 to index
      %swap3A_798 = arith.constant 0 : index
      %swap3A_799 = tpu.vector_load %arg6[%swap3A_797, %swap3A_798] {strides = array<i32>} : memref<79x128xi32, #tpu.memory_space<vmem>>, vector<1x16xi32>,
      %swap3A_800 = vector.shape_cast %swap3A_799 : vector<1x16xi32> to vector<16xi32>
      %swap3A_801 = vector.shape_cast %add3A_796 : vector<16xi32> to vector<1x16xi32>
      tpu.vector_store %arg6[%swap3A_797, %swap3A_798], %swap3A_801 {strides = array<i32>} : memref<79x128xi32, #tpu.memory_space<vmem>>, vector<1x16xi32>,
      %get3A_802 = arith.index_cast %scan3A_789 : i32 to index
      %get3A_803 = arith.constant 16 : index
      %get3A_804 = tpu.vector_load %arg6[%get3A_802, %get3A_803] {strides = array<i32>} : memref<79x128xi32, #tpu.memory_space<vmem>>, vector<1x16xi32>,
      %get3A_805 = vector.shape_cast %get3A_804 : vector<1x16xi32> to vector<16xi32>
      %mul3A_806 = arith.constant 2 : i32
      %mul3A_807 = vector.broadcast %mul3A_806 : i32 to vector<16xi32>
      %mul3A_808 = arith.muli %get3A_805, %mul3A_807 : vector<16xi32>
      %add3A_809 = vector.broadcast %arg0 : i32 to vector<16xi32>
      %add3A_810 = arith.addi %mul3A_808, %add3A_809 : vector<16xi32>
      %swap3A_811 = arith.index_cast %scan3A_789 : i32 to index
      %swap3A_812 = arith.constant 16 : index
      %swap3A_813 = tpu.vector_load %arg6[%swap3A_811, %swap3A_812] {strides = array<i32>} : memref<79x128xi32, #tpu.memory_space<vmem>>, vector<1x16xi32>,
      %swap3A_814 = vector.shape_cast %swap3A_813 : vector<1x16xi32> to vector<16xi32>
      %swap3A_815 = vector.shape_cast %add3A_810 : vector<16xi32> to vector<1x16xi32>
      tpu.vector_store %arg6[%swap3A_811, %swap3A_812], %swap3A_815 {strides = array<i32>} : memref<79x128xi32, #tpu.memory_space<vmem>>, vector<1x16xi32>,
      %get3A_816 = arith.index_cast %scan3A_789 : i32 to index
      %get3A_817 = arith.constant 32 : index
      %get3A_818 = tpu.vector_load %arg6[%get3A_816, %get3A_817] {strides = array<i32>} : memref<79x128xi32, #tpu.memory_space<vmem>>, vector<1x16xi32>,
      %get3A_819 = vector.shape_cast %get3A_818 : vector<1x16xi32> to vector<16xi32>
      %mul3A_820 = arith.constant 2 : i32
      %mul3A_821 = vector.broadcast %mul3A_820 : i32 to vector<16xi32>
      %mul3A_822 = arith.muli %get3A_819, %mul3A_821 : vector<16xi32>
      %add3A_823 = vector.broadcast %arg0 : i32 to vector<16xi32>
      %add3A_824 = arith.addi %mul3A_822, %add3A_823 : vector<16xi32>
      %swap3A_825 = arith.index_cast %scan3A_789 : i32 to index
      %swap3A_826 = arith.constant 32 : index
      %swap3A_827 = tpu.vector_load %arg6[%swap3A_825, %swap3A_826] {strides = array<i32>} : memref<79x128xi32, #tpu.memory_space<vmem>>, vector<1x16xi32>,
      %swap3A_828 = vector.shape_cast %swap3A_827 : vector<1x16xi32> to vector<16xi32>
      %swap3A_829 = vector.shape_cast %add3A_824 : vector<16xi32> to vector<1x16xi32>
      tpu.vector_store %arg6[%swap3A_825, %swap3A_826], %swap3A_829 {strides = array<i32>} : memref<79x128xi32, #tpu.memory_space<vmem>>, vector<1x16xi32>,
      %get3A_830 = arith.index_cast %scan3A_789 : i32 to index
      %get3A_831 = arith.constant 48 : index
      %get3A_832 = tpu.vector_load %arg6[%get3A_830, %get3A_831] {strides = array<i32>} : memref<79x128xi32, #tpu.memory_space<vmem>>, vector<1x16xi32>,
      %get3A_833 = vector.shape_cast %get3A_832 : vector<1x16xi32> to vector<16xi32>
      %mul3A_834 = arith.constant 2 : i32
      %mul3A_835 = vector.broadcast %mul3A_834 : i32 to vector<16xi32>
      %mul3A_836 = arith.muli %get3A_833, %mul3A_835 : vector<16xi32>
      %add3A_837 = vector.broadcast %arg0 : i32 to vector<16xi32>
      %add3A_838 = arith.addi %mul3A_836, %add3A_837 : vector<16xi32>
      %swap3A_839 = arith.index_cast %scan3A_789 : i32 to index
      %swap3A_840 = arith.constant 48 : index
      %swap3A_841 = tpu.vector_load %arg6[%swap3A_839, %swap3A_840] {strides = array<i32>} : memref<79x128xi32, #tpu.memory_space<vmem>>, vector<1x16xi32>,
      %swap3A_842 = vector.shape_cast %swap3A_841 : vector<1x16xi32> to vector<16xi32>
      %swap3A_843 = vector.shape_cast %add3A_838 : vector<16xi32> to vector<1x16xi32>
      tpu.vector_store %arg6[%swap3A_839, %swap3A_840], %swap3A_843 {strides = array<i32>} : memref<79x128xi32, #tpu.memory_space<vmem>>, vector<1x16xi32>,
      %get3A_844 = arith.index_cast %scan3A_789 : i32 to index
      %get3A_845 = arith.constant 64 : index
      %get3A_846 = tpu.vector_load %arg6[%get3A_844, %get3A_845] {strides = array<i32>} : memref<79x128xi32, #tpu.memory_space<vmem>>, vector<1x16xi32>,
      %get3A_847 = vector.shape_cast %get3A_846 : vector<1x16xi32> to vector<16xi32>
      %mul3A_848 = arith.constant 2 : i32
      %mul3A_849 = vector.broadcast %mul3A_848 : i32 to vector<16xi32>
      %mul3A_850 = arith.muli %get3A_847, %mul3A_849 : vector<16xi32>
      %add3A_851 = vector.broadcast %arg0 : i32 to vector<16xi32>
      %add3A_852 = arith.addi %mul3A_850, %add3A_851 : vector<16xi32>
      %swap3A_853 = arith.index_cast %scan3A_789 : i32 to index
      %swap3A_854 = arith.constant 64 : index
      %swap3A_855 = tpu.vector_load %arg6[%swap3A_853, %swap3A_854] {strides = array<i32>} : memref<79x128xi32, #tpu.memory_space<vmem>>, vector<1x16xi32>,
      %swap3A_856 = vector.shape_cast %swap3A_855 : vector<1x16xi32> to vector<16xi32>
      %swap3A_857 = vector.shape_cast %add3A_852 : vector<16xi32> to vector<1x16xi32>
      tpu.vector_store %arg6[%swap3A_853, %swap3A_854], %swap3A_857 {strides = array<i32>} : memref<79x128xi32, #tpu.memory_space<vmem>>, vector<1x16xi32>,
      %get3A_858 = arith.index_cast %scan3A_789 : i32 to index
      %get3A_859 = arith.constant 80 : index
      %get3A_860 = tpu.vector_load %arg6[%get3A_858, %get3A_859] {strides = array<i32>} : memref<79x128xi32, #tpu.memory_space<vmem>>, vector<1x16xi32>,
      %get3A_861 = vector.shape_cast %get3A_860 : vector<1x16xi32> to vector<16xi32>
      %mul3A_862 = arith.constant 2 : i32
      %mul3A_863 = vector.broadcast %mul3A_862 : i32 to vector<16xi32>
      %mul3A_864 = arith.muli %get3A_861, %mul3A_863 : vector<16xi32>
      %add3A_865 = vector.broadcast %arg0 : i32 to vector<16xi32>
      %add3A_866 = arith.addi %mul3A_864, %add3A_865 : vector<16xi32>
      %swap3A_867 = arith.index_cast %scan3A_789 : i32 to index
      %swap3A_868 = arith.constant 80 : index
      %swap3A_869 = tpu.vector_load %arg6[%swap3A_867, %swap3A_868] {strides = array<i32>} : memref<79x128xi32, #tpu.memory_space<vmem>>, vector<1x16xi32>,
      %swap3A_870 = vector.shape_cast %swap3A_869 : vector<1x16xi32> to vector<16xi32>
      %swap3A_871 = vector.shape_cast %add3A_866 : vector<16xi32> to vector<1x16xi32>
      tpu.vector_store %arg6[%swap3A_867, %swap3A_868], %swap3A_871 {strides = array<i32>} : memref<79x128xi32, #tpu.memory_space<vmem>>, vector<1x16xi32>,
      %get3A_872 = arith.index_cast %scan3A_789 : i32 to index
      %get3A_873 = arith.constant 96 : index
      %get3A_874 = tpu.vector_load %arg6[%get3A_872, %get3A_873] {strides = array<i32>} : memref<79x128xi32, #tpu.memory_space<vmem>>, vector<1x16xi32>,
      %get3A_875 = vector.shape_cast %get3A_874 : vector<1x16xi32> to vector<16xi32>
      %mul3A_876 = arith.constant 2 : i32
      %mul3A_877 = vector.broadcast %mul3A_876 : i32 to vector<16xi32>
      %mul3A_878 = arith.muli %get3A_875, %mul3A_877 : vector<16xi32>
      %add3A_879 = vector.broadcast %arg0 : i32 to vector<16xi32>
      %add3A_880 = arith.addi %mul3A_878, %add3A_879 : vector<16xi32>
      %swap3A_881 = arith.index_cast %scan3A_789 : i32 to index
      %swap3A_882 = arith.constant 96 : index
      %swap3A_883 = tpu.vector_load %arg6[%swap3A_881, %swap3A_882] {strides = array<i32>} : memref<79x128xi32, #tpu.memory_space<vmem>>, vector<1x16xi32>,
      %swap3A_884 = vector.shape_cast %swap3A_883 : vector<1x16xi32> to vector<16xi32>
      %swap3A_885 = vector.shape_cast %add3A_880 : vector<16xi32> to vector<1x16xi32>
      tpu.vector_store %arg6[%swap3A_881, %swap3A_882], %swap3A_885 {strides = array<i32>} : memref<79x128xi32, #tpu.memory_space<vmem>>, vector<1x16xi32>,
      %get3A_886 = arith.index_cast %scan3A_789 : i32 to index
      %get3A_887 = arith.constant 112 : index
      %get3A_888 = tpu.vector_load %arg6[%get3A_886, %get3A_887] {strides = array<i32>} : memref<79x128xi32, #tpu.memory_space<vmem>>, vector<1x16xi32>,
      %get3A_889 = vector.shape_cast %get3A_888 : vector<1x16xi32> to vector<16xi32>
      %mul3A_890 = arith.constant 2 : i32
      %mul3A_891 = vector.broadcast %mul3A_890 : i32 to vector<16xi32>
      %mul3A_892 = arith.muli %get3A_889, %mul3A_891 : vector<16xi32>
      %add3A_893 = vector.broadcast %arg0 : i32 to vector<16xi32>
      %add3A_894 = arith.addi %mul3A_892, %add3A_893 : vector<16xi32>
      %swap3A_895 = arith.index_cast %scan3A_789 : i32 to index
      %swap3A_896 = arith.constant 112 : index
      %swap3A_897 = tpu.vector_load %arg6[%swap3A_895, %swap3A_896] {strides = array<i32>} : memref<79x128xi32, #tpu.memory_space<vmem>>, vector<1x16xi32>,
      %swap3A_898 = vector.shape_cast %swap3A_897 : vector<1x16xi32> to vector<16xi32>
      %swap3A_899 = vector.shape_cast %add3A_894 : vector<16xi32> to vector<1x16xi32>
      tpu.vector_store %arg6[%swap3A_895, %swap3A_896], %swap3A_899 {strides = array<i32>} : memref<79x128xi32, #tpu.memory_space<vmem>>, vector<1x16xi32>,
    }
    %scan3A_778 = arith.constant 79 : i32
    %barrier3A = arith.constant 0 : index
    tpu.barrier barrier_id(%barrier3A)
    %scan3A_779 = arith.constant 0 : i32
    %scan3A_780 = arith.constant 0 : i32
    %scan3A_781 = arith.constant 79 : i32
    %scan3A_782 = arith.addi %scan3A_780, %scan3A_781 : i32
    %scan3A_783 = arith.constant 1 : i32
    scf.for %scan3A_789 = %scan3A_780 to %scan3A_782 step %scan3A_783  : i32 {
      %dma_start3A = arith.constant 0 : i32
      %dma_start3A_790 = tpu.memref_slice %arg6[%scan3A_789, %dma_start3A] : memref<79x128xi32, #tpu.memory_space<vmem>> -> memref<1x128xi32, #tpu.memory_space<vmem>>
      %dma_start3A_791 = tpu.memref_squeeze %dma_start3A_790 : memref<1x128xi32, #tpu.memory_space<vmem>> -> memref<128xi32, #tpu.memory_space<vmem>>
      %dma_start3A_792 = arith.constant 0 : i32
      %dma_start3A_793 = arith.constant 0 : i32
      %dma_start3A_794 = tpu.memref_slice %arg2[%dma_start3A_792, %dma_start3A_793] : memref<20480x128xf32, #tpu.memory_space<hbm>> -> memref<20480x128xf32, #tpu.memory_space<hbm>>
      tpu.enqueue_indirect_dma source(%dma_start3A_794 : memref<20480x128xf32, #tpu.memory_space<hbm>>) target(%arg8 : memref<128x128xf32, #tpu.memory_space<vmem>>) offsets(%dma_start3A_791 : memref<128xi32, #tpu.memory_space<vmem>>) semaphore(%arg11 : memref<!tpu.dma_semaphore, #tpu.memory_space<semaphore_mem>>)
      %dma_wait3A = arith.constant 0 : i32
      %dma_wait3A_795 = tpu.memref_slice %arg6[%scan3A_789, %dma_wait3A] : memref<79x128xi32, #tpu.memory_space<vmem>> -> memref<1x128xi32, #tpu.memory_space<vmem>>
      %dma_wait3A_796 = tpu.memref_squeeze %dma_wait3A_795 : memref<1x128xi32, #tpu.memory_space<vmem>> -> memref<128xi32, #tpu.memory_space<vmem>>
      %dma_wait3A_797 = arith.constant 0 : i32
      %dma_wait3A_798 = arith.constant 0 : i32
      %dma_wait3A_799 = tpu.memref_slice %arg2[%dma_wait3A_797, %dma_wait3A_798] : memref<20480x128xf32, #tpu.memory_space<hbm>> -> memref<20480x128xf32, #tpu.memory_space<hbm>>
      tpu.wait_indirect_dma semaphore(%arg11 : memref<!tpu.dma_semaphore, #tpu.memory_space<semaphore_mem>>) src(%dma_wait3A_799 : memref<20480x128xf32, #tpu.memory_space<hbm>>) dst(%arg8 : memref<128x128xf32, #tpu.memory_space<vmem>>)
      "tpu.region"() ({
        %run_scoped3A = tpu.sem_alloc : memref<!tpu.dma_semaphore, #tpu.memory_space<semaphore_mem>>
        %dma_start3A_800 = arith.constant 0 : i32
        %dma_start3A_801 = tpu.memref_slice %arg7[%scan3A_789, %dma_start3A_800] : memref<79x128xi32, #tpu.memory_space<vmem>> -> memref<1x128xi32, #tpu.memory_space<vmem>>
        %dma_start3A_802 = tpu.memref_squeeze %dma_start3A_801 : memref<1x128xi32, #tpu.memory_space<vmem>> -> memref<128xi32, #tpu.memory_space<vmem>>
        %dma_start3A_803 = arith.constant 0 : i32
        %dma_start3A_804 = arith.constant 0 : i32
        %dma_start3A_805 = tpu.memref_slice %arg10[%dma_start3A_803, %dma_start3A_804] : memref<10240x128xf32, #tpu.memory_space<vmem_shared>> -> memref<10240x128xf32, #tpu.memory_space<vmem_shared>>
        tpu.enqueue_indirect_dma source(%arg8 : memref<128x128xf32, #tpu.memory_space<vmem>>) target(%dma_start3A_805 : memref<10240x128xf32, #tpu.memory_space<vmem_shared>>) offsets(%dma_start3A_802 : memref<128xi32, #tpu.memory_space<vmem>>) semaphore(%run_scoped3A : memref<!tpu.dma_semaphore, #tpu.memory_space<semaphore_mem>>) {add = true}
        %dma_wait3A_806 = arith.constant 0 : i32
        %dma_wait3A_807 = tpu.memref_slice %arg7[%scan3A_789, %dma_wait3A_806] : memref<79x128xi32, #tpu.memory_space<vmem>> -> memref<1x128xi32, #tpu.memory_space<vmem>>
        %dma_wait3A_808 = tpu.memref_squeeze %dma_wait3A_807 : memref<1x128xi32, #tpu.memory_space<vmem>> -> memref<128xi32, #tpu.memory_space<vmem>>
        %dma_wait3A_809 = arith.constant 0 : i32
        %dma_wait3A_810 = arith.constant 0 : i32
        %dma_wait3A_811 = tpu.memref_slice %arg10[%dma_wait3A_809, %dma_wait3A_810] : memref<10240x128xf32, #tpu.memory_space<vmem_shared>> -> memref<10240x128xf32, #tpu.memory_space<vmem_shared>>
        tpu.wait_indirect_dma semaphore(%run_scoped3A : memref<!tpu.dma_semaphore, #tpu.memory_space<semaphore_mem>>) src(%arg8 : memref<128x128xf32, #tpu.memory_space<vmem>>) dst(%dma_wait3A_811 : memref<10240x128xf32, #tpu.memory_space<vmem_shared>>)
        tpu.yield
      }) : () -> ()
    }
    %scan3A_784 = arith.constant 79 : i32
    %barrier3A_785 = arith.constant 0 : index
    tpu.barrier barrier_id(%barrier3A_785)
    %mul3A = arith.constant 640 : i32
    %mul3A_786 = arith.muli %arg1, %mul3A : i32
    %mul3A_787 = arith.constant 640 : i32
    %mul3A_788 = arith.muli %arg1, %mul3A_787 : i32
    "tpu.region"() ({
      %run_scoped3A = tpu.sem_alloc : memref<!tpu.dma_semaphore, #tpu.memory_space<semaphore_mem>>
      %dma_start3A = arith.constant 0 : i32
      %dma_start3A_789 = tpu.memref_slice %arg5[%arg0, %mul3A_788, %dma_start3A] : memref<2x10240x128xf32, #tpu.memory_space<hbm>> -> memref<1x640x128xf32, #tpu.memory_space<hbm>>
      %dma_start3A_790 = tpu.memref_squeeze %dma_start3A_789 : memref<1x640x128xf32, #tpu.memory_space<hbm>> -> memref<640x128xf32, #tpu.memory_space<hbm>>
      %dma_start3A_791 = arith.constant 0 : i32
      %dma_start3A_792 = tpu.memref_slice %arg10[%mul3A_786, %dma_start3A_791] : memref<10240x128xf32, #tpu.memory_space<vmem_shared>> -> memref<640x128xf32, #tpu.memory_space<vmem_shared>>
      tpu.enqueue_dma source(%dma_start3A_792 : memref<640x128xf32, #tpu.memory_space<vmem_shared>>) target(%dma_start3A_790 : memref<640x128xf32, #tpu.memory_space<hbm>>) target_semaphore(%run_scoped3A : memref<!tpu.dma_semaphore, #tpu.memory_space<semaphore_mem>>)
      %dma_wait3A = arith.constant 0 : i32
      %dma_wait3A_793 = tpu.memref_slice %arg5[%arg0, %mul3A_788, %dma_wait3A] : memref<2x10240x128xf32, #tpu.memory_space<hbm>> -> memref<1x640x128xf32, #tpu.memory_space<hbm>>
      %dma_wait3A_794 = tpu.memref_squeeze %dma_wait3A_793 : memref<1x640x128xf32, #tpu.memory_space<hbm>> -> memref<640x128xf32, #tpu.memory_space<hbm>>
      %dma_wait3A_795 = arith.constant 0 : i32
      %dma_wait3A_796 = tpu.memref_slice %arg10[%mul3A_786, %dma_wait3A_795] : memref<10240x128xf32, #tpu.memory_space<vmem_shared>> -> memref<640x128xf32, #tpu.memory_space<vmem_shared>>
      tpu.wait_dma2 semaphore(%run_scoped3A : memref<!tpu.dma_semaphore, #tpu.memory_space<semaphore_mem>>) src(%dma_wait3A_796 : memref<640x128xf32, #tpu.memory_space<vmem_shared>>) dst(%dma_wait3A_794 : memref<640x128xf32, #tpu.memory_space<hbm>>)
      tpu.yield
    }) : () -> ()
    return
  }
}

#map = affine_map<(d0, d1) -> (0, 0)>
#map1 = affine_map<(d0, d1) -> (0, 0, 0)>
module attributes {stable_mosaic.version = 14 : i64} {
  func.func @_sc_gather_deg_body(%arg0: i32, %arg1: i32, %arg2: memref<10000x256xf32, #tpu.memory_space<hbm>>, %arg3: memref<32x5x64xi32, #tpu.memory_space<hbm>>, %arg4: memref<32x40x128xi32, #tpu.memory_space<hbm>>, %arg5: memref<10240x256xf32, #tpu.memory_space<hbm>>, %arg6: memref<2x10240xf32, #tpu.memory_space<hbm>>, %arg7: memref<5x64xi32, #tpu.memory_space<vmem>>, %arg8: memref<64x256xf32, #tpu.memory_space<vmem>>, %arg9: memref<40x128xi32, #tpu.memory_space<vmem>>, %arg10: memref<128xf32, #tpu.memory_space<vmem>>, %arg11: memref<640xf32, #tpu.memory_space<vmem>>, %arg12: memref<10240xf32, #tpu.memory_space<vmem_shared>>, %arg13: memref<!tpu.dma_semaphore, #tpu.memory_space<semaphore_mem>>) attributes {dimension_semantics = [#tpu.dimension_semantics<core_parallel>, #tpu.dimension_semantics<subcore_parallel>], iteration_bounds = array<i64: 2, 16>, scalar_prefetch = 0 : i64, scratch_operands = 7 : i64, tpu.core_type = #tpu.core_type<sc_vector_subcore>, window_params = [{transform_indices = #map}, {transform_indices = #map1}, {transform_indices = #map1}, {transform_indices = #map}, {transform_indices = #map}]} {
    %mul3A = arith.constant 16 : i32
    %mul3A_0 = arith.muli %arg0, %mul3A : i32
    %add3A = arith.addi %mul3A_0, %arg1 : i32
    %broadcast_in_dim3A = arith.constant 0.000000e+00 : f32
    %broadcast_in_dim3A_1 = vector.broadcast %broadcast_in_dim3A : f32 to vector<16xf32>
    %broadcast_in_dim3A_2 = arith.constant 1.000000e+00 : f32
    %broadcast_in_dim3A_3 = vector.broadcast %broadcast_in_dim3A_2 : f32 to vector<16xf32>
    %swap3A = arith.constant 0 : index
    %swap3A_4 = tpu.vector_load %arg11[%swap3A] {strides = array<i32>} : memref<640xf32, #tpu.memory_space<vmem>>, vector<16xf32>,
    %swap3A_5 = vector.shape_cast %swap3A_4 : vector<16xf32> to vector<16xf32>
    %swap3A_6 = vector.shape_cast %broadcast_in_dim3A_1 : vector<16xf32> to vector<16xf32>
    tpu.vector_store %arg11[%swap3A], %swap3A_6 {strides = array<i32>} : memref<640xf32, #tpu.memory_space<vmem>>, vector<16xf32>,
    %swap3A_7 = arith.constant 16 : index
    %swap3A_8 = tpu.vector_load %arg11[%swap3A_7] {strides = array<i32>} : memref<640xf32, #tpu.memory_space<vmem>>, vector<16xf32>,
    %swap3A_9 = vector.shape_cast %swap3A_8 : vector<16xf32> to vector<16xf32>
    %swap3A_10 = vector.shape_cast %broadcast_in_dim3A_1 : vector<16xf32> to vector<16xf32>
    tpu.vector_store %arg11[%swap3A_7], %swap3A_10 {strides = array<i32>} : memref<640xf32, #tpu.memory_space<vmem>>, vector<16xf32>,
    %swap3A_11 = arith.constant 32 : index
    %swap3A_12 = tpu.vector_load %arg11[%swap3A_11] {strides = array<i32>} : memref<640xf32, #tpu.memory_space<vmem>>, vector<16xf32>,
    %swap3A_13 = vector.shape_cast %swap3A_12 : vector<16xf32> to vector<16xf32>
    %swap3A_14 = vector.shape_cast %broadcast_in_dim3A_1 : vector<16xf32> to vector<16xf32>
    tpu.vector_store %arg11[%swap3A_11], %swap3A_14 {strides = array<i32>} : memref<640xf32, #tpu.memory_space<vmem>>, vector<16xf32>,
    %swap3A_15 = arith.constant 48 : index
    %swap3A_16 = tpu.vector_load %arg11[%swap3A_15] {strides = array<i32>} : memref<640xf32, #tpu.memory_space<vmem>>, vector<16xf32>,
    %swap3A_17 = vector.shape_cast %swap3A_16 : vector<16xf32> to vector<16xf32>
    %swap3A_18 = vector.shape_cast %broadcast_in_dim3A_1 : vector<16xf32> to vector<16xf32>
    tpu.vector_store %arg11[%swap3A_15], %swap3A_18 {strides = array<i32>} : memref<640xf32, #tpu.memory_space<vmem>>, vector<16xf32>,
    %swap3A_19 = arith.constant 64 : index
    %swap3A_20 = tpu.vector_load %arg11[%swap3A_19] {strides = array<i32>} : memref<640xf32, #tpu.memory_space<vmem>>, vector<16xf32>,
    %swap3A_21 = vector.shape_cast %swap3A_20 : vector<16xf32> to vector<16xf32>
    %swap3A_22 = vector.shape_cast %broadcast_in_dim3A_1 : vector<16xf32> to vector<16xf32>
    tpu.vector_store %arg11[%swap3A_19], %swap3A_22 {strides = array<i32>} : memref<640xf32, #tpu.memory_space<vmem>>, vector<16xf32>,
    %swap3A_23 = arith.constant 80 : index
    %swap3A_24 = tpu.vector_load %arg11[%swap3A_23] {strides = array<i32>} : memref<640xf32, #tpu.memory_space<vmem>>, vector<16xf32>,
    %swap3A_25 = vector.shape_cast %swap3A_24 : vector<16xf32> to vector<16xf32>
    %swap3A_26 = vector.shape_cast %broadcast_in_dim3A_1 : vector<16xf32> to vector<16xf32>
    tpu.vector_store %arg11[%swap3A_23], %swap3A_26 {strides = array<i32>} : memref<640xf32, #tpu.memory_space<vmem>>, vector<16xf32>,
    %swap3A_27 = arith.constant 96 : index
    %swap3A_28 = tpu.vector_load %arg11[%swap3A_27] {strides = array<i32>} : memref<640xf32, #tpu.memory_space<vmem>>, vector<16xf32>,
    %swap3A_29 = vector.shape_cast %swap3A_28 : vector<16xf32> to vector<16xf32>
    %swap3A_30 = vector.shape_cast %broadcast_in_dim3A_1 : vector<16xf32> to vector<16xf32>
    tpu.vector_store %arg11[%swap3A_27], %swap3A_30 {strides = array<i32>} : memref<640xf32, #tpu.memory_space<vmem>>, vector<16xf32>,
    %swap3A_31 = arith.constant 112 : index
    %swap3A_32 = tpu.vector_load %arg11[%swap3A_31] {strides = array<i32>} : memref<640xf32, #tpu.memory_space<vmem>>, vector<16xf32>,
    %swap3A_33 = vector.shape_cast %swap3A_32 : vector<16xf32> to vector<16xf32>
    %swap3A_34 = vector.shape_cast %broadcast_in_dim3A_1 : vector<16xf32> to vector<16xf32>
    tpu.vector_store %arg11[%swap3A_31], %swap3A_34 {strides = array<i32>} : memref<640xf32, #tpu.memory_space<vmem>>, vector<16xf32>,
    %swap3A_35 = arith.constant 128 : index
    %swap3A_36 = tpu.vector_load %arg11[%swap3A_35] {strides = array<i32>} : memref<640xf32, #tpu.memory_space<vmem>>, vector<16xf32>,
    %swap3A_37 = vector.shape_cast %swap3A_36 : vector<16xf32> to vector<16xf32>
    %swap3A_38 = vector.shape_cast %broadcast_in_dim3A_1 : vector<16xf32> to vector<16xf32>
    tpu.vector_store %arg11[%swap3A_35], %swap3A_38 {strides = array<i32>} : memref<640xf32, #tpu.memory_space<vmem>>, vector<16xf32>,
    %swap3A_39 = arith.constant 144 : index
    %swap3A_40 = tpu.vector_load %arg11[%swap3A_39] {strides = array<i32>} : memref<640xf32, #tpu.memory_space<vmem>>, vector<16xf32>,
    %swap3A_41 = vector.shape_cast %swap3A_40 : vector<16xf32> to vector<16xf32>
    %swap3A_42 = vector.shape_cast %broadcast_in_dim3A_1 : vector<16xf32> to vector<16xf32>
    tpu.vector_store %arg11[%swap3A_39], %swap3A_42 {strides = array<i32>} : memref<640xf32, #tpu.memory_space<vmem>>, vector<16xf32>,
    %swap3A_43 = arith.constant 160 : index
    %swap3A_44 = tpu.vector_load %arg11[%swap3A_43] {strides = array<i32>} : memref<640xf32, #tpu.memory_space<vmem>>, vector<16xf32>,
    %swap3A_45 = vector.shape_cast %swap3A_44 : vector<16xf32> to vector<16xf32>
    %swap3A_46 = vector.shape_cast %broadcast_in_dim3A_1 : vector<16xf32> to vector<16xf32>
    tpu.vector_store %arg11[%swap3A_43], %swap3A_46 {strides = array<i32>} : memref<640xf32, #tpu.memory_space<vmem>>, vector<16xf32>,
    %swap3A_47 = arith.constant 176 : index
    %swap3A_48 = tpu.vector_load %arg11[%swap3A_47] {strides = array<i32>} : memref<640xf32, #tpu.memory_space<vmem>>, vector<16xf32>,
    %swap3A_49 = vector.shape_cast %swap3A_48 : vector<16xf32> to vector<16xf32>
    %swap3A_50 = vector.shape_cast %broadcast_in_dim3A_1 : vector<16xf32> to vector<16xf32>
    tpu.vector_store %arg11[%swap3A_47], %swap3A_50 {strides = array<i32>} : memref<640xf32, #tpu.memory_space<vmem>>, vector<16xf32>,
    %swap3A_51 = arith.constant 192 : index
    %swap3A_52 = tpu.vector_load %arg11[%swap3A_51] {strides = array<i32>} : memref<640xf32, #tpu.memory_space<vmem>>, vector<16xf32>,
    %swap3A_53 = vector.shape_cast %swap3A_52 : vector<16xf32> to vector<16xf32>
    %swap3A_54 = vector.shape_cast %broadcast_in_dim3A_1 : vector<16xf32> to vector<16xf32>
    tpu.vector_store %arg11[%swap3A_51], %swap3A_54 {strides = array<i32>} : memref<640xf32, #tpu.memory_space<vmem>>, vector<16xf32>,
    %swap3A_55 = arith.constant 208 : index
    %swap3A_56 = tpu.vector_load %arg11[%swap3A_55] {strides = array<i32>} : memref<640xf32, #tpu.memory_space<vmem>>, vector<16xf32>,
    %swap3A_57 = vector.shape_cast %swap3A_56 : vector<16xf32> to vector<16xf32>
    %swap3A_58 = vector.shape_cast %broadcast_in_dim3A_1 : vector<16xf32> to vector<16xf32>
    tpu.vector_store %arg11[%swap3A_55], %swap3A_58 {strides = array<i32>} : memref<640xf32, #tpu.memory_space<vmem>>, vector<16xf32>,
    %swap3A_59 = arith.constant 224 : index
    %swap3A_60 = tpu.vector_load %arg11[%swap3A_59] {strides = array<i32>} : memref<640xf32, #tpu.memory_space<vmem>>, vector<16xf32>,
    %swap3A_61 = vector.shape_cast %swap3A_60 : vector<16xf32> to vector<16xf32>
    %swap3A_62 = vector.shape_cast %broadcast_in_dim3A_1 : vector<16xf32> to vector<16xf32>
    tpu.vector_store %arg11[%swap3A_59], %swap3A_62 {strides = array<i32>} : memref<640xf32, #tpu.memory_space<vmem>>, vector<16xf32>,
    %swap3A_63 = arith.constant 240 : index
    %swap3A_64 = tpu.vector_load %arg11[%swap3A_63] {strides = array<i32>} : memref<640xf32, #tpu.memory_space<vmem>>, vector<16xf32>,
    %swap3A_65 = vector.shape_cast %swap3A_64 : vector<16xf32> to vector<16xf32>
    %swap3A_66 = vector.shape_cast %broadcast_in_dim3A_1 : vector<16xf32> to vector<16xf32>
    tpu.vector_store %arg11[%swap3A_63], %swap3A_66 {strides = array<i32>} : memref<640xf32, #tpu.memory_space<vmem>>, vector<16xf32>,
    %swap3A_67 = arith.constant 256 : index
    %swap3A_68 = tpu.vector_load %arg11[%swap3A_67] {strides = array<i32>} : memref<640xf32, #tpu.memory_space<vmem>>, vector<16xf32>,
    %swap3A_69 = vector.shape_cast %swap3A_68 : vector<16xf32> to vector<16xf32>
    %swap3A_70 = vector.shape_cast %broadcast_in_dim3A_1 : vector<16xf32> to vector<16xf32>
    tpu.vector_store %arg11[%swap3A_67], %swap3A_70 {strides = array<i32>} : memref<640xf32, #tpu.memory_space<vmem>>, vector<16xf32>,
    %swap3A_71 = arith.constant 272 : index
    %swap3A_72 = tpu.vector_load %arg11[%swap3A_71] {strides = array<i32>} : memref<640xf32, #tpu.memory_space<vmem>>, vector<16xf32>,
    %swap3A_73 = vector.shape_cast %swap3A_72 : vector<16xf32> to vector<16xf32>
    %swap3A_74 = vector.shape_cast %broadcast_in_dim3A_1 : vector<16xf32> to vector<16xf32>
    tpu.vector_store %arg11[%swap3A_71], %swap3A_74 {strides = array<i32>} : memref<640xf32, #tpu.memory_space<vmem>>, vector<16xf32>,
    %swap3A_75 = arith.constant 288 : index
    %swap3A_76 = tpu.vector_load %arg11[%swap3A_75] {strides = array<i32>} : memref<640xf32, #tpu.memory_space<vmem>>, vector<16xf32>,
    %swap3A_77 = vector.shape_cast %swap3A_76 : vector<16xf32> to vector<16xf32>
    %swap3A_78 = vector.shape_cast %broadcast_in_dim3A_1 : vector<16xf32> to vector<16xf32>
    tpu.vector_store %arg11[%swap3A_75], %swap3A_78 {strides = array<i32>} : memref<640xf32, #tpu.memory_space<vmem>>, vector<16xf32>,
    %swap3A_79 = arith.constant 304 : index
    %swap3A_80 = tpu.vector_load %arg11[%swap3A_79] {strides = array<i32>} : memref<640xf32, #tpu.memory_space<vmem>>, vector<16xf32>,
    %swap3A_81 = vector.shape_cast %swap3A_80 : vector<16xf32> to vector<16xf32>
    %swap3A_82 = vector.shape_cast %broadcast_in_dim3A_1 : vector<16xf32> to vector<16xf32>
    tpu.vector_store %arg11[%swap3A_79], %swap3A_82 {strides = array<i32>} : memref<640xf32, #tpu.memory_space<vmem>>, vector<16xf32>,
    %swap3A_83 = arith.constant 320 : index
    %swap3A_84 = tpu.vector_load %arg11[%swap3A_83] {strides = array<i32>} : memref<640xf32, #tpu.memory_space<vmem>>, vector<16xf32>,
    %swap3A_85 = vector.shape_cast %swap3A_84 : vector<16xf32> to vector<16xf32>
    %swap3A_86 = vector.shape_cast %broadcast_in_dim3A_1 : vector<16xf32> to vector<16xf32>
    tpu.vector_store %arg11[%swap3A_83], %swap3A_86 {strides = array<i32>} : memref<640xf32, #tpu.memory_space<vmem>>, vector<16xf32>,
    %swap3A_87 = arith.constant 336 : index
    %swap3A_88 = tpu.vector_load %arg11[%swap3A_87] {strides = array<i32>} : memref<640xf32, #tpu.memory_space<vmem>>, vector<16xf32>,
    %swap3A_89 = vector.shape_cast %swap3A_88 : vector<16xf32> to vector<16xf32>
    %swap3A_90 = vector.shape_cast %broadcast_in_dim3A_1 : vector<16xf32> to vector<16xf32>
    tpu.vector_store %arg11[%swap3A_87], %swap3A_90 {strides = array<i32>} : memref<640xf32, #tpu.memory_space<vmem>>, vector<16xf32>,
    %swap3A_91 = arith.constant 352 : index
    %swap3A_92 = tpu.vector_load %arg11[%swap3A_91] {strides = array<i32>} : memref<640xf32, #tpu.memory_space<vmem>>, vector<16xf32>,
    %swap3A_93 = vector.shape_cast %swap3A_92 : vector<16xf32> to vector<16xf32>
    %swap3A_94 = vector.shape_cast %broadcast_in_dim3A_1 : vector<16xf32> to vector<16xf32>
    tpu.vector_store %arg11[%swap3A_91], %swap3A_94 {strides = array<i32>} : memref<640xf32, #tpu.memory_space<vmem>>, vector<16xf32>,
    %swap3A_95 = arith.constant 368 : index
    %swap3A_96 = tpu.vector_load %arg11[%swap3A_95] {strides = array<i32>} : memref<640xf32, #tpu.memory_space<vmem>>, vector<16xf32>,
    %swap3A_97 = vector.shape_cast %swap3A_96 : vector<16xf32> to vector<16xf32>
    %swap3A_98 = vector.shape_cast %broadcast_in_dim3A_1 : vector<16xf32> to vector<16xf32>
    tpu.vector_store %arg11[%swap3A_95], %swap3A_98 {strides = array<i32>} : memref<640xf32, #tpu.memory_space<vmem>>, vector<16xf32>,
    %swap3A_99 = arith.constant 384 : index
    %swap3A_100 = tpu.vector_load %arg11[%swap3A_99] {strides = array<i32>} : memref<640xf32, #tpu.memory_space<vmem>>, vector<16xf32>,
    %swap3A_101 = vector.shape_cast %swap3A_100 : vector<16xf32> to vector<16xf32>
    %swap3A_102 = vector.shape_cast %broadcast_in_dim3A_1 : vector<16xf32> to vector<16xf32>
    tpu.vector_store %arg11[%swap3A_99], %swap3A_102 {strides = array<i32>} : memref<640xf32, #tpu.memory_space<vmem>>, vector<16xf32>,
    %swap3A_103 = arith.constant 400 : index
    %swap3A_104 = tpu.vector_load %arg11[%swap3A_103] {strides = array<i32>} : memref<640xf32, #tpu.memory_space<vmem>>, vector<16xf32>,
    %swap3A_105 = vector.shape_cast %swap3A_104 : vector<16xf32> to vector<16xf32>
    %swap3A_106 = vector.shape_cast %broadcast_in_dim3A_1 : vector<16xf32> to vector<16xf32>
    tpu.vector_store %arg11[%swap3A_103], %swap3A_106 {strides = array<i32>} : memref<640xf32, #tpu.memory_space<vmem>>, vector<16xf32>,
    %swap3A_107 = arith.constant 416 : index
    %swap3A_108 = tpu.vector_load %arg11[%swap3A_107] {strides = array<i32>} : memref<640xf32, #tpu.memory_space<vmem>>, vector<16xf32>,
    %swap3A_109 = vector.shape_cast %swap3A_108 : vector<16xf32> to vector<16xf32>
    %swap3A_110 = vector.shape_cast %broadcast_in_dim3A_1 : vector<16xf32> to vector<16xf32>
    tpu.vector_store %arg11[%swap3A_107], %swap3A_110 {strides = array<i32>} : memref<640xf32, #tpu.memory_space<vmem>>, vector<16xf32>,
    %swap3A_111 = arith.constant 432 : index
    %swap3A_112 = tpu.vector_load %arg11[%swap3A_111] {strides = array<i32>} : memref<640xf32, #tpu.memory_space<vmem>>, vector<16xf32>,
    %swap3A_113 = vector.shape_cast %swap3A_112 : vector<16xf32> to vector<16xf32>
    %swap3A_114 = vector.shape_cast %broadcast_in_dim3A_1 : vector<16xf32> to vector<16xf32>
    tpu.vector_store %arg11[%swap3A_111], %swap3A_114 {strides = array<i32>} : memref<640xf32, #tpu.memory_space<vmem>>, vector<16xf32>,
    %swap3A_115 = arith.constant 448 : index
    %swap3A_116 = tpu.vector_load %arg11[%swap3A_115] {strides = array<i32>} : memref<640xf32, #tpu.memory_space<vmem>>, vector<16xf32>,
    %swap3A_117 = vector.shape_cast %swap3A_116 : vector<16xf32> to vector<16xf32>
    %swap3A_118 = vector.shape_cast %broadcast_in_dim3A_1 : vector<16xf32> to vector<16xf32>
    tpu.vector_store %arg11[%swap3A_115], %swap3A_118 {strides = array<i32>} : memref<640xf32, #tpu.memory_space<vmem>>, vector<16xf32>,
    %swap3A_119 = arith.constant 464 : index
    %swap3A_120 = tpu.vector_load %arg11[%swap3A_119] {strides = array<i32>} : memref<640xf32, #tpu.memory_space<vmem>>, vector<16xf32>,
    %swap3A_121 = vector.shape_cast %swap3A_120 : vector<16xf32> to vector<16xf32>
    %swap3A_122 = vector.shape_cast %broadcast_in_dim3A_1 : vector<16xf32> to vector<16xf32>
    tpu.vector_store %arg11[%swap3A_119], %swap3A_122 {strides = array<i32>} : memref<640xf32, #tpu.memory_space<vmem>>, vector<16xf32>,
    %swap3A_123 = arith.constant 480 : index
    %swap3A_124 = tpu.vector_load %arg11[%swap3A_123] {strides = array<i32>} : memref<640xf32, #tpu.memory_space<vmem>>, vector<16xf32>,
    %swap3A_125 = vector.shape_cast %swap3A_124 : vector<16xf32> to vector<16xf32>
    %swap3A_126 = vector.shape_cast %broadcast_in_dim3A_1 : vector<16xf32> to vector<16xf32>
    tpu.vector_store %arg11[%swap3A_123], %swap3A_126 {strides = array<i32>} : memref<640xf32, #tpu.memory_space<vmem>>, vector<16xf32>,
    %swap3A_127 = arith.constant 496 : index
    %swap3A_128 = tpu.vector_load %arg11[%swap3A_127] {strides = array<i32>} : memref<640xf32, #tpu.memory_space<vmem>>, vector<16xf32>,
    %swap3A_129 = vector.shape_cast %swap3A_128 : vector<16xf32> to vector<16xf32>
    %swap3A_130 = vector.shape_cast %broadcast_in_dim3A_1 : vector<16xf32> to vector<16xf32>
    tpu.vector_store %arg11[%swap3A_127], %swap3A_130 {strides = array<i32>} : memref<640xf32, #tpu.memory_space<vmem>>, vector<16xf32>,
    %swap3A_131 = arith.constant 512 : index
    %swap3A_132 = tpu.vector_load %arg11[%swap3A_131] {strides = array<i32>} : memref<640xf32, #tpu.memory_space<vmem>>, vector<16xf32>,
    %swap3A_133 = vector.shape_cast %swap3A_132 : vector<16xf32> to vector<16xf32>
    %swap3A_134 = vector.shape_cast %broadcast_in_dim3A_1 : vector<16xf32> to vector<16xf32>
    tpu.vector_store %arg11[%swap3A_131], %swap3A_134 {strides = array<i32>} : memref<640xf32, #tpu.memory_space<vmem>>, vector<16xf32>,
    %swap3A_135 = arith.constant 528 : index
    %swap3A_136 = tpu.vector_load %arg11[%swap3A_135] {strides = array<i32>} : memref<640xf32, #tpu.memory_space<vmem>>, vector<16xf32>,
    %swap3A_137 = vector.shape_cast %swap3A_136 : vector<16xf32> to vector<16xf32>
    %swap3A_138 = vector.shape_cast %broadcast_in_dim3A_1 : vector<16xf32> to vector<16xf32>
    tpu.vector_store %arg11[%swap3A_135], %swap3A_138 {strides = array<i32>} : memref<640xf32, #tpu.memory_space<vmem>>, vector<16xf32>,
    %swap3A_139 = arith.constant 544 : index
    %swap3A_140 = tpu.vector_load %arg11[%swap3A_139] {strides = array<i32>} : memref<640xf32, #tpu.memory_space<vmem>>, vector<16xf32>,
    %swap3A_141 = vector.shape_cast %swap3A_140 : vector<16xf32> to vector<16xf32>
    %swap3A_142 = vector.shape_cast %broadcast_in_dim3A_1 : vector<16xf32> to vector<16xf32>
    tpu.vector_store %arg11[%swap3A_139], %swap3A_142 {strides = array<i32>} : memref<640xf32, #tpu.memory_space<vmem>>, vector<16xf32>,
    %swap3A_143 = arith.constant 560 : index
    %swap3A_144 = tpu.vector_load %arg11[%swap3A_143] {strides = array<i32>} : memref<640xf32, #tpu.memory_space<vmem>>, vector<16xf32>,
    %swap3A_145 = vector.shape_cast %swap3A_144 : vector<16xf32> to vector<16xf32>
    %swap3A_146 = vector.shape_cast %broadcast_in_dim3A_1 : vector<16xf32> to vector<16xf32>
    tpu.vector_store %arg11[%swap3A_143], %swap3A_146 {strides = array<i32>} : memref<640xf32, #tpu.memory_space<vmem>>, vector<16xf32>,
    %swap3A_147 = arith.constant 576 : index
    %swap3A_148 = tpu.vector_load %arg11[%swap3A_147] {strides = array<i32>} : memref<640xf32, #tpu.memory_space<vmem>>, vector<16xf32>,
    %swap3A_149 = vector.shape_cast %swap3A_148 : vector<16xf32> to vector<16xf32>
    %swap3A_150 = vector.shape_cast %broadcast_in_dim3A_1 : vector<16xf32> to vector<16xf32>
    tpu.vector_store %arg11[%swap3A_147], %swap3A_150 {strides = array<i32>} : memref<640xf32, #tpu.memory_space<vmem>>, vector<16xf32>,
    %swap3A_151 = arith.constant 592 : index
    %swap3A_152 = tpu.vector_load %arg11[%swap3A_151] {strides = array<i32>} : memref<640xf32, #tpu.memory_space<vmem>>, vector<16xf32>,
    %swap3A_153 = vector.shape_cast %swap3A_152 : vector<16xf32> to vector<16xf32>
    %swap3A_154 = vector.shape_cast %broadcast_in_dim3A_1 : vector<16xf32> to vector<16xf32>
    tpu.vector_store %arg11[%swap3A_151], %swap3A_154 {strides = array<i32>} : memref<640xf32, #tpu.memory_space<vmem>>, vector<16xf32>,
    %swap3A_155 = arith.constant 608 : index
    %swap3A_156 = tpu.vector_load %arg11[%swap3A_155] {strides = array<i32>} : memref<640xf32, #tpu.memory_space<vmem>>, vector<16xf32>,
    %swap3A_157 = vector.shape_cast %swap3A_156 : vector<16xf32> to vector<16xf32>
    %swap3A_158 = vector.shape_cast %broadcast_in_dim3A_1 : vector<16xf32> to vector<16xf32>
    tpu.vector_store %arg11[%swap3A_155], %swap3A_158 {strides = array<i32>} : memref<640xf32, #tpu.memory_space<vmem>>, vector<16xf32>,
    %swap3A_159 = arith.constant 624 : index
    %swap3A_160 = tpu.vector_load %arg11[%swap3A_159] {strides = array<i32>} : memref<640xf32, #tpu.memory_space<vmem>>, vector<16xf32>,
    %swap3A_161 = vector.shape_cast %swap3A_160 : vector<16xf32> to vector<16xf32>
    %swap3A_162 = vector.shape_cast %broadcast_in_dim3A_1 : vector<16xf32> to vector<16xf32>
    tpu.vector_store %arg11[%swap3A_159], %swap3A_162 {strides = array<i32>} : memref<640xf32, #tpu.memory_space<vmem>>, vector<16xf32>,
    %swap3A_163 = arith.constant 0 : index
    %swap3A_164 = tpu.vector_load %arg10[%swap3A_163] {strides = array<i32>} : memref<128xf32, #tpu.memory_space<vmem>>, vector<16xf32>,
    %swap3A_165 = vector.shape_cast %swap3A_164 : vector<16xf32> to vector<16xf32>
    %swap3A_166 = vector.shape_cast %broadcast_in_dim3A_3 : vector<16xf32> to vector<16xf32>
    tpu.vector_store %arg10[%swap3A_163], %swap3A_166 {strides = array<i32>} : memref<128xf32, #tpu.memory_space<vmem>>, vector<16xf32>,
    %swap3A_167 = arith.constant 16 : index
    %swap3A_168 = tpu.vector_load %arg10[%swap3A_167] {strides = array<i32>} : memref<128xf32, #tpu.memory_space<vmem>>, vector<16xf32>,
    %swap3A_169 = vector.shape_cast %swap3A_168 : vector<16xf32> to vector<16xf32>
    %swap3A_170 = vector.shape_cast %broadcast_in_dim3A_3 : vector<16xf32> to vector<16xf32>
    tpu.vector_store %arg10[%swap3A_167], %swap3A_170 {strides = array<i32>} : memref<128xf32, #tpu.memory_space<vmem>>, vector<16xf32>,
    %swap3A_171 = arith.constant 32 : index
    %swap3A_172 = tpu.vector_load %arg10[%swap3A_171] {strides = array<i32>} : memref<128xf32, #tpu.memory_space<vmem>>, vector<16xf32>,
    %swap3A_173 = vector.shape_cast %swap3A_172 : vector<16xf32> to vector<16xf32>
    %swap3A_174 = vector.shape_cast %broadcast_in_dim3A_3 : vector<16xf32> to vector<16xf32>
    tpu.vector_store %arg10[%swap3A_171], %swap3A_174 {strides = array<i32>} : memref<128xf32, #tpu.memory_space<vmem>>, vector<16xf32>,
    %swap3A_175 = arith.constant 48 : index
    %swap3A_176 = tpu.vector_load %arg10[%swap3A_175] {strides = array<i32>} : memref<128xf32, #tpu.memory_space<vmem>>, vector<16xf32>,
    %swap3A_177 = vector.shape_cast %swap3A_176 : vector<16xf32> to vector<16xf32>
    %swap3A_178 = vector.shape_cast %broadcast_in_dim3A_3 : vector<16xf32> to vector<16xf32>
    tpu.vector_store %arg10[%swap3A_175], %swap3A_178 {strides = array<i32>} : memref<128xf32, #tpu.memory_space<vmem>>, vector<16xf32>,
    %swap3A_179 = arith.constant 64 : index
    %swap3A_180 = tpu.vector_load %arg10[%swap3A_179] {strides = array<i32>} : memref<128xf32, #tpu.memory_space<vmem>>, vector<16xf32>,
    %swap3A_181 = vector.shape_cast %swap3A_180 : vector<16xf32> to vector<16xf32>
    %swap3A_182 = vector.shape_cast %broadcast_in_dim3A_3 : vector<16xf32> to vector<16xf32>
    tpu.vector_store %arg10[%swap3A_179], %swap3A_182 {strides = array<i32>} : memref<128xf32, #tpu.memory_space<vmem>>, vector<16xf32>,
    %swap3A_183 = arith.constant 80 : index
    %swap3A_184 = tpu.vector_load %arg10[%swap3A_183] {strides = array<i32>} : memref<128xf32, #tpu.memory_space<vmem>>, vector<16xf32>,
    %swap3A_185 = vector.shape_cast %swap3A_184 : vector<16xf32> to vector<16xf32>
    %swap3A_186 = vector.shape_cast %broadcast_in_dim3A_3 : vector<16xf32> to vector<16xf32>
    tpu.vector_store %arg10[%swap3A_183], %swap3A_186 {strides = array<i32>} : memref<128xf32, #tpu.memory_space<vmem>>, vector<16xf32>,
    %swap3A_187 = arith.constant 96 : index
    %swap3A_188 = tpu.vector_load %arg10[%swap3A_187] {strides = array<i32>} : memref<128xf32, #tpu.memory_space<vmem>>, vector<16xf32>,
    %swap3A_189 = vector.shape_cast %swap3A_188 : vector<16xf32> to vector<16xf32>
    %swap3A_190 = vector.shape_cast %broadcast_in_dim3A_3 : vector<16xf32> to vector<16xf32>
    tpu.vector_store %arg10[%swap3A_187], %swap3A_190 {strides = array<i32>} : memref<128xf32, #tpu.memory_space<vmem>>, vector<16xf32>,
    %swap3A_191 = arith.constant 112 : index
    %swap3A_192 = tpu.vector_load %arg10[%swap3A_191] {strides = array<i32>} : memref<128xf32, #tpu.memory_space<vmem>>, vector<16xf32>,
    %swap3A_193 = vector.shape_cast %swap3A_192 : vector<16xf32> to vector<16xf32>
    %swap3A_194 = vector.shape_cast %broadcast_in_dim3A_3 : vector<16xf32> to vector<16xf32>
    tpu.vector_store %arg10[%swap3A_191], %swap3A_194 {strides = array<i32>} : memref<128xf32, #tpu.memory_space<vmem>>, vector<16xf32>,
    %mul3A_195 = arith.constant 640 : i32
    %mul3A_196 = arith.muli %arg1, %mul3A_195 : i32
    "tpu.region"() ({
      %run_scoped3A = tpu.sem_alloc : memref<!tpu.dma_semaphore, #tpu.memory_space<semaphore_mem>>
      %dma_start3A = tpu.memref_slice %arg12[%mul3A_196] : memref<10240xf32, #tpu.memory_space<vmem_shared>> -> memref<640xf32, #tpu.memory_space<vmem_shared>>
      %dma_start3A_211 = tpu.memref_slice %arg12[%mul3A_196] : memref<10240xf32, #tpu.memory_space<vmem_shared>> -> memref<640xf32, #tpu.memory_space<vmem_shared>>
      tpu.enqueue_dma source(%arg11 : memref<640xf32, #tpu.memory_space<vmem>>) target(%dma_start3A_211 : memref<640xf32, #tpu.memory_space<vmem_shared>>) target_semaphore(%run_scoped3A : memref<!tpu.dma_semaphore, #tpu.memory_space<semaphore_mem>>)
      %dma_wait3A = tpu.memref_slice %arg12[%mul3A_196] : memref<10240xf32, #tpu.memory_space<vmem_shared>> -> memref<640xf32, #tpu.memory_space<vmem_shared>>
      %dma_wait3A_212 = tpu.memref_slice %arg12[%mul3A_196] : memref<10240xf32, #tpu.memory_space<vmem_shared>> -> memref<640xf32, #tpu.memory_space<vmem_shared>>
      tpu.wait_dma2 semaphore(%run_scoped3A : memref<!tpu.dma_semaphore, #tpu.memory_space<semaphore_mem>>) src(%arg11 : memref<640xf32, #tpu.memory_space<vmem>>) dst(%dma_wait3A_212 : memref<640xf32, #tpu.memory_space<vmem_shared>>)
      tpu.yield
    }) : () -> ()
    %barrier3A = arith.constant 0 : index
    tpu.barrier barrier_id(%barrier3A)
    "tpu.region"() ({
      %run_scoped3A = tpu.sem_alloc : memref<!tpu.dma_semaphore, #tpu.memory_space<semaphore_mem>>
      %dma_start3A = arith.constant 0 : i32
      %dma_start3A_211 = arith.constant 0 : i32
      %dma_start3A_212 = tpu.memref_slice %arg3[%add3A, %dma_start3A, %dma_start3A_211] : memref<32x5x64xi32, #tpu.memory_space<hbm>> -> memref<1x5x64xi32, #tpu.memory_space<hbm>>
      %dma_start3A_213 = tpu.memref_squeeze %dma_start3A_212 : memref<1x5x64xi32, #tpu.memory_space<hbm>> -> memref<5x64xi32, #tpu.memory_space<hbm>>
      %dma_start3A_214 = arith.constant 0 : i32
      %dma_start3A_215 = arith.constant 0 : i32
      %dma_start3A_216 = tpu.memref_slice %arg3[%add3A, %dma_start3A_214, %dma_start3A_215] : memref<32x5x64xi32, #tpu.memory_space<hbm>> -> memref<1x5x64xi32, #tpu.memory_space<hbm>>
      %dma_start3A_217 = tpu.memref_squeeze %dma_start3A_216 : memref<1x5x64xi32, #tpu.memory_space<hbm>> -> memref<5x64xi32, #tpu.memory_space<hbm>>
      tpu.enqueue_dma source(%dma_start3A_217 : memref<5x64xi32, #tpu.memory_space<hbm>>) target(%arg7 : memref<5x64xi32, #tpu.memory_space<vmem>>) target_semaphore(%run_scoped3A : memref<!tpu.dma_semaphore, #tpu.memory_space<semaphore_mem>>)
      %dma_wait3A = arith.constant 0 : i32
      %dma_wait3A_218 = arith.constant 0 : i32
      %dma_wait3A_219 = tpu.memref_slice %arg3[%add3A, %dma_wait3A, %dma_wait3A_218] : memref<32x5x64xi32, #tpu.memory_space<hbm>> -> memref<1x5x64xi32, #tpu.memory_space<hbm>>
      %dma_wait3A_220 = tpu.memref_squeeze %dma_wait3A_219 : memref<1x5x64xi32, #tpu.memory_space<hbm>> -> memref<5x64xi32, #tpu.memory_space<hbm>>
      %dma_wait3A_221 = arith.constant 0 : i32
      %dma_wait3A_222 = arith.constant 0 : i32
      %dma_wait3A_223 = tpu.memref_slice %arg3[%add3A, %dma_wait3A_221, %dma_wait3A_222] : memref<32x5x64xi32, #tpu.memory_space<hbm>> -> memref<1x5x64xi32, #tpu.memory_space<hbm>>
      %dma_wait3A_224 = tpu.memref_squeeze %dma_wait3A_223 : memref<1x5x64xi32, #tpu.memory_space<hbm>> -> memref<5x64xi32, #tpu.memory_space<hbm>>
      tpu.wait_dma2 semaphore(%run_scoped3A : memref<!tpu.dma_semaphore, #tpu.memory_space<semaphore_mem>>) src(%dma_wait3A_224 : memref<5x64xi32, #tpu.memory_space<hbm>>) dst(%arg7 : memref<5x64xi32, #tpu.memory_space<vmem>>)
      tpu.yield
    }) : () -> ()
    %scan3A = arith.constant 0 : i32
    %scan3A_197 = arith.constant 0 : i32
    %scan3A_198 = arith.constant 5 : i32
    %scan3A_199 = arith.addi %scan3A_197, %scan3A_198 : i32
    %scan3A_200 = arith.constant 1 : i32
    scf.for %scan3A_211 = %scan3A_197 to %scan3A_199 step %scan3A_200  : i32 {
      %dma_start3A = arith.constant 0 : i32
      %dma_start3A_212 = tpu.memref_slice %arg7[%scan3A_211, %dma_start3A] : memref<5x64xi32, #tpu.memory_space<vmem>> -> memref<1x64xi32, #tpu.memory_space<vmem>>
      %dma_start3A_213 = tpu.memref_squeeze %dma_start3A_212 : memref<1x64xi32, #tpu.memory_space<vmem>> -> memref<64xi32, #tpu.memory_space<vmem>>
      %dma_start3A_214 = arith.constant 0 : i32
      %dma_start3A_215 = arith.constant 0 : i32
      %dma_start3A_216 = tpu.memref_slice %arg2[%dma_start3A_214, %dma_start3A_215] : memref<10000x256xf32, #tpu.memory_space<hbm>> -> memref<10000x256xf32, #tpu.memory_space<hbm>>
      tpu.enqueue_indirect_dma source(%dma_start3A_216 : memref<10000x256xf32, #tpu.memory_space<hbm>>) target(%arg8 : memref<64x256xf32, #tpu.memory_space<vmem>>) offsets(%dma_start3A_213 : memref<64xi32, #tpu.memory_space<vmem>>) semaphore(%arg13 : memref<!tpu.dma_semaphore, #tpu.memory_space<semaphore_mem>>)
      %dma_wait3A = arith.constant 0 : i32
      %dma_wait3A_217 = tpu.memref_slice %arg7[%scan3A_211, %dma_wait3A] : memref<5x64xi32, #tpu.memory_space<vmem>> -> memref<1x64xi32, #tpu.memory_space<vmem>>
      %dma_wait3A_218 = tpu.memref_squeeze %dma_wait3A_217 : memref<1x64xi32, #tpu.memory_space<vmem>> -> memref<64xi32, #tpu.memory_space<vmem>>
      %dma_wait3A_219 = arith.constant 0 : i32
      %dma_wait3A_220 = arith.constant 0 : i32
      %dma_wait3A_221 = tpu.memref_slice %arg2[%dma_wait3A_219, %dma_wait3A_220] : memref<10000x256xf32, #tpu.memory_space<hbm>> -> memref<10000x256xf32, #tpu.memory_space<hbm>>
      tpu.wait_indirect_dma semaphore(%arg13 : memref<!tpu.dma_semaphore, #tpu.memory_space<semaphore_mem>>) src(%dma_wait3A_221 : memref<10000x256xf32, #tpu.memory_space<hbm>>) dst(%arg8 : memref<64x256xf32, #tpu.memory_space<vmem>>)
      %mul3A_222 = arith.constant 320 : i32
      %mul3A_223 = arith.muli %add3A, %mul3A_222 : i32
      %mul3A_224 = arith.constant 64 : i32
      %mul3A_225 = arith.muli %scan3A_211, %mul3A_224 : i32
      %add3A_226 = arith.addi %mul3A_223, %mul3A_225 : i32
      "tpu.region"() ({
        %run_scoped3A = tpu.sem_alloc : memref<!tpu.dma_semaphore, #tpu.memory_space<semaphore_mem>>
        %dma_start3A_227 = arith.constant 0 : i32
        %dma_start3A_228 = tpu.memref_slice %arg5[%add3A_226, %dma_start3A_227] : memref<10240x256xf32, #tpu.memory_space<hbm>> -> memref<64x256xf32, #tpu.memory_space<hbm>>
        %dma_start3A_229 = arith.constant 0 : i32
        %dma_start3A_230 = tpu.memref_slice %arg5[%add3A_226, %dma_start3A_229] : memref<10240x256xf32, #tpu.memory_space<hbm>> -> memref<64x256xf32, #tpu.memory_space<hbm>>
        tpu.enqueue_dma source(%arg8 : memref<64x256xf32, #tpu.memory_space<vmem>>) target(%dma_start3A_230 : memref<64x256xf32, #tpu.memory_space<hbm>>) target_semaphore(%run_scoped3A : memref<!tpu.dma_semaphore, #tpu.memory_space<semaphore_mem>>)
        %dma_wait3A_231 = arith.constant 0 : i32
        %dma_wait3A_232 = tpu.memref_slice %arg5[%add3A_226, %dma_wait3A_231] : memref<10240x256xf32, #tpu.memory_space<hbm>> -> memref<64x256xf32, #tpu.memory_space<hbm>>
        %dma_wait3A_233 = arith.constant 0 : i32
        %dma_wait3A_234 = tpu.memref_slice %arg5[%add3A_226, %dma_wait3A_233] : memref<10240x256xf32, #tpu.memory_space<hbm>> -> memref<64x256xf32, #tpu.memory_space<hbm>>
        tpu.wait_dma2 semaphore(%run_scoped3A : memref<!tpu.dma_semaphore, #tpu.memory_space<semaphore_mem>>) src(%arg8 : memref<64x256xf32, #tpu.memory_space<vmem>>) dst(%dma_wait3A_234 : memref<64x256xf32, #tpu.memory_space<hbm>>)
        tpu.yield
      }) : () -> ()
    }
    %scan3A_201 = arith.constant 5 : i32
    "tpu.region"() ({
      %run_scoped3A = tpu.sem_alloc : memref<!tpu.dma_semaphore, #tpu.memory_space<semaphore_mem>>
      %dma_start3A = arith.constant 0 : i32
      %dma_start3A_211 = arith.constant 0 : i32
      %dma_start3A_212 = tpu.memref_slice %arg4[%add3A, %dma_start3A, %dma_start3A_211] : memref<32x40x128xi32, #tpu.memory_space<hbm>> -> memref<1x40x128xi32, #tpu.memory_space<hbm>>
      %dma_start3A_213 = tpu.memref_squeeze %dma_start3A_212 : memref<1x40x128xi32, #tpu.memory_space<hbm>> -> memref<40x128xi32, #tpu.memory_space<hbm>>
      %dma_start3A_214 = arith.constant 0 : i32
      %dma_start3A_215 = arith.constant 0 : i32
      %dma_start3A_216 = tpu.memref_slice %arg4[%add3A, %dma_start3A_214, %dma_start3A_215] : memref<32x40x128xi32, #tpu.memory_space<hbm>> -> memref<1x40x128xi32, #tpu.memory_space<hbm>>
      %dma_start3A_217 = tpu.memref_squeeze %dma_start3A_216 : memref<1x40x128xi32, #tpu.memory_space<hbm>> -> memref<40x128xi32, #tpu.memory_space<hbm>>
      tpu.enqueue_dma source(%dma_start3A_217 : memref<40x128xi32, #tpu.memory_space<hbm>>) target(%arg9 : memref<40x128xi32, #tpu.memory_space<vmem>>) target_semaphore(%run_scoped3A : memref<!tpu.dma_semaphore, #tpu.memory_space<semaphore_mem>>)
      %dma_wait3A = arith.constant 0 : i32
      %dma_wait3A_218 = arith.constant 0 : i32
      %dma_wait3A_219 = tpu.memref_slice %arg4[%add3A, %dma_wait3A, %dma_wait3A_218] : memref<32x40x128xi32, #tpu.memory_space<hbm>> -> memref<1x40x128xi32, #tpu.memory_space<hbm>>
      %dma_wait3A_220 = tpu.memref_squeeze %dma_wait3A_219 : memref<1x40x128xi32, #tpu.memory_space<hbm>> -> memref<40x128xi32, #tpu.memory_space<hbm>>
      %dma_wait3A_221 = arith.constant 0 : i32
      %dma_wait3A_222 = arith.constant 0 : i32
      %dma_wait3A_223 = tpu.memref_slice %arg4[%add3A, %dma_wait3A_221, %dma_wait3A_222] : memref<32x40x128xi32, #tpu.memory_space<hbm>> -> memref<1x40x128xi32, #tpu.memory_space<hbm>>
      %dma_wait3A_224 = tpu.memref_squeeze %dma_wait3A_223 : memref<1x40x128xi32, #tpu.memory_space<hbm>> -> memref<40x128xi32, #tpu.memory_space<hbm>>
      tpu.wait_dma2 semaphore(%run_scoped3A : memref<!tpu.dma_semaphore, #tpu.memory_space<semaphore_mem>>) src(%dma_wait3A_224 : memref<40x128xi32, #tpu.memory_space<hbm>>) dst(%arg9 : memref<40x128xi32, #tpu.memory_space<vmem>>)
      tpu.yield
    }) : () -> ()
    %scan3A_202 = arith.constant 0 : i32
    %scan3A_203 = arith.constant 0 : i32
    %scan3A_204 = arith.constant 40 : i32
    %scan3A_205 = arith.addi %scan3A_203, %scan3A_204 : i32
    %scan3A_206 = arith.constant 1 : i32
    scf.for %scan3A_211 = %scan3A_203 to %scan3A_205 step %scan3A_206  : i32 {
      "tpu.region"() ({
        %run_scoped3A = tpu.sem_alloc : memref<!tpu.dma_semaphore, #tpu.memory_space<semaphore_mem>>
        %dma_start3A = arith.constant 0 : i32
        %dma_start3A_212 = tpu.memref_slice %arg9[%scan3A_211, %dma_start3A] : memref<40x128xi32, #tpu.memory_space<vmem>> -> memref<1x128xi32, #tpu.memory_space<vmem>>
        %dma_start3A_213 = tpu.memref_squeeze %dma_start3A_212 : memref<1x128xi32, #tpu.memory_space<vmem>> -> memref<128xi32, #tpu.memory_space<vmem>>
        %dma_start3A_214 = arith.constant 0 : i32
        %dma_start3A_215 = tpu.memref_slice %arg12[%dma_start3A_214] : memref<10240xf32, #tpu.memory_space<vmem_shared>> -> memref<10240xf32, #tpu.memory_space<vmem_shared>>
        tpu.enqueue_indirect_dma source(%arg10 : memref<128xf32, #tpu.memory_space<vmem>>) target(%dma_start3A_215 : memref<10240xf32, #tpu.memory_space<vmem_shared>>) offsets(%dma_start3A_213 : memref<128xi32, #tpu.memory_space<vmem>>) semaphore(%run_scoped3A : memref<!tpu.dma_semaphore, #tpu.memory_space<semaphore_mem>>) {add = true}
        %dma_wait3A = arith.constant 0 : i32
        %dma_wait3A_216 = tpu.memref_slice %arg9[%scan3A_211, %dma_wait3A] : memref<40x128xi32, #tpu.memory_space<vmem>> -> memref<1x128xi32, #tpu.memory_space<vmem>>
        %dma_wait3A_217 = tpu.memref_squeeze %dma_wait3A_216 : memref<1x128xi32, #tpu.memory_space<vmem>> -> memref<128xi32, #tpu.memory_space<vmem>>
        %dma_wait3A_218 = arith.constant 0 : i32
        %dma_wait3A_219 = tpu.memref_slice %arg12[%dma_wait3A_218] : memref<10240xf32, #tpu.memory_space<vmem_shared>> -> memref<10240xf32, #tpu.memory_space<vmem_shared>>
        tpu.wait_indirect_dma semaphore(%run_scoped3A : memref<!tpu.dma_semaphore, #tpu.memory_space<semaphore_mem>>) src(%arg10 : memref<128xf32, #tpu.memory_space<vmem>>) dst(%dma_wait3A_219 : memref<10240xf32, #tpu.memory_space<vmem_shared>>)
        tpu.yield
      }) : () -> ()
    }
    %scan3A_207 = arith.constant 40 : i32
    %barrier3A_208 = arith.constant 0 : index
    tpu.barrier barrier_id(%barrier3A_208)
    %eq3A = arith.constant 0 : i32
    %eq3A_209 = arith.cmpi eq, %arg1, %eq3A : i32
    %convert_element_type3A = arith.extui %eq3A_209 : i1 to i32
    %cond3A = arith.constant 0 : i32
    %cond3A_210 = arith.cmpi ne, %convert_element_type3A, %cond3A : i32
    scf.if %cond3A_210 {
      "tpu.region"() ({
        %run_scoped3A = tpu.sem_alloc : memref<!tpu.dma_semaphore, #tpu.memory_space<semaphore_mem>>
        %dma_start3A = arith.constant 0 : i32
        %dma_start3A_211 = tpu.memref_slice %arg6[%arg0, %dma_start3A] : memref<2x10240xf32, #tpu.memory_space<hbm>> -> memref<1x10240xf32, #tpu.memory_space<hbm>>
        %dma_start3A_212 = tpu.memref_squeeze %dma_start3A_211 : memref<1x10240xf32, #tpu.memory_space<hbm>> -> memref<10240xf32, #tpu.memory_space<hbm>>
        tpu.enqueue_dma source(%arg12 : memref<10240xf32, #tpu.memory_space<vmem_shared>>) target(%dma_start3A_212 : memref<10240xf32, #tpu.memory_space<hbm>>) target_semaphore(%run_scoped3A : memref<!tpu.dma_semaphore, #tpu.memory_space<semaphore_mem>>)
        %dma_wait3A = arith.constant 0 : i32
        %dma_wait3A_213 = tpu.memref_slice %arg6[%arg0, %dma_wait3A] : memref<2x10240xf32, #tpu.memory_space<hbm>> -> memref<1x10240xf32, #tpu.memory_space<hbm>>
        %dma_wait3A_214 = tpu.memref_squeeze %dma_wait3A_213 : memref<1x10240xf32, #tpu.memory_space<hbm>> -> memref<10240xf32, #tpu.memory_space<hbm>>
        tpu.wait_dma2 semaphore(%run_scoped3A : memref<!tpu.dma_semaphore, #tpu.memory_space<semaphore_mem>>) src(%arg12 : memref<10240xf32, #tpu.memory_space<vmem_shared>>) dst(%dma_wait3A_214 : memref<10240xf32, #tpu.memory_space<hbm>>)
        tpu.yield
      }) : () -> ()
    } else {
    }
    return
  }
}

module attributes {stable_mosaic.version = 14 : i64} {
  func.func @_tc_a(%arg0: i32, %arg1: memref<1024x256xf32, #tpu.memory_space<vmem>>, %arg2: memref<2x1024xf32, #tpu.memory_space<vmem>>, %arg3: memref<256x256xf32, #tpu.memory_space<vmem>>, %arg4: memref<1x256xf32, #tpu.memory_space<vmem>>, %arg5: memref<256x256xf32, #tpu.memory_space<vmem>>, %arg6: memref<1x1024xf32, #tpu.memory_space<vmem>>, %arg7: memref<1024x256xf32, #tpu.memory_space<vmem>>) attributes {dimension_semantics = [#tpu.dimension_semantics<arbitrary>], iteration_bounds = array<i64: 10>, scalar_prefetch = 0 : i64, scratch_operands = 0 : i64, tpu.core_type = #tpu.core_type<tc>, window_params = [{transform_indices = @transform_0, window_bounds = array<i64: 1024, 256>}, {transform_indices = @transform_1, window_bounds = array<i64: 2, 1024>}, {pipeline_mode = #tpu.pipeline_mode<synchronous>, transform_indices = @transform_2, window_bounds = array<i64: 256, 256>}, {pipeline_mode = #tpu.pipeline_mode<synchronous>, transform_indices = @transform_3, window_bounds = array<i64: 1, 256>}, {pipeline_mode = #tpu.pipeline_mode<synchronous>, transform_indices = @transform_4, window_bounds = array<i64: 256, 256>}, {transform_indices = @transform_5, window_bounds = array<i64: 1, 1024>}, {transform_indices = @transform_6, window_bounds = array<i64: 1024, 256>}]} {
    %get3A = arith.constant 0 : index
    %get3A_0 = arith.constant 0 : index
    %get3A_1 = vector.load %arg2[%get3A, %get3A_0] : memref<2x1024xf32, #tpu.memory_space<vmem>>, vector<1x1024xf32>
    %get3A_2 = vector.shape_cast %get3A_1 : vector<1x1024xf32> to vector<1024xf32>
    %get3A_3 = arith.constant 1 : index
    %get3A_4 = arith.constant 0 : index
    %get3A_5 = vector.load %arg2[%get3A_3, %get3A_4] : memref<2x1024xf32, #tpu.memory_space<vmem>>, vector<1x1024xf32>
    %get3A_6 = vector.shape_cast %get3A_5 : vector<1x1024xf32> to vector<1024xf32>
    %add3A = arith.addf %get3A_2, %get3A_6 : vector<1024xf32>
    %add3A_7 = arith.constant 1.000000e+00 : f32
    %add3A_8 = vector.broadcast %add3A_7 : f32 to vector<1024xf32>
    %add3A_9 = arith.addf %add3A, %add3A_8 : vector<1024xf32>
    %rsqrt3A = math.rsqrt %add3A_9 : vector<1024xf32>
    %swap3A = arith.constant 0 : index
    %swap3A_10 = arith.constant 0 : index
    %swap3A_11 = vector.load %arg6[%swap3A, %swap3A_10] : memref<1x1024xf32, #tpu.memory_space<vmem>>, vector<1x1024xf32>
    %swap3A_12 = vector.shape_cast %swap3A_11 : vector<1x1024xf32> to vector<1024xf32>
    %swap3A_13 = vector.shape_cast %rsqrt3A : vector<1024xf32> to vector<1x1024xf32>
    tpu.vector_store %arg6[%swap3A, %swap3A_10], %swap3A_13 {strides = array<i32>} : memref<1x1024xf32, #tpu.memory_space<vmem>>, vector<1x1024xf32>,
    %get3A_14 = arith.constant 0 : index
    %get3A_15 = arith.constant 0 : index
    %get3A_16 = vector.load %arg1[%get3A_14, %get3A_15] : memref<1024x256xf32, #tpu.memory_space<vmem>>, vector<1024x256xf32>
    %get3A_17 = arith.constant 0 : index
    %get3A_18 = arith.constant 0 : index
    %get3A_19 = vector.load %arg3[%get3A_17, %get3A_18] : memref<256x256xf32, #tpu.memory_space<vmem>>, vector<256x256xf32>
    %dot_general3A = arith.constant dense<0.000000e+00> : vector<1024x256xf32>
    %dot_general3A_20 = tpu.matmul %get3A_16, %get3A_19, %dot_general3A {dimension_numbers = #tpu.dot_dimension_numbers<[1], [0], [0], [1], [0, 0, 1, 1], [], []>, transpose_lhs_hint = false} : vector<1024x256xf32>, vector<256x256xf32>, vector<1024x256xf32> -> vector<1024x256xf32>
    %get3A_21 = arith.constant 0 : index
    %get3A_22 = arith.constant 0 : index
    %get3A_23 = vector.load %arg4[%get3A_21, %get3A_22] : memref<1x256xf32, #tpu.memory_space<vmem>>, vector<1x256xf32>
    %get3A_24 = vector.shape_cast %get3A_23 : vector<1x256xf32> to vector<256xf32>
    %broadcast_in_dim3A = vector.shape_cast %get3A_24 : vector<256xf32> to vector<1x256xf32>
    %add3A_25 = vector.broadcast %broadcast_in_dim3A : vector<1x256xf32> to vector<1024x256xf32>
    %add3A_26 = arith.addf %dot_general3A_20, %add3A_25 : vector<1024x256xf32>
    %get3A_27 = arith.constant 0 : index
    %get3A_28 = arith.constant 0 : index
    %get3A_29 = vector.load %arg5[%get3A_27, %get3A_28] : memref<256x256xf32, #tpu.memory_space<vmem>>, vector<256x256xf32>
    %dot_general3A_30 = arith.constant dense<0.000000e+00> : vector<1024x256xf32>
    %dot_general3A_31 = tpu.matmul %add3A_26, %get3A_29, %dot_general3A_30 {dimension_numbers = #tpu.dot_dimension_numbers<[1], [0], [0], [1], [0, 0, 1, 1], [], []>, transpose_lhs_hint = false} : vector<1024x256xf32>, vector<256x256xf32>, vector<1024x256xf32> -> vector<1024x256xf32>
    %broadcast_in_dim3A_32 = vector.shape_cast %rsqrt3A : vector<1024xf32> to vector<1024x1xf32>
    %mul3A = vector.broadcast %broadcast_in_dim3A_32 : vector<1024x1xf32> to vector<1024x256xf32>
    %mul3A_33 = arith.mulf %dot_general3A_31, %mul3A : vector<1024x256xf32>
    %swap3A_34 = arith.constant 0 : index
    %swap3A_35 = arith.constant 0 : index
    %swap3A_36 = vector.load %arg7[%swap3A_34, %swap3A_35] : memref<1024x256xf32, #tpu.memory_space<vmem>>, vector<1024x256xf32>
    tpu.vector_store %arg7[%swap3A_34, %swap3A_35], %mul3A_33 {strides = array<i32>} : memref<1024x256xf32, #tpu.memory_space<vmem>>, vector<1024x256xf32>,
    return
  }
  func.func @transform_0(%arg0: i32) -> (i32, i32) {
    %c0_i32 = arith.constant 0 : i32
    %c0_i32_0 = arith.constant 0 : i32
    return %arg0, %c0_i32 : i32, i32
  }
  func.func @transform_1(%arg0: i32) -> (i32, i32) {
    %c0_i32 = arith.constant 0 : i32
    %c0_i32_0 = arith.constant 0 : i32
    return %c0_i32, %arg0 : i32, i32
  }
  func.func @transform_2(%arg0: i32) -> (i32, i32) {
    %c0_i32 = arith.constant 0 : i32
    %c0_i32_0 = arith.constant 0 : i32
    %c0_i32_1 = arith.constant 0 : i32
    return %c0_i32, %c0_i32_0 : i32, i32
  }
  func.func @transform_3(%arg0: i32) -> (i32, i32) {
    %c0_i32 = arith.constant 0 : i32
    %c0_i32_0 = arith.constant 0 : i32
    %c0_i32_1 = arith.constant 0 : i32
    return %c0_i32, %c0_i32_0 : i32, i32
  }
  func.func @transform_4(%arg0: i32) -> (i32, i32) {
    %c0_i32 = arith.constant 0 : i32
    %c0_i32_0 = arith.constant 0 : i32
    %c0_i32_1 = arith.constant 0 : i32
    return %c0_i32, %c0_i32_0 : i32, i32
  }
  func.func @transform_5(%arg0: i32) -> (i32, i32) {
    %c0_i32 = arith.constant 0 : i32
    %c0_i32_0 = arith.constant 0 : i32
    return %c0_i32, %arg0 : i32, i32
  }
  func.func @transform_6(%arg0: i32) -> (i32, i32) {
    %c0_i32 = arith.constant 0 : i32
    %c0_i32_0 = arith.constant 0 : i32
    return %arg0, %c0_i32 : i32, i32
  }
}

module attributes {stable_mosaic.version = 14 : i64} {
  func.func @_tc_b(%arg0: i32, %arg1: memref<2x1024x128xf32, #tpu.memory_space<vmem>>, %arg2: memref<1024x256xf32, #tpu.memory_space<vmem>>, %arg3: memref<1x1024xf32, #tpu.memory_space<vmem>>, %arg4: memref<1x256xf32, #tpu.memory_space<vmem>>, %arg5: memref<256x256xf32, #tpu.memory_space<vmem>>, %arg6: memref<1024x256xf32, #tpu.memory_space<vmem>>) attributes {dimension_semantics = [#tpu.dimension_semantics<arbitrary>], iteration_bounds = array<i64: 10>, scalar_prefetch = 0 : i64, scratch_operands = 0 : i64, tpu.core_type = #tpu.core_type<tc>, window_params = [{transform_indices = @transform_0, window_bounds = array<i64: 2, 1024, 128>}, {transform_indices = @transform_1, window_bounds = array<i64: 1024, 256>}, {transform_indices = @transform_2, window_bounds = array<i64: 1, 1024>}, {pipeline_mode = #tpu.pipeline_mode<synchronous>, transform_indices = @transform_3, window_bounds = array<i64: 1, 256>}, {pipeline_mode = #tpu.pipeline_mode<synchronous>, transform_indices = @transform_4, window_bounds = array<i64: 256, 256>}, {transform_indices = @transform_5, window_bounds = array<i64: 1024, 256>}]} {
    %get3A = arith.constant 0 : index
    %get3A_0 = arith.constant 0 : index
    %get3A_1 = arith.constant 0 : index
    %get3A_2 = vector.load %arg1[%get3A, %get3A_0, %get3A_1] : memref<2x1024x128xf32, #tpu.memory_space<vmem>>, vector<1x1024x128xf32>
    %get3A_3 = vector.shape_cast %get3A_2 : vector<1x1024x128xf32> to vector<1024x128xf32>
    %get3A_4 = arith.constant 1 : index
    %get3A_5 = arith.constant 0 : index
    %get3A_6 = arith.constant 0 : index
    %get3A_7 = vector.load %arg1[%get3A_4, %get3A_5, %get3A_6] : memref<2x1024x128xf32, #tpu.memory_space<vmem>>, vector<1x1024x128xf32>
    %get3A_8 = vector.shape_cast %get3A_7 : vector<1x1024x128xf32> to vector<1024x128xf32>
    %concatenate3A = tpu.concatenate %get3A_3, %get3A_8 in 1 : vector<1024x128xf32>, vector<1024x128xf32> -> vector<1024x256xf32>
    %get3A_9 = arith.constant 0 : index
    %get3A_10 = arith.constant 0 : index
    %get3A_11 = vector.load %arg3[%get3A_9, %get3A_10] : memref<1x1024xf32, #tpu.memory_space<vmem>>, vector<1x1024xf32>
    %get3A_12 = vector.shape_cast %get3A_11 : vector<1x1024xf32> to vector<1024xf32>
    %broadcast_in_dim3A = vector.shape_cast %get3A_12 : vector<1024xf32> to vector<1024x1xf32>
    %get3A_13 = arith.constant 0 : index
    %get3A_14 = arith.constant 0 : index
    %get3A_15 = vector.load %arg2[%get3A_13, %get3A_14] : memref<1024x256xf32, #tpu.memory_space<vmem>>, vector<1024x256xf32>
    %add3A = arith.addf %concatenate3A, %get3A_15 : vector<1024x256xf32>
    %mul3A = vector.broadcast %broadcast_in_dim3A : vector<1024x1xf32> to vector<1024x256xf32>
    %mul3A_16 = arith.mulf %mul3A, %add3A : vector<1024x256xf32>
    %get3A_17 = arith.constant 0 : index
    %get3A_18 = arith.constant 0 : index
    %get3A_19 = vector.load %arg4[%get3A_17, %get3A_18] : memref<1x256xf32, #tpu.memory_space<vmem>>, vector<1x256xf32>
    %get3A_20 = vector.shape_cast %get3A_19 : vector<1x256xf32> to vector<256xf32>
    %broadcast_in_dim3A_21 = vector.shape_cast %get3A_20 : vector<256xf32> to vector<1x256xf32>
    %add3A_22 = vector.broadcast %broadcast_in_dim3A_21 : vector<1x256xf32> to vector<1024x256xf32>
    %add3A_23 = arith.addf %mul3A_16, %add3A_22 : vector<1024x256xf32>
    %max3A = arith.constant 0.000000e+00 : f32
    %max3A_24 = vector.broadcast %max3A : f32 to vector<1024x256xf32>
    %max3A_25 = arith.maximumf %add3A_23, %max3A_24 : vector<1024x256xf32>
    %get3A_26 = arith.constant 0 : index
    %get3A_27 = arith.constant 0 : index
    %get3A_28 = vector.load %arg5[%get3A_26, %get3A_27] : memref<256x256xf32, #tpu.memory_space<vmem>>, vector<256x256xf32>
    %dot_general3A = arith.constant dense<0.000000e+00> : vector<1024x256xf32>
    %dot_general3A_29 = tpu.matmul %max3A_25, %get3A_28, %dot_general3A {dimension_numbers = #tpu.dot_dimension_numbers<[1], [0], [0], [1], [0, 0, 1, 1], [], []>, transpose_lhs_hint = false} : vector<1024x256xf32>, vector<256x256xf32>, vector<1024x256xf32> -> vector<1024x256xf32>
    %get3A_30 = arith.constant 0 : index
    %get3A_31 = arith.constant 0 : index
    %get3A_32 = vector.load %arg3[%get3A_30, %get3A_31] : memref<1x1024xf32, #tpu.memory_space<vmem>>, vector<1x1024xf32>
    %get3A_33 = vector.shape_cast %get3A_32 : vector<1x1024xf32> to vector<1024xf32>
    %broadcast_in_dim3A_34 = vector.shape_cast %get3A_33 : vector<1024xf32> to vector<1024x1xf32>
    %mul3A_35 = vector.broadcast %broadcast_in_dim3A_34 : vector<1024x1xf32> to vector<1024x256xf32>
    %mul3A_36 = arith.mulf %dot_general3A_29, %mul3A_35 : vector<1024x256xf32>
    %swap3A = arith.constant 0 : index
    %swap3A_37 = arith.constant 0 : index
    %swap3A_38 = vector.load %arg6[%swap3A, %swap3A_37] : memref<1024x256xf32, #tpu.memory_space<vmem>>, vector<1024x256xf32>
    tpu.vector_store %arg6[%swap3A, %swap3A_37], %mul3A_36 {strides = array<i32>} : memref<1024x256xf32, #tpu.memory_space<vmem>>, vector<1024x256xf32>,
    return
  }
  func.func @transform_0(%arg0: i32) -> (i32, i32, i32) {
    %c0_i32 = arith.constant 0 : i32
    %c0_i32_0 = arith.constant 0 : i32
    %c0_i32_1 = arith.constant 0 : i32
    return %c0_i32, %arg0, %c0_i32_0 : i32, i32, i32
  }
  func.func @transform_1(%arg0: i32) -> (i32, i32) {
    %c0_i32 = arith.constant 0 : i32
    %c0_i32_0 = arith.constant 0 : i32
    return %arg0, %c0_i32 : i32, i32
  }
  func.func @transform_2(%arg0: i32) -> (i32, i32) {
    %c0_i32 = arith.constant 0 : i32
    %c0_i32_0 = arith.constant 0 : i32
    return %c0_i32, %arg0 : i32, i32
  }
  func.func @transform_3(%arg0: i32) -> (i32, i32) {
    %c0_i32 = arith.constant 0 : i32
    %c0_i32_0 = arith.constant 0 : i32
    %c0_i32_1 = arith.constant 0 : i32
    return %c0_i32, %c0_i32_0 : i32, i32
  }
  func.func @transform_4(%arg0: i32) -> (i32, i32) {
    %c0_i32 = arith.constant 0 : i32
    %c0_i32_0 = arith.constant 0 : i32
    %c0_i32_1 = arith.constant 0 : i32
    return %c0_i32, %c0_i32_0 : i32, i32
  }
  func.func @transform_5(%arg0: i32) -> (i32, i32) {
    %c0_i32 = arith.constant 0 : i32
    %c0_i32_0 = arith.constant 0 : i32
    return %arg0, %c0_i32 : i32, i32
  }
}

module attributes {stable_mosaic.version = 14 : i64} {
  func.func @_tc_c(%arg0: i32, %arg1: memref<2x1024x128xf32, #tpu.memory_space<vmem>>, %arg2: memref<1024x256xf32, #tpu.memory_space<vmem>>, %arg3: memref<1x1024xf32, #tpu.memory_space<vmem>>, %arg4: memref<1x256xf32, #tpu.memory_space<vmem>>, %arg5: memref<1024x256xf32, #tpu.memory_space<vmem>>) attributes {dimension_semantics = [#tpu.dimension_semantics<arbitrary>], iteration_bounds = array<i64: 10>, scalar_prefetch = 0 : i64, scratch_operands = 0 : i64, tpu.core_type = #tpu.core_type<tc>, window_params = [{transform_indices = @transform_0, window_bounds = array<i64: 2, 1024, 128>}, {transform_indices = @transform_1, window_bounds = array<i64: 1024, 256>}, {transform_indices = @transform_2, window_bounds = array<i64: 1, 1024>}, {pipeline_mode = #tpu.pipeline_mode<synchronous>, transform_indices = @transform_3, window_bounds = array<i64: 1, 256>}, {transform_indices = @transform_4, window_bounds = array<i64: 1024, 256>}]} {
    %get3A = arith.constant 0 : index
    %get3A_0 = arith.constant 0 : index
    %get3A_1 = arith.constant 0 : index
    %get3A_2 = vector.load %arg1[%get3A, %get3A_0, %get3A_1] : memref<2x1024x128xf32, #tpu.memory_space<vmem>>, vector<1x1024x128xf32>
    %get3A_3 = vector.shape_cast %get3A_2 : vector<1x1024x128xf32> to vector<1024x128xf32>
    %get3A_4 = arith.constant 1 : index
    %get3A_5 = arith.constant 0 : index
    %get3A_6 = arith.constant 0 : index
    %get3A_7 = vector.load %arg1[%get3A_4, %get3A_5, %get3A_6] : memref<2x1024x128xf32, #tpu.memory_space<vmem>>, vector<1x1024x128xf32>
    %get3A_8 = vector.shape_cast %get3A_7 : vector<1x1024x128xf32> to vector<1024x128xf32>
    %concatenate3A = tpu.concatenate %get3A_3, %get3A_8 in 1 : vector<1024x128xf32>, vector<1024x128xf32> -> vector<1024x256xf32>
    %get3A_9 = arith.constant 0 : index
    %get3A_10 = arith.constant 0 : index
    %get3A_11 = vector.load %arg3[%get3A_9, %get3A_10] : memref<1x1024xf32, #tpu.memory_space<vmem>>, vector<1x1024xf32>
    %get3A_12 = vector.shape_cast %get3A_11 : vector<1x1024xf32> to vector<1024xf32>
    %broadcast_in_dim3A = vector.shape_cast %get3A_12 : vector<1024xf32> to vector<1024x1xf32>
    %get3A_13 = arith.constant 0 : index
    %get3A_14 = arith.constant 0 : index
    %get3A_15 = vector.load %arg2[%get3A_13, %get3A_14] : memref<1024x256xf32, #tpu.memory_space<vmem>>, vector<1024x256xf32>
    %add3A = arith.addf %concatenate3A, %get3A_15 : vector<1024x256xf32>
    %mul3A = vector.broadcast %broadcast_in_dim3A : vector<1024x1xf32> to vector<1024x256xf32>
    %mul3A_16 = arith.mulf %mul3A, %add3A : vector<1024x256xf32>
    %get3A_17 = arith.constant 0 : index
    %get3A_18 = arith.constant 0 : index
    %get3A_19 = vector.load %arg4[%get3A_17, %get3A_18] : memref<1x256xf32, #tpu.memory_space<vmem>>, vector<1x256xf32>
    %get3A_20 = vector.shape_cast %get3A_19 : vector<1x256xf32> to vector<256xf32>
    %broadcast_in_dim3A_21 = vector.shape_cast %get3A_20 : vector<256xf32> to vector<1x256xf32>
    %add3A_22 = vector.broadcast %broadcast_in_dim3A_21 : vector<1x256xf32> to vector<1024x256xf32>
    %add3A_23 = arith.addf %mul3A_16, %add3A_22 : vector<1024x256xf32>
    %swap3A = arith.constant 0 : index
    %swap3A_24 = arith.constant 0 : index
    %swap3A_25 = vector.load %arg5[%swap3A, %swap3A_24] : memref<1024x256xf32, #tpu.memory_space<vmem>>, vector<1024x256xf32>
    tpu.vector_store %arg5[%swap3A, %swap3A_24], %add3A_23 {strides = array<i32>} : memref<1024x256xf32, #tpu.memory_space<vmem>>, vector<1024x256xf32>,
    return
  }
  func.func @transform_0(%arg0: i32) -> (i32, i32, i32) {
    %c0_i32 = arith.constant 0 : i32
    %c0_i32_0 = arith.constant 0 : i32
    %c0_i32_1 = arith.constant 0 : i32
    return %c0_i32, %arg0, %c0_i32_0 : i32, i32, i32
  }
  func.func @transform_1(%arg0: i32) -> (i32, i32) {
    %c0_i32 = arith.constant 0 : i32
    %c0_i32_0 = arith.constant 0 : i32
    return %arg0, %c0_i32 : i32, i32
  }
  func.func @transform_2(%arg0: i32) -> (i32, i32) {
    %c0_i32 = arith.constant 0 : i32
    %c0_i32_0 = arith.constant 0 : i32
    return %c0_i32, %arg0 : i32, i32
  }
  func.func @transform_3(%arg0: i32) -> (i32, i32) {
    %c0_i32 = arith.constant 0 : i32
    %c0_i32_0 = arith.constant 0 : i32
    %c0_i32_1 = arith.constant 0 : i32
    return %c0_i32, %c0_i32_0 : i32, i32
  }
  func.func @transform_4(%arg0: i32) -> (i32, i32) {
    %c0_i32 = arith.constant 0 : i32
    %c0_i32_0 = arith.constant 0 : i32
    return %arg0, %c0_i32 : i32, i32
  }
}

</mosaic_0001>

<sc_bundles>
// kernel: kernel.11.cloned.1.call-start
scs
__scs_entry_jumppad:
0x0: {  	(pc) =	sbr.rel $0x88, $3  }
0x1: {  	(tag) =	ssettag $0x0;
	lr =	simm.s32 $0x1  }
0x2: {  	[smem:$0x3F98] =	sst lr;
	_ =	strace $0xD0000000  }
0x3: {  	_ = 	snop  }
0x4: {  	_ = 	snop  }
0x5: {  	_ = 	snop  }
0x6: {  	_ = 	snop  }
0x7: {  	_ = 	snop  }
__scs_overlays_trampoline_lowered:
0x8: {  	[smem:$0x3FA7] =	sst s0  }
0x9: {  	[smem:$0x3FA8] =	sst s1  }
0xa: {  	[smem:$0x3FA9] =	sst s2  }
0xb: {  	[smem:$0x3FAA] =	sst s3  }
0xc: {  	[smem:$0x3FAB] =	sst s4  }
0xd: {  	[smem:$0x3FAC] =	sst s5  }
0xe: {  	[smem:$0x3FAD] =	sst s6  }
0xf: {  	[smem:$0x3FAE] =	sst s7  }
0x10: {  	[smem:$0x3FAF] =	sst s8  }
0x11: {  	[smem:$0x3FB0] =	sst s9;
	s0 =	simm.s32 @!p0 $0x0  }
0x12: {  	s1 =	sld [smem:$0x3F96];
	s0 =	simm.s32 @p0 $0x1  }
0x13: {  	[smem:$0x3FB1] =	sst s0;
	s0 =	simm.s32 @!p1 $0x0  }
0x14: {  	s2 =	sld [smem:$0x3F95];
	s0 =	simm.s32 @p1 $0x1  }
0x15: {  	[smem:$0x3FB2] =	sst s0;
	s0 =	simm.s32 @!p2 $0x0  }
0x16: {  	s3 =	sld [smem:$0x3FDB];
	s0 =	simm.s32 @p2 $0x1  }
0x17: {  	s4 =	simm.s32 $0x1BF5;
	[smem:$0x3FB4] =	sst s0  }
0x18: {  	s0 =	sld [smem:$0x3F97];
	_ =	swait.ge [sflag:s4], $0x0  }
0x19: {  	s7 =	sld [smem:$0x3F98]  }
0x1a: {  	s8 =	sadd.s32 $0xFFFFE003, lr  }
0x1b: {  	s9 =	sadd.s32 $0xFFFFFEF7, lr;
	s5 =	simm.s32 $0xFFFFFFFF;
	p2 =	slt.u32 s8, $0xFFFFF086  }
0x1c: {  	p1 =	slt.u32 s9, $0xF7A;
	s5 =	simm.s32 @!p2 $0x0  }
0x1d: {  	s5 =	simm.s32 @p1 $0x1;
	p0 =	seq.s32 s7, s2  }
0x1e: {  	s7 =	smul.u32 @!p0 $0xF7A, s2;
	p2 =	seq.s32 @!p0 s5, $0x0  }
0x1f: {  	s9 =	smul.u32 $0xF7A, s1;
	s8 =	simm.s32 @!p0 $0x1BF5;
	p2 =	por !p2, p0  }
0x20: {  	[sflag:s8] =	ssyncset.s32 @!p0 $0xFFFFF086;
	s6 =	sadd.s32 @!p0 s3, s7;
	s7 =	simm.s32 @!p0 $0x108  }
0x21: {  	s3 =	sadd.s32 s3, s9;
	s6 =	sadd.s32 @!p0 $0x88, s6;
	s7 =	simm.s32 @p2 $0x1082  }
0x22: {  	[simem:s7], [sflag:s8] =	dma.local @!p0 [hbm:s6], $0xF7A  }
0x23: {  	s9 =	sor.u32 $0xD0000000, s2;
	s6 =	simm.s32 $0x108;
	_ =	swait.ge @!p0 [sflag:s8], $0x0  }
0x24: {  	s3 =	sadd.s32 $0x88, s3;
	s6 =	simm.s32 @!p1 $0x1082;
	[sflag:s4] =	ssyncset.s32 $0xFFFFF086  }
0x25: {  	[simem:s6], [sflag:s4] =	dma.local [hbm:s3], $0xF7A  }
0x26: {  	[smem:$0x3F98] =	sst s1;
	(tag) =	ssettag s2;
	_ =	strace s9  }
0x27: {  	s1 =	sld [smem:$0x3FA8]  }
0x28: {  	s2 =	sld [smem:$0x3FA9]  }
0x29: {  	s4 =	sld [smem:$0x3FAB]  }
0x2a: {  	p0 =	seq.s32 s5, $0x0;
	s5 =	sld [smem:$0x3FAC]  }
0x2b: {  	s6 =	sld [smem:$0x3FAD]  }
0x2c: {  	s7 =	sld [smem:$0x3FAE]  }
0x2d: {  	s3 =	simm.s32 $0x108;
	s8 =	sld [smem:$0x3FAF]  }
0x2e: {  	s3 =	simm.s32 @!p0 $0x1082;
	s9 =	sld [smem:$0x3FB0]  }
0x2f: {  	lr =	sadd.s32 s0, s3;
	s0 =	sld [smem:$0x3FA7]  }
0x30: {  	s3 =	sld [smem:$0x3FAA]  }
0x31: {  	[smem:$0x3FB3] =	sst s10  }
0x32: {  	s10 =	sld [smem:$0x3FB1];
	_ =	sdelay $0x3  }
0x33: {  	p0 =	seq.s32 s10, $0x1;
	s10 =	sld [smem:$0x3FB3];
	_ =	sdelay $0x3  }
0x34: {  	[smem:$0x3FB3] =	sst s10  }
0x35: {  	s10 =	sld [smem:$0x3FB2];
	_ =	sdelay $0x3  }
0x36: {  	p1 =	seq.s32 s10, $0x1;
	s10 =	sld [smem:$0x3FB3];
	_ =	sdelay $0x3  }
0x37: {  	[smem:$0x3FB3] =	sst s10  }
0x38: {  	s10 =	sld [smem:$0x3FB4]  }
0x39: {  	_ = 	snop;
	(pc) =	sbr.ind lr, $3  }
0x3a: {  	_ = 	snop  }
0x3b: {  	_ = 	snop  }
0x3c: {  	p2 =	seq.s32 s10, $0x1;
	s10 =	sld [smem:$0x3FB3]  }
0x3d: {  	_ =	shalt  }
0x3e: {  	_ =	shalt  }
0x3f: {  	_ =	shalt  }
0x40: {  	_ =	shalt  }
0x41: {  	_ =	shalt  }
0x42: {  	_ =	shalt  }
0x43: {  	_ =	shalt  }
0x44: {  	_ =	shalt  }
0x45: {  	_ =	shalt  }
0x46: {  	_ =	shalt  }
0x47: {  	_ =	shalt  }
0x48: {  	_ =	shalt  }
0x49: {  	_ =	shalt  }
0x4a: {  	_ =	shalt  }
0x4b: {  	_ =	shalt  }
0x4c: {  	_ =	shalt  }
0x4d: {  	_ =	shalt  }
0x4e: {  	_ =	shalt  }
0x4f: {  	_ =	shalt  }
0x50: {  	_ =	shalt  }
0x51: {  	_ =	shalt  }
0x52: {  	_ =	shalt  }
0x53: {  	_ =	shalt  }
0x54: {  	_ =	shalt  }
0x55: {  	_ =	shalt  }
0x56: {  	_ =	shalt  }
0x57: {  	_ =	shalt  }
0x58: {  	_ =	shalt  }
0x59: {  	_ =	shalt  }
0x5a: {  	_ =	shalt  }
0x5b: {  	_ =	shalt  }
0x5c: {  	_ =	shalt  }
0x5d: {  	_ =	shalt  }
0x5e: {  	_ =	shalt  }
0x5f: {  	_ =	shalt  }
0x60: {  	_ =	shalt  }
0x61: {  	_ =	shalt  }
0x62: {  	_ =	shalt  }
0x63: {  	_ =	shalt  }
0x64: {  	_ =	shalt  }
0x65: {  	_ =	shalt  }
0x66: {  	_ =	shalt  }
0x67: {  	_ =	shalt  }
0x68: {  	_ =	shalt  }
0x69: {  	_ =	shalt  }
0x6a: {  	_ =	shalt  }
0x6b: {  	_ =	shalt  }
0x6c: {  	_ =	shalt  }
0x6d: {  	_ =	shalt  }
0x6e: {  	_ =	shalt  }
0x6f: {  	_ =	shalt  }
0x70: {  	_ =	shalt  }
0x71: {  	_ =	shalt  }
0x72: {  	_ =	shalt  }
0x73: {  	_ =	shalt  }
0x74: {  	_ =	shalt  }
0x75: {  	_ =	shalt  }
0x76: {  	_ =	shalt  }
0x77: {  	_ =	shalt  }
0x78: {  	_ =	shalt  }
0x79: {  	_ =	shalt  }
0x7a: {  	_ =	shalt  }
0x7b: {  	_ =	shalt  }
0x7c: {  	_ =	shalt  }
0x7d: {  	_ =	shalt  }
0x7e: {  	_ =	shalt  }
0x7f: {  	_ =	shalt  }
0x80: {  	_ =	shalt  }
0x81: {  	_ =	shalt  }
0x82: {  	_ =	shalt  }
0x83: {  	_ =	shalt  }
0x84: {  	_ =	shalt  }
0x85: {  	_ =	shalt  }
0x86: {  	_ =	shalt  }
0x87: {  	_ =	shalt  }
.Lfunc_end0:
.L_simem_size_0:
called_computation.1_lowered:
.L_overlay_start_0:
0x88: {  	s2 =	sld [smem:$0x3FD9]  }
0x89: {  	s3 =	sld [smem:$0x3FFE];
	_ =	sdelay $0x1  }
0x8a: {  	s1 =	srdreg.scid  }
0x8b: {  	s0 =	sand.u32 $0x1, s1  }
0x8c: {  	s16 =	sshll.u32 s0, $0xA;
	s2 =	sadd.s32 s3, s2  }
0x8d: {  	s2 =	sadd.s32 s2, s16  }
0x8e: {  	[smem:$0x3FBF] =	sst s2  }
0x8f: {  	_ = 	snop  }
0x90: {  	(tm) =	ssettm $0x1  }
0x91: {  	s17 =	sld [smem:$0x3FFB];
	_ =	sdelay $0x3  }
0x92: {  	_ =	strace s17  }
0x93: {  	s2 =	sld [smem:$0x3FFC];
	_ =	sdelay $0x3  }
0x94: {  	_ =	strace s2  }
0x95: {  	s2 =	sld [smem:$0x3FFD];
	_ =	sdelay $0x3  }
0x96: {  	_ =	strace s2  }
0x97: {  	_ =	strace $0x8FFFFFFF  }
0x98: {  	s18 =	sld [smem:$0x3FDB];
	_ =	sdelay $0x1  }
0x99: {  	s19 =	simm.s32 $_scs_section_size  }
0x9a: {  	s4 =	simm.s32 $_size__tile_overlayer_lowered;
	s5 =	simm.s32 $_tile_overlayer_lowered  }
0x9b: {  	s22 =	simm.s32 $0x1BFF;
	s21 =	sshll.u32 s5, $0x1;
	s2 =	sadd.s32 s19, s18  }
0x9c: {  	s6 =	simm.s32 $0x0;
	s20 =	sshll.u32 s4, $0x1;
	s4 =	sadd.s32 s21, s2  }
0x9d: {  	[timem:s6], [sflag:s22] =	dma.local [hbm:s4], s20  }
0x9e: {  	_ =	swait.ge [sflag:s22], s20  }
0x9f: {  	s3 =	ssub.s32 $0x0, s20;
	[sflag:s22] =	ssyncset.done $0x0  }
0xa0: {  	[sflag:s22] =	ssyncadd.s32 s3;
	_ =	sdelay $0x1  }
0xa1: {  	s23 =	simm.s32 $0x1B8B  }
0xa2: {  	_ =	swait.ge [sflag:s23], $0x1  }
0xa3: {  	[sflag:s23] =	ssyncset.done $0x0  }
0xa4: {  	s25 =	simm.s32 $0x1B8E;
	s24 =	sld [smem:$0x3FFE];
	[sflag:s23] =	ssyncadd.s32 $0xFFFFFFFF  }
0xa5: {  	s26 =	simm.s32 $execute0_lowered;
	[smem:$0x3FD2] =	sst s25  }
0xa6: {  	s4 =	sshll.u32 s26, $0x1;
	_ =	strace $0x80000049;
	[dreg:$0x1] =	wrdreg $0xFFFFFFFF  }
0xa7: {  	s28 =	simm.s32 $_size_execute0_lowered;
	s2 =	sadd.s32 s2, s4;
	[dreg:$0x0] =	wrdreg $0x0  }
0xa8: {  	s4 =	sshll.u32 s28, $0x1;
	[dreg:$0x2] =	wrdreg s2  }
0xa9: {  	[dreg:$0x3] =	wrdreg s4  }
0xaa: {  	[dreg:$0x4] =	wrdreg $0xC0  }
0xab: {  	_ =	task [dreg:s6], $0x5FFFF  }
0xac: {  	[dreg:$0x1] =	wrdreg $0xFFFFFFFF  }
0xad: {  	[dreg:$0x0] =	wrdreg $0x60  }
0xae: {  	[dreg:$0x2] =	wrdreg s24  }
0xaf: {  	[dreg:$0x3] =	wrdreg $0x98000  }
0xb0: {  	[dreg:$0x4] =	wrdreg $0x9  }
0xb1: {  	_ =	task.clear_ibuf [dreg:s6], $0x5FFFF;
	_ =	strace $0x90000049  }
0xb2: {  	s29 =	simm.s32 $0x9;
	_ =	strace $0x8000004B  }
0xb3: {  	_ =	swait.ge [sflag:s29], $0x1  }
0xb4: {  	[sflag:s29] =	ssyncadd.s32 $0xFFFFFFFF  }
0xb5: {  	_ =	strace $0x9000004B  }
0xb6: {  	_ =	sfence  }
0xb7: {  	s30 =	sld [smem:$0x0];
	_ =	sdelay $0x2  }
0xb8: {  	s31 =	sshll.u32 s1, $0xD;
	s1 =	sshrl.u32 s1, $0x2  }
0xb9: {  	s3 =	sand.u32 $0x4000, s31;
	s1 =	sadd.s32 s1, s30  }
0xba: {  	s0 =	sor.u32 s3, s0;
	s1 =	sshll.u32 s1, $0x11  }
0xbb: {  	s0 =	sor.u32 s1, s0  }
0xbc: {  	s0 =	sadd.s32 $0x8F2B, s0  }
0xbd: {  	[sflag:s0] =	ssyncadd.remote.s32 $0x1  }
0xbe: {  	_ =	sfence.sel $0xFFFF  }
0xbf: {  	[dreg:$0x0] =	wrdreg $0xFFFFFFFF;
	(pc) =	sbr.abs _section_cstart, $3  }
0xc0: {  	[dreg:$0x1] =	wrdreg $0xFFFFFFFF  }
0xc1: {  	_ =	task.clear_ibuf [dreg:s6], $0x2FFFF;
	_ =	strace $0x9FFFFFFF  }
0xc2: {  	(tm) =	ssettm $0x7FFFFFFF  }
0xc3: {  	_ =	shalt  }
tec
execute0_lowered:
.L_overlay_start_1:
0x0: {  	(tag) =	ssettag $0x1  }
0x1: {  	s5 =	rddreg [dreg:$0x0]  }
0x2: {  	s1 =	rddreg [dreg:$0x1];
	s2 =	srdreg.scid  }
0x3: {  	s0 =	rddreg [dreg:$0x2];
	s3 =	simm.s32 $0x0;
	s15 =	sand.u32 $0x1, s2  }
0x4: {  	s11 =	simm.s32 $0x2;
	s2 =	stileid.u32;
	s6 =	smul.u32 $0x140000, s15  }
0x5: {  	s12 =	simm.s32 $0x2800;
	s13 =	simm.s32 $0x80;
	s7 =	smul.u32 $0x14000, s2  }
0x6: {  	s14 =	simm.s32 $0x5000;
	[smem:$0x7FF] =	sst s3;
	s8 =	smul.u32 $0x500, s2  }
0x7: {  	s4 =	sadd.s32 $0x5DE00, s5;
	_ =	strace $0x8000004A;
	s29 =	smul.u32 $0x50000, s2  }
0x8: {  	s9 =	ssub.s32 $0x2, s15;
	s16 =	sshll.u32 s2, $0x6;
	v0 =	vmov s15;
	s15 =	simm.s32 $0x1  }
0x9: {  	s30 =	sshrl.u32 s9, $0x1;
	s16 =	sor.u32 $0x1C02, s16;
	s6 =	sadd.s32 s7, s6  }
0xa: {  	s8 =	sadd.s32 s8, s5;
	s31 =	sshrl.u32 s29, $0x2;
	s9 =	ssub.s32 s9, s30  }
0xb: {  	s6 =	sshrl.u32 s6, $0x3;
	s7 =	sadd.s32 $0x53E00, s8;
	s9 =	smax.u32 s9, $0x1  }
0xc: {  	s10 =	sadd.s32 s6, s5;
	s5 =	sadd.s32 s31, s1;
	s6 =	sadd.s32 $0x58E00, s8  }
0xd: {  	v1 =	vimm.f32 $0.0e+00;
	s8 =	sadd.s32 $0xADE00, s10;
	s10 =	simm.s32 $0x9000;
	s17 =	sshrl.u32 s5, $0x3  }
.LBB2_1:
0xe: {  	[tilespmem:$0x9000] =	vst v1  }
0xf: {  	[tilespmem:$0x9010] =	vst v1  }
0x10: {  	[tilespmem:$0x9020] =	vst v1  }
0x11: {  	[tilespmem:$0x9030] =	vst v1  }
0x12: {  	[tilespmem:$0x9040] =	vst v1  }
0x13: {  	[tilespmem:$0x9050] =	vst v1  }
0x14: {  	[tilespmem:$0x9060] =	vst v1  }
0x15: {  	[tilespmem:$0x9070] =	vst v1  }
0x16: {  	[tilespmem:$0x9080] =	vst v1  }
0x17: {  	[tilespmem:$0x9090] =	vst v1  }
0x18: {  	[tilespmem:$0x90A0] =	vst v1  }
0x19: {  	[tilespmem:$0x90B0] =	vst v1  }
0x1a: {  	[tilespmem:$0x90C0] =	vst v1  }
0x1b: {  	[tilespmem:$0x90D0] =	vst v1  }
0x1c: {  	[tilespmem:$0x90E0] =	vst v1  }
0x1d: {  	[tilespmem:$0x90F0] =	vst v1  }
0x1e: {  	[tilespmem:$0x9100] =	vst v1  }
0x1f: {  	[tilespmem:$0x9110] =	vst v1  }
0x20: {  	[tilespmem:$0x9120] =	vst v1  }
0x21: {  	[tilespmem:$0x9130] =	vst v1  }
0x22: {  	[tilespmem:$0x9140] =	vst v1  }
0x23: {  	[tilespmem:$0x9150] =	vst v1  }
0x24: {  	[tilespmem:$0x9160] =	vst v1  }
0x25: {  	[tilespmem:$0x9170] =	vst v1  }
0x26: {  	[tilespmem:$0x9180] =	vst v1  }
0x27: {  	[tilespmem:$0x9190] =	vst v1  }
0x28: {  	[tilespmem:$0x91A0] =	vst v1  }
0x29: {  	[tilespmem:$0x91B0] =	vst v1  }
0x2a: {  	[tilespmem:$0x91C0] =	vst v1  }
0x2b: {  	[tilespmem:$0x91D0] =	vst v1  }
0x2c: {  	[tilespmem:$0x91E0] =	vst v1  }
0x2d: {  	[tilespmem:$0x91F0] =	vst v1  }
0x2e: {  	[tilespmem:$0x9200] =	vst v1  }
0x2f: {  	[tilespmem:$0x9210] =	vst v1  }
0x30: {  	[tilespmem:$0x9220] =	vst v1  }
0x31: {  	[tilespmem:$0x9230] =	vst v1  }
0x32: {  	[tilespmem:$0x9240] =	vst v1  }
0x33: {  	[tilespmem:$0x9250] =	vst v1  }
0x34: {  	[tilespmem:$0x9260] =	vst v1  }
0x35: {  	[tilespmem:$0x9270] =	vst v1  }
0x36: {  	[tilespmem:$0x9280] =	vst v1  }
0x37: {  	[tilespmem:$0x9290] =	vst v1  }
0x38: {  	[tilespmem:$0x92A0] =	vst v1  }
0x39: {  	[tilespmem:$0x92B0] =	vst v1  }
0x3a: {  	[tilespmem:$0x92C0] =	vst v1  }
0x3b: {  	[tilespmem:$0x92D0] =	vst v1  }
0x3c: {  	[tilespmem:$0x92E0] =	vst v1  }
0x3d: {  	[tilespmem:$0x92F0] =	vst v1  }
0x3e: {  	[tilespmem:$0x9300] =	vst v1  }
0x3f: {  	[tilespmem:$0x9310] =	vst v1  }
0x40: {  	[tilespmem:$0x9320] =	vst v1  }
0x41: {  	[tilespmem:$0x9330] =	vst v1  }
0x42: {  	[tilespmem:$0x9340] =	vst v1  }
0x43: {  	[tilespmem:$0x9350] =	vst v1  }
0x44: {  	[tilespmem:$0x9360] =	vst v1  }
0x45: {  	[tilespmem:$0x9370] =	vst v1  }
0x46: {  	[tilespmem:$0x9380] =	vst v1  }
0x47: {  	[tilespmem:$0x9390] =	vst v1  }
0x48: {  	[tilespmem:$0x93A0] =	vst v1  }
0x49: {  	[tilespmem:$0x93B0] =	vst v1  }
0x4a: {  	[tilespmem:$0x93C0] =	vst v1  }
0x4b: {  	[tilespmem:$0x93D0] =	vst v1  }
0x4c: {  	[tilespmem:$0x93E0] =	vst v1  }
0x4d: {  	[tilespmem:$0x93F0] =	vst v1  }
0x4e: {  	[tilespmem:$0x9400] =	vst v1  }
0x4f: {  	[tilespmem:$0x9410] =	vst v1  }
0x50: {  	[tilespmem:$0x9420] =	vst v1  }
0x51: {  	[tilespmem:$0x9430] =	vst v1  }
0x52: {  	[tilespmem:$0x9440] =	vst v1  }
0x53: {  	[tilespmem:$0x9450] =	vst v1  }
0x54: {  	[tilespmem:$0x9460] =	vst v1  }
0x55: {  	[tilespmem:$0x9470] =	vst v1  }
0x56: {  	[tilespmem:$0x9480] =	vst v1  }
0x57: {  	[tilespmem:$0x9490] =	vst v1  }
0x58: {  	[tilespmem:$0x94A0] =	vst v1  }
0x59: {  	[tilespmem:$0x94B0] =	vst v1  }
0x5a: {  	[tilespmem:$0x94C0] =	vst v1  }
0x5b: {  	[tilespmem:$0x94D0] =	vst v1  }
0x5c: {  	[tilespmem:$0x94E0] =	vst v1  }
0x5d: {  	[tilespmem:$0x94F0] =	vst v1  }
0x5e: {  	[tilespmem:$0x9500] =	vst v1  }
0x5f: {  	[tilespmem:$0x9510] =	vst v1  }
0x60: {  	[tilespmem:$0x9520] =	vst v1  }
0x61: {  	[tilespmem:$0x9530] =	vst v1  }
0x62: {  	[tilespmem:$0x9540] =	vst v1  }
0x63: {  	[tilespmem:$0x9550] =	vst v1  }
0x64: {  	[tilespmem:$0x9560] =	vst v1  }
0x65: {  	[tilespmem:$0x9570] =	vst v1  }
0x66: {  	[tilespmem:$0x9580] =	vst v1  }
0x67: {  	[tilespmem:$0x9590] =	vst v1  }
0x68: {  	[tilespmem:$0x95A0] =	vst v1  }
0x69: {  	[tilespmem:$0x95B0] =	vst v1  }
0x6a: {  	[tilespmem:$0x95C0] =	vst v1  }
0x6b: {  	[tilespmem:$0x95D0] =	vst v1  }
0x6c: {  	[tilespmem:$0x95E0] =	vst v1  }
0x6d: {  	[tilespmem:$0x95F0] =	vst v1  }
0x6e: {  	[tilespmem:$0x9600] =	vst v1  }
0x6f: {  	[tilespmem:$0x9610] =	vst v1  }
0x70: {  	[tilespmem:$0x9620] =	vst v1  }
0x71: {  	[tilespmem:$0x9630] =	vst v1  }
0x72: {  	[tilespmem:$0x9640] =	vst v1  }
0x73: {  	[tilespmem:$0x9650] =	vst v1  }
0x74: {  	[tilespmem:$0x9660] =	vst v1  }
0x75: {  	[tilespmem:$0x9670] =	vst v1  }
0x76: {  	[tilespmem:$0x9680] =	vst v1  }
0x77: {  	[tilespmem:$0x9690] =	vst v1  }
0x78: {  	[tilespmem:$0x96A0] =	vst v1  }
0x79: {  	[tilespmem:$0x96B0] =	vst v1  }
0x7a: {  	[tilespmem:$0x96C0] =	vst v1  }
0x7b: {  	[tilespmem:$0x96D0] =	vst v1  }
0x7c: {  	[tilespmem:$0x96E0] =	vst v1  }
0x7d: {  	[tilespmem:$0x96F0] =	vst v1  }
0x7e: {  	[tilespmem:$0x9700] =	vst v1  }
0x7f: {  	[tilespmem:$0x9710] =	vst v1  }
0x80: {  	[tilespmem:$0x9720] =	vst v1  }
0x81: {  	[tilespmem:$0x9730] =	vst v1  }
0x82: {  	[tilespmem:$0x9740] =	vst v1  }
0x83: {  	[tilespmem:$0x9750] =	vst v1  }
0x84: {  	[tilespmem:$0x9760] =	vst v1  }
0x85: {  	[tilespmem:$0x9770] =	vst v1  }
0x86: {  	[tilespmem:$0x9780] =	vst v1  }
0x87: {  	[tilespmem:$0x9790] =	vst v1  }
0x88: {  	[tilespmem:$0x97A0] =	vst v1  }
0x89: {  	[tilespmem:$0x97B0] =	vst v1  }
0x8a: {  	[tilespmem:$0x97C0] =	vst v1  }
0x8b: {  	[tilespmem:$0x97D0] =	vst v1  }
0x8c: {  	[tilespmem:$0x97E0] =	vst v1  }
0x8d: {  	[tilespmem:$0x97F0] =	vst v1;
	s18 =	sadd.s32 $0x0, s5  }
0x8e: {  	[spmem:s18] =	stream.linear.scatter [tilespmem:s10], [sflag:$0x2], $0x800, $0x38;
	[tilespmem:$0x1D800] =	vst v63  }
0x8f: {  	s18 =	simm.s32 $0x2000;
	_ =	swait.ge [sflag:s11], $0x800  }
.LBB2_2:
0x90: {  	s19 =	sshra.s32 s18, $0x2;
	[sflag:s11] =	ssyncset.done $0x0;
	p0 =	sne.s32 s18, $0x4E000  }
.Ltmp0:
0x91: {  	s19 =	sadd.s32 s19, s5;
	[sflag:s11] =	ssyncadd.s32 $0xFFFFF800;
	(pc) =	sbr.rel @p0 .LBB2_2-.Ltmp0, $3  }
0x92: {  	[spmem:s19] =	stream.linear.scatter [tilespmem:s10], [sflag:$0x2], $0x800, $0x38;
	[tilespmem:$0x1D800] =	vst v63  }
0x93: {  	s18 =	sadd.s32 $0x2000, s18;
	_ =	sdelay $0x1  }
0x94: {  	_ =	swait.ge [sflag:s11], $0x800  }
0x95: {  	[sflag:s11] =	ssyncset.done $0x0  }
0x96: {  	s18 =	simm.s32 $0x0;
	[sflag:s11] =	ssyncadd.s32 $0xFFFFF800  }
0x97: {  	[tilespmem:s18], [sflag:$0x2] =	stream.linear.gather [hbm4b:s6+s18], $0x2780, $0x38;
	[tilespmem:$0x1D800] =	vst v63  }
0x98: {  	_ =	swait.ge [sflag:s11], $0x2780  }
0x99: {  	[sflag:s11] =	ssyncset.done $0x0  }
0x9a: {  	[sflag:s11] =	ssyncadd.s32 $0xFFFFD880  }
0x9b: {  	[tilespmem:s12], [sflag:$0x2] =	stream.linear.gather [hbm4b:s7+s18], $0x2780, $0x38;
	[tilespmem:$0x1D800] =	vst v63  }
0x9c: {  	_ =	swait.ge [sflag:s11], $0x2780  }
0x9d: {  	[sflag:s11] =	ssyncset.done $0x0  }
0x9e: {  	s18 =	simm.s32 $0x0;
	[sflag:s11] =	ssyncadd.s32 $0xFFFFD880  }
0x9f: {  	v3 =	vld [tilespmem:s18+$0x0]  }
0xa0: {  	v4 =	vld [tilespmem:s18+$0x10]  }
0xa1: {  	v6 =	vld [tilespmem:s18+$0x20]  }
0xa2: {  	v5 =	vld [tilespmem:s18+$0x30]  }
0xa3: {  	v2 =	vld [tilespmem:s18+$0x40]  }
0xa4: {  	v7 =	vshll.u32 v3, $0x1;
	v3 =	vld [tilespmem:s18+$0x50]  }
0xa5: {  	s19 =	simm.s32 $0x200;
	v8 =	vshll.u32 v4, $0x1;
	v4 =	vld [tilespmem:s18+$0x60];
	v7 =	vor.u32 v0, v7  }
.LBB2_4:
0xa6: {  	s20 =	sshra.s32 s19, $0x2;
	p0 =	sne.s32 s19, $0x9C00;
	[tilespmem:s18+$0x0] =	vst v7;
	v7 =	vor.u32 v0, v8;
	v6 =	vshll.u32 v6, $0x1;
	v8 =	vld [tilespmem:s18+$0x70]  }
0xa7: {  	v9 =	vld [tilespmem:s20+$0x0];
	[tilespmem:s18+$0x10] =	vst v7;
	v6 =	vor.u32 v0, v6;
	v5 =	vshll.u32 v5, $0x1  }
0xa8: {  	v10 =	vld [tilespmem:s20+$0x10];
	[tilespmem:s18+$0x20] =	vst v6;
	v5 =	vor.u32 v0, v5;
	v2 =	vshll.u32 v2, $0x1  }
.Ltmp1:
0xa9: {  	v6 =	vld [tilespmem:s20+$0x20];
	[tilespmem:s18+$0x30] =	vst v5;
	v2 =	vor.u32 v0, v2;
	v3 =	vshll.u32 v3, $0x1;
	(pc) =	sbr.rel @p0 .LBB2_4-.Ltmp1, $4  }
0xaa: {  	v5 =	vld [tilespmem:s20+$0x30];
	[tilespmem:s18+$0x40] =	vst v2;
	v3 =	vor.u32 v0, v3;
	v4 =	vshll.u32 v4, $0x1  }
0xab: {  	v2 =	vld [tilespmem:s20+$0x40];
	[tilespmem:s18+$0x50] =	vst v3;
	v4 =	vor.u32 v0, v4;
	v7 =	vshll.u32 v8, $0x1  }
0xac: {  	v8 =	vshll.u32 v9, $0x1;
	v3 =	vld [tilespmem:s20+$0x50];
	[tilespmem:s18+$0x60] =	vst v4;
	v9 =	vor.u32 v0, v7  }
0xad: {  	s19 =	sadd.s32 $0x200, s19;
	v7 =	vor.u32 v0, v8;
	v8 =	vshll.u32 v10, $0x1;
	v4 =	vld [tilespmem:s20+$0x60];
	[tilespmem:s18+$0x70] =	vst v9;
	s18 =	smov.u32 s20  }
0xae: {  	[tilespmem:s18+$0x0] =	vst v7;
	v62 =	vor.u32 v0, v8;
	v6 =	vshll.u32 v6, $0x1;
	v63 =	vld [tilespmem:s18+$0x70]  }
0xaf: {  	[tilespmem:s18+$0x10] =	vst v62;
	v6 =	vor.u32 v0, v6;
	v5 =	vshll.u32 v5, $0x1  }
0xb0: {  	[tilespmem:s18+$0x20] =	vst v6;
	v5 =	vor.u32 v0, v5;
	v2 =	vshll.u32 v2, $0x1  }
0xb1: {  	[tilespmem:s18+$0x30] =	vst v5;
	v2 =	vor.u32 v0, v2;
	v3 =	vshll.u32 v3, $0x1  }
0xb2: {  	[tilespmem:s18+$0x40] =	vst v2;
	v2 =	vor.u32 v0, v3;
	v3 =	vshll.u32 v4, $0x1  }
0xb3: {  	[tilespmem:s18+$0x50] =	vst v2;
	v2 =	vor.u32 v0, v3;
	v3 =	vshll.u32 v63, $0x1  }
0xb4: {  	[tilespmem:s18+$0x60] =	vst v2;
	v2 =	vor.u32 v0, v3  }
0xb5: {  	[tilespmem:s18+$0x70] =	vst v2  }
0xb6: {  	s30 =	simm.s32 $0x0;
	[bflag:$0x0] =	sbarrier.arrive $0xFFFF  }
0xb7: {  	[tilespmem:s14], [sflag:$0x1] =	stream.indirect.gather [hbm4b:s4+s13], $0x80, s30, s13, $0xb8;
	[tilespmem:$0x1D800] =	vst v63  }
0xb8: {  	_ =	swait.ge [sflag:s15], $0x4000  }
0xb9: {  	[sflag:s15] =	ssyncset.done $0x0  }
0xba: {  	s31 =	simm.s32 $0x2800;
	[sflag:s15] =	ssyncadd.s32 $0xFFFFC000  }
0xbb: {  	[spmem:s1] =	stream.indirect.scatter.add.f32 [tilespmem:s14], [sflag:$0x2], $0x80, s31, s13, $0xb8;
	[tilespmem:$0x1D800] =	vst v63  }
0xbc: {  	_ =	swait.ge [sflag:s11], $0x4000  }
0xbd: {  	s19 =	simm.s32 $0x400;
	s18 =	simm.s32 $0x200;
	[sflag:s11] =	ssyncset.done $0x0  }
.LBB2_6:
0xbe: {  	s20 =	sshra.s32 s18, $0x2  }
0xbf: {  	[sflag:s11] =	ssyncadd.s32 $0xFFFFC000;
	s18 =	smov.u32 s19;
	s21 =	sadd.s32 $0x200, s19  }
0xc0: {  	[tilespmem:s14], [sflag:$0x1] =	stream.indirect.gather [hbm4b:s4+s13], $0x80, s20, s13, $0xb8;
	[tilespmem:$0x1D800] =	vst v63  }
0xc1: {  	p0 =	sne.s32 s19, $0x9C00;
	_ =	swait.ge [sflag:s15], $0x4000  }
.Ltmp2:
0xc2: {  	[sflag:s15] =	ssyncset.done $0x0;
	(pc) =	sbr.rel @p0 .LBB2_6-.Ltmp2, $4  }
0xc3: {  	s19 =	sadd.s32 $0x2800, s20;
	[sflag:s15] =	ssyncadd.s32 $0xFFFFC000  }
0xc4: {  	[spmem:s1] =	stream.indirect.scatter.add.f32 [tilespmem:s14], [sflag:$0x2], $0x80, s19, s13, $0xb8;
	[tilespmem:$0x1D800] =	vst v63  }
0xc5: {  	_ =	swait.ge [sflag:s11], $0x4000  }
0xc6: {  	s19 =	smov.u32 s21;
	[sflag:s11] =	ssyncset.done $0x0  }
0xc7: {  	s18 =	sshra.s32 s18, $0x2;
	[sflag:s11] =	ssyncadd.s32 $0xFFFFC000  }
0xc8: {  	[tilespmem:s14], [sflag:$0x1] =	stream.indirect.gather [hbm4b:s4+s13], $0x80, s18, s13, $0xb8;
	[tilespmem:$0x1D800] =	vst v63  }
0xc9: {  	_ =	swait.ge [sflag:s15], $0x4000  }
0xca: {  	[sflag:s15] =	ssyncset.done $0x0  }
0xcb: {  	s18 =	sadd.s32 $0x2800, s18;
	[sflag:s15] =	ssyncadd.s32 $0xFFFFC000  }
0xcc: {  	[spmem:s1] =	stream.indirect.scatter.add.f32 [tilespmem:s14], [sflag:$0x2], $0x80, s18, s13, $0xb8;
	[tilespmem:$0x1D800] =	vst v63  }
0xcd: {  	_ =	swait.ge [sflag:s11], $0x4000  }
0xce: {  	s3 =	sadd.s32 $0x1, s3;
	[sflag:s11] =	ssyncset.done $0x0  }
0xcf: {  	p0 =	sne.s32 s3, s9;
	[sflag:s11] =	ssyncadd.s32 $0xFFFFC000  }
.Ltmp3:
0xd0: {  	[bflag:$0x0] =	sbarrier.arrive $0xFFFF;
	(pc) =	sbr.rel @p0 .LBB2_1-.Ltmp3, $4  }
0xd1: {  	[hbm:s8], [sflag:s16] =	dma.local [spmem:s17], $0x2800  }
0xd2: {  	_ =	swait.ge [sflag:s11], $0x2800  }
0xd3: {  	[sflag:s11] =	ssyncset.done $0x0  }
0xd4: {  	[sflag:s11] =	ssyncadd.s32 $0xFFFFD800  }
0xd5: {  	_ =	sfence.sel $0x180000  }
0xd6: {  	[bflag:$0x0] =	sbarrier.arrive $0xFFFF  }
0xd7: {  	p0 =	sne.s32 s2, $0x0;
	_ =	strace $0x9000004A  }
0xd8: {  	s0 =	sadd.s32 @!p0 $0x100000, s0;
	[bflag:$0x2] =	sbarrier.arrive $0xFFFF  }
0xd9: {  	[sflag:s0] =	ssyncadd.tile.s32 @!p0 $0x1;
	_ =	shalt  }
.Lfunc_end2:
_tile_overlayer_lowered:
.L_overlay_start_2:
0xda: {  	(tag) =	ssettag $0x2  }
0xdb: {  	s0 =	rddreg [dreg:$0x0];
	s2 =	stileid.u32  }
0xdc: {  	s1 =	rddreg [dreg:$0x1];
	p0 =	sne.s32 s2, $0x0  }
0xdd: {  	s3 =	rddreg [dreg:$0x2];
	[bflag:$0x3] =	sbarrier.arrive $0xFFFF;
	s2 =	simm.s32 @!p0 $0x1C02  }
0xde: {  	[timem:s3], [sflag:s2] =	dma.local @!p0 [hbm:s0], s1  }
0xdf: {  	s0 =	simm.s32 @!p0 $0x2  }
0xe0: {  	_ =	swait.ge @!p0 [sflag:s0], s1  }
0xe1: {  	s1 =	ssub.s32 @!p0 $0x0, s1;
	[sflag:s0] =	ssyncset.done @!p0 $0x0  }
0xe2: {  	[sflag:s0] =	ssyncadd.s32 @!p0 s1  }
0xe3: {  	[bflag:$0x3] =	sbarrier.arrive $0xFFFF  }
0xe4: {  	_ =	shalt  }

// kernel: kernel.14.cloned.1.call-start
scs
__scs_entry_jumppad:
0x0: {  	(pc) =	sbr.rel $0x88, $3  }
0x1: {  	(tag) =	ssettag $0x0;
	lr =	simm.s32 $0x1  }
0x2: {  	[smem:$0x3F98] =	sst lr;
	_ =	strace $0xD0000000  }
0x3: {  	_ = 	snop  }
0x4: {  	_ = 	snop  }
0x5: {  	_ = 	snop  }
0x6: {  	_ = 	snop  }
0x7: {  	_ = 	snop  }
__scs_overlays_trampoline_lowered:
0x8: {  	[smem:$0x3FA7] =	sst s0  }
0x9: {  	[smem:$0x3FA8] =	sst s1  }
0xa: {  	[smem:$0x3FA9] =	sst s2  }
0xb: {  	[smem:$0x3FAA] =	sst s3  }
0xc: {  	[smem:$0x3FAB] =	sst s4  }
0xd: {  	[smem:$0x3FAC] =	sst s5  }
0xe: {  	[smem:$0x3FAD] =	sst s6  }
0xf: {  	[smem:$0x3FAE] =	sst s7  }
0x10: {  	[smem:$0x3FAF] =	sst s8  }
0x11: {  	[smem:$0x3FB0] =	sst s9;
	s0 =	simm.s32 @!p0 $0x0  }
0x12: {  	s1 =	sld [smem:$0x3F96];
	s0 =	simm.s32 @p0 $0x1  }
0x13: {  	[smem:$0x3FB1] =	sst s0;
	s0 =	simm.s32 @!p1 $0x0  }
0x14: {  	s2 =	sld [smem:$0x3F95];
	s0 =	simm.s32 @p1 $0x1  }
0x15: {  	[smem:$0x3FB2] =	sst s0;
	s0 =	simm.s32 @!p2 $0x0  }
0x16: {  	s3 =	sld [smem:$0x3FDB];
	s0 =	simm.s32 @p2 $0x1  }
0x17: {  	s4 =	simm.s32 $0x1BF5;
	[smem:$0x3FB4] =	sst s0  }
0x18: {  	s0 =	sld [smem:$0x3F97];
	_ =	swait.ge [sflag:s4], $0x0  }
0x19: {  	s7 =	sld [smem:$0x3F98]  }
0x1a: {  	s8 =	sadd.s32 $0xFFFFE003, lr  }
0x1b: {  	s9 =	sadd.s32 $0xFFFFFEF7, lr;
	s5 =	simm.s32 $0xFFFFFFFF;
	p2 =	slt.u32 s8, $0xFFFFF086  }
0x1c: {  	p1 =	slt.u32 s9, $0xF7A;
	s5 =	simm.s32 @!p2 $0x0  }
0x1d: {  	s5 =	simm.s32 @p1 $0x1;
	p0 =	seq.s32 s7, s2  }
0x1e: {  	s7 =	smul.u32 @!p0 $0xF7A, s2;
	p2 =	seq.s32 @!p0 s5, $0x0  }
0x1f: {  	s9 =	smul.u32 $0xF7A, s1;
	s8 =	simm.s32 @!p0 $0x1BF5;
	p2 =	por !p2, p0  }
0x20: {  	[sflag:s8] =	ssyncset.s32 @!p0 $0xFFFFF086;
	s6 =	sadd.s32 @!p0 s3, s7;
	s7 =	simm.s32 @!p0 $0x108  }
0x21: {  	s3 =	sadd.s32 s3, s9;
	s6 =	sadd.s32 @!p0 $0x88, s6;
	s7 =	simm.s32 @p2 $0x1082  }
0x22: {  	[simem:s7], [sflag:s8] =	dma.local @!p0 [hbm:s6], $0xF7A  }
0x23: {  	s9 =	sor.u32 $0xD0000000, s2;
	s6 =	simm.s32 $0x108;
	_ =	swait.ge @!p0 [sflag:s8], $0x0  }
0x24: {  	s3 =	sadd.s32 $0x88, s3;
	s6 =	simm.s32 @!p1 $0x1082;
	[sflag:s4] =	ssyncset.s32 $0xFFFFF086  }
0x25: {  	[simem:s6], [sflag:s4] =	dma.local [hbm:s3], $0xF7A  }
0x26: {  	[smem:$0x3F98] =	sst s1;
	(tag) =	ssettag s2;
	_ =	strace s9  }
0x27: {  	s1 =	sld [smem:$0x3FA8]  }
0x28: {  	s2 =	sld [smem:$0x3FA9]  }
0x29: {  	s4 =	sld [smem:$0x3FAB]  }
0x2a: {  	p0 =	seq.s32 s5, $0x0;
	s5 =	sld [smem:$0x3FAC]  }
0x2b: {  	s6 =	sld [smem:$0x3FAD]  }
0x2c: {  	s7 =	sld [smem:$0x3FAE]  }
0x2d: {  	s3 =	simm.s32 $0x108;
	s8 =	sld [smem:$0x3FAF]  }
0x2e: {  	s3 =	simm.s32 @!p0 $0x1082;
	s9 =	sld [smem:$0x3FB0]  }
0x2f: {  	lr =	sadd.s32 s0, s3;
	s0 =	sld [smem:$0x3FA7]  }
0x30: {  	s3 =	sld [smem:$0x3FAA]  }
0x31: {  	[smem:$0x3FB3] =	sst s10  }
0x32: {  	s10 =	sld [smem:$0x3FB1];
	_ =	sdelay $0x3  }
0x33: {  	p0 =	seq.s32 s10, $0x1;
	s10 =	sld [smem:$0x3FB3];
	_ =	sdelay $0x3  }
0x34: {  	[smem:$0x3FB3] =	sst s10  }
0x35: {  	s10 =	sld [smem:$0x3FB2];
	_ =	sdelay $0x3  }
0x36: {  	p1 =	seq.s32 s10, $0x1;
	s10 =	sld [smem:$0x3FB3];
	_ =	sdelay $0x3  }
0x37: {  	[smem:$0x3FB3] =	sst s10  }
0x38: {  	s10 =	sld [smem:$0x3FB4]  }
0x39: {  	_ = 	snop;
	(pc) =	sbr.ind lr, $3  }
0x3a: {  	_ = 	snop  }
0x3b: {  	_ = 	snop  }
0x3c: {  	p2 =	seq.s32 s10, $0x1;
	s10 =	sld [smem:$0x3FB3]  }
0x3d: {  	_ =	shalt  }
0x3e: {  	_ =	shalt  }
0x3f: {  	_ =	shalt  }
0x40: {  	_ =	shalt  }
0x41: {  	_ =	shalt  }
0x42: {  	_ =	shalt  }
0x43: {  	_ =	shalt  }
0x44: {  	_ =	shalt  }
0x45: {  	_ =	shalt  }
0x46: {  	_ =	shalt  }
0x47: {  	_ =	shalt  }
0x48: {  	_ =	shalt  }
0x49: {  	_ =	shalt  }
0x4a: {  	_ =	shalt  }
0x4b: {  	_ =	shalt  }
0x4c: {  	_ =	shalt  }
0x4d: {  	_ =	shalt  }
0x4e: {  	_ =	shalt  }
0x4f: {  	_ =	shalt  }
0x50: {  	_ =	shalt  }
0x51: {  	_ =	shalt  }
0x52: {  	_ =	shalt  }
0x53: {  	_ =	shalt  }
0x54: {  	_ =	shalt  }
0x55: {  	_ =	shalt  }
0x56: {  	_ =	shalt  }
0x57: {  	_ =	shalt  }
0x58: {  	_ =	shalt  }
0x59: {  	_ =	shalt  }
0x5a: {  	_ =	shalt  }
0x5b: {  	_ =	shalt  }
0x5c: {  	_ =	shalt  }
0x5d: {  	_ =	shalt  }
0x5e: {  	_ =	shalt  }
0x5f: {  	_ =	shalt  }
0x60: {  	_ =	shalt  }
0x61: {  	_ =	shalt  }
0x62: {  	_ =	shalt  }
0x63: {  	_ =	shalt  }
0x64: {  	_ =	shalt  }
0x65: {  	_ =	shalt  }
0x66: {  	_ =	shalt  }
0x67: {  	_ =	shalt  }
0x68: {  	_ =	shalt  }
0x69: {  	_ =	shalt  }
0x6a: {  	_ =	shalt  }
0x6b: {  	_ =	shalt  }
0x6c: {  	_ =	shalt  }
0x6d: {  	_ =	shalt  }
0x6e: {  	_ =	shalt  }
0x6f: {  	_ =	shalt  }
0x70: {  	_ =	shalt  }
0x71: {  	_ =	shalt  }
0x72: {  	_ =	shalt  }
0x73: {  	_ =	shalt  }
0x74: {  	_ =	shalt  }
0x75: {  	_ =	shalt  }
0x76: {  	_ =	shalt  }
0x77: {  	_ =	shalt  }
0x78: {  	_ =	shalt  }
0x79: {  	_ =	shalt  }
0x7a: {  	_ =	shalt  }
0x7b: {  	_ =	shalt  }
0x7c: {  	_ =	shalt  }
0x7d: {  	_ =	shalt  }
0x7e: {  	_ =	shalt  }
0x7f: {  	_ =	shalt  }
0x80: {  	_ =	shalt  }
0x81: {  	_ =	shalt  }
0x82: {  	_ =	shalt  }
0x83: {  	_ =	shalt  }
0x84: {  	_ =	shalt  }
0x85: {  	_ =	shalt  }
0x86: {  	_ =	shalt  }
0x87: {  	_ =	shalt  }
.Lfunc_end0:
.L_simem_size_0:
called_computation.2_lowered:
.L_overlay_start_0:
0x88: {  	s2 =	sld [smem:$0x3FD9]  }
0x89: {  	s3 =	sld [smem:$0x3FFE];
	_ =	sdelay $0x1  }
0x8a: {  	s1 =	srdreg.scid  }
0x8b: {  	s0 =	sand.u32 $0x1, s1  }
0x8c: {  	s16 =	sshll.u32 s0, $0xA;
	s2 =	sadd.s32 s3, s2  }
0x8d: {  	s2 =	sadd.s32 s2, s16  }
0x8e: {  	[smem:$0x3FBF] =	sst s2  }
0x8f: {  	_ = 	snop  }
0x90: {  	(tm) =	ssettm $0x1  }
0x91: {  	s17 =	sld [smem:$0x3FFB];
	_ =	sdelay $0x3  }
0x92: {  	_ =	strace s17  }
0x93: {  	s2 =	sld [smem:$0x3FFC];
	_ =	sdelay $0x3  }
0x94: {  	_ =	strace s2  }
0x95: {  	s2 =	sld [smem:$0x3FFD];
	_ =	sdelay $0x3  }
0x96: {  	_ =	strace s2  }
0x97: {  	_ =	strace $0x8FFFFFFF  }
0x98: {  	s18 =	sld [smem:$0x3FDB];
	_ =	sdelay $0x1  }
0x99: {  	s19 =	simm.s32 $_scs_section_size  }
0x9a: {  	s4 =	simm.s32 $_size__tile_overlayer_lowered;
	s5 =	simm.s32 $_tile_overlayer_lowered  }
0x9b: {  	s22 =	simm.s32 $0x1BFF;
	s21 =	sshll.u32 s5, $0x1;
	s2 =	sadd.s32 s19, s18  }
0x9c: {  	s6 =	simm.s32 $0x0;
	s20 =	sshll.u32 s4, $0x1;
	s4 =	sadd.s32 s21, s2  }
0x9d: {  	[timem:s6], [sflag:s22] =	dma.local [hbm:s4], s20  }
0x9e: {  	_ =	swait.ge [sflag:s22], s20  }
0x9f: {  	s3 =	ssub.s32 $0x0, s20;
	[sflag:s22] =	ssyncset.done $0x0  }
0xa0: {  	[sflag:s22] =	ssyncadd.s32 s3;
	_ =	sdelay $0x1  }
0xa1: {  	s23 =	simm.s32 $0x1B8B  }
0xa2: {  	_ =	swait.ge [sflag:s23], $0x1  }
0xa3: {  	[sflag:s23] =	ssyncset.done $0x0  }
0xa4: {  	s25 =	simm.s32 $0x1B8E;
	s24 =	sld [smem:$0x3FFE];
	[sflag:s23] =	ssyncadd.s32 $0xFFFFFFFF  }
0xa5: {  	s26 =	simm.s32 $execute0_lowered;
	[smem:$0x3FD2] =	sst s25  }
0xa6: {  	s4 =	sshll.u32 s26, $0x1;
	_ =	strace $0x8000004C;
	[dreg:$0x1] =	wrdreg $0xFFFFFFFF  }
0xa7: {  	s28 =	simm.s32 $_size_execute0_lowered;
	s2 =	sadd.s32 s2, s4;
	[dreg:$0x0] =	wrdreg $0x0  }
0xa8: {  	s4 =	sshll.u32 s28, $0x1;
	[dreg:$0x2] =	wrdreg s2  }
0xa9: {  	[dreg:$0x3] =	wrdreg s4  }
0xaa: {  	[dreg:$0x4] =	wrdreg $0xC0  }
0xab: {  	_ =	task [dreg:s6], $0x5FFFF  }
0xac: {  	[dreg:$0x1] =	wrdreg $0xFFFFFFFF  }
0xad: {  	[dreg:$0x0] =	wrdreg $0x60  }
0xae: {  	[dreg:$0x2] =	wrdreg s24  }
0xaf: {  	[dreg:$0x3] =	wrdreg $0x98000  }
0xb0: {  	[dreg:$0x4] =	wrdreg $0x9  }
0xb1: {  	_ =	task.clear_ibuf [dreg:s6], $0x5FFFF;
	_ =	strace $0x9000004C  }
0xb2: {  	s29 =	simm.s32 $0x9;
	_ =	strace $0x8000004E  }
0xb3: {  	_ =	swait.ge [sflag:s29], $0x1  }
0xb4: {  	[sflag:s29] =	ssyncadd.s32 $0xFFFFFFFF  }
0xb5: {  	_ =	strace $0x9000004E  }
0xb6: {  	_ =	sfence  }
0xb7: {  	s30 =	sld [smem:$0x0];
	_ =	sdelay $0x2  }
0xb8: {  	s31 =	sshll.u32 s1, $0xD;
	s1 =	sshrl.u32 s1, $0x2  }
0xb9: {  	s3 =	sand.u32 $0x4000, s31;
	s1 =	sadd.s32 s1, s30  }
0xba: {  	s0 =	sor.u32 s3, s0;
	s1 =	sshll.u32 s1, $0x11  }
0xbb: {  	s0 =	sor.u32 s1, s0  }
0xbc: {  	s0 =	sadd.s32 $0x8F2B, s0  }
0xbd: {  	[sflag:s0] =	ssyncadd.remote.s32 $0x1  }
0xbe: {  	_ =	sfence.sel $0xFFFF  }
0xbf: {  	[dreg:$0x0] =	wrdreg $0xFFFFFFFF;
	(pc) =	sbr.abs _section_cstart, $3  }
0xc0: {  	[dreg:$0x1] =	wrdreg $0xFFFFFFFF  }
0xc1: {  	_ =	task.clear_ibuf [dreg:s6], $0x2FFFF;
	_ =	strace $0x9FFFFFFF  }
0xc2: {  	(tm) =	ssettm $0x7FFFFFFF  }
0xc3: {  	_ =	shalt  }
tec
execute0_lowered:
.L_overlay_start_1:
0x0: {  	(tag) =	ssettag $0x1  }
0x1: {  	s5 =	rddreg [dreg:$0x0]  }
0x2: {  	s1 =	rddreg [dreg:$0x1];
	s2 =	srdreg.scid  }
0x3: {  	s0 =	rddreg [dreg:$0x2];
	s3 =	simm.s32 $0x0;
	s15 =	sand.u32 $0x1, s2  }
0x4: {  	s11 =	simm.s32 $0x2;
	s2 =	stileid.u32;
	s6 =	smul.u32 $0x140000, s15  }
0x5: {  	s12 =	simm.s32 $0x2800;
	s13 =	simm.s32 $0x80;
	s7 =	smul.u32 $0x14000, s2  }
0x6: {  	s14 =	simm.s32 $0x5000;
	[smem:$0x7FF] =	sst s3;
	s8 =	smul.u32 $0x500, s2  }
0x7: {  	s4 =	sadd.s32 $0x5DE00, s5;
	_ =	strace $0x8000004D;
	s29 =	smul.u32 $0x50000, s2  }
0x8: {  	s9 =	ssub.s32 $0x2, s15;
	s16 =	sshll.u32 s2, $0x6;
	v0 =	vmov s15;
	s15 =	simm.s32 $0x1  }
0x9: {  	s30 =	sshrl.u32 s9, $0x1;
	s16 =	sor.u32 $0x1C02, s16;
	s6 =	sadd.s32 s7, s6  }
0xa: {  	s8 =	sadd.s32 s8, s5;
	s31 =	sshrl.u32 s29, $0x2;
	s9 =	ssub.s32 s9, s30  }
0xb: {  	s6 =	sshrl.u32 s6, $0x3;
	s7 =	sadd.s32 $0x53E00, s8;
	s9 =	smax.u32 s9, $0x1  }
0xc: {  	s10 =	sadd.s32 s6, s5;
	s5 =	sadd.s32 s31, s1;
	s6 =	sadd.s32 $0x58E00, s8  }
0xd: {  	v1 =	vimm.f32 $0.0e+00;
	s8 =	sadd.s32 $0xADE00, s10;
	s10 =	simm.s32 $0x9000;
	s17 =	sshrl.u32 s5, $0x3  }
.LBB2_1:
0xe: {  	[tilespmem:$0x9000] =	vst v1  }
0xf: {  	[tilespmem:$0x9010] =	vst v1  }
0x10: {  	[tilespmem:$0x9020] =	vst v1  }
0x11: {  	[tilespmem:$0x9030] =	vst v1  }
0x12: {  	[tilespmem:$0x9040] =	vst v1  }
0x13: {  	[tilespmem:$0x9050] =	vst v1  }
0x14: {  	[tilespmem:$0x9060] =	vst v1  }
0x15: {  	[tilespmem:$0x9070] =	vst v1  }
0x16: {  	[tilespmem:$0x9080] =	vst v1  }
0x17: {  	[tilespmem:$0x9090] =	vst v1  }
0x18: {  	[tilespmem:$0x90A0] =	vst v1  }
0x19: {  	[tilespmem:$0x90B0] =	vst v1  }
0x1a: {  	[tilespmem:$0x90C0] =	vst v1  }
0x1b: {  	[tilespmem:$0x90D0] =	vst v1  }
0x1c: {  	[tilespmem:$0x90E0] =	vst v1  }
0x1d: {  	[tilespmem:$0x90F0] =	vst v1  }
0x1e: {  	[tilespmem:$0x9100] =	vst v1  }
0x1f: {  	[tilespmem:$0x9110] =	vst v1  }
0x20: {  	[tilespmem:$0x9120] =	vst v1  }
0x21: {  	[tilespmem:$0x9130] =	vst v1  }
0x22: {  	[tilespmem:$0x9140] =	vst v1  }
0x23: {  	[tilespmem:$0x9150] =	vst v1  }
0x24: {  	[tilespmem:$0x9160] =	vst v1  }
0x25: {  	[tilespmem:$0x9170] =	vst v1  }
0x26: {  	[tilespmem:$0x9180] =	vst v1  }
0x27: {  	[tilespmem:$0x9190] =	vst v1  }
0x28: {  	[tilespmem:$0x91A0] =	vst v1  }
0x29: {  	[tilespmem:$0x91B0] =	vst v1  }
0x2a: {  	[tilespmem:$0x91C0] =	vst v1  }
0x2b: {  	[tilespmem:$0x91D0] =	vst v1  }
0x2c: {  	[tilespmem:$0x91E0] =	vst v1  }
0x2d: {  	[tilespmem:$0x91F0] =	vst v1  }
0x2e: {  	[tilespmem:$0x9200] =	vst v1  }
0x2f: {  	[tilespmem:$0x9210] =	vst v1  }
0x30: {  	[tilespmem:$0x9220] =	vst v1  }
0x31: {  	[tilespmem:$0x9230] =	vst v1  }
0x32: {  	[tilespmem:$0x9240] =	vst v1  }
0x33: {  	[tilespmem:$0x9250] =	vst v1  }
0x34: {  	[tilespmem:$0x9260] =	vst v1  }
0x35: {  	[tilespmem:$0x9270] =	vst v1  }
0x36: {  	[tilespmem:$0x9280] =	vst v1  }
0x37: {  	[tilespmem:$0x9290] =	vst v1  }
0x38: {  	[tilespmem:$0x92A0] =	vst v1  }
0x39: {  	[tilespmem:$0x92B0] =	vst v1  }
0x3a: {  	[tilespmem:$0x92C0] =	vst v1  }
0x3b: {  	[tilespmem:$0x92D0] =	vst v1  }
0x3c: {  	[tilespmem:$0x92E0] =	vst v1  }
0x3d: {  	[tilespmem:$0x92F0] =	vst v1  }
0x3e: {  	[tilespmem:$0x9300] =	vst v1  }
0x3f: {  	[tilespmem:$0x9310] =	vst v1  }
0x40: {  	[tilespmem:$0x9320] =	vst v1  }
0x41: {  	[tilespmem:$0x9330] =	vst v1  }
0x42: {  	[tilespmem:$0x9340] =	vst v1  }
0x43: {  	[tilespmem:$0x9350] =	vst v1  }
0x44: {  	[tilespmem:$0x9360] =	vst v1  }
0x45: {  	[tilespmem:$0x9370] =	vst v1  }
0x46: {  	[tilespmem:$0x9380] =	vst v1  }
0x47: {  	[tilespmem:$0x9390] =	vst v1  }
0x48: {  	[tilespmem:$0x93A0] =	vst v1  }
0x49: {  	[tilespmem:$0x93B0] =	vst v1  }
0x4a: {  	[tilespmem:$0x93C0] =	vst v1  }
0x4b: {  	[tilespmem:$0x93D0] =	vst v1  }
0x4c: {  	[tilespmem:$0x93E0] =	vst v1  }
0x4d: {  	[tilespmem:$0x93F0] =	vst v1  }
0x4e: {  	[tilespmem:$0x9400] =	vst v1  }
0x4f: {  	[tilespmem:$0x9410] =	vst v1  }
0x50: {  	[tilespmem:$0x9420] =	vst v1  }
0x51: {  	[tilespmem:$0x9430] =	vst v1  }
0x52: {  	[tilespmem:$0x9440] =	vst v1  }
0x53: {  	[tilespmem:$0x9450] =	vst v1  }
0x54: {  	[tilespmem:$0x9460] =	vst v1  }
0x55: {  	[tilespmem:$0x9470] =	vst v1  }
0x56: {  	[tilespmem:$0x9480] =	vst v1  }
0x57: {  	[tilespmem:$0x9490] =	vst v1  }
0x58: {  	[tilespmem:$0x94A0] =	vst v1  }
0x59: {  	[tilespmem:$0x94B0] =	vst v1  }
0x5a: {  	[tilespmem:$0x94C0] =	vst v1  }
0x5b: {  	[tilespmem:$0x94D0] =	vst v1  }
0x5c: {  	[tilespmem:$0x94E0] =	vst v1  }
0x5d: {  	[tilespmem:$0x94F0] =	vst v1  }
0x5e: {  	[tilespmem:$0x9500] =	vst v1  }
0x5f: {  	[tilespmem:$0x9510] =	vst v1  }
0x60: {  	[tilespmem:$0x9520] =	vst v1  }
0x61: {  	[tilespmem:$0x9530] =	vst v1  }
0x62: {  	[tilespmem:$0x9540] =	vst v1  }
0x63: {  	[tilespmem:$0x9550] =	vst v1  }
0x64: {  	[tilespmem:$0x9560] =	vst v1  }
0x65: {  	[tilespmem:$0x9570] =	vst v1  }
0x66: {  	[tilespmem:$0x9580] =	vst v1  }
0x67: {  	[tilespmem:$0x9590] =	vst v1  }
0x68: {  	[tilespmem:$0x95A0] =	vst v1  }
0x69: {  	[tilespmem:$0x95B0] =	vst v1  }
0x6a: {  	[tilespmem:$0x95C0] =	vst v1  }
0x6b: {  	[tilespmem:$0x95D0] =	vst v1  }
0x6c: {  	[tilespmem:$0x95E0] =	vst v1  }
0x6d: {  	[tilespmem:$0x95F0] =	vst v1  }
0x6e: {  	[tilespmem:$0x9600] =	vst v1  }
0x6f: {  	[tilespmem:$0x9610] =	vst v1  }
0x70: {  	[tilespmem:$0x9620] =	vst v1  }
0x71: {  	[tilespmem:$0x9630] =	vst v1  }
0x72: {  	[tilespmem:$0x9640] =	vst v1  }
0x73: {  	[tilespmem:$0x9650] =	vst v1  }
0x74: {  	[tilespmem:$0x9660] =	vst v1  }
0x75: {  	[tilespmem:$0x9670] =	vst v1  }
0x76: {  	[tilespmem:$0x9680] =	vst v1  }
0x77: {  	[tilespmem:$0x9690] =	vst v1  }
0x78: {  	[tilespmem:$0x96A0] =	vst v1  }
0x79: {  	[tilespmem:$0x96B0] =	vst v1  }
0x7a: {  	[tilespmem:$0x96C0] =	vst v1  }
0x7b: {  	[tilespmem:$0x96D0] =	vst v1  }
0x7c: {  	[tilespmem:$0x96E0] =	vst v1  }
0x7d: {  	[tilespmem:$0x96F0] =	vst v1  }
0x7e: {  	[tilespmem:$0x9700] =	vst v1  }
0x7f: {  	[tilespmem:$0x9710] =	vst v1  }
0x80: {  	[tilespmem:$0x9720] =	vst v1  }
0x81: {  	[tilespmem:$0x9730] =	vst v1  }
0x82: {  	[tilespmem:$0x9740] =	vst v1  }
0x83: {  	[tilespmem:$0x9750] =	vst v1  }
0x84: {  	[tilespmem:$0x9760] =	vst v1  }
0x85: {  	[tilespmem:$0x9770] =	vst v1  }
0x86: {  	[tilespmem:$0x9780] =	vst v1  }
0x87: {  	[tilespmem:$0x9790] =	vst v1  }
0x88: {  	[tilespmem:$0x97A0] =	vst v1  }
0x89: {  	[tilespmem:$0x97B0] =	vst v1  }
0x8a: {  	[tilespmem:$0x97C0] =	vst v1  }
0x8b: {  	[tilespmem:$0x97D0] =	vst v1  }
0x8c: {  	[tilespmem:$0x97E0] =	vst v1  }
0x8d: {  	[tilespmem:$0x97F0] =	vst v1;
	s18 =	sadd.s32 $0x0, s5  }
0x8e: {  	[spmem:s18] =	stream.linear.scatter [tilespmem:s10], [sflag:$0x2], $0x800, $0x38;
	[tilespmem:$0x1D800] =	vst v63  }
0x8f: {  	s18 =	simm.s32 $0x2000;
	_ =	swait.ge [sflag:s11], $0x800  }
.LBB2_2:
0x90: {  	s19 =	sshra.s32 s18, $0x2;
	[sflag:s11] =	ssyncset.done $0x0;
	p0 =	sne.s32 s18, $0x4E000  }
.Ltmp0:
0x91: {  	s19 =	sadd.s32 s19, s5;
	[sflag:s11] =	ssyncadd.s32 $0xFFFFF800;
	(pc) =	sbr.rel @p0 .LBB2_2-.Ltmp0, $3  }
0x92: {  	[spmem:s19] =	stream.linear.scatter [tilespmem:s10], [sflag:$0x2], $0x800, $0x38;
	[tilespmem:$0x1D800] =	vst v63  }
0x93: {  	s18 =	sadd.s32 $0x2000, s18;
	_ =	sdelay $0x1  }
0x94: {  	_ =	swait.ge [sflag:s11], $0x800  }
0x95: {  	[sflag:s11] =	ssyncset.done $0x0  }
0x96: {  	s18 =	simm.s32 $0x0;
	[sflag:s11] =	ssyncadd.s32 $0xFFFFF800  }
0x97: {  	[tilespmem:s18], [sflag:$0x2] =	stream.linear.gather [hbm4b:s6+s18], $0x2780, $0x38;
	[tilespmem:$0x1D800] =	vst v63  }
0x98: {  	_ =	swait.ge [sflag:s11], $0x2780  }
0x99: {  	[sflag:s11] =	ssyncset.done $0x0  }
0x9a: {  	[sflag:s11] =	ssyncadd.s32 $0xFFFFD880  }
0x9b: {  	[tilespmem:s12], [sflag:$0x2] =	stream.linear.gather [hbm4b:s7+s18], $0x2780, $0x38;
	[tilespmem:$0x1D800] =	vst v63  }
0x9c: {  	_ =	swait.ge [sflag:s11], $0x2780  }
0x9d: {  	[sflag:s11] =	ssyncset.done $0x0  }
0x9e: {  	s18 =	simm.s32 $0x0;
	[sflag:s11] =	ssyncadd.s32 $0xFFFFD880  }
0x9f: {  	v3 =	vld [tilespmem:s18+$0x0]  }
0xa0: {  	v4 =	vld [tilespmem:s18+$0x10]  }
0xa1: {  	v6 =	vld [tilespmem:s18+$0x20]  }
0xa2: {  	v5 =	vld [tilespmem:s18+$0x30]  }
0xa3: {  	v2 =	vld [tilespmem:s18+$0x40]  }
0xa4: {  	v7 =	vshll.u32 v3, $0x1;
	v3 =	vld [tilespmem:s18+$0x50]  }
0xa5: {  	s19 =	simm.s32 $0x200;
	v8 =	vshll.u32 v4, $0x1;
	v4 =	vld [tilespmem:s18+$0x60];
	v7 =	vor.u32 v0, v7  }
.LBB2_4:
0xa6: {  	s20 =	sshra.s32 s19, $0x2;
	p0 =	sne.s32 s19, $0x9C00;
	[tilespmem:s18+$0x0] =	vst v7;
	v7 =	vor.u32 v0, v8;
	v6 =	vshll.u32 v6, $0x1;
	v8 =	vld [tilespmem:s18+$0x70]  }
0xa7: {  	v9 =	vld [tilespmem:s20+$0x0];
	[tilespmem:s18+$0x10] =	vst v7;
	v6 =	vor.u32 v0, v6;
	v5 =	vshll.u32 v5, $0x1  }
0xa8: {  	v10 =	vld [tilespmem:s20+$0x10];
	[tilespmem:s18+$0x20] =	vst v6;
	v5 =	vor.u32 v0, v5;
	v2 =	vshll.u32 v2, $0x1  }
.Ltmp1:
0xa9: {  	v6 =	vld [tilespmem:s20+$0x20];
	[tilespmem:s18+$0x30] =	vst v5;
	v2 =	vor.u32 v0, v2;
	v3 =	vshll.u32 v3, $0x1;
	(pc) =	sbr.rel @p0 .LBB2_4-.Ltmp1, $4  }
0xaa: {  	v5 =	vld [tilespmem:s20+$0x30];
	[tilespmem:s18+$0x40] =	vst v2;
	v3 =	vor.u32 v0, v3;
	v4 =	vshll.u32 v4, $0x1  }
0xab: {  	v2 =	vld [tilespmem:s20+$0x40];
	[tilespmem:s18+$0x50] =	vst v3;
	v4 =	vor.u32 v0, v4;
	v7 =	vshll.u32 v8, $0x1  }
0xac: {  	v8 =	vshll.u32 v9, $0x1;
	v3 =	vld [tilespmem:s20+$0x50];
	[tilespmem:s18+$0x60] =	vst v4;
	v9 =	vor.u32 v0, v7  }
0xad: {  	s19 =	sadd.s32 $0x200, s19;
	v7 =	vor.u32 v0, v8;
	v8 =	vshll.u32 v10, $0x1;
	v4 =	vld [tilespmem:s20+$0x60];
	[tilespmem:s18+$0x70] =	vst v9;
	s18 =	smov.u32 s20  }
0xae: {  	[tilespmem:s18+$0x0] =	vst v7;
	v62 =	vor.u32 v0, v8;
	v6 =	vshll.u32 v6, $0x1;
	v63 =	vld [tilespmem:s18+$0x70]  }
0xaf: {  	[tilespmem:s18+$0x10] =	vst v62;
	v6 =	vor.u32 v0, v6;
	v5 =	vshll.u32 v5, $0x1  }
0xb0: {  	[tilespmem:s18+$0x20] =	vst v6;
	v5 =	vor.u32 v0, v5;
	v2 =	vshll.u32 v2, $0x1  }
0xb1: {  	[tilespmem:s18+$0x30] =	vst v5;
	v2 =	vor.u32 v0, v2;
	v3 =	vshll.u32 v3, $0x1  }
0xb2: {  	[tilespmem:s18+$0x40] =	vst v2;
	v2 =	vor.u32 v0, v3;
	v3 =	vshll.u32 v4, $0x1  }
0xb3: {  	[tilespmem:s18+$0x50] =	vst v2;
	v2 =	vor.u32 v0, v3;
	v3 =	vshll.u32 v63, $0x1  }
0xb4: {  	[tilespmem:s18+$0x60] =	vst v2;
	v2 =	vor.u32 v0, v3  }
0xb5: {  	[tilespmem:s18+$0x70] =	vst v2  }
0xb6: {  	s30 =	simm.s32 $0x0;
	[bflag:$0x0] =	sbarrier.arrive $0xFFFF  }
0xb7: {  	[tilespmem:s14], [sflag:$0x1] =	stream.indirect.gather [hbm4b:s4+s13], $0x80, s30, s13, $0xb8;
	[tilespmem:$0x1D800] =	vst v63  }
0xb8: {  	_ =	swait.ge [sflag:s15], $0x4000  }
0xb9: {  	[sflag:s15] =	ssyncset.done $0x0  }
0xba: {  	s31 =	simm.s32 $0x2800;
	[sflag:s15] =	ssyncadd.s32 $0xFFFFC000  }
0xbb: {  	[spmem:s1] =	stream.indirect.scatter.add.f32 [tilespmem:s14], [sflag:$0x2], $0x80, s31, s13, $0xb8;
	[tilespmem:$0x1D800] =	vst v63  }
0xbc: {  	_ =	swait.ge [sflag:s11], $0x4000  }
0xbd: {  	s19 =	simm.s32 $0x400;
	s18 =	simm.s32 $0x200;
	[sflag:s11] =	ssyncset.done $0x0  }
.LBB2_6:
0xbe: {  	s20 =	sshra.s32 s18, $0x2  }
0xbf: {  	[sflag:s11] =	ssyncadd.s32 $0xFFFFC000;
	s18 =	smov.u32 s19;
	s21 =	sadd.s32 $0x200, s19  }
0xc0: {  	[tilespmem:s14], [sflag:$0x1] =	stream.indirect.gather [hbm4b:s4+s13], $0x80, s20, s13, $0xb8;
	[tilespmem:$0x1D800] =	vst v63  }
0xc1: {  	p0 =	sne.s32 s19, $0x9C00;
	_ =	swait.ge [sflag:s15], $0x4000  }
.Ltmp2:
0xc2: {  	[sflag:s15] =	ssyncset.done $0x0;
	(pc) =	sbr.rel @p0 .LBB2_6-.Ltmp2, $4  }
0xc3: {  	s19 =	sadd.s32 $0x2800, s20;
	[sflag:s15] =	ssyncadd.s32 $0xFFFFC000  }
0xc4: {  	[spmem:s1] =	stream.indirect.scatter.add.f32 [tilespmem:s14], [sflag:$0x2], $0x80, s19, s13, $0xb8;
	[tilespmem:$0x1D800] =	vst v63  }
0xc5: {  	_ =	swait.ge [sflag:s11], $0x4000  }
0xc6: {  	s19 =	smov.u32 s21;
	[sflag:s11] =	ssyncset.done $0x0  }
0xc7: {  	s18 =	sshra.s32 s18, $0x2;
	[sflag:s11] =	ssyncadd.s32 $0xFFFFC000  }
0xc8: {  	[tilespmem:s14], [sflag:$0x1] =	stream.indirect.gather [hbm4b:s4+s13], $0x80, s18, s13, $0xb8;
	[tilespmem:$0x1D800] =	vst v63  }
0xc9: {  	_ =	swait.ge [sflag:s15], $0x4000  }
0xca: {  	[sflag:s15] =	ssyncset.done $0x0  }
0xcb: {  	s18 =	sadd.s32 $0x2800, s18;
	[sflag:s15] =	ssyncadd.s32 $0xFFFFC000  }
0xcc: {  	[spmem:s1] =	stream.indirect.scatter.add.f32 [tilespmem:s14], [sflag:$0x2], $0x80, s18, s13, $0xb8;
	[tilespmem:$0x1D800] =	vst v63  }
0xcd: {  	_ =	swait.ge [sflag:s11], $0x4000  }
0xce: {  	s3 =	sadd.s32 $0x1, s3;
	[sflag:s11] =	ssyncset.done $0x0  }
0xcf: {  	p0 =	sne.s32 s3, s9;
	[sflag:s11] =	ssyncadd.s32 $0xFFFFC000  }
.Ltmp3:
0xd0: {  	[bflag:$0x0] =	sbarrier.arrive $0xFFFF;
	(pc) =	sbr.rel @p0 .LBB2_1-.Ltmp3, $4  }
0xd1: {  	[hbm:s8], [sflag:s16] =	dma.local [spmem:s17], $0x2800  }
0xd2: {  	_ =	swait.ge [sflag:s11], $0x2800  }
0xd3: {  	[sflag:s11] =	ssyncset.done $0x0  }
0xd4: {  	[sflag:s11] =	ssyncadd.s32 $0xFFFFD800  }
0xd5: {  	_ =	sfence.sel $0x180000  }
0xd6: {  	[bflag:$0x0] =	sbarrier.arrive $0xFFFF  }
0xd7: {  	p0 =	sne.s32 s2, $0x0;
	_ =	strace $0x9000004D  }
0xd8: {  	s0 =	sadd.s32 @!p0 $0x100000, s0;
	[bflag:$0x2] =	sbarrier.arrive $0xFFFF  }
0xd9: {  	[sflag:s0] =	ssyncadd.tile.s32 @!p0 $0x1;
	_ =	shalt  }
.Lfunc_end2:
_tile_overlayer_lowered:
.L_overlay_start_2:
0xda: {  	(tag) =	ssettag $0x2  }
0xdb: {  	s0 =	rddreg [dreg:$0x0];
	s2 =	stileid.u32  }
0xdc: {  	s1 =	rddreg [dreg:$0x1];
	p0 =	sne.s32 s2, $0x0  }
0xdd: {  	s3 =	rddreg [dreg:$0x2];
	[bflag:$0x3] =	sbarrier.arrive $0xFFFF;
	s2 =	simm.s32 @!p0 $0x1C02  }
0xde: {  	[timem:s3], [sflag:s2] =	dma.local @!p0 [hbm:s0], s1  }
0xdf: {  	s0 =	simm.s32 @!p0 $0x2  }
0xe0: {  	_ =	swait.ge @!p0 [sflag:s0], s1  }
0xe1: {  	s1 =	ssub.s32 @!p0 $0x0, s1;
	[sflag:s0] =	ssyncset.done @!p0 $0x0  }
0xe2: {  	[sflag:s0] =	ssyncadd.s32 @!p0 s1  }
0xe3: {  	[bflag:$0x3] =	sbarrier.arrive $0xFFFF  }
0xe4: {  	_ =	shalt  }

// kernel: kernel.8.cloned.1.call-start
scs
__scs_entry_jumppad:
0x0: {  	(pc) =	sbr.rel $0x88, $3  }
0x1: {  	(tag) =	ssettag $0x0;
	lr =	simm.s32 $0x1  }
0x2: {  	[smem:$0x3F98] =	sst lr;
	_ =	strace $0xD0000000  }
0x3: {  	_ = 	snop  }
0x4: {  	_ = 	snop  }
0x5: {  	_ = 	snop  }
0x6: {  	_ = 	snop  }
0x7: {  	_ = 	snop  }
__scs_overlays_trampoline_lowered:
0x8: {  	[smem:$0x3FA7] =	sst s0  }
0x9: {  	[smem:$0x3FA8] =	sst s1  }
0xa: {  	[smem:$0x3FA9] =	sst s2  }
0xb: {  	[smem:$0x3FAA] =	sst s3  }
0xc: {  	[smem:$0x3FAB] =	sst s4  }
0xd: {  	[smem:$0x3FAC] =	sst s5  }
0xe: {  	[smem:$0x3FAD] =	sst s6  }
0xf: {  	[smem:$0x3FAE] =	sst s7  }
0x10: {  	[smem:$0x3FAF] =	sst s8  }
0x11: {  	[smem:$0x3FB0] =	sst s9;
	s0 =	simm.s32 @!p0 $0x0  }
0x12: {  	s1 =	sld [smem:$0x3F96];
	s0 =	simm.s32 @p0 $0x1  }
0x13: {  	[smem:$0x3FB1] =	sst s0;
	s0 =	simm.s32 @!p1 $0x0  }
0x14: {  	s2 =	sld [smem:$0x3F95];
	s0 =	simm.s32 @p1 $0x1  }
0x15: {  	[smem:$0x3FB2] =	sst s0;
	s0 =	simm.s32 @!p2 $0x0  }
0x16: {  	s3 =	sld [smem:$0x3FDB];
	s0 =	simm.s32 @p2 $0x1  }
0x17: {  	s4 =	simm.s32 $0x1BF5;
	[smem:$0x3FB4] =	sst s0  }
0x18: {  	s0 =	sld [smem:$0x3F97];
	_ =	swait.ge [sflag:s4], $0x0  }
0x19: {  	s7 =	sld [smem:$0x3F98]  }
0x1a: {  	s8 =	sadd.s32 $0xFFFFE003, lr  }
0x1b: {  	s9 =	sadd.s32 $0xFFFFFEF7, lr;
	s5 =	simm.s32 $0xFFFFFFFF;
	p2 =	slt.u32 s8, $0xFFFFF086  }
0x1c: {  	p1 =	slt.u32 s9, $0xF7A;
	s5 =	simm.s32 @!p2 $0x0  }
0x1d: {  	s5 =	simm.s32 @p1 $0x1;
	p0 =	seq.s32 s7, s2  }
0x1e: {  	s7 =	smul.u32 @!p0 $0xF7A, s2;
	p2 =	seq.s32 @!p0 s5, $0x0  }
0x1f: {  	s9 =	smul.u32 $0xF7A, s1;
	s8 =	simm.s32 @!p0 $0x1BF5;
	p2 =	por !p2, p0  }
0x20: {  	[sflag:s8] =	ssyncset.s32 @!p0 $0xFFFFF086;
	s6 =	sadd.s32 @!p0 s3, s7;
	s7 =	simm.s32 @!p0 $0x108  }
0x21: {  	s3 =	sadd.s32 s3, s9;
	s6 =	sadd.s32 @!p0 $0x88, s6;
	s7 =	simm.s32 @p2 $0x1082  }
0x22: {  	[simem:s7], [sflag:s8] =	dma.local @!p0 [hbm:s6], $0xF7A  }
0x23: {  	s9 =	sor.u32 $0xD0000000, s2;
	s6 =	simm.s32 $0x108;
	_ =	swait.ge @!p0 [sflag:s8], $0x0  }
0x24: {  	s3 =	sadd.s32 $0x88, s3;
	s6 =	simm.s32 @!p1 $0x1082;
	[sflag:s4] =	ssyncset.s32 $0xFFFFF086  }
0x25: {  	[simem:s6], [sflag:s4] =	dma.local [hbm:s3], $0xF7A  }
0x26: {  	[smem:$0x3F98] =	sst s1;
	(tag) =	ssettag s2;
	_ =	strace s9  }
0x27: {  	s1 =	sld [smem:$0x3FA8]  }
0x28: {  	s2 =	sld [smem:$0x3FA9]  }
0x29: {  	s4 =	sld [smem:$0x3FAB]  }
0x2a: {  	p0 =	seq.s32 s5, $0x0;
	s5 =	sld [smem:$0x3FAC]  }
0x2b: {  	s6 =	sld [smem:$0x3FAD]  }
0x2c: {  	s7 =	sld [smem:$0x3FAE]  }
0x2d: {  	s3 =	simm.s32 $0x108;
	s8 =	sld [smem:$0x3FAF]  }
0x2e: {  	s3 =	simm.s32 @!p0 $0x1082;
	s9 =	sld [smem:$0x3FB0]  }
0x2f: {  	lr =	sadd.s32 s0, s3;
	s0 =	sld [smem:$0x3FA7]  }
0x30: {  	s3 =	sld [smem:$0x3FAA]  }
0x31: {  	[smem:$0x3FB3] =	sst s10  }
0x32: {  	s10 =	sld [smem:$0x3FB1];
	_ =	sdelay $0x3  }
0x33: {  	p0 =	seq.s32 s10, $0x1;
	s10 =	sld [smem:$0x3FB3];
	_ =	sdelay $0x3  }
0x34: {  	[smem:$0x3FB3] =	sst s10  }
0x35: {  	s10 =	sld [smem:$0x3FB2];
	_ =	sdelay $0x3  }
0x36: {  	p1 =	seq.s32 s10, $0x1;
	s10 =	sld [smem:$0x3FB3];
	_ =	sdelay $0x3  }
0x37: {  	[smem:$0x3FB3] =	sst s10  }
0x38: {  	s10 =	sld [smem:$0x3FB4]  }
0x39: {  	_ = 	snop;
	(pc) =	sbr.ind lr, $3  }
0x3a: {  	_ = 	snop  }
0x3b: {  	_ = 	snop  }
0x3c: {  	p2 =	seq.s32 s10, $0x1;
	s10 =	sld [smem:$0x3FB3]  }
0x3d: {  	_ =	shalt  }
0x3e: {  	_ =	shalt  }
0x3f: {  	_ =	shalt  }
0x40: {  	_ =	shalt  }
0x41: {  	_ =	shalt  }
0x42: {  	_ =	shalt  }
0x43: {  	_ =	shalt  }
0x44: {  	_ =	shalt  }
0x45: {  	_ =	shalt  }
0x46: {  	_ =	shalt  }
0x47: {  	_ =	shalt  }
0x48: {  	_ =	shalt  }
0x49: {  	_ =	shalt  }
0x4a: {  	_ =	shalt  }
0x4b: {  	_ =	shalt  }
0x4c: {  	_ =	shalt  }
0x4d: {  	_ =	shalt  }
0x4e: {  	_ =	shalt  }
0x4f: {  	_ =	shalt  }
0x50: {  	_ =	shalt  }
0x51: {  	_ =	shalt  }
0x52: {  	_ =	shalt  }
0x53: {  	_ =	shalt  }
0x54: {  	_ =	shalt  }
0x55: {  	_ =	shalt  }
0x56: {  	_ =	shalt  }
0x57: {  	_ =	shalt  }
0x58: {  	_ =	shalt  }
0x59: {  	_ =	shalt  }
0x5a: {  	_ =	shalt  }
0x5b: {  	_ =	shalt  }
0x5c: {  	_ =	shalt  }
0x5d: {  	_ =	shalt  }
0x5e: {  	_ =	shalt  }
0x5f: {  	_ =	shalt  }
0x60: {  	_ =	shalt  }
0x61: {  	_ =	shalt  }
0x62: {  	_ =	shalt  }
0x63: {  	_ =	shalt  }
0x64: {  	_ =	shalt  }
0x65: {  	_ =	shalt  }
0x66: {  	_ =	shalt  }
0x67: {  	_ =	shalt  }
0x68: {  	_ =	shalt  }
0x69: {  	_ =	shalt  }
0x6a: {  	_ =	shalt  }
0x6b: {  	_ =	shalt  }
0x6c: {  	_ =	shalt  }
0x6d: {  	_ =	shalt  }
0x6e: {  	_ =	shalt  }
0x6f: {  	_ =	shalt  }
0x70: {  	_ =	shalt  }
0x71: {  	_ =	shalt  }
0x72: {  	_ =	shalt  }
0x73: {  	_ =	shalt  }
0x74: {  	_ =	shalt  }
0x75: {  	_ =	shalt  }
0x76: {  	_ =	shalt  }
0x77: {  	_ =	shalt  }
0x78: {  	_ =	shalt  }
0x79: {  	_ =	shalt  }
0x7a: {  	_ =	shalt  }
0x7b: {  	_ =	shalt  }
0x7c: {  	_ =	shalt  }
0x7d: {  	_ =	shalt  }
0x7e: {  	_ =	shalt  }
0x7f: {  	_ =	shalt  }
0x80: {  	_ =	shalt  }
0x81: {  	_ =	shalt  }
0x82: {  	_ =	shalt  }
0x83: {  	_ =	shalt  }
0x84: {  	_ =	shalt  }
0x85: {  	_ =	shalt  }
0x86: {  	_ =	shalt  }
0x87: {  	_ =	shalt  }
.Lfunc_end0:
.L_simem_size_0:
called_computation_lowered:
.L_overlay_start_0:
0x88: {  	s2 =	sld [smem:$0x3FD9]  }
0x89: {  	s3 =	sld [smem:$0x3FFE];
	_ =	sdelay $0x1  }
0x8a: {  	s1 =	srdreg.scid  }
0x8b: {  	s0 =	sand.u32 $0x1, s1  }
0x8c: {  	s14 =	sshll.u32 s0, $0xA;
	s2 =	sadd.s32 s3, s2  }
0x8d: {  	s2 =	sadd.s32 s2, s14  }
0x8e: {  	[smem:$0x3FBF] =	sst s2  }
0x8f: {  	_ = 	snop  }
0x90: {  	s2 =	sld [smem:$0x3FD0];
	_ =	sdelay $0x2  }
0x91: {  	s4 =	simm.s32 $0xA;
	s5 =	simm.s32 $0x10;
	s15 =	sld [smem:$0x3FC7]  }
0x92: {  	[smem:s5], [sflag:s4] =	dma.local [hbm:s2], $0x1  }
0x93: {  	_ =	swait.eq [sflag:s4], $0x1  }
0x94: {  	[sflag:s4] =	ssyncset.done $0x0  }
0x95: {  	[sflag:s4] =	ssyncadd.s32 $0xFFFFFFFF  }
0x96: {  	s16 =	sld [smem:$0x10];
	(tm) =	ssettm $0x1  }
0x97: {  	s17 =	sld [smem:$0x3FFB];
	_ =	sdelay $0x3  }
0x98: {  	_ =	strace s17  }
0x99: {  	s4 =	sld [smem:$0x3FFC];
	_ =	sdelay $0x3  }
0x9a: {  	_ =	strace s4  }
0x9b: {  	s4 =	sld [smem:$0x3FFD];
	_ =	sdelay $0x3  }
0x9c: {  	_ =	strace s4  }
0x9d: {  	_ =	strace $0x8FFFFFFF  }
0x9e: {  	s18 =	sld [smem:$0x3FDB];
	_ =	sdelay $0x1  }
0x9f: {  	s19 =	simm.s32 $_scs_section_size  }
0xa0: {  	s6 =	simm.s32 $_size__tile_overlayer_lowered;
	s7 =	simm.s32 $_tile_overlayer_lowered  }
0xa1: {  	s22 =	simm.s32 $0x1BFF;
	s21 =	sshll.u32 s7, $0x1;
	s4 =	sadd.s32 s19, s18  }
0xa2: {  	s8 =	simm.s32 $0x0;
	s20 =	sshll.u32 s6, $0x1;
	s6 =	sadd.s32 s21, s4  }
0xa3: {  	[timem:s8], [sflag:s22] =	dma.local [hbm:s6], s20  }
0xa4: {  	_ =	swait.ge [sflag:s22], s20  }
0xa5: {  	s5 =	ssub.s32 $0x0, s20;
	[sflag:s22] =	ssyncset.done $0x0  }
0xa6: {  	[sflag:s22] =	ssyncadd.s32 s5;
	_ =	sdelay $0x1  }
0xa7: {  	s23 =	simm.s32 $0x1B8B  }
0xa8: {  	_ =	swait.ge [sflag:s23], $0x1  }
0xa9: {  	[sflag:s23] =	ssyncset.done $0x0  }
0xaa: {  	s25 =	simm.s32 $0x1B8E;
	s24 =	sld [smem:$0x3FFE];
	[sflag:s23] =	ssyncadd.s32 $0xFFFFFFFF  }
0xab: {  	s26 =	simm.s32 $execute0_lowered;
	[smem:$0x3FD2] =	sst s25  }
0xac: {  	s6 =	sshll.u32 s26, $0x1;
	_ =	strace $0x80000046;
	[dreg:$0x1] =	wrdreg $0xFFFFFFFF  }
0xad: {  	s28 =	simm.s32 $_size_execute0_lowered;
	s4 =	sadd.s32 s4, s6;
	[dreg:$0x0] =	wrdreg $0x0  }
0xae: {  	s6 =	sshll.u32 s28, $0x1;
	[dreg:$0x2] =	wrdreg s4  }
0xaf: {  	[dreg:$0x3] =	wrdreg s6  }
0xb0: {  	[dreg:$0x4] =	wrdreg $0xC0  }
0xb1: {  	_ =	task [dreg:s8], $0x5FFFF  }
0xb2: {  	[dreg:$0x1] =	wrdreg $0xFFFFFFFF  }
0xb3: {  	[dreg:$0x0] =	wrdreg $0x60  }
0xb4: {  	[dreg:$0x2] =	wrdreg s15  }
0xb5: {  	[dreg:$0x3] =	wrdreg s24  }
0xb6: {  	[dreg:$0x4] =	wrdreg s16  }
0xb7: {  	[dreg:$0x5] =	wrdreg $0x5B000  }
0xb8: {  	[dreg:$0x6] =	wrdreg $0x9  }
0xb9: {  	_ =	task.clear_ibuf [dreg:s8], $0x7FFFF;
	_ =	strace $0x90000046  }
0xba: {  	s29 =	simm.s32 $0x9;
	_ =	strace $0x80000048  }
0xbb: {  	_ =	swait.ge [sflag:s29], $0x1  }
0xbc: {  	[sflag:s29] =	ssyncadd.s32 $0xFFFFFFFF  }
0xbd: {  	_ =	strace $0x90000048  }
0xbe: {  	_ =	sfence  }
0xbf: {  	s30 =	sld [smem:$0x0];
	_ =	sdelay $0x2  }
0xc0: {  	s31 =	sshll.u32 s1, $0xD;
	s1 =	sshrl.u32 s1, $0x2  }
0xc1: {  	s3 =	sand.u32 $0x4000, s31;
	s1 =	sadd.s32 s1, s30  }
0xc2: {  	s0 =	sor.u32 s3, s0;
	s1 =	sshll.u32 s1, $0x11  }
0xc3: {  	s0 =	sor.u32 s1, s0  }
0xc4: {  	s0 =	sadd.s32 $0x8F2B, s0  }
0xc5: {  	[sflag:s0] =	ssyncadd.remote.s32 $0x1  }
0xc6: {  	_ =	sfence.sel $0xFFFF  }
0xc7: {  	[dreg:$0x0] =	wrdreg $0xFFFFFFFF;
	(pc) =	sbr.abs _section_cstart, $3  }
0xc8: {  	[dreg:$0x1] =	wrdreg $0xFFFFFFFF  }
0xc9: {  	_ =	task.clear_ibuf [dreg:s8], $0x2FFFF;
	_ =	strace $0x9FFFFFFF  }
0xca: {  	(tm) =	ssettm $0x7FFFFFFF  }
0xcb: {  	_ =	shalt  }
tec
execute0_lowered:
.L_overlay_start_1:
0x0: {  	(tag) =	ssettag $0x1  }
0x1: {  	s1 =	rddreg [dreg:$0x0]  }
0x2: {  	s4 =	rddreg [dreg:$0x1]  }
0x3: {  	s6 =	rddreg [dreg:$0x2]  }
0x4: {  	s2 =	rddreg [dreg:$0x3];
	s3 =	srdreg.scid  }
0x5: {  	s0 =	rddreg [dreg:$0x4];
	s23 =	stileid.u32;
	s13 =	simm.s32 $0xC00  }
0x6: {  	s14 =	simm.s32 $0x1400;
	s15 =	simm.s32 $0x1C00;
	s16 =	simm.s32 $0x2400  }
0x7: {  	s17 =	simm.s32 $0x2C00;
	s18 =	simm.s32 $0x3400;
	s19 =	simm.s32 $0x3C00  }
0x8: {  	s20 =	simm.s32 $0x1;
	s21 =	simm.s32 $0x4400;
	s9 =	smul.u32 $0x14000, s23  }
0x9: {  	s22 =	simm.s32 $0x80;
	s5 =	sand.u32 $0x1, s3;
	s26 =	smul.u32 $0xA00, s23  }
0xa: {  	s3 =	simm.s32 $0x0;
	p0 =	sne.s32 s23, $0x0;
	s7 =	smul.u32 $0x140000, s5  }
0xb: {  	s8 =	sshll.u32 s5, $0x4;
	[smem:$0x7FF] =	sst s3;
	s29 =	ssub.s32 $0x2, s5  }
0xc: {  	s24 =	sshrl.u32 @!p0 s2, $0x3;
	s10 =	sor.u32 s23, s8;
	_ =	strace $0x80000047  }
0xd: {  	s28 =	sadd.s32 s8, s4;
	s5 =	sshrl.u32 s29, $0x1;
	s30 =	sshrl.u32 s26, $0x2  }
0xe: {  	s23 =	simm.s32 $0x5800;
	s11 =	sshll.u32 s10, $0x7;
	s7 =	sadd.s32 s9, s7  }
0xf: {  	s10 =	smul.u32 $0x280, s10;
	s31 =	ssub.s32 s29, s5;
	s25 =	sadd.s32 s11, s4  }
0x10: {  	s7 =	sshrl.u32 s7, $0x3;
	s8 =	smax.u32 s31, $0x1;
	s11 =	simm.s32 $0x2  }
0x11: {  	v0 =	vimm.f32 $0.0e+00;
	v4 =	vlaneseq.u32;
	s12 =	sadd.s32 s7, s4;
	s4 =	sadd.s32 s30, s2;
	s5 =	sadd.s32 $0x2400, s25  }
0x12: {  	v1 =	vimm.f32 $1.000000000e+00;
	vm0 =	vmmov $0xffff;
	v3 =	vshrl.u32 v4, $0x3;
	s6 =	sadd.s32 s6, s10;
	s7 =	sadd.s32 $0x53400, s28;
	s10 =	simm.s32 $0x5880  }
0x13: {  	v2 =	vand.u32 $0x7, v4;
	v4 =	vor.u32 $0x8, v4;
	v3 =	vmul.u32 $0x8, v3;
	s25 =	simm.s32 $0x0;
	s9 =	sadd.s32 $0x3400, s12;
	s12 =	simm.s32 $0x400  }
.LBB2_1:
0x14: {  	[tilespmem:$0x5880] =	vst v0  }
0x15: {  	[tilespmem:$0x5890] =	vst v0  }
0x16: {  	[tilespmem:$0x58A0] =	vst v0  }
0x17: {  	[tilespmem:$0x58B0] =	vst v0  }
0x18: {  	[tilespmem:$0x58C0] =	vst v0  }
0x19: {  	[tilespmem:$0x58D0] =	vst v0  }
0x1a: {  	[tilespmem:$0x58E0] =	vst v0  }
0x1b: {  	[tilespmem:$0x58F0] =	vst v0  }
0x1c: {  	[tilespmem:$0x5900] =	vst v0  }
0x1d: {  	[tilespmem:$0x5910] =	vst v0  }
0x1e: {  	[tilespmem:$0x5920] =	vst v0  }
0x1f: {  	[tilespmem:$0x5930] =	vst v0  }
0x20: {  	[tilespmem:$0x5940] =	vst v0  }
0x21: {  	[tilespmem:$0x5950] =	vst v0  }
0x22: {  	[tilespmem:$0x5960] =	vst v0  }
0x23: {  	[tilespmem:$0x5970] =	vst v0  }
0x24: {  	[tilespmem:$0x5980] =	vst v0  }
0x25: {  	[tilespmem:$0x5990] =	vst v0  }
0x26: {  	[tilespmem:$0x59A0] =	vst v0  }
0x27: {  	[tilespmem:$0x59B0] =	vst v0  }
0x28: {  	[tilespmem:$0x59C0] =	vst v0  }
0x29: {  	[tilespmem:$0x59D0] =	vst v0  }
0x2a: {  	[tilespmem:$0x59E0] =	vst v0  }
0x2b: {  	[tilespmem:$0x59F0] =	vst v0  }
0x2c: {  	[tilespmem:$0x5A00] =	vst v0  }
0x2d: {  	[tilespmem:$0x5A10] =	vst v0  }
0x2e: {  	[tilespmem:$0x5A20] =	vst v0  }
0x2f: {  	[tilespmem:$0x5A30] =	vst v0  }
0x30: {  	[tilespmem:$0x5A40] =	vst v0  }
0x31: {  	[tilespmem:$0x5A50] =	vst v0  }
0x32: {  	[tilespmem:$0x5A60] =	vst v0  }
0x33: {  	[tilespmem:$0x5A70] =	vst v0  }
0x34: {  	[tilespmem:$0x5A80] =	vst v0  }
0x35: {  	[tilespmem:$0x5A90] =	vst v0  }
0x36: {  	[tilespmem:$0x5AA0] =	vst v0  }
0x37: {  	[tilespmem:$0x5AB0] =	vst v0  }
0x38: {  	[tilespmem:$0x5AC0] =	vst v0  }
0x39: {  	[tilespmem:$0x5AD0] =	vst v0  }
0x3a: {  	[tilespmem:$0x5AE0] =	vst v0  }
0x3b: {  	[tilespmem:$0x5AF0] =	vst v0  }
0x3c: {  	[tilespmem:$0x5800] =	vst v1  }
0x3d: {  	[tilespmem:$0x5810] =	vst v1  }
0x3e: {  	[tilespmem:$0x5820] =	vst v1  }
0x3f: {  	[tilespmem:$0x5830] =	vst v1  }
0x40: {  	[tilespmem:$0x5840] =	vst v1  }
0x41: {  	[tilespmem:$0x5850] =	vst v1  }
0x42: {  	[tilespmem:$0x5860] =	vst v1  }
0x43: {  	[tilespmem:$0x5870] =	vst v1  }
0x44: {  	[spmem:s4] =	stream.linear.scatter [tilespmem:s10], [sflag:$0x2], $0x280, $0x38;
	[tilespmem:$0x5D80] =	vst v63  }
0x45: {  	_ =	swait.ge [sflag:s11], $0x280  }
0x46: {  	[sflag:s11] =	ssyncset.done $0x0  }
0x47: {  	[sflag:s11] =	ssyncadd.s32 $0xFFFFFD80  }
0x48: {  	[bflag:$0x0] =	sbarrier.arrive $0xFFFF  }
0x49: {  	[tilespmem:s3], [sflag:$0x2] =	stream.linear.gather [hbm4b:s5+s3], $0x280, $0x38;
	[tilespmem:$0x5D80] =	vst v63  }
0x4a: {  	_ =	swait.ge [sflag:s11], $0x280  }
0x4b: {  	[sflag:s11] =	ssyncset.done $0x0  }
0x4c: {  	s26 =	simm.s32 $0x20;
	s28 =	simm.s32 $0x0;
	[sflag:s11] =	ssyncadd.s32 $0xFFFFFD80  }
.LBB2_2:
0x4d: {  	v5 =	vld [tilespmem:s26+$0xFFFFFFE0];
	_ =	sdelay $0x4  }
0x4e: {  	v6 =	vshll.u32 v5, $0x1  }
0x4f: {  	v5 =	vand.u32 $0x7, v5;
	v6 =	vand.u32 $0xFFFFFFF0, v6  }
0x50: {  	v5 =	vor.u32 v5, v6  }
0x51: {  	v6 =	vperm.xlane v5, v2;
	_ =	sdelay $0x1  }
0x52: {  	v5 =	vperm.xlane v5, v4;
	v6 =	vadd.s32 v3, v6;
	_ =	sdelay $0x1  }
0x53: {  	v5 =	vadd.s32 v3, v5;
	_ =	sdelay $0x2  }
0x54: {  	[tilespmem:s12], [sflag:$0x1] =	stream.indirect_vreg.gather [hbm4b:s1+s3], $0x80, v6, vm0, $0xb8;
	[tilespmem:$0x5D80] =	vst v63  }
0x55: {  	_ = 	snop  }
0x56: {  	[tilespmem:s13], [sflag:$0x1] =	stream.indirect_vreg.gather [hbm4b:s1+s3], $0x80, v5, vm0, $0xb8;
	[tilespmem:$0x5D80] =	vst v63  }
0x57: {  	v5 =	vld [tilespmem:s26+$0xFFFFFFF0];
	_ =	sdelay $0x4  }
0x58: {  	v6 =	vshll.u32 v5, $0x1  }
0x59: {  	v5 =	vand.u32 $0x7, v5;
	v6 =	vand.u32 $0xFFFFFFF0, v6  }
0x5a: {  	v5 =	vor.u32 v5, v6  }
0x5b: {  	v6 =	vperm.xlane v5, v2;
	_ =	sdelay $0x1  }
0x5c: {  	v5 =	vperm.xlane v5, v4;
	v6 =	vadd.s32 v3, v6;
	_ =	sdelay $0x1  }
0x5d: {  	v5 =	vadd.s32 v3, v5;
	_ =	sdelay $0x2  }
0x5e: {  	[tilespmem:s14], [sflag:$0x1] =	stream.indirect_vreg.gather [hbm4b:s1+s3], $0x80, v6, vm0, $0xb8;
	[tilespmem:$0x5D80] =	vst v63  }
0x5f: {  	_ = 	snop  }
0x60: {  	[tilespmem:s15], [sflag:$0x1] =	stream.indirect_vreg.gather [hbm4b:s1+s3], $0x80, v5, vm0, $0xb8;
	[tilespmem:$0x5D80] =	vst v63  }
0x61: {  	v5 =	vld [tilespmem:s26+$0x0];
	_ =	sdelay $0x4  }
0x62: {  	v6 =	vshll.u32 v5, $0x1  }
0x63: {  	v5 =	vand.u32 $0x7, v5;
	v6 =	vand.u32 $0xFFFFFFF0, v6  }
0x64: {  	v5 =	vor.u32 v5, v6  }
0x65: {  	v6 =	vperm.xlane v5, v2;
	_ =	sdelay $0x1  }
0x66: {  	v5 =	vperm.xlane v5, v4;
	v6 =	vadd.s32 v3, v6;
	_ =	sdelay $0x1  }
0x67: {  	v5 =	vadd.s32 v3, v5;
	_ =	sdelay $0x2  }
0x68: {  	[tilespmem:s16], [sflag:$0x1] =	stream.indirect_vreg.gather [hbm4b:s1+s3], $0x80, v6, vm0, $0xb8;
	[tilespmem:$0x5D80] =	vst v63  }
0x69: {  	_ = 	snop  }
0x6a: {  	[tilespmem:s17], [sflag:$0x1] =	stream.indirect_vreg.gather [hbm4b:s1+s3], $0x80, v5, vm0, $0xb8;
	[tilespmem:$0x5D80] =	vst v63  }
0x6b: {  	v5 =	vld [tilespmem:s26+$0x10];
	_ =	sdelay $0x4  }
0x6c: {  	v6 =	vshll.u32 v5, $0x1  }
0x6d: {  	v5 =	vand.u32 $0x7, v5;
	v6 =	vand.u32 $0xFFFFFFF0, v6  }
0x6e: {  	v5 =	vor.u32 v5, v6  }
0x6f: {  	v6 =	vperm.xlane v5, v2;
	_ =	sdelay $0x1  }
0x70: {  	v5 =	vperm.xlane v5, v4;
	v6 =	vadd.s32 v3, v6;
	_ =	sdelay $0x1  }
0x71: {  	v5 =	vadd.s32 v3, v5;
	_ =	sdelay $0x2  }
0x72: {  	[tilespmem:s18], [sflag:$0x1] =	stream.indirect_vreg.gather [hbm4b:s1+s3], $0x80, v6, vm0, $0xb8;
	[tilespmem:$0x5D80] =	vst v63  }
0x73: {  	_ = 	snop  }
0x74: {  	[tilespmem:s19], [sflag:$0x1] =	stream.indirect_vreg.gather [hbm4b:s1+s3], $0x80, v5, vm0, $0xb8;
	[tilespmem:$0x5D80] =	vst v63  }
0x75: {  	_ =	swait.ge [sflag:s20], $0x4000  }
0x76: {  	p1 =	sne.s32 s28, $0x2000;
	[sflag:s20] =	ssyncset.done $0x0  }
.Ltmp0:
0x77: {  	s29 =	sadd.s32 s28, s9;
	[sflag:s20] =	ssyncadd.s32 $0xFFFFC000;
	(pc) =	sbr.rel @p1 .LBB2_2-.Ltmp0, $4  }
0x78: {  	[hbm4b:s29+s3] =	stream.linear.scatter [tilespmem:s12], [sflag:$0x2], $0x4000, $0x38;
	[tilespmem:$0x5D80] =	vst v63  }
0x79: {  	_ =	swait.ge [sflag:s11], $0x4000  }
0x7a: {  	[sflag:s11] =	ssyncset.done $0x0  }
0x7b: {  	s28 =	sadd.s32 $0x800, s28;
	s26 =	sadd.s32 $0x80, s26;
	[sflag:s11] =	ssyncadd.s32 $0xFFFFC000  }
0x7c: {  	s26 =	simm.s32 $0x0  }
0x7d: {  	[tilespmem:s21], [sflag:$0x2] =	stream.linear.gather [hbm4b:s6+s26], $0x1400, $0x38;
	[tilespmem:$0x5D80] =	vst v63  }
0x7e: {  	_ =	swait.ge [sflag:s11], $0x1400  }
0x7f: {  	[sflag:s11] =	ssyncset.done $0x0  }
0x80: {  	s31 =	simm.s32 $0x4400;
	[sflag:s11] =	ssyncadd.s32 $0xFFFFEC00  }
0x81: {  	[spmem:s2] =	stream.indirect.scatter.add.f32 [tilespmem:s23], [sflag:$0x2], $0x1, s31, s22, $0xb8;
	[tilespmem:$0x5D80] =	vst v63  }
0x82: {  	s26 =	simm.s32 $0x200;
	_ =	swait.ge [sflag:s11], $0x80  }
.LBB2_4:
0x83: {  	s28 =	sshra.s32 s26, $0x2;
	[sflag:s11] =	ssyncset.done $0x0;
	p1 =	sne.s32 s26, $0x4E00  }
.Ltmp1:
0x84: {  	s28 =	sadd.s32 $0x4400, s28;
	[sflag:s11] =	ssyncadd.s32 $0xFFFFFF80;
	(pc) =	sbr.rel @p1 .LBB2_4-.Ltmp1, $3  }
0x85: {  	[spmem:s2] =	stream.indirect.scatter.add.f32 [tilespmem:s23], [sflag:$0x2], $0x1, s28, s22, $0xb8;
	[tilespmem:$0x5D80] =	vst v63  }
0x86: {  	s26 =	sadd.s32 $0x200, s26;
	_ =	sdelay $0x1  }
0x87: {  	_ =	swait.ge [sflag:s11], $0x80  }
0x88: {  	[sflag:s11] =	ssyncset.done $0x0;
	s26 =	simm.s32 @!p0 $0x1;
	s28 =	simm.s32 @!p0 $0x20  }
0x89: {  	s29 =	simm.s32 @!p0 $0x10;
	s25 =	sadd.s32 $0x1, s25;
	[sflag:s11] =	ssyncadd.s32 $0xFFFFFF80  }
0x8a: {  	s30 =	simm.s32 @!p0 $0x1C02;
	p1 =	sne.s32 s25, s8;
	[bflag:$0x0] =	sbarrier.arrive $0xFFFF  }
0x8b: {  	[hbm:s7@s28], [sflag:s30] =	dma.strided @!p0 [spmem:s24@s29], $0x500, s26, $0x10   }
.Ltmp2:
0x8c: {  	_ = 	snop;
	(pc) =	sbr.rel @p1 .LBB2_1-.Ltmp2, $4  }
0x8d: {  	s26 =	simm.s32 @!p0 $0x2  }
0x8e: {  	_ =	swait.ge @!p0 [sflag:s26], $0x500  }
0x8f: {  	[sflag:s26] =	ssyncset.done @!p0 $0x0  }
0x90: {  	[sflag:s26] =	ssyncadd.s32 @!p0 $0xFFFFFB00  }
0x91: {  	_ =	sfence.sel $0x180000  }
0x92: {  	[bflag:$0x0] =	sbarrier.arrive $0xFFFF  }
0x93: {  	_ =	strace $0x90000047  }
0x94: {  	s0 =	sadd.s32 @!p0 $0x100000, s0;
	[bflag:$0x2] =	sbarrier.arrive $0xFFFF  }
0x95: {  	[sflag:s0] =	ssyncadd.tile.s32 @!p0 $0x1;
	_ =	shalt  }
.Lfunc_end2:
_tile_overlayer_lowered:
.L_overlay_start_2:
0x96: {  	(tag) =	ssettag $0x2  }
0x97: {  	s0 =	rddreg [dreg:$0x0];
	s2 =	stileid.u32  }
0x98: {  	s1 =	rddreg [dreg:$0x1];
	p0 =	sne.s32 s2, $0x0  }
0x99: {  	s3 =	rddreg [dreg:$0x2];
	[bflag:$0x3] =	sbarrier.arrive $0xFFFF;
	s2 =	simm.s32 @!p0 $0x1C02  }
0x9a: {  	[timem:s3], [sflag:s2] =	dma.local @!p0 [hbm:s0], s1  }
0x9b: {  	s0 =	simm.s32 @!p0 $0x2  }
0x9c: {  	_ =	swait.ge @!p0 [sflag:s0], s1  }
0x9d: {  	s1 =	ssub.s32 @!p0 $0x0, s1;
	[sflag:s0] =	ssyncset.done @!p0 $0x0  }
0x9e: {  	[sflag:s0] =	ssyncadd.s32 @!p0 s1  }
0x9f: {  	[bflag:$0x3] =	sbarrier.arrive $0xFFFF  }
0xa0: {  	_ =	shalt  }

</sc_bundles>
